<compile_context>
chip_gen: v7x
topology: tpu7x:2x2x1
jax: 0.10.2.dev20260603
libtpu: 0.0.44.dev20260713+nightly
codegen_flags: <defaults>
</compile_context>

<pallas_src>
import functools
import math

import jax
import jax.numpy as jnp
import numpy as np
from jax import lax
from jax.experimental import pallas as pl
from jax.experimental.pallas import tpu as pltpu
from jax.experimental.pallas import tpu_sc as plsc

N = 10000
DEG = 16
NODE_DIM = 128
D_T = 64
EDGE_DIM = 16
H = 4
DM = NODE_DIM + D_T + EDGE_DIM
DK = DM // H
E_TOT = N * DEG

NW = 32
CHUNK = 128
PER_W = E_TOT // NW
NCH = (PER_W + CHUNK - 1) // CHUNK
TAIL = PER_W - (NCH - 1) * CHUNK


def _sc_gather(idx, table):
    mesh = plsc.VectorSubcoreMesh(core_axis_name="c", subcore_axis_name="s")

    @functools.partial(
        pl.kernel,
        mesh=mesh,
        out_type=jax.ShapeDtypeStruct((E_TOT, NODE_DIM), jnp.float32),
        scratch_types=[
            pltpu.VMEM((PER_W,), jnp.int32),
            pltpu.VMEM((3, CHUNK, NODE_DIM), jnp.float32),
            pltpu.SemaphoreType.DMA,
            pltpu.SemaphoreType.DMA,
            pltpu.SemaphoreType.DMA,
            pltpu.SemaphoreType.DMA,
            pltpu.SemaphoreType.DMA,
            pltpu.SemaphoreType.DMA,
        ],
    )
    def k(idx_hbm, table_hbm, out_hbm, idx_v, rows_v, g0, g1, g2, o0, o1, o2):
        wid = lax.axis_index("s") * 2 + lax.axis_index("c")
        base = wid * PER_W
        gsem = (g0, g1, g2)
        osem = (o0, o1, o2)
        pltpu.sync_copy(idx_hbm.at[pl.ds(base, PER_W)], idx_v)
        gcp = [None] * NCH
        ocp = [None] * NCH

        for j in range(NCH):
            sz = CHUNK if j < NCH - 1 else TAIL
            b = j % 3
            if j >= 3:
                ocp[j - 3].wait()
            gcp[j] = pltpu.async_copy(
                table_hbm.at[idx_v.at[pl.ds(j * CHUNK, sz)]],
                rows_v.at[b, pl.ds(0, sz)], gsem[b])
            if j >= 1:
                p = j - 1
                psz = CHUNK if p < NCH - 1 else TAIL
                gcp[p].wait()
                ocp[p] = pltpu.async_copy(
                    rows_v.at[p % 3, pl.ds(0, psz)],
                    out_hbm.at[pl.ds(base + p * CHUNK, psz)], osem[p % 3])
        j = NCH - 1
        gcp[j].wait()
        ocp[j] = pltpu.async_copy(
            rows_v.at[j % 3, pl.ds(0, TAIL)],
            out_hbm.at[pl.ds(base + j * CHUNK, TAIL)], osem[j % 3])
        ocp[j - 2].wait()
        ocp[j - 1].wait()
        ocp[j].wait()

    return k(idx, table)


B_N = 200
B_E = B_N * DEG
G_B = B_N // 4
GRID = N // B_N


def _tc_body(srcg, et_b, ef, xh, cosv, sinv, cphi_in, wqn, wqc, wkv, afw,
             afb, lng, lnb, bf, f1w, f1b, f2w, f2b, sel, selt, out):
    f32 = jnp.float32
    cphi = cphi_in[...]
    x = xh[...]
    q = (jnp.dot(x, wqn[...], preferred_element_type=f32)
         + jnp.dot(cphi, wqc[...], preferred_element_type=f32))
    u = (et_b[...].reshape(B_N, DEG, 1)
         * bf[...].reshape(1, 1, D_T)).reshape(B_E, D_T)
    u2 = u * u
    cp = 1.0 + u2 * (-0.5 + u2 * (4.1666668e-2 + u2 * (
        -1.3888889e-3 + u2 * 2.4801587e-5)))
    sp = u * (1.0 + u2 * (-1.6666667e-1 + u2 * (8.3333333e-3 + u2 * (
        -1.9841270e-4 + u2 * 2.7557319e-6))))
    tenc = cosv[...] * cp + sinv[...] * sp
    z = jnp.concatenate(
        [srcg[...], ef[...].reshape(B_E, EDGE_DIM), tenc], axis=1)
    kv = jnp.dot(z, wkv[...], preferred_element_type=f32)
    kk = kv[:, :DM]
    vv = kv[:, DM:]
    qsel = jnp.broadcast_to(q.reshape(G_B, 1, 4, DM),
                            (G_B, 16, 4, DM)).reshape(B_E, DM)
    s4 = (qsel * kk).reshape(G_B * 16, 4, DM).sum(axis=1)
    l2 = (jnp.dot(s4, sel[...], preferred_element_type=f32)
          * (1.0 / math.sqrt(DK)))
    l3 = jnp.exp(jnp.clip(l2, -60.0, 60.0)).reshape(G_B, 16, H)
    al = (l3 / l3.sum(axis=1, keepdims=True)).reshape(G_B * 16, H)
    ae = jnp.broadcast_to(al.reshape(G_B, 16, 1, H),
                          (G_B, 16, 4, H)).reshape(B_E, H)
    wv = jnp.dot(ae, selt[...], preferred_element_type=f32) * vv
    o = wv.reshape(G_B, 16, 4, DM).sum(axis=1).reshape(B_N, DM)
    out1 = jnp.dot(o, afw[...], preferred_element_type=f32) + afb[...]
    selfz = jnp.concatenate(
        [x, jnp.zeros((B_N, EDGE_DIM), f32),
         jnp.broadcast_to(cphi, (B_N, D_T))], axis=1)
    res = out1 + selfz
    mu = jnp.mean(res, axis=1, keepdims=True)
    d = res - mu
    var = jnp.mean(d * d, axis=1, keepdims=True)
    ln = d * lax.rsqrt(var + 1e-5) * lng[...] + lnb[...]
    h1 = jnp.maximum(
        jnp.dot(ln, f1w[:DM], preferred_element_type=f32)
        + jnp.dot(x, f1w[DM:], preferred_element_type=f32) + f1b[...], 0.0)
    out[...] = jnp.dot(h1, f2w[...], preferred_element_type=f32) + f2b[...]


def _row(i):
    return (i, 0)


def _rep(i):
    return (0, 0)


def _tc_call(srcg, et_r, ef_r, x, cosv, sinv, cphi, wqn, wqc, wkv, afw, afb,
             lng, lnb, bf, f1w, f1b, f2w, f2b, sel, selt, interpret=False):
    reps = [cosv, sinv, cphi, wqn, wqc, wkv, afw, afb, lng, lnb, bf,
            f1w, f1b, f2w, f2b, sel, selt]
    specs = [
        pl.BlockSpec((B_E, NODE_DIM), _row),
        pl.BlockSpec((B_N, DEG), _row),
        pl.BlockSpec((B_N, DEG, EDGE_DIM), lambda i: (i, 0, 0)),
        pl.BlockSpec((B_N, NODE_DIM), _row),
    ] + [pl.BlockSpec(a.shape, _rep) for a in reps]
    return pl.pallas_call(
        _tc_body,
        grid=(GRID,),
        in_specs=specs,
        out_specs=pl.BlockSpec((B_N, NODE_DIM), _row),
        out_shape=jax.ShapeDtypeStruct((N, NODE_DIM), jnp.float32),
        interpret=interpret,
    )(srcg, et_r, ef_r, x, *reps)


_SEL = np.zeros((DM, H), np.float32)
for _h in range(H):
    _SEL[_h * DK:(_h + 1) * DK, _h] = 1.0


def kernel(x, neighbors, edge_t, edge_feat, t_now, layer_index, w_qs, w_ks,
           w_vs, attn_fc_w, attn_fc_b, ln_gamma, ln_beta, basis_freq, phase,
           fc1_w, fc1_b, fc2_w, fc2_b):
    f32 = jnp.float32
    idx = neighbors.reshape(-1).astype(jnp.int32)
    srcg = _sc_gather(idx, x)

    et_r = edge_t.astype(f32)
    ef_r = edge_feat.astype(f32)

    base = jnp.asarray(t_now, f32) * basis_freq + phase
    cosv = jnp.cos(base).reshape(1, D_T)
    sinv = jnp.sin(base).reshape(1, D_T)
    cphi = jnp.cos(phase).reshape(1, D_T)

    wqn = w_qs[:, :NODE_DIM].T
    wqc = w_qs[:, NODE_DIM + EDGE_DIM:].T
    wkv = jnp.concatenate([w_ks, w_vs], axis=0).T
    afw = attn_fc_w.T
    out = _tc_call(
        srcg, et_r, ef_r, x, cosv, sinv, cphi, wqn, wqc, wkv, afw,
        attn_fc_b.reshape(1, DM), ln_gamma.reshape(1, DM),
        ln_beta.reshape(1, DM), basis_freq.reshape(1, D_T),
        fc1_w.T, fc1_b.reshape(1, NODE_DIM),
        fc2_w.T, fc2_b.reshape(1, NODE_DIM),
        jnp.asarray(_SEL), jnp.asarray(_SEL.T))
    return out

# --- scband reference (transcript-rebuilt; emitter-appended) ---
"""Pipeline reference for scband-tgatlayer-30425548325032 (READ-ONLY COPY).

The authoritative reference and input builder live on the scoring server;
editing this copy changes nothing except your own understanding.
"""

import jax, jax.numpy as jnp
import numpy as np

N = 10000
DEG = 16
NODE_DIM = 128
D_T = 64
EDGE_DIM = 16
N_HEAD = 4
D_MODEL = NODE_DIM + D_T + EDGE_DIM  # 208
D_K = D_MODEL // N_HEAD  # 52


def setup_inputs(seed: int = 0):
    key = jax.random.key(seed)
    ks = jax.random.split(key, 12)
    dm = D_MODEL
    std_qk = np.sqrt(2.0 / (dm + D_K))
    return {
        "x": jax.random.normal(ks[0], (N, NODE_DIM), dtype=jnp.float32),
        "neighbors": jax.random.randint(ks[1], (N, DEG), 0, N),
        "edge_t": jax.random.uniform(ks[2], (N, DEG), dtype=jnp.float32),
        "edge_feat": jax.random.normal(ks[3], (N, DEG, EDGE_DIM), dtype=jnp.float32),
        "t_now": jnp.float32(100.0),
        "layer_index": 0,
        "w_qs": jax.random.normal(ks[4], (dm, dm), dtype=jnp.float32) * std_qk,
        "w_ks": jax.random.normal(ks[5], (dm, dm), dtype=jnp.float32) * std_qk,
        "w_vs": jax.random.normal(ks[6], (dm, dm), dtype=jnp.float32) * std_qk,
        "attn_fc_w": jax.random.normal(ks[7], (dm, dm), dtype=jnp.float32) * np.sqrt(2.0 / (2.0 * dm)),
        "attn_fc_b": jnp.zeros((dm,), jnp.float32),
        "ln_gamma": jnp.ones((dm,), jnp.float32),
        "ln_beta": jnp.zeros((dm,), jnp.float32),
        "basis_freq": jnp.asarray(1.0 / 10.0 ** np.linspace(0, 9, D_T), dtype=jnp.float32),
        "phase": jnp.zeros((D_T,), jnp.float32),
        "fc1_w": jax.random.normal(ks[8], (NODE_DIM, dm + NODE_DIM), dtype=jnp.float32) * np.sqrt(2.0 / (dm + 2 * NODE_DIM)),
        "fc1_b": jnp.zeros((NODE_DIM,), jnp.float32),
        "fc2_w": jax.random.normal(ks[9], (NODE_DIM, NODE_DIM), dtype=jnp.float32) * np.sqrt(2.0 / (2 * NODE_DIM)),
        "fc2_b": jnp.zeros((NODE_DIM,), jnp.float32),
    }


def reference(x, neighbors, edge_t, edge_feat, t_now, layer_index, w_qs, w_ks, w_vs,
              attn_fc_w, attn_fc_b, ln_gamma, ln_beta, basis_freq, phase,
              fc1_w, fc1_b, fc2_w, fc2_b):
    # layer_index == 0: node_h = node_raw_feat
    node_h = x
    Nn, D = neighbors.shape
    H = N_HEAD
    dm = D_MODEL
    # --- message_func over all edges (fixed-degree neighbor table) ---
    src_h = jnp.take(node_h, neighbors, axis=0)  # (N, D, node_dim) gather
    t_enc = jnp.cos((t_now - edge_t)[..., None] * basis_freq[None, None, :] + phase)  # (N, D, d_T)
    z = jnp.concatenate([src_h, edge_feat, t_enc], axis=-1)  # (N, D, d_model)
    k = z @ w_ks.T  # (N, D, dm)
    v = z @ w_vs.T
    # --- reduce_func ---
    self_z = jnp.concatenate([
        node_h,
        jnp.zeros((Nn, EDGE_DIM), node_h.dtype),
        jnp.ones((Nn, D_T), node_h.dtype) * jnp.cos(phase),
    ], axis=-1)[:, None, :]  # (N, 1, dm)
    q = (self_z @ w_qs.T).reshape(Nn, 1, H, -1)
    kh = k.reshape(Nn, D, H, -1)
    vh = v.reshape(Nn, D, H, -1)
    # faithful replication of the original permute/contiguous/view ops
    q = jnp.transpose(q, (2, 0, 1, 3)).reshape(-1, 1, dm)
    kh = jnp.transpose(kh, (2, 0, 1, 3)).reshape(-1, D, dm)
    vh = jnp.transpose(vh, (2, 0, 1, 3)).reshape(-1, D, dm)
    temperature = np.power(D_K, 0.5)
    attn = jnp.matmul(q, jnp.transpose(kh, (0, 2, 1))) / temperature
    attn = jax.nn.softmax(attn, axis=2)  # dropout is identity in eval
    out = jnp.matmul(attn, vh)  # (-1, 1, dm)
    out = out[:, 0, :].reshape(H, Nn, -1)
    out = jnp.transpose(out, (1, 0, 2)).reshape(Nn, -1)  # (N, dm)
    out = out @ attn_fc_w.T + attn_fc_b
    res = out + self_z[:, 0, :]
    mu = jnp.mean(res, axis=-1, keepdims=True)
    var = jnp.var(res, axis=-1, keepdims=True)
    out = (res - mu) / jnp.sqrt(var + 1e-5) * ln_gamma + ln_beta
    # merger
    m = jnp.concatenate([out, node_h], axis=-1)
    h = jax.nn.relu(m @ fc1_w.T + fc1_b)
    return h @ fc2_w.T + fc2_b

if __name__ == "__main__":
    import jax
    _d = setup_inputs()
    print(jax.jit(kernel)(*tuple(_d.values())))

</pallas_src>

<mosaic_0001>
#map = affine_map<(d0, d1) -> (0)>
#map1 = affine_map<(d0, d1) -> (0, 0)>
module attributes {stable_mosaic.version = 14 : i64} {
  func.func @k(%arg0: i32, %arg1: i32, %arg2: memref<160000xi32, #tpu.memory_space<hbm>>, %arg3: memref<10000x128xf32, #tpu.memory_space<hbm>>, %arg4: memref<160000x128xf32, #tpu.memory_space<hbm>>, %arg5: memref<5000xi32, #tpu.memory_space<vmem>>, %arg6: memref<3x128x128xf32, #tpu.memory_space<vmem>>, %arg7: memref<!tpu.dma_semaphore, #tpu.memory_space<semaphore_mem>>, %arg8: memref<!tpu.dma_semaphore, #tpu.memory_space<semaphore_mem>>, %arg9: memref<!tpu.dma_semaphore, #tpu.memory_space<semaphore_mem>>, %arg10: memref<!tpu.dma_semaphore, #tpu.memory_space<semaphore_mem>>, %arg11: memref<!tpu.dma_semaphore, #tpu.memory_space<semaphore_mem>>, %arg12: memref<!tpu.dma_semaphore, #tpu.memory_space<semaphore_mem>>) attributes {dimension_semantics = [#tpu.dimension_semantics<core_parallel>, #tpu.dimension_semantics<subcore_parallel>], iteration_bounds = array<i64: 2, 16>, scalar_prefetch = 0 : i64, scratch_operands = 8 : i64, tpu.core_type = #tpu.core_type<sc_vector_subcore>, window_params = [{transform_indices = #map}, {transform_indices = #map1}, {transform_indices = #map1}]} {
    %mul3A = arith.constant 2 : i32
    %mul3A_0 = arith.muli %arg1, %mul3A : i32
    %add3A = arith.addi %mul3A_0, %arg0 : i32
    %mul3A_1 = arith.constant 5000 : i32
    %mul3A_2 = arith.muli %add3A, %mul3A_1 : i32
    "tpu.region"() ({
      %run_scoped3A = tpu.sem_alloc : memref<!tpu.dma_semaphore, #tpu.memory_space<semaphore_mem>>
      %dma_start3A_1921 = tpu.memref_slice %arg2[%mul3A_2] : memref<160000xi32, #tpu.memory_space<hbm>> -> memref<5000xi32, #tpu.memory_space<hbm>>
      %dma_start3A_1922 = tpu.memref_slice %arg2[%mul3A_2] : memref<160000xi32, #tpu.memory_space<hbm>> -> memref<5000xi32, #tpu.memory_space<hbm>>
      tpu.enqueue_dma source(%dma_start3A_1922 : memref<5000xi32, #tpu.memory_space<hbm>>) target(%arg5 : memref<5000xi32, #tpu.memory_space<vmem>>) target_semaphore(%run_scoped3A : memref<!tpu.dma_semaphore, #tpu.memory_space<semaphore_mem>>)
      %dma_wait3A_1923 = tpu.memref_slice %arg2[%mul3A_2] : memref<160000xi32, #tpu.memory_space<hbm>> -> memref<5000xi32, #tpu.memory_space<hbm>>
      %dma_wait3A_1924 = tpu.memref_slice %arg2[%mul3A_2] : memref<160000xi32, #tpu.memory_space<hbm>> -> memref<5000xi32, #tpu.memory_space<hbm>>
      tpu.wait_dma2 semaphore(%run_scoped3A : memref<!tpu.dma_semaphore, #tpu.memory_space<semaphore_mem>>) src(%dma_wait3A_1924 : memref<5000xi32, #tpu.memory_space<hbm>>) dst(%arg5 : memref<5000xi32, #tpu.memory_space<vmem>>)
      tpu.yield
    }) : () -> ()
    %dma_start3A = arith.constant 0 : i32
    %dma_start3A_3 = arith.constant 0 : i32
    %dma_start3A_4 = arith.constant 0 : i32
    %dma_start3A_5 = tpu.memref_slice %arg6[%dma_start3A, %dma_start3A_3, %dma_start3A_4] : memref<3x128x128xf32, #tpu.memory_space<vmem>> -> memref<1x128x128xf32, #tpu.memory_space<vmem>>
    %dma_start3A_6 = tpu.memref_squeeze %dma_start3A_5 : memref<1x128x128xf32, #tpu.memory_space<vmem>> -> memref<128x128xf32, #tpu.memory_space<vmem>>
    %dma_start3A_7 = arith.constant 0 : i32
    %dma_start3A_8 = tpu.memref_slice %arg5[%dma_start3A_7] : memref<5000xi32, #tpu.memory_space<vmem>> -> memref<128xi32, #tpu.memory_space<vmem>>
    %dma_start3A_9 = arith.constant 0 : i32
    %dma_start3A_10 = arith.constant 0 : i32
    %dma_start3A_11 = tpu.memref_slice %arg3[%dma_start3A_9, %dma_start3A_10] : memref<10000x128xf32, #tpu.memory_space<hbm>> -> memref<10000x128xf32, #tpu.memory_space<hbm>>
    tpu.enqueue_indirect_dma source(%dma_start3A_11 : memref<10000x128xf32, #tpu.memory_space<hbm>>) target(%dma_start3A_6 : memref<128x128xf32, #tpu.memory_space<vmem>>) offsets(%dma_start3A_8 : memref<128xi32, #tpu.memory_space<vmem>>) semaphore(%arg7 : memref<!tpu.dma_semaphore, #tpu.memory_space<semaphore_mem>>)
    %dma_start3A_12 = arith.constant 1 : i32
    %dma_start3A_13 = arith.constant 0 : i32
    %dma_start3A_14 = arith.constant 0 : i32
    %dma_start3A_15 = tpu.memref_slice %arg6[%dma_start3A_12, %dma_start3A_13, %dma_start3A_14] : memref<3x128x128xf32, #tpu.memory_space<vmem>> -> memref<1x128x128xf32, #tpu.memory_space<vmem>>
    %dma_start3A_16 = tpu.memref_squeeze %dma_start3A_15 : memref<1x128x128xf32, #tpu.memory_space<vmem>> -> memref<128x128xf32, #tpu.memory_space<vmem>>
    %dma_start3A_17 = arith.constant 128 : i32
    %dma_start3A_18 = tpu.memref_slice %arg5[%dma_start3A_17] : memref<5000xi32, #tpu.memory_space<vmem>> -> memref<128xi32, #tpu.memory_space<vmem>>
    %dma_start3A_19 = arith.constant 0 : i32
    %dma_start3A_20 = arith.constant 0 : i32
    %dma_start3A_21 = tpu.memref_slice %arg3[%dma_start3A_19, %dma_start3A_20] : memref<10000x128xf32, #tpu.memory_space<hbm>> -> memref<10000x128xf32, #tpu.memory_space<hbm>>
    tpu.enqueue_indirect_dma source(%dma_start3A_21 : memref<10000x128xf32, #tpu.memory_space<hbm>>) target(%dma_start3A_16 : memref<128x128xf32, #tpu.memory_space<vmem>>) offsets(%dma_start3A_18 : memref<128xi32, #tpu.memory_space<vmem>>) semaphore(%arg8 : memref<!tpu.dma_semaphore, #tpu.memory_space<semaphore_mem>>)
    %dma_wait3A = arith.constant 0 : i32
    %dma_wait3A_22 = arith.constant 0 : i32
    %dma_wait3A_23 = arith.constant 0 : i32
    %dma_wait3A_24 = tpu.memref_slice %arg6[%dma_wait3A, %dma_wait3A_22, %dma_wait3A_23] : memref<3x128x128xf32, #tpu.memory_space<vmem>> -> memref<1x128x128xf32, #tpu.memory_space<vmem>>
    %dma_wait3A_25 = tpu.memref_squeeze %dma_wait3A_24 : memref<1x128x128xf32, #tpu.memory_space<vmem>> -> memref<128x128xf32, #tpu.memory_space<vmem>>
    %dma_wait3A_26 = arith.constant 0 : i32
    %dma_wait3A_27 = tpu.memref_slice %arg5[%dma_wait3A_26] : memref<5000xi32, #tpu.memory_space<vmem>> -> memref<128xi32, #tpu.memory_space<vmem>>
    %dma_wait3A_28 = arith.constant 0 : i32
    %dma_wait3A_29 = arith.constant 0 : i32
    %dma_wait3A_30 = tpu.memref_slice %arg3[%dma_wait3A_28, %dma_wait3A_29] : memref<10000x128xf32, #tpu.memory_space<hbm>> -> memref<10000x128xf32, #tpu.memory_space<hbm>>
    tpu.wait_indirect_dma semaphore(%arg7 : memref<!tpu.dma_semaphore, #tpu.memory_space<semaphore_mem>>) src(%dma_wait3A_30 : memref<10000x128xf32, #tpu.memory_space<hbm>>) dst(%dma_wait3A_25 : memref<128x128xf32, #tpu.memory_space<vmem>>)
    %add3A_31 = arith.constant 0 : i32
    %add3A_32 = arith.addi %mul3A_2, %add3A_31 : i32
    %dma_start3A_33 = arith.constant 0 : i32
    %dma_start3A_34 = arith.constant 0 : i32
    %dma_start3A_35 = arith.constant 0 : i32
    %dma_start3A_36 = tpu.memref_slice %arg6[%dma_start3A_33, %dma_start3A_34, %dma_start3A_35] : memref<3x128x128xf32, #tpu.memory_space<vmem>> -> memref<1x128x128xf32, #tpu.memory_space<vmem>>
    %dma_start3A_37 = tpu.memref_squeeze %dma_start3A_36 : memref<1x128x128xf32, #tpu.memory_space<vmem>> -> memref<128x128xf32, #tpu.memory_space<vmem>>
    %dma_start3A_38 = arith.constant 0 : i32
    %dma_start3A_39 = tpu.memref_slice %arg4[%add3A_32, %dma_start3A_38] : memref<160000x128xf32, #tpu.memory_space<hbm>> -> memref<128x128xf32, #tpu.memory_space<hbm>>
    %dma_start3A_40 = arith.constant 0 : i32
    %dma_start3A_41 = tpu.memref_slice %arg4[%add3A_32, %dma_start3A_40] : memref<160000x128xf32, #tpu.memory_space<hbm>> -> memref<128x128xf32, #tpu.memory_space<hbm>>
    %dma_start3A_42 = arith.constant 0 : i32
    %dma_start3A_43 = arith.constant 0 : i32
    %dma_start3A_44 = tpu.memref_slice %arg6[%dma_start3A_33, %dma_start3A_42, %dma_start3A_43] : memref<3x128x128xf32, #tpu.memory_space<vmem>> -> memref<1x128x128xf32, #tpu.memory_space<vmem>>
    %dma_start3A_45 = tpu.memref_squeeze %dma_start3A_44 : memref<1x128x128xf32, #tpu.memory_space<vmem>> -> memref<128x128xf32, #tpu.memory_space<vmem>>
    tpu.enqueue_dma source(%dma_start3A_45 : memref<128x128xf32, #tpu.memory_space<vmem>>) target(%dma_start3A_41 : memref<128x128xf32, #tpu.memory_space<hbm>>) target_semaphore(%arg10 : memref<!tpu.dma_semaphore, #tpu.memory_space<semaphore_mem>>)
    %dma_start3A_46 = arith.constant 2 : i32
    %dma_start3A_47 = arith.constant 0 : i32
    %dma_start3A_48 = arith.constant 0 : i32
    %dma_start3A_49 = tpu.memref_slice %arg6[%dma_start3A_46, %dma_start3A_47, %dma_start3A_48] : memref<3x128x128xf32, #tpu.memory_space<vmem>> -> memref<1x128x128xf32, #tpu.memory_space<vmem>>
    %dma_start3A_50 = tpu.memref_squeeze %dma_start3A_49 : memref<1x128x128xf32, #tpu.memory_space<vmem>> -> memref<128x128xf32, #tpu.memory_space<vmem>>
    %dma_start3A_51 = arith.constant 256 : i32
    %dma_start3A_52 = tpu.memref_slice %arg5[%dma_start3A_51] : memref<5000xi32, #tpu.memory_space<vmem>> -> memref<128xi32, #tpu.memory_space<vmem>>
    %dma_start3A_53 = arith.constant 0 : i32
    %dma_start3A_54 = arith.constant 0 : i32
    %dma_start3A_55 = tpu.memref_slice %arg3[%dma_start3A_53, %dma_start3A_54] : memref<10000x128xf32, #tpu.memory_space<hbm>> -> memref<10000x128xf32, #tpu.memory_space<hbm>>
    tpu.enqueue_indirect_dma source(%dma_start3A_55 : memref<10000x128xf32, #tpu.memory_space<hbm>>) target(%dma_start3A_50 : memref<128x128xf32, #tpu.memory_space<vmem>>) offsets(%dma_start3A_52 : memref<128xi32, #tpu.memory_space<vmem>>) semaphore(%arg9 : memref<!tpu.dma_semaphore, #tpu.memory_space<semaphore_mem>>)
    %dma_wait3A_56 = arith.constant 1 : i32
    %dma_wait3A_57 = arith.constant 0 : i32
    %dma_wait3A_58 = arith.constant 0 : i32
    %dma_wait3A_59 = tpu.memref_slice %arg6[%dma_wait3A_56, %dma_wait3A_57, %dma_wait3A_58] : memref<3x128x128xf32, #tpu.memory_space<vmem>> -> memref<1x128x128xf32, #tpu.memory_space<vmem>>
    %dma_wait3A_60 = tpu.memref_squeeze %dma_wait3A_59 : memref<1x128x128xf32, #tpu.memory_space<vmem>> -> memref<128x128xf32, #tpu.memory_space<vmem>>
    %dma_wait3A_61 = arith.constant 128 : i32
    %dma_wait3A_62 = tpu.memref_slice %arg5[%dma_wait3A_61] : memref<5000xi32, #tpu.memory_space<vmem>> -> memref<128xi32, #tpu.memory_space<vmem>>
    %dma_wait3A_63 = arith.constant 0 : i32
    %dma_wait3A_64 = arith.constant 0 : i32
    %dma_wait3A_65 = tpu.memref_slice %arg3[%dma_wait3A_63, %dma_wait3A_64] : memref<10000x128xf32, #tpu.memory_space<hbm>> -> memref<10000x128xf32, #tpu.memory_space<hbm>>
    tpu.wait_indirect_dma semaphore(%arg8 : memref<!tpu.dma_semaphore, #tpu.memory_space<semaphore_mem>>) src(%dma_wait3A_65 : memref<10000x128xf32, #tpu.memory_space<hbm>>) dst(%dma_wait3A_60 : memref<128x128xf32, #tpu.memory_space<vmem>>)
    %add3A_66 = arith.constant 128 : i32
    %add3A_67 = arith.addi %mul3A_2, %add3A_66 : i32
    %dma_start3A_68 = arith.constant 1 : i32
    %dma_start3A_69 = arith.constant 0 : i32
    %dma_start3A_70 = arith.constant 0 : i32
    %dma_start3A_71 = tpu.memref_slice %arg6[%dma_start3A_68, %dma_start3A_69, %dma_start3A_70] : memref<3x128x128xf32, #tpu.memory_space<vmem>> -> memref<1x128x128xf32, #tpu.memory_space<vmem>>
    %dma_start3A_72 = tpu.memref_squeeze %dma_start3A_71 : memref<1x128x128xf32, #tpu.memory_space<vmem>> -> memref<128x128xf32, #tpu.memory_space<vmem>>
    %dma_start3A_73 = arith.constant 0 : i32
    %dma_start3A_74 = tpu.memref_slice %arg4[%add3A_67, %dma_start3A_73] : memref<160000x128xf32, #tpu.memory_space<hbm>> -> memref<128x128xf32, #tpu.memory_space<hbm>>
    %dma_start3A_75 = arith.constant 0 : i32
    %dma_start3A_76 = tpu.memref_slice %arg4[%add3A_67, %dma_start3A_75] : memref<160000x128xf32, #tpu.memory_space<hbm>> -> memref<128x128xf32, #tpu.memory_space<hbm>>
    %dma_start3A_77 = arith.constant 0 : i32
    %dma_start3A_78 = arith.constant 0 : i32
    %dma_start3A_79 = tpu.memref_slice %arg6[%dma_start3A_68, %dma_start3A_77, %dma_start3A_78] : memref<3x128x128xf32, #tpu.memory_space<vmem>> -> memref<1x128x128xf32, #tpu.memory_space<vmem>>
    %dma_start3A_80 = tpu.memref_squeeze %dma_start3A_79 : memref<1x128x128xf32, #tpu.memory_space<vmem>> -> memref<128x128xf32, #tpu.memory_space<vmem>>
    tpu.enqueue_dma source(%dma_start3A_80 : memref<128x128xf32, #tpu.memory_space<vmem>>) target(%dma_start3A_76 : memref<128x128xf32, #tpu.memory_space<hbm>>) target_semaphore(%arg11 : memref<!tpu.dma_semaphore, #tpu.memory_space<semaphore_mem>>)
    %dma_wait3A_81 = arith.constant 0 : i32
    %dma_wait3A_82 = arith.constant 0 : i32
    %dma_wait3A_83 = arith.constant 0 : i32
    %dma_wait3A_84 = tpu.memref_slice %arg6[%dma_wait3A_81, %dma_wait3A_82, %dma_wait3A_83] : memref<3x128x128xf32, #tpu.memory_space<vmem>> -> memref<1x128x128xf32, #tpu.memory_space<vmem>>
    %dma_wait3A_85 = tpu.memref_squeeze %dma_wait3A_84 : memref<1x128x128xf32, #tpu.memory_space<vmem>> -> memref<128x128xf32, #tpu.memory_space<vmem>>
    %dma_wait3A_86 = arith.constant 0 : i32
    %dma_wait3A_87 = tpu.memref_slice %arg4[%add3A_32, %dma_wait3A_86] : memref<160000x128xf32, #tpu.memory_space<hbm>> -> memref<128x128xf32, #tpu.memory_space<hbm>>
    %dma_wait3A_88 = arith.constant 0 : i32
    %dma_wait3A_89 = tpu.memref_slice %arg4[%add3A_32, %dma_wait3A_88] : memref<160000x128xf32, #tpu.memory_space<hbm>> -> memref<128x128xf32, #tpu.memory_space<hbm>>
    %dma_wait3A_90 = arith.constant 0 : i32
    %dma_wait3A_91 = arith.constant 0 : i32
    %dma_wait3A_92 = tpu.memref_slice %arg6[%dma_wait3A_81, %dma_wait3A_90, %dma_wait3A_91] : memref<3x128x128xf32, #tpu.memory_space<vmem>> -> memref<1x128x128xf32, #tpu.memory_space<vmem>>
    %dma_wait3A_93 = tpu.memref_squeeze %dma_wait3A_92 : memref<1x128x128xf32, #tpu.memory_space<vmem>> -> memref<128x128xf32, #tpu.memory_space<vmem>>
    tpu.wait_dma2 semaphore(%arg10 : memref<!tpu.dma_semaphore, #tpu.memory_space<semaphore_mem>>) src(%dma_wait3A_93 : memref<128x128xf32, #tpu.memory_space<vmem>>) dst(%dma_wait3A_89 : memref<128x128xf32, #tpu.memory_space<hbm>>)
    %dma_start3A_94 = arith.constant 0 : i32
    %dma_start3A_95 = arith.constant 0 : i32
    %dma_start3A_96 = arith.constant 0 : i32
    %dma_start3A_97 = tpu.memref_slice %arg6[%dma_start3A_94, %dma_start3A_95, %dma_start3A_96] : memref<3x128x128xf32, #tpu.memory_space<vmem>> -> memref<1x128x128xf32, #tpu.memory_space<vmem>>
    %dma_start3A_98 = tpu.memref_squeeze %dma_start3A_97 : memref<1x128x128xf32, #tpu.memory_space<vmem>> -> memref<128x128xf32, #tpu.memory_space<vmem>>
    %dma_start3A_99 = arith.constant 384 : i32
    %dma_start3A_100 = tpu.memref_slice %arg5[%dma_start3A_99] : memref<5000xi32, #tpu.memory_space<vmem>> -> memref<128xi32, #tpu.memory_space<vmem>>
    %dma_start3A_101 = arith.constant 0 : i32
    %dma_start3A_102 = arith.constant 0 : i32
    %dma_start3A_103 = tpu.memref_slice %arg3[%dma_start3A_101, %dma_start3A_102] : memref<10000x128xf32, #tpu.memory_space<hbm>> -> memref<10000x128xf32, #tpu.memory_space<hbm>>
    tpu.enqueue_indirect_dma source(%dma_start3A_103 : memref<10000x128xf32, #tpu.memory_space<hbm>>) target(%dma_start3A_98 : memref<128x128xf32, #tpu.memory_space<vmem>>) offsets(%dma_start3A_100 : memref<128xi32, #tpu.memory_space<vmem>>) semaphore(%arg7 : memref<!tpu.dma_semaphore, #tpu.memory_space<semaphore_mem>>)
    %dma_wait3A_104 = arith.constant 2 : i32
    %dma_wait3A_105 = arith.constant 0 : i32
    %dma_wait3A_106 = arith.constant 0 : i32
    %dma_wait3A_107 = tpu.memref_slice %arg6[%dma_wait3A_104, %dma_wait3A_105, %dma_wait3A_106] : memref<3x128x128xf32, #tpu.memory_space<vmem>> -> memref<1x128x128xf32, #tpu.memory_space<vmem>>
    %dma_wait3A_108 = tpu.memref_squeeze %dma_wait3A_107 : memref<1x128x128xf32, #tpu.memory_space<vmem>> -> memref<128x128xf32, #tpu.memory_space<vmem>>
    %dma_wait3A_109 = arith.constant 256 : i32
    %dma_wait3A_110 = tpu.memref_slice %arg5[%dma_wait3A_109] : memref<5000xi32, #tpu.memory_space<vmem>> -> memref<128xi32, #tpu.memory_space<vmem>>
    %dma_wait3A_111 = arith.constant 0 : i32
    %dma_wait3A_112 = arith.constant 0 : i32
    %dma_wait3A_113 = tpu.memref_slice %arg3[%dma_wait3A_111, %dma_wait3A_112] : memref<10000x128xf32, #tpu.memory_space<hbm>> -> memref<10000x128xf32, #tpu.memory_space<hbm>>
    tpu.wait_indirect_dma semaphore(%arg9 : memref<!tpu.dma_semaphore, #tpu.memory_space<semaphore_mem>>) src(%dma_wait3A_113 : memref<10000x128xf32, #tpu.memory_space<hbm>>) dst(%dma_wait3A_108 : memref<128x128xf32, #tpu.memory_space<vmem>>)
    %add3A_114 = arith.constant 256 : i32
    %add3A_115 = arith.addi %mul3A_2, %add3A_114 : i32
    %dma_start3A_116 = arith.constant 2 : i32
    %dma_start3A_117 = arith.constant 0 : i32
    %dma_start3A_118 = arith.constant 0 : i32
    %dma_start3A_119 = tpu.memref_slice %arg6[%dma_start3A_116, %dma_start3A_117, %dma_start3A_118] : memref<3x128x128xf32, #tpu.memory_space<vmem>> -> memref<1x128x128xf32, #tpu.memory_space<vmem>>
    %dma_start3A_120 = tpu.memref_squeeze %dma_start3A_119 : memref<1x128x128xf32, #tpu.memory_space<vmem>> -> memref<128x128xf32, #tpu.memory_space<vmem>>
    %dma_start3A_121 = arith.constant 0 : i32
    %dma_start3A_122 = tpu.memref_slice %arg4[%add3A_115, %dma_start3A_121] : memref<160000x128xf32, #tpu.memory_space<hbm>> -> memref<128x128xf32, #tpu.memory_space<hbm>>
    %dma_start3A_123 = arith.constant 0 : i32
    %dma_start3A_124 = tpu.memref_slice %arg4[%add3A_115, %dma_start3A_123] : memref<160000x128xf32, #tpu.memory_space<hbm>> -> memref<128x128xf32, #tpu.memory_space<hbm>>
    %dma_start3A_125 = arith.constant 0 : i32
    %dma_start3A_126 = arith.constant 0 : i32
    %dma_start3A_127 = tpu.memref_slice %arg6[%dma_start3A_116, %dma_start3A_125, %dma_start3A_126] : memref<3x128x128xf32, #tpu.memory_space<vmem>> -> memref<1x128x128xf32, #tpu.memory_space<vmem>>
    %dma_start3A_128 = tpu.memref_squeeze %dma_start3A_127 : memref<1x128x128xf32, #tpu.memory_space<vmem>> -> memref<128x128xf32, #tpu.memory_space<vmem>>
    tpu.enqueue_dma source(%dma_start3A_128 : memref<128x128xf32, #tpu.memory_space<vmem>>) target(%dma_start3A_124 : memref<128x128xf32, #tpu.memory_space<hbm>>) target_semaphore(%arg12 : memref<!tpu.dma_semaphore, #tpu.memory_space<semaphore_mem>>)
    %dma_wait3A_129 = arith.constant 1 : i32
    %dma_wait3A_130 = arith.constant 0 : i32
    %dma_wait3A_131 = arith.constant 0 : i32
    %dma_wait3A_132 = tpu.memref_slice %arg6[%dma_wait3A_129, %dma_wait3A_130, %dma_wait3A_131] : memref<3x128x128xf32, #tpu.memory_space<vmem>> -> memref<1x128x128xf32, #tpu.memory_space<vmem>>
    %dma_wait3A_133 = tpu.memref_squeeze %dma_wait3A_132 : memref<1x128x128xf32, #tpu.memory_space<vmem>> -> memref<128x128xf32, #tpu.memory_space<vmem>>
    %dma_wait3A_134 = arith.constant 0 : i32
    %dma_wait3A_135 = tpu.memref_slice %arg4[%add3A_67, %dma_wait3A_134] : memref<160000x128xf32, #tpu.memory_space<hbm>> -> memref<128x128xf32, #tpu.memory_space<hbm>>
    %dma_wait3A_136 = arith.constant 0 : i32
    %dma_wait3A_137 = tpu.memref_slice %arg4[%add3A_67, %dma_wait3A_136] : memref<160000x128xf32, #tpu.memory_space<hbm>> -> memref<128x128xf32, #tpu.memory_space<hbm>>
    %dma_wait3A_138 = arith.constant 0 : i32
    %dma_wait3A_139 = arith.constant 0 : i32
    %dma_wait3A_140 = tpu.memref_slice %arg6[%dma_wait3A_129, %dma_wait3A_138, %dma_wait3A_139] : memref<3x128x128xf32, #tpu.memory_space<vmem>> -> memref<1x128x128xf32, #tpu.memory_space<vmem>>
    %dma_wait3A_141 = tpu.memref_squeeze %dma_wait3A_140 : memref<1x128x128xf32, #tpu.memory_space<vmem>> -> memref<128x128xf32, #tpu.memory_space<vmem>>
    tpu.wait_dma2 semaphore(%arg11 : memref<!tpu.dma_semaphore, #tpu.memory_space<semaphore_mem>>) src(%dma_wait3A_141 : memref<128x128xf32, #tpu.memory_space<vmem>>) dst(%dma_wait3A_137 : memref<128x128xf32, #tpu.memory_space<hbm>>)
    %dma_start3A_142 = arith.constant 1 : i32
    %dma_start3A_143 = arith.constant 0 : i32
    %dma_start3A_144 = arith.constant 0 : i32
    %dma_start3A_145 = tpu.memref_slice %arg6[%dma_start3A_142, %dma_start3A_143, %dma_start3A_144] : memref<3x128x128xf32, #tpu.memory_space<vmem>> -> memref<1x128x128xf32, #tpu.memory_space<vmem>>
    %dma_start3A_146 = tpu.memref_squeeze %dma_start3A_145 : memref<1x128x128xf32, #tpu.memory_space<vmem>> -> memref<128x128xf32, #tpu.memory_space<vmem>>
    %dma_start3A_147 = arith.constant 512 : i32
    %dma_start3A_148 = tpu.memref_slice %arg5[%dma_start3A_147] : memref<5000xi32, #tpu.memory_space<vmem>> -> memref<128xi32, #tpu.memory_space<vmem>>
    %dma_start3A_149 = arith.constant 0 : i32
    %dma_start3A_150 = arith.constant 0 : i32
    %dma_start3A_151 = tpu.memref_slice %arg3[%dma_start3A_149, %dma_start3A_150] : memref<10000x128xf32, #tpu.memory_space<hbm>> -> memref<10000x128xf32, #tpu.memory_space<hbm>>
    tpu.enqueue_indirect_dma source(%dma_start3A_151 : memref<10000x128xf32, #tpu.memory_space<hbm>>) target(%dma_start3A_146 : memref<128x128xf32, #tpu.memory_space<vmem>>) offsets(%dma_start3A_148 : memref<128xi32, #tpu.memory_space<vmem>>) semaphore(%arg8 : memref<!tpu.dma_semaphore, #tpu.memory_space<semaphore_mem>>)
    %dma_wait3A_152 = arith.constant 0 : i32
    %dma_wait3A_153 = arith.constant 0 : i32
    %dma_wait3A_154 = arith.constant 0 : i32
    %dma_wait3A_155 = tpu.memref_slice %arg6[%dma_wait3A_152, %dma_wait3A_153, %dma_wait3A_154] : memref<3x128x128xf32, #tpu.memory_space<vmem>> -> memref<1x128x128xf32, #tpu.memory_space<vmem>>
    %dma_wait3A_156 = tpu.memref_squeeze %dma_wait3A_155 : memref<1x128x128xf32, #tpu.memory_space<vmem>> -> memref<128x128xf32, #tpu.memory_space<vmem>>
    %dma_wait3A_157 = arith.constant 384 : i32
    %dma_wait3A_158 = tpu.memref_slice %arg5[%dma_wait3A_157] : memref<5000xi32, #tpu.memory_space<vmem>> -> memref<128xi32, #tpu.memory_space<vmem>>
    %dma_wait3A_159 = arith.constant 0 : i32
    %dma_wait3A_160 = arith.constant 0 : i32
    %dma_wait3A_161 = tpu.memref_slice %arg3[%dma_wait3A_159, %dma_wait3A_160] : memref<10000x128xf32, #tpu.memory_space<hbm>> -> memref<10000x128xf32, #tpu.memory_space<hbm>>
    tpu.wait_indirect_dma semaphore(%arg7 : memref<!tpu.dma_semaphore, #tpu.memory_space<semaphore_mem>>) src(%dma_wait3A_161 : memref<10000x128xf32, #tpu.memory_space<hbm>>) dst(%dma_wait3A_156 : memref<128x128xf32, #tpu.memory_space<vmem>>)
    %add3A_162 = arith.constant 384 : i32
    %add3A_163 = arith.addi %mul3A_2, %add3A_162 : i32
    %dma_start3A_164 = arith.constant 0 : i32
    %dma_start3A_165 = arith.constant 0 : i32
    %dma_start3A_166 = arith.constant 0 : i32
    %dma_start3A_167 = tpu.memref_slice %arg6[%dma_start3A_164, %dma_start3A_165, %dma_start3A_166] : memref<3x128x128xf32, #tpu.memory_space<vmem>> -> memref<1x128x128xf32, #tpu.memory_space<vmem>>
    %dma_start3A_168 = tpu.memref_squeeze %dma_start3A_167 : memref<1x128x128xf32, #tpu.memory_space<vmem>> -> memref<128x128xf32, #tpu.memory_space<vmem>>
    %dma_start3A_169 = arith.constant 0 : i32
    %dma_start3A_170 = tpu.memref_slice %arg4[%add3A_163, %dma_start3A_169] : memref<160000x128xf32, #tpu.memory_space<hbm>> -> memref<128x128xf32, #tpu.memory_space<hbm>>
    %dma_start3A_171 = arith.constant 0 : i32
    %dma_start3A_172 = tpu.memref_slice %arg4[%add3A_163, %dma_start3A_171] : memref<160000x128xf32, #tpu.memory_space<hbm>> -> memref<128x128xf32, #tpu.memory_space<hbm>>
    %dma_start3A_173 = arith.constant 0 : i32
    %dma_start3A_174 = arith.constant 0 : i32
    %dma_start3A_175 = tpu.memref_slice %arg6[%dma_start3A_164, %dma_start3A_173, %dma_start3A_174] : memref<3x128x128xf32, #tpu.memory_space<vmem>> -> memref<1x128x128xf32, #tpu.memory_space<vmem>>
    %dma_start3A_176 = tpu.memref_squeeze %dma_start3A_175 : memref<1x128x128xf32, #tpu.memory_space<vmem>> -> memref<128x128xf32, #tpu.memory_space<vmem>>
    tpu.enqueue_dma source(%dma_start3A_176 : memref<128x128xf32, #tpu.memory_space<vmem>>) target(%dma_start3A_172 : memref<128x128xf32, #tpu.memory_space<hbm>>) target_semaphore(%arg10 : memref<!tpu.dma_semaphore, #tpu.memory_space<semaphore_mem>>)
    %dma_wait3A_177 = arith.constant 2 : i32
    %dma_wait3A_178 = arith.constant 0 : i32
    %dma_wait3A_179 = arith.constant 0 : i32
    %dma_wait3A_180 = tpu.memref_slice %arg6[%dma_wait3A_177, %dma_wait3A_178, %dma_wait3A_179] : memref<3x128x128xf32, #tpu.memory_space<vmem>> -> memref<1x128x128xf32, #tpu.memory_space<vmem>>
    %dma_wait3A_181 = tpu.memref_squeeze %dma_wait3A_180 : memref<1x128x128xf32, #tpu.memory_space<vmem>> -> memref<128x128xf32, #tpu.memory_space<vmem>>
    %dma_wait3A_182 = arith.constant 0 : i32
    %dma_wait3A_183 = tpu.memref_slice %arg4[%add3A_115, %dma_wait3A_182] : memref<160000x128xf32, #tpu.memory_space<hbm>> -> memref<128x128xf32, #tpu.memory_space<hbm>>
    %dma_wait3A_184 = arith.constant 0 : i32
    %dma_wait3A_185 = tpu.memref_slice %arg4[%add3A_115, %dma_wait3A_184] : memref<160000x128xf32, #tpu.memory_space<hbm>> -> memref<128x128xf32, #tpu.memory_space<hbm>>
    %dma_wait3A_186 = arith.constant 0 : i32
    %dma_wait3A_187 = arith.constant 0 : i32
    %dma_wait3A_188 = tpu.memref_slice %arg6[%dma_wait3A_177, %dma_wait3A_186, %dma_wait3A_187] : memref<3x128x128xf32, #tpu.memory_space<vmem>> -> memref<1x128x128xf32, #tpu.memory_space<vmem>>
    %dma_wait3A_189 = tpu.memref_squeeze %dma_wait3A_188 : memref<1x128x128xf32, #tpu.memory_space<vmem>> -> memref<128x128xf32, #tpu.memory_space<vmem>>
    tpu.wait_dma2 semaphore(%arg12 : memref<!tpu.dma_semaphore, #tpu.memory_space<semaphore_mem>>) src(%dma_wait3A_189 : memref<128x128xf32, #tpu.memory_space<vmem>>) dst(%dma_wait3A_185 : memref<128x128xf32, #tpu.memory_space<hbm>>)
    %dma_start3A_190 = arith.constant 2 : i32
    %dma_start3A_191 = arith.constant 0 : i32
    %dma_start3A_192 = arith.constant 0 : i32
    %dma_start3A_193 = tpu.memref_slice %arg6[%dma_start3A_190, %dma_start3A_191, %dma_start3A_192] : memref<3x128x128xf32, #tpu.memory_space<vmem>> -> memref<1x128x128xf32, #tpu.memory_space<vmem>>
    %dma_start3A_194 = tpu.memref_squeeze %dma_start3A_193 : memref<1x128x128xf32, #tpu.memory_space<vmem>> -> memref<128x128xf32, #tpu.memory_space<vmem>>
    %dma_start3A_195 = arith.constant 640 : i32
    %dma_start3A_196 = tpu.memref_slice %arg5[%dma_start3A_195] : memref<5000xi32, #tpu.memory_space<vmem>> -> memref<128xi32, #tpu.memory_space<vmem>>
    %dma_start3A_197 = arith.constant 0 : i32
    %dma_start3A_198 = arith.constant 0 : i32
    %dma_start3A_199 = tpu.memref_slice %arg3[%dma_start3A_197, %dma_start3A_198] : memref<10000x128xf32, #tpu.memory_space<hbm>> -> memref<10000x128xf32, #tpu.memory_space<hbm>>
    tpu.enqueue_indirect_dma source(%dma_start3A_199 : memref<10000x128xf32, #tpu.memory_space<hbm>>) target(%dma_start3A_194 : memref<128x128xf32, #tpu.memory_space<vmem>>) offsets(%dma_start3A_196 : memref<128xi32, #tpu.memory_space<vmem>>) semaphore(%arg9 : memref<!tpu.dma_semaphore, #tpu.memory_space<semaphore_mem>>)
    %dma_wait3A_200 = arith.constant 1 : i32
    %dma_wait3A_201 = arith.constant 0 : i32
    %dma_wait3A_202 = arith.constant 0 : i32
    %dma_wait3A_203 = tpu.memref_slice %arg6[%dma_wait3A_200, %dma_wait3A_201, %dma_wait3A_202] : memref<3x128x128xf32, #tpu.memory_space<vmem>> -> memref<1x128x128xf32, #tpu.memory_space<vmem>>
    %dma_wait3A_204 = tpu.memref_squeeze %dma_wait3A_203 : memref<1x128x128xf32, #tpu.memory_space<vmem>> -> memref<128x128xf32, #tpu.memory_space<vmem>>
    %dma_wait3A_205 = arith.constant 512 : i32
    %dma_wait3A_206 = tpu.memref_slice %arg5[%dma_wait3A_205] : memref<5000xi32, #tpu.memory_space<vmem>> -> memref<128xi32, #tpu.memory_space<vmem>>
    %dma_wait3A_207 = arith.constant 0 : i32
    %dma_wait3A_208 = arith.constant 0 : i32
    %dma_wait3A_209 = tpu.memref_slice %arg3[%dma_wait3A_207, %dma_wait3A_208] : memref<10000x128xf32, #tpu.memory_space<hbm>> -> memref<10000x128xf32, #tpu.memory_space<hbm>>
    tpu.wait_indirect_dma semaphore(%arg8 : memref<!tpu.dma_semaphore, #tpu.memory_space<semaphore_mem>>) src(%dma_wait3A_209 : memref<10000x128xf32, #tpu.memory_space<hbm>>) dst(%dma_wait3A_204 : memref<128x128xf32, #tpu.memory_space<vmem>>)
    %add3A_210 = arith.constant 512 : i32
    %add3A_211 = arith.addi %mul3A_2, %add3A_210 : i32
    %dma_start3A_212 = arith.constant 1 : i32
    %dma_start3A_213 = arith.constant 0 : i32
    %dma_start3A_214 = arith.constant 0 : i32
    %dma_start3A_215 = tpu.memref_slice %arg6[%dma_start3A_212, %dma_start3A_213, %dma_start3A_214] : memref<3x128x128xf32, #tpu.memory_space<vmem>> -> memref<1x128x128xf32, #tpu.memory_space<vmem>>
    %dma_start3A_216 = tpu.memref_squeeze %dma_start3A_215 : memref<1x128x128xf32, #tpu.memory_space<vmem>> -> memref<128x128xf32, #tpu.memory_space<vmem>>
    %dma_start3A_217 = arith.constant 0 : i32
    %dma_start3A_218 = tpu.memref_slice %arg4[%add3A_211, %dma_start3A_217] : memref<160000x128xf32, #tpu.memory_space<hbm>> -> memref<128x128xf32, #tpu.memory_space<hbm>>
    %dma_start3A_219 = arith.constant 0 : i32
    %dma_start3A_220 = tpu.memref_slice %arg4[%add3A_211, %dma_start3A_219] : memref<160000x128xf32, #tpu.memory_space<hbm>> -> memref<128x128xf32, #tpu.memory_space<hbm>>
    %dma_start3A_221 = arith.constant 0 : i32
    %dma_start3A_222 = arith.constant 0 : i32
    %dma_start3A_223 = tpu.memref_slice %arg6[%dma_start3A_212, %dma_start3A_221, %dma_start3A_222] : memref<3x128x128xf32, #tpu.memory_space<vmem>> -> memref<1x128x128xf32, #tpu.memory_space<vmem>>
    %dma_start3A_224 = tpu.memref_squeeze %dma_start3A_223 : memref<1x128x128xf32, #tpu.memory_space<vmem>> -> memref<128x128xf32, #tpu.memory_space<vmem>>
    tpu.enqueue_dma source(%dma_start3A_224 : memref<128x128xf32, #tpu.memory_space<vmem>>) target(%dma_start3A_220 : memref<128x128xf32, #tpu.memory_space<hbm>>) target_semaphore(%arg11 : memref<!tpu.dma_semaphore, #tpu.memory_space<semaphore_mem>>)
    %dma_wait3A_225 = arith.constant 0 : i32
    %dma_wait3A_226 = arith.constant 0 : i32
    %dma_wait3A_227 = arith.constant 0 : i32
    %dma_wait3A_228 = tpu.memref_slice %arg6[%dma_wait3A_225, %dma_wait3A_226, %dma_wait3A_227] : memref<3x128x128xf32, #tpu.memory_space<vmem>> -> memref<1x128x128xf32, #tpu.memory_space<vmem>>
    %dma_wait3A_229 = tpu.memref_squeeze %dma_wait3A_228 : memref<1x128x128xf32, #tpu.memory_space<vmem>> -> memref<128x128xf32, #tpu.memory_space<vmem>>
    %dma_wait3A_230 = arith.constant 0 : i32
    %dma_wait3A_231 = tpu.memref_slice %arg4[%add3A_163, %dma_wait3A_230] : memref<160000x128xf32, #tpu.memory_space<hbm>> -> memref<128x128xf32, #tpu.memory_space<hbm>>
    %dma_wait3A_232 = arith.constant 0 : i32
    %dma_wait3A_233 = tpu.memref_slice %arg4[%add3A_163, %dma_wait3A_232] : memref<160000x128xf32, #tpu.memory_space<hbm>> -> memref<128x128xf32, #tpu.memory_space<hbm>>
    %dma_wait3A_234 = arith.constant 0 : i32
    %dma_wait3A_235 = arith.constant 0 : i32
    %dma_wait3A_236 = tpu.memref_slice %arg6[%dma_wait3A_225, %dma_wait3A_234, %dma_wait3A_235] : memref<3x128x128xf32, #tpu.memory_space<vmem>> -> memref<1x128x128xf32, #tpu.memory_space<vmem>>
    %dma_wait3A_237 = tpu.memref_squeeze %dma_wait3A_236 : memref<1x128x128xf32, #tpu.memory_space<vmem>> -> memref<128x128xf32, #tpu.memory_space<vmem>>
    tpu.wait_dma2 semaphore(%arg10 : memref<!tpu.dma_semaphore, #tpu.memory_space<semaphore_mem>>) src(%dma_wait3A_237 : memref<128x128xf32, #tpu.memory_space<vmem>>) dst(%dma_wait3A_233 : memref<128x128xf32, #tpu.memory_space<hbm>>)
    %dma_start3A_238 = arith.constant 0 : i32
    %dma_start3A_239 = arith.constant 0 : i32
    %dma_start3A_240 = arith.constant 0 : i32
    %dma_start3A_241 = tpu.memref_slice %arg6[%dma_start3A_238, %dma_start3A_239, %dma_start3A_240] : memref<3x128x128xf32, #tpu.memory_space<vmem>> -> memref<1x128x128xf32, #tpu.memory_space<vmem>>
    %dma_start3A_242 = tpu.memref_squeeze %dma_start3A_241 : memref<1x128x128xf32, #tpu.memory_space<vmem>> -> memref<128x128xf32, #tpu.memory_space<vmem>>
    %dma_start3A_243 = arith.constant 768 : i32
    %dma_start3A_244 = tpu.memref_slice %arg5[%dma_start3A_243] : memref<5000xi32, #tpu.memory_space<vmem>> -> memref<128xi32, #tpu.memory_space<vmem>>
    %dma_start3A_245 = arith.constant 0 : i32
    %dma_start3A_246 = arith.constant 0 : i32
    %dma_start3A_247 = tpu.memref_slice %arg3[%dma_start3A_245, %dma_start3A_246] : memref<10000x128xf32, #tpu.memory_space<hbm>> -> memref<10000x128xf32, #tpu.memory_space<hbm>>
    tpu.enqueue_indirect_dma source(%dma_start3A_247 : memref<10000x128xf32, #tpu.memory_space<hbm>>) target(%dma_start3A_242 : memref<128x128xf32, #tpu.memory_space<vmem>>) offsets(%dma_start3A_244 : memref<128xi32, #tpu.memory_space<vmem>>) semaphore(%arg7 : memref<!tpu.dma_semaphore, #tpu.memory_space<semaphore_mem>>)
    %dma_wait3A_248 = arith.constant 2 : i32
    %dma_wait3A_249 = arith.constant 0 : i32
    %dma_wait3A_250 = arith.constant 0 : i32
    %dma_wait3A_251 = tpu.memref_slice %arg6[%dma_wait3A_248, %dma_wait3A_249, %dma_wait3A_250] : memref<3x128x128xf32, #tpu.memory_space<vmem>> -> memref<1x128x128xf32, #tpu.memory_space<vmem>>
    %dma_wait3A_252 = tpu.memref_squeeze %dma_wait3A_251 : memref<1x128x128xf32, #tpu.memory_space<vmem>> -> memref<128x128xf32, #tpu.memory_space<vmem>>
    %dma_wait3A_253 = arith.constant 640 : i32
    %dma_wait3A_254 = tpu.memref_slice %arg5[%dma_wait3A_253] : memref<5000xi32, #tpu.memory_space<vmem>> -> memref<128xi32, #tpu.memory_space<vmem>>
    %dma_wait3A_255 = arith.constant 0 : i32
    %dma_wait3A_256 = arith.constant 0 : i32
    %dma_wait3A_257 = tpu.memref_slice %arg3[%dma_wait3A_255, %dma_wait3A_256] : memref<10000x128xf32, #tpu.memory_space<hbm>> -> memref<10000x128xf32, #tpu.memory_space<hbm>>
    tpu.wait_indirect_dma semaphore(%arg9 : memref<!tpu.dma_semaphore, #tpu.memory_space<semaphore_mem>>) src(%dma_wait3A_257 : memref<10000x128xf32, #tpu.memory_space<hbm>>) dst(%dma_wait3A_252 : memref<128x128xf32, #tpu.memory_space<vmem>>)
    %add3A_258 = arith.constant 640 : i32
    %add3A_259 = arith.addi %mul3A_2, %add3A_258 : i32
    %dma_start3A_260 = arith.constant 2 : i32
    %dma_start3A_261 = arith.constant 0 : i32
    %dma_start3A_262 = arith.constant 0 : i32
    %dma_start3A_263 = tpu.memref_slice %arg6[%dma_start3A_260, %dma_start3A_261, %dma_start3A_262] : memref<3x128x128xf32, #tpu.memory_space<vmem>> -> memref<1x128x128xf32, #tpu.memory_space<vmem>>
    %dma_start3A_264 = tpu.memref_squeeze %dma_start3A_263 : memref<1x128x128xf32, #tpu.memory_space<vmem>> -> memref<128x128xf32, #tpu.memory_space<vmem>>
    %dma_start3A_265 = arith.constant 0 : i32
    %dma_start3A_266 = tpu.memref_slice %arg4[%add3A_259, %dma_start3A_265] : memref<160000x128xf32, #tpu.memory_space<hbm>> -> memref<128x128xf32, #tpu.memory_space<hbm>>
    %dma_start3A_267 = arith.constant 0 : i32
    %dma_start3A_268 = tpu.memref_slice %arg4[%add3A_259, %dma_start3A_267] : memref<160000x128xf32, #tpu.memory_space<hbm>> -> memref<128x128xf32, #tpu.memory_space<hbm>>
    %dma_start3A_269 = arith.constant 0 : i32
    %dma_start3A_270 = arith.constant 0 : i32
    %dma_start3A_271 = tpu.memref_slice %arg6[%dma_start3A_260, %dma_start3A_269, %dma_start3A_270] : memref<3x128x128xf32, #tpu.memory_space<vmem>> -> memref<1x128x128xf32, #tpu.memory_space<vmem>>
    %dma_start3A_272 = tpu.memref_squeeze %dma_start3A_271 : memref<1x128x128xf32, #tpu.memory_space<vmem>> -> memref<128x128xf32, #tpu.memory_space<vmem>>
    tpu.enqueue_dma source(%dma_start3A_272 : memref<128x128xf32, #tpu.memory_space<vmem>>) target(%dma_start3A_268 : memref<128x128xf32, #tpu.memory_space<hbm>>) target_semaphore(%arg12 : memref<!tpu.dma_semaphore, #tpu.memory_space<semaphore_mem>>)
    %dma_wait3A_273 = arith.constant 1 : i32
    %dma_wait3A_274 = arith.constant 0 : i32
    %dma_wait3A_275 = arith.constant 0 : i32
    %dma_wait3A_276 = tpu.memref_slice %arg6[%dma_wait3A_273, %dma_wait3A_274, %dma_wait3A_275] : memref<3x128x128xf32, #tpu.memory_space<vmem>> -> memref<1x128x128xf32, #tpu.memory_space<vmem>>
    %dma_wait3A_277 = tpu.memref_squeeze %dma_wait3A_276 : memref<1x128x128xf32, #tpu.memory_space<vmem>> -> memref<128x128xf32, #tpu.memory_space<vmem>>
    %dma_wait3A_278 = arith.constant 0 : i32
    %dma_wait3A_279 = tpu.memref_slice %arg4[%add3A_211, %dma_wait3A_278] : memref<160000x128xf32, #tpu.memory_space<hbm>> -> memref<128x128xf32, #tpu.memory_space<hbm>>
    %dma_wait3A_280 = arith.constant 0 : i32
    %dma_wait3A_281 = tpu.memref_slice %arg4[%add3A_211, %dma_wait3A_280] : memref<160000x128xf32, #tpu.memory_space<hbm>> -> memref<128x128xf32, #tpu.memory_space<hbm>>
    %dma_wait3A_282 = arith.constant 0 : i32
    %dma_wait3A_283 = arith.constant 0 : i32
    %dma_wait3A_284 = tpu.memref_slice %arg6[%dma_wait3A_273, %dma_wait3A_282, %dma_wait3A_283] : memref<3x128x128xf32, #tpu.memory_space<vmem>> -> memref<1x128x128xf32, #tpu.memory_space<vmem>>
    %dma_wait3A_285 = tpu.memref_squeeze %dma_wait3A_284 : memref<1x128x128xf32, #tpu.memory_space<vmem>> -> memref<128x128xf32, #tpu.memory_space<vmem>>
    tpu.wait_dma2 semaphore(%arg11 : memref<!tpu.dma_semaphore, #tpu.memory_space<semaphore_mem>>) src(%dma_wait3A_285 : memref<128x128xf32, #tpu.memory_space<vmem>>) dst(%dma_wait3A_281 : memref<128x128xf32, #tpu.memory_space<hbm>>)
    %dma_start3A_286 = arith.constant 1 : i32
    %dma_start3A_287 = arith.constant 0 : i32
    %dma_start3A_288 = arith.constant 0 : i32
    %dma_start3A_289 = tpu.memref_slice %arg6[%dma_start3A_286, %dma_start3A_287, %dma_start3A_288] : memref<3x128x128xf32, #tpu.memory_space<vmem>> -> memref<1x128x128xf32, #tpu.memory_space<vmem>>
    %dma_start3A_290 = tpu.memref_squeeze %dma_start3A_289 : memref<1x128x128xf32, #tpu.memory_space<vmem>> -> memref<128x128xf32, #tpu.memory_space<vmem>>
    %dma_start3A_291 = arith.constant 896 : i32
    %dma_start3A_292 = tpu.memref_slice %arg5[%dma_start3A_291] : memref<5000xi32, #tpu.memory_space<vmem>> -> memref<128xi32, #tpu.memory_space<vmem>>
    %dma_start3A_293 = arith.constant 0 : i32
    %dma_start3A_294 = arith.constant 0 : i32
    %dma_start3A_295 = tpu.memref_slice %arg3[%dma_start3A_293, %dma_start3A_294] : memref<10000x128xf32, #tpu.memory_space<hbm>> -> memref<10000x128xf32, #tpu.memory_space<hbm>>
    tpu.enqueue_indirect_dma source(%dma_start3A_295 : memref<10000x128xf32, #tpu.memory_space<hbm>>) target(%dma_start3A_290 : memref<128x128xf32, #tpu.memory_space<vmem>>) offsets(%dma_start3A_292 : memref<128xi32, #tpu.memory_space<vmem>>) semaphore(%arg8 : memref<!tpu.dma_semaphore, #tpu.memory_space<semaphore_mem>>)
    %dma_wait3A_296 = arith.constant 0 : i32
    %dma_wait3A_297 = arith.constant 0 : i32
    %dma_wait3A_298 = arith.constant 0 : i32
    %dma_wait3A_299 = tpu.memref_slice %arg6[%dma_wait3A_296, %dma_wait3A_297, %dma_wait3A_298] : memref<3x128x128xf32, #tpu.memory_space<vmem>> -> memref<1x128x128xf32, #tpu.memory_space<vmem>>
    %dma_wait3A_300 = tpu.memref_squeeze %dma_wait3A_299 : memref<1x128x128xf32, #tpu.memory_space<vmem>> -> memref<128x128xf32, #tpu.memory_space<vmem>>
    %dma_wait3A_301 = arith.constant 768 : i32
    %dma_wait3A_302 = tpu.memref_slice %arg5[%dma_wait3A_301] : memref<5000xi32, #tpu.memory_space<vmem>> -> memref<128xi32, #tpu.memory_space<vmem>>
    %dma_wait3A_303 = arith.constant 0 : i32
    %dma_wait3A_304 = arith.constant 0 : i32
    %dma_wait3A_305 = tpu.memref_slice %arg3[%dma_wait3A_303, %dma_wait3A_304] : memref<10000x128xf32, #tpu.memory_space<hbm>> -> memref<10000x128xf32, #tpu.memory_space<hbm>>
    tpu.wait_indirect_dma semaphore(%arg7 : memref<!tpu.dma_semaphore, #tpu.memory_space<semaphore_mem>>) src(%dma_wait3A_305 : memref<10000x128xf32, #tpu.memory_space<hbm>>) dst(%dma_wait3A_300 : memref<128x128xf32, #tpu.memory_space<vmem>>)
    %add3A_306 = arith.constant 768 : i32
    %add3A_307 = arith.addi %mul3A_2, %add3A_306 : i32
    %dma_start3A_308 = arith.constant 0 : i32
    %dma_start3A_309 = arith.constant 0 : i32
    %dma_start3A_310 = arith.constant 0 : i32
    %dma_start3A_311 = tpu.memref_slice %arg6[%dma_start3A_308, %dma_start3A_309, %dma_start3A_310] : memref<3x128x128xf32, #tpu.memory_space<vmem>> -> memref<1x128x128xf32, #tpu.memory_space<vmem>>
    %dma_start3A_312 = tpu.memref_squeeze %dma_start3A_311 : memref<1x128x128xf32, #tpu.memory_space<vmem>> -> memref<128x128xf32, #tpu.memory_space<vmem>>
    %dma_start3A_313 = arith.constant 0 : i32
    %dma_start3A_314 = tpu.memref_slice %arg4[%add3A_307, %dma_start3A_313] : memref<160000x128xf32, #tpu.memory_space<hbm>> -> memref<128x128xf32, #tpu.memory_space<hbm>>
    %dma_start3A_315 = arith.constant 0 : i32
    %dma_start3A_316 = tpu.memref_slice %arg4[%add3A_307, %dma_start3A_315] : memref<160000x128xf32, #tpu.memory_space<hbm>> -> memref<128x128xf32, #tpu.memory_space<hbm>>
    %dma_start3A_317 = arith.constant 0 : i32
    %dma_start3A_318 = arith.constant 0 : i32
    %dma_start3A_319 = tpu.memref_slice %arg6[%dma_start3A_308, %dma_start3A_317, %dma_start3A_318] : memref<3x128x128xf32, #tpu.memory_space<vmem>> -> memref<1x128x128xf32, #tpu.memory_space<vmem>>
    %dma_start3A_320 = tpu.memref_squeeze %dma_start3A_319 : memref<1x128x128xf32, #tpu.memory_space<vmem>> -> memref<128x128xf32, #tpu.memory_space<vmem>>
    tpu.enqueue_dma source(%dma_start3A_320 : memref<128x128xf32, #tpu.memory_space<vmem>>) target(%dma_start3A_316 : memref<128x128xf32, #tpu.memory_space<hbm>>) target_semaphore(%arg10 : memref<!tpu.dma_semaphore, #tpu.memory_space<semaphore_mem>>)
    %dma_wait3A_321 = arith.constant 2 : i32
    %dma_wait3A_322 = arith.constant 0 : i32
    %dma_wait3A_323 = arith.constant 0 : i32
    %dma_wait3A_324 = tpu.memref_slice %arg6[%dma_wait3A_321, %dma_wait3A_322, %dma_wait3A_323] : memref<3x128x128xf32, #tpu.memory_space<vmem>> -> memref<1x128x128xf32, #tpu.memory_space<vmem>>
    %dma_wait3A_325 = tpu.memref_squeeze %dma_wait3A_324 : memref<1x128x128xf32, #tpu.memory_space<vmem>> -> memref<128x128xf32, #tpu.memory_space<vmem>>
    %dma_wait3A_326 = arith.constant 0 : i32
    %dma_wait3A_327 = tpu.memref_slice %arg4[%add3A_259, %dma_wait3A_326] : memref<160000x128xf32, #tpu.memory_space<hbm>> -> memref<128x128xf32, #tpu.memory_space<hbm>>
    %dma_wait3A_328 = arith.constant 0 : i32
    %dma_wait3A_329 = tpu.memref_slice %arg4[%add3A_259, %dma_wait3A_328] : memref<160000x128xf32, #tpu.memory_space<hbm>> -> memref<128x128xf32, #tpu.memory_space<hbm>>
    %dma_wait3A_330 = arith.constant 0 : i32
    %dma_wait3A_331 = arith.constant 0 : i32
    %dma_wait3A_332 = tpu.memref_slice %arg6[%dma_wait3A_321, %dma_wait3A_330, %dma_wait3A_331] : memref<3x128x128xf32, #tpu.memory_space<vmem>> -> memref<1x128x128xf32, #tpu.memory_space<vmem>>
    %dma_wait3A_333 = tpu.memref_squeeze %dma_wait3A_332 : memref<1x128x128xf32, #tpu.memory_space<vmem>> -> memref<128x128xf32, #tpu.memory_space<vmem>>
    tpu.wait_dma2 semaphore(%arg12 : memref<!tpu.dma_semaphore, #tpu.memory_space<semaphore_mem>>) src(%dma_wait3A_333 : memref<128x128xf32, #tpu.memory_space<vmem>>) dst(%dma_wait3A_329 : memref<128x128xf32, #tpu.memory_space<hbm>>)
    %dma_start3A_334 = arith.constant 2 : i32
    %dma_start3A_335 = arith.constant 0 : i32
    %dma_start3A_336 = arith.constant 0 : i32
    %dma_start3A_337 = tpu.memref_slice %arg6[%dma_start3A_334, %dma_start3A_335, %dma_start3A_336] : memref<3x128x128xf32, #tpu.memory_space<vmem>> -> memref<1x128x128xf32, #tpu.memory_space<vmem>>
    %dma_start3A_338 = tpu.memref_squeeze %dma_start3A_337 : memref<1x128x128xf32, #tpu.memory_space<vmem>> -> memref<128x128xf32, #tpu.memory_space<vmem>>
    %dma_start3A_339 = arith.constant 1024 : i32
    %dma_start3A_340 = tpu.memref_slice %arg5[%dma_start3A_339] : memref<5000xi32, #tpu.memory_space<vmem>> -> memref<128xi32, #tpu.memory_space<vmem>>
    %dma_start3A_341 = arith.constant 0 : i32
    %dma_start3A_342 = arith.constant 0 : i32
    %dma_start3A_343 = tpu.memref_slice %arg3[%dma_start3A_341, %dma_start3A_342] : memref<10000x128xf32, #tpu.memory_space<hbm>> -> memref<10000x128xf32, #tpu.memory_space<hbm>>
    tpu.enqueue_indirect_dma source(%dma_start3A_343 : memref<10000x128xf32, #tpu.memory_space<hbm>>) target(%dma_start3A_338 : memref<128x128xf32, #tpu.memory_space<vmem>>) offsets(%dma_start3A_340 : memref<128xi32, #tpu.memory_space<vmem>>) semaphore(%arg9 : memref<!tpu.dma_semaphore, #tpu.memory_space<semaphore_mem>>)
    %dma_wait3A_344 = arith.constant 1 : i32
    %dma_wait3A_345 = arith.constant 0 : i32
    %dma_wait3A_346 = arith.constant 0 : i32
    %dma_wait3A_347 = tpu.memref_slice %arg6[%dma_wait3A_344, %dma_wait3A_345, %dma_wait3A_346] : memref<3x128x128xf32, #tpu.memory_space<vmem>> -> memref<1x128x128xf32, #tpu.memory_space<vmem>>
    %dma_wait3A_348 = tpu.memref_squeeze %dma_wait3A_347 : memref<1x128x128xf32, #tpu.memory_space<vmem>> -> memref<128x128xf32, #tpu.memory_space<vmem>>
    %dma_wait3A_349 = arith.constant 896 : i32
    %dma_wait3A_350 = tpu.memref_slice %arg5[%dma_wait3A_349] : memref<5000xi32, #tpu.memory_space<vmem>> -> memref<128xi32, #tpu.memory_space<vmem>>
    %dma_wait3A_351 = arith.constant 0 : i32
    %dma_wait3A_352 = arith.constant 0 : i32
    %dma_wait3A_353 = tpu.memref_slice %arg3[%dma_wait3A_351, %dma_wait3A_352] : memref<10000x128xf32, #tpu.memory_space<hbm>> -> memref<10000x128xf32, #tpu.memory_space<hbm>>
    tpu.wait_indirect_dma semaphore(%arg8 : memref<!tpu.dma_semaphore, #tpu.memory_space<semaphore_mem>>) src(%dma_wait3A_353 : memref<10000x128xf32, #tpu.memory_space<hbm>>) dst(%dma_wait3A_348 : memref<128x128xf32, #tpu.memory_space<vmem>>)
    %add3A_354 = arith.constant 896 : i32
    %add3A_355 = arith.addi %mul3A_2, %add3A_354 : i32
    %dma_start3A_356 = arith.constant 1 : i32
    %dma_start3A_357 = arith.constant 0 : i32
    %dma_start3A_358 = arith.constant 0 : i32
    %dma_start3A_359 = tpu.memref_slice %arg6[%dma_start3A_356, %dma_start3A_357, %dma_start3A_358] : memref<3x128x128xf32, #tpu.memory_space<vmem>> -> memref<1x128x128xf32, #tpu.memory_space<vmem>>
    %dma_start3A_360 = tpu.memref_squeeze %dma_start3A_359 : memref<1x128x128xf32, #tpu.memory_space<vmem>> -> memref<128x128xf32, #tpu.memory_space<vmem>>
    %dma_start3A_361 = arith.constant 0 : i32
    %dma_start3A_362 = tpu.memref_slice %arg4[%add3A_355, %dma_start3A_361] : memref<160000x128xf32, #tpu.memory_space<hbm>> -> memref<128x128xf32, #tpu.memory_space<hbm>>
    %dma_start3A_363 = arith.constant 0 : i32
    %dma_start3A_364 = tpu.memref_slice %arg4[%add3A_355, %dma_start3A_363] : memref<160000x128xf32, #tpu.memory_space<hbm>> -> memref<128x128xf32, #tpu.memory_space<hbm>>
    %dma_start3A_365 = arith.constant 0 : i32
    %dma_start3A_366 = arith.constant 0 : i32
    %dma_start3A_367 = tpu.memref_slice %arg6[%dma_start3A_356, %dma_start3A_365, %dma_start3A_366] : memref<3x128x128xf32, #tpu.memory_space<vmem>> -> memref<1x128x128xf32, #tpu.memory_space<vmem>>
    %dma_start3A_368 = tpu.memref_squeeze %dma_start3A_367 : memref<1x128x128xf32, #tpu.memory_space<vmem>> -> memref<128x128xf32, #tpu.memory_space<vmem>>
    tpu.enqueue_dma source(%dma_start3A_368 : memref<128x128xf32, #tpu.memory_space<vmem>>) target(%dma_start3A_364 : memref<128x128xf32, #tpu.memory_space<hbm>>) target_semaphore(%arg11 : memref<!tpu.dma_semaphore, #tpu.memory_space<semaphore_mem>>)
    %dma_wait3A_369 = arith.constant 0 : i32
    %dma_wait3A_370 = arith.constant 0 : i32
    %dma_wait3A_371 = arith.constant 0 : i32
    %dma_wait3A_372 = tpu.memref_slice %arg6[%dma_wait3A_369, %dma_wait3A_370, %dma_wait3A_371] : memref<3x128x128xf32, #tpu.memory_space<vmem>> -> memref<1x128x128xf32, #tpu.memory_space<vmem>>
    %dma_wait3A_373 = tpu.memref_squeeze %dma_wait3A_372 : memref<1x128x128xf32, #tpu.memory_space<vmem>> -> memref<128x128xf32, #tpu.memory_space<vmem>>
    %dma_wait3A_374 = arith.constant 0 : i32
    %dma_wait3A_375 = tpu.memref_slice %arg4[%add3A_307, %dma_wait3A_374] : memref<160000x128xf32, #tpu.memory_space<hbm>> -> memref<128x128xf32, #tpu.memory_space<hbm>>
    %dma_wait3A_376 = arith.constant 0 : i32
    %dma_wait3A_377 = tpu.memref_slice %arg4[%add3A_307, %dma_wait3A_376] : memref<160000x128xf32, #tpu.memory_space<hbm>> -> memref<128x128xf32, #tpu.memory_space<hbm>>
    %dma_wait3A_378 = arith.constant 0 : i32
    %dma_wait3A_379 = arith.constant 0 : i32
    %dma_wait3A_380 = tpu.memref_slice %arg6[%dma_wait3A_369, %dma_wait3A_378, %dma_wait3A_379] : memref<3x128x128xf32, #tpu.memory_space<vmem>> -> memref<1x128x128xf32, #tpu.memory_space<vmem>>
    %dma_wait3A_381 = tpu.memref_squeeze %dma_wait3A_380 : memref<1x128x128xf32, #tpu.memory_space<vmem>> -> memref<128x128xf32, #tpu.memory_space<vmem>>
    tpu.wait_dma2 semaphore(%arg10 : memref<!tpu.dma_semaphore, #tpu.memory_space<semaphore_mem>>) src(%dma_wait3A_381 : memref<128x128xf32, #tpu.memory_space<vmem>>) dst(%dma_wait3A_377 : memref<128x128xf32, #tpu.memory_space<hbm>>)
    %dma_start3A_382 = arith.constant 0 : i32
    %dma_start3A_383 = arith.constant 0 : i32
    %dma_start3A_384 = arith.constant 0 : i32
    %dma_start3A_385 = tpu.memref_slice %arg6[%dma_start3A_382, %dma_start3A_383, %dma_start3A_384] : memref<3x128x128xf32, #tpu.memory_space<vmem>> -> memref<1x128x128xf32, #tpu.memory_space<vmem>>
    %dma_start3A_386 = tpu.memref_squeeze %dma_start3A_385 : memref<1x128x128xf32, #tpu.memory_space<vmem>> -> memref<128x128xf32, #tpu.memory_space<vmem>>
    %dma_start3A_387 = arith.constant 1152 : i32
    %dma_start3A_388 = tpu.memref_slice %arg5[%dma_start3A_387] : memref<5000xi32, #tpu.memory_space<vmem>> -> memref<128xi32, #tpu.memory_space<vmem>>
    %dma_start3A_389 = arith.constant 0 : i32
    %dma_start3A_390 = arith.constant 0 : i32
    %dma_start3A_391 = tpu.memref_slice %arg3[%dma_start3A_389, %dma_start3A_390] : memref<10000x128xf32, #tpu.memory_space<hbm>> -> memref<10000x128xf32, #tpu.memory_space<hbm>>
    tpu.enqueue_indirect_dma source(%dma_start3A_391 : memref<10000x128xf32, #tpu.memory_space<hbm>>) target(%dma_start3A_386 : memref<128x128xf32, #tpu.memory_space<vmem>>) offsets(%dma_start3A_388 : memref<128xi32, #tpu.memory_space<vmem>>) semaphore(%arg7 : memref<!tpu.dma_semaphore, #tpu.memory_space<semaphore_mem>>)
    %dma_wait3A_392 = arith.constant 2 : i32
    %dma_wait3A_393 = arith.constant 0 : i32
    %dma_wait3A_394 = arith.constant 0 : i32
    %dma_wait3A_395 = tpu.memref_slice %arg6[%dma_wait3A_392, %dma_wait3A_393, %dma_wait3A_394] : memref<3x128x128xf32, #tpu.memory_space<vmem>> -> memref<1x128x128xf32, #tpu.memory_space<vmem>>
    %dma_wait3A_396 = tpu.memref_squeeze %dma_wait3A_395 : memref<1x128x128xf32, #tpu.memory_space<vmem>> -> memref<128x128xf32, #tpu.memory_space<vmem>>
    %dma_wait3A_397 = arith.constant 1024 : i32
    %dma_wait3A_398 = tpu.memref_slice %arg5[%dma_wait3A_397] : memref<5000xi32, #tpu.memory_space<vmem>> -> memref<128xi32, #tpu.memory_space<vmem>>
    %dma_wait3A_399 = arith.constant 0 : i32
    %dma_wait3A_400 = arith.constant 0 : i32
    %dma_wait3A_401 = tpu.memref_slice %arg3[%dma_wait3A_399, %dma_wait3A_400] : memref<10000x128xf32, #tpu.memory_space<hbm>> -> memref<10000x128xf32, #tpu.memory_space<hbm>>
    tpu.wait_indirect_dma semaphore(%arg9 : memref<!tpu.dma_semaphore, #tpu.memory_space<semaphore_mem>>) src(%dma_wait3A_401 : memref<10000x128xf32, #tpu.memory_space<hbm>>) dst(%dma_wait3A_396 : memref<128x128xf32, #tpu.memory_space<vmem>>)
    %add3A_402 = arith.constant 1024 : i32
    %add3A_403 = arith.addi %mul3A_2, %add3A_402 : i32
    %dma_start3A_404 = arith.constant 2 : i32
    %dma_start3A_405 = arith.constant 0 : i32
    %dma_start3A_406 = arith.constant 0 : i32
    %dma_start3A_407 = tpu.memref_slice %arg6[%dma_start3A_404, %dma_start3A_405, %dma_start3A_406] : memref<3x128x128xf32, #tpu.memory_space<vmem>> -> memref<1x128x128xf32, #tpu.memory_space<vmem>>
    %dma_start3A_408 = tpu.memref_squeeze %dma_start3A_407 : memref<1x128x128xf32, #tpu.memory_space<vmem>> -> memref<128x128xf32, #tpu.memory_space<vmem>>
    %dma_start3A_409 = arith.constant 0 : i32
    %dma_start3A_410 = tpu.memref_slice %arg4[%add3A_403, %dma_start3A_409] : memref<160000x128xf32, #tpu.memory_space<hbm>> -> memref<128x128xf32, #tpu.memory_space<hbm>>
    %dma_start3A_411 = arith.constant 0 : i32
    %dma_start3A_412 = tpu.memref_slice %arg4[%add3A_403, %dma_start3A_411] : memref<160000x128xf32, #tpu.memory_space<hbm>> -> memref<128x128xf32, #tpu.memory_space<hbm>>
    %dma_start3A_413 = arith.constant 0 : i32
    %dma_start3A_414 = arith.constant 0 : i32
    %dma_start3A_415 = tpu.memref_slice %arg6[%dma_start3A_404, %dma_start3A_413, %dma_start3A_414] : memref<3x128x128xf32, #tpu.memory_space<vmem>> -> memref<1x128x128xf32, #tpu.memory_space<vmem>>
    %dma_start3A_416 = tpu.memref_squeeze %dma_start3A_415 : memref<1x128x128xf32, #tpu.memory_space<vmem>> -> memref<128x128xf32, #tpu.memory_space<vmem>>
    tpu.enqueue_dma source(%dma_start3A_416 : memref<128x128xf32, #tpu.memory_space<vmem>>) target(%dma_start3A_412 : memref<128x128xf32, #tpu.memory_space<hbm>>) target_semaphore(%arg12 : memref<!tpu.dma_semaphore, #tpu.memory_space<semaphore_mem>>)
    %dma_wait3A_417 = arith.constant 1 : i32
    %dma_wait3A_418 = arith.constant 0 : i32
    %dma_wait3A_419 = arith.constant 0 : i32
    %dma_wait3A_420 = tpu.memref_slice %arg6[%dma_wait3A_417, %dma_wait3A_418, %dma_wait3A_419] : memref<3x128x128xf32, #tpu.memory_space<vmem>> -> memref<1x128x128xf32, #tpu.memory_space<vmem>>
    %dma_wait3A_421 = tpu.memref_squeeze %dma_wait3A_420 : memref<1x128x128xf32, #tpu.memory_space<vmem>> -> memref<128x128xf32, #tpu.memory_space<vmem>>
    %dma_wait3A_422 = arith.constant 0 : i32
    %dma_wait3A_423 = tpu.memref_slice %arg4[%add3A_355, %dma_wait3A_422] : memref<160000x128xf32, #tpu.memory_space<hbm>> -> memref<128x128xf32, #tpu.memory_space<hbm>>
    %dma_wait3A_424 = arith.constant 0 : i32
    %dma_wait3A_425 = tpu.memref_slice %arg4[%add3A_355, %dma_wait3A_424] : memref<160000x128xf32, #tpu.memory_space<hbm>> -> memref<128x128xf32, #tpu.memory_space<hbm>>
    %dma_wait3A_426 = arith.constant 0 : i32
    %dma_wait3A_427 = arith.constant 0 : i32
    %dma_wait3A_428 = tpu.memref_slice %arg6[%dma_wait3A_417, %dma_wait3A_426, %dma_wait3A_427] : memref<3x128x128xf32, #tpu.memory_space<vmem>> -> memref<1x128x128xf32, #tpu.memory_space<vmem>>
    %dma_wait3A_429 = tpu.memref_squeeze %dma_wait3A_428 : memref<1x128x128xf32, #tpu.memory_space<vmem>> -> memref<128x128xf32, #tpu.memory_space<vmem>>
    tpu.wait_dma2 semaphore(%arg11 : memref<!tpu.dma_semaphore, #tpu.memory_space<semaphore_mem>>) src(%dma_wait3A_429 : memref<128x128xf32, #tpu.memory_space<vmem>>) dst(%dma_wait3A_425 : memref<128x128xf32, #tpu.memory_space<hbm>>)
    %dma_start3A_430 = arith.constant 1 : i32
    %dma_start3A_431 = arith.constant 0 : i32
    %dma_start3A_432 = arith.constant 0 : i32
    %dma_start3A_433 = tpu.memref_slice %arg6[%dma_start3A_430, %dma_start3A_431, %dma_start3A_432] : memref<3x128x128xf32, #tpu.memory_space<vmem>> -> memref<1x128x128xf32, #tpu.memory_space<vmem>>
    %dma_start3A_434 = tpu.memref_squeeze %dma_start3A_433 : memref<1x128x128xf32, #tpu.memory_space<vmem>> -> memref<128x128xf32, #tpu.memory_space<vmem>>
    %dma_start3A_435 = arith.constant 1280 : i32
    %dma_start3A_436 = tpu.memref_slice %arg5[%dma_start3A_435] : memref<5000xi32, #tpu.memory_space<vmem>> -> memref<128xi32, #tpu.memory_space<vmem>>
    %dma_start3A_437 = arith.constant 0 : i32
    %dma_start3A_438 = arith.constant 0 : i32
    %dma_start3A_439 = tpu.memref_slice %arg3[%dma_start3A_437, %dma_start3A_438] : memref<10000x128xf32, #tpu.memory_space<hbm>> -> memref<10000x128xf32, #tpu.memory_space<hbm>>
    tpu.enqueue_indirect_dma source(%dma_start3A_439 : memref<10000x128xf32, #tpu.memory_space<hbm>>) target(%dma_start3A_434 : memref<128x128xf32, #tpu.memory_space<vmem>>) offsets(%dma_start3A_436 : memref<128xi32, #tpu.memory_space<vmem>>) semaphore(%arg8 : memref<!tpu.dma_semaphore, #tpu.memory_space<semaphore_mem>>)
    %dma_wait3A_440 = arith.constant 0 : i32
    %dma_wait3A_441 = arith.constant 0 : i32
    %dma_wait3A_442 = arith.constant 0 : i32
    %dma_wait3A_443 = tpu.memref_slice %arg6[%dma_wait3A_440, %dma_wait3A_441, %dma_wait3A_442] : memref<3x128x128xf32, #tpu.memory_space<vmem>> -> memref<1x128x128xf32, #tpu.memory_space<vmem>>
    %dma_wait3A_444 = tpu.memref_squeeze %dma_wait3A_443 : memref<1x128x128xf32, #tpu.memory_space<vmem>> -> memref<128x128xf32, #tpu.memory_space<vmem>>
    %dma_wait3A_445 = arith.constant 1152 : i32
    %dma_wait3A_446 = tpu.memref_slice %arg5[%dma_wait3A_445] : memref<5000xi32, #tpu.memory_space<vmem>> -> memref<128xi32, #tpu.memory_space<vmem>>
    %dma_wait3A_447 = arith.constant 0 : i32
    %dma_wait3A_448 = arith.constant 0 : i32
    %dma_wait3A_449 = tpu.memref_slice %arg3[%dma_wait3A_447, %dma_wait3A_448] : memref<10000x128xf32, #tpu.memory_space<hbm>> -> memref<10000x128xf32, #tpu.memory_space<hbm>>
    tpu.wait_indirect_dma semaphore(%arg7 : memref<!tpu.dma_semaphore, #tpu.memory_space<semaphore_mem>>) src(%dma_wait3A_449 : memref<10000x128xf32, #tpu.memory_space<hbm>>) dst(%dma_wait3A_444 : memref<128x128xf32, #tpu.memory_space<vmem>>)
    %add3A_450 = arith.constant 1152 : i32
    %add3A_451 = arith.addi %mul3A_2, %add3A_450 : i32
    %dma_start3A_452 = arith.constant 0 : i32
    %dma_start3A_453 = arith.constant 0 : i32
    %dma_start3A_454 = arith.constant 0 : i32
    %dma_start3A_455 = tpu.memref_slice %arg6[%dma_start3A_452, %dma_start3A_453, %dma_start3A_454] : memref<3x128x128xf32, #tpu.memory_space<vmem>> -> memref<1x128x128xf32, #tpu.memory_space<vmem>>
    %dma_start3A_456 = tpu.memref_squeeze %dma_start3A_455 : memref<1x128x128xf32, #tpu.memory_space<vmem>> -> memref<128x128xf32, #tpu.memory_space<vmem>>
    %dma_start3A_457 = arith.constant 0 : i32
    %dma_start3A_458 = tpu.memref_slice %arg4[%add3A_451, %dma_start3A_457] : memref<160000x128xf32, #tpu.memory_space<hbm>> -> memref<128x128xf32, #tpu.memory_space<hbm>>
    %dma_start3A_459 = arith.constant 0 : i32
    %dma_start3A_460 = tpu.memref_slice %arg4[%add3A_451, %dma_start3A_459] : memref<160000x128xf32, #tpu.memory_space<hbm>> -> memref<128x128xf32, #tpu.memory_space<hbm>>
    %dma_start3A_461 = arith.constant 0 : i32
    %dma_start3A_462 = arith.constant 0 : i32
    %dma_start3A_463 = tpu.memref_slice %arg6[%dma_start3A_452, %dma_start3A_461, %dma_start3A_462] : memref<3x128x128xf32, #tpu.memory_space<vmem>> -> memref<1x128x128xf32, #tpu.memory_space<vmem>>
    %dma_start3A_464 = tpu.memref_squeeze %dma_start3A_463 : memref<1x128x128xf32, #tpu.memory_space<vmem>> -> memref<128x128xf32, #tpu.memory_space<vmem>>
    tpu.enqueue_dma source(%dma_start3A_464 : memref<128x128xf32, #tpu.memory_space<vmem>>) target(%dma_start3A_460 : memref<128x128xf32, #tpu.memory_space<hbm>>) target_semaphore(%arg10 : memref<!tpu.dma_semaphore, #tpu.memory_space<semaphore_mem>>)
    %dma_wait3A_465 = arith.constant 2 : i32
    %dma_wait3A_466 = arith.constant 0 : i32
    %dma_wait3A_467 = arith.constant 0 : i32
    %dma_wait3A_468 = tpu.memref_slice %arg6[%dma_wait3A_465, %dma_wait3A_466, %dma_wait3A_467] : memref<3x128x128xf32, #tpu.memory_space<vmem>> -> memref<1x128x128xf32, #tpu.memory_space<vmem>>
    %dma_wait3A_469 = tpu.memref_squeeze %dma_wait3A_468 : memref<1x128x128xf32, #tpu.memory_space<vmem>> -> memref<128x128xf32, #tpu.memory_space<vmem>>
    %dma_wait3A_470 = arith.constant 0 : i32
    %dma_wait3A_471 = tpu.memref_slice %arg4[%add3A_403, %dma_wait3A_470] : memref<160000x128xf32, #tpu.memory_space<hbm>> -> memref<128x128xf32, #tpu.memory_space<hbm>>
    %dma_wait3A_472 = arith.constant 0 : i32
    %dma_wait3A_473 = tpu.memref_slice %arg4[%add3A_403, %dma_wait3A_472] : memref<160000x128xf32, #tpu.memory_space<hbm>> -> memref<128x128xf32, #tpu.memory_space<hbm>>
    %dma_wait3A_474 = arith.constant 0 : i32
    %dma_wait3A_475 = arith.constant 0 : i32
    %dma_wait3A_476 = tpu.memref_slice %arg6[%dma_wait3A_465, %dma_wait3A_474, %dma_wait3A_475] : memref<3x128x128xf32, #tpu.memory_space<vmem>> -> memref<1x128x128xf32, #tpu.memory_space<vmem>>
    %dma_wait3A_477 = tpu.memref_squeeze %dma_wait3A_476 : memref<1x128x128xf32, #tpu.memory_space<vmem>> -> memref<128x128xf32, #tpu.memory_space<vmem>>
    tpu.wait_dma2 semaphore(%arg12 : memref<!tpu.dma_semaphore, #tpu.memory_space<semaphore_mem>>) src(%dma_wait3A_477 : memref<128x128xf32, #tpu.memory_space<vmem>>) dst(%dma_wait3A_473 : memref<128x128xf32, #tpu.memory_space<hbm>>)
    %dma_start3A_478 = arith.constant 2 : i32
    %dma_start3A_479 = arith.constant 0 : i32
    %dma_start3A_480 = arith.constant 0 : i32
    %dma_start3A_481 = tpu.memref_slice %arg6[%dma_start3A_478, %dma_start3A_479, %dma_start3A_480] : memref<3x128x128xf32, #tpu.memory_space<vmem>> -> memref<1x128x128xf32, #tpu.memory_space<vmem>>
    %dma_start3A_482 = tpu.memref_squeeze %dma_start3A_481 : memref<1x128x128xf32, #tpu.memory_space<vmem>> -> memref<128x128xf32, #tpu.memory_space<vmem>>
    %dma_start3A_483 = arith.constant 1408 : i32
    %dma_start3A_484 = tpu.memref_slice %arg5[%dma_start3A_483] : memref<5000xi32, #tpu.memory_space<vmem>> -> memref<128xi32, #tpu.memory_space<vmem>>
    %dma_start3A_485 = arith.constant 0 : i32
    %dma_start3A_486 = arith.constant 0 : i32
    %dma_start3A_487 = tpu.memref_slice %arg3[%dma_start3A_485, %dma_start3A_486] : memref<10000x128xf32, #tpu.memory_space<hbm>> -> memref<10000x128xf32, #tpu.memory_space<hbm>>
    tpu.enqueue_indirect_dma source(%dma_start3A_487 : memref<10000x128xf32, #tpu.memory_space<hbm>>) target(%dma_start3A_482 : memref<128x128xf32, #tpu.memory_space<vmem>>) offsets(%dma_start3A_484 : memref<128xi32, #tpu.memory_space<vmem>>) semaphore(%arg9 : memref<!tpu.dma_semaphore, #tpu.memory_space<semaphore_mem>>)
    %dma_wait3A_488 = arith.constant 1 : i32
    %dma_wait3A_489 = arith.constant 0 : i32
    %dma_wait3A_490 = arith.constant 0 : i32
    %dma_wait3A_491 = tpu.memref_slice %arg6[%dma_wait3A_488, %dma_wait3A_489, %dma_wait3A_490] : memref<3x128x128xf32, #tpu.memory_space<vmem>> -> memref<1x128x128xf32, #tpu.memory_space<vmem>>
    %dma_wait3A_492 = tpu.memref_squeeze %dma_wait3A_491 : memref<1x128x128xf32, #tpu.memory_space<vmem>> -> memref<128x128xf32, #tpu.memory_space<vmem>>
    %dma_wait3A_493 = arith.constant 1280 : i32
    %dma_wait3A_494 = tpu.memref_slice %arg5[%dma_wait3A_493] : memref<5000xi32, #tpu.memory_space<vmem>> -> memref<128xi32, #tpu.memory_space<vmem>>
    %dma_wait3A_495 = arith.constant 0 : i32
    %dma_wait3A_496 = arith.constant 0 : i32
    %dma_wait3A_497 = tpu.memref_slice %arg3[%dma_wait3A_495, %dma_wait3A_496] : memref<10000x128xf32, #tpu.memory_space<hbm>> -> memref<10000x128xf32, #tpu.memory_space<hbm>>
    tpu.wait_indirect_dma semaphore(%arg8 : memref<!tpu.dma_semaphore, #tpu.memory_space<semaphore_mem>>) src(%dma_wait3A_497 : memref<10000x128xf32, #tpu.memory_space<hbm>>) dst(%dma_wait3A_492 : memref<128x128xf32, #tpu.memory_space<vmem>>)
    %add3A_498 = arith.constant 1280 : i32
    %add3A_499 = arith.addi %mul3A_2, %add3A_498 : i32
    %dma_start3A_500 = arith.constant 1 : i32
    %dma_start3A_501 = arith.constant 0 : i32
    %dma_start3A_502 = arith.constant 0 : i32
    %dma_start3A_503 = tpu.memref_slice %arg6[%dma_start3A_500, %dma_start3A_501, %dma_start3A_502] : memref<3x128x128xf32, #tpu.memory_space<vmem>> -> memref<1x128x128xf32, #tpu.memory_space<vmem>>
    %dma_start3A_504 = tpu.memref_squeeze %dma_start3A_503 : memref<1x128x128xf32, #tpu.memory_space<vmem>> -> memref<128x128xf32, #tpu.memory_space<vmem>>
    %dma_start3A_505 = arith.constant 0 : i32
    %dma_start3A_506 = tpu.memref_slice %arg4[%add3A_499, %dma_start3A_505] : memref<160000x128xf32, #tpu.memory_space<hbm>> -> memref<128x128xf32, #tpu.memory_space<hbm>>
    %dma_start3A_507 = arith.constant 0 : i32
    %dma_start3A_508 = tpu.memref_slice %arg4[%add3A_499, %dma_start3A_507] : memref<160000x128xf32, #tpu.memory_space<hbm>> -> memref<128x128xf32, #tpu.memory_space<hbm>>
    %dma_start3A_509 = arith.constant 0 : i32
    %dma_start3A_510 = arith.constant 0 : i32
    %dma_start3A_511 = tpu.memref_slice %arg6[%dma_start3A_500, %dma_start3A_509, %dma_start3A_510] : memref<3x128x128xf32, #tpu.memory_space<vmem>> -> memref<1x128x128xf32, #tpu.memory_space<vmem>>
    %dma_start3A_512 = tpu.memref_squeeze %dma_start3A_511 : memref<1x128x128xf32, #tpu.memory_space<vmem>> -> memref<128x128xf32, #tpu.memory_space<vmem>>
    tpu.enqueue_dma source(%dma_start3A_512 : memref<128x128xf32, #tpu.memory_space<vmem>>) target(%dma_start3A_508 : memref<128x128xf32, #tpu.memory_space<hbm>>) target_semaphore(%arg11 : memref<!tpu.dma_semaphore, #tpu.memory_space<semaphore_mem>>)
    %dma_wait3A_513 = arith.constant 0 : i32
    %dma_wait3A_514 = arith.constant 0 : i32
    %dma_wait3A_515 = arith.constant 0 : i32
    %dma_wait3A_516 = tpu.memref_slice %arg6[%dma_wait3A_513, %dma_wait3A_514, %dma_wait3A_515] : memref<3x128x128xf32, #tpu.memory_space<vmem>> -> memref<1x128x128xf32, #tpu.memory_space<vmem>>
    %dma_wait3A_517 = tpu.memref_squeeze %dma_wait3A_516 : memref<1x128x128xf32, #tpu.memory_space<vmem>> -> memref<128x128xf32, #tpu.memory_space<vmem>>
    %dma_wait3A_518 = arith.constant 0 : i32
    %dma_wait3A_519 = tpu.memref_slice %arg4[%add3A_451, %dma_wait3A_518] : memref<160000x128xf32, #tpu.memory_space<hbm>> -> memref<128x128xf32, #tpu.memory_space<hbm>>
    %dma_wait3A_520 = arith.constant 0 : i32
    %dma_wait3A_521 = tpu.memref_slice %arg4[%add3A_451, %dma_wait3A_520] : memref<160000x128xf32, #tpu.memory_space<hbm>> -> memref<128x128xf32, #tpu.memory_space<hbm>>
    %dma_wait3A_522 = arith.constant 0 : i32
    %dma_wait3A_523 = arith.constant 0 : i32
    %dma_wait3A_524 = tpu.memref_slice %arg6[%dma_wait3A_513, %dma_wait3A_522, %dma_wait3A_523] : memref<3x128x128xf32, #tpu.memory_space<vmem>> -> memref<1x128x128xf32, #tpu.memory_space<vmem>>
    %dma_wait3A_525 = tpu.memref_squeeze %dma_wait3A_524 : memref<1x128x128xf32, #tpu.memory_space<vmem>> -> memref<128x128xf32, #tpu.memory_space<vmem>>
    tpu.wait_dma2 semaphore(%arg10 : memref<!tpu.dma_semaphore, #tpu.memory_space<semaphore_mem>>) src(%dma_wait3A_525 : memref<128x128xf32, #tpu.memory_space<vmem>>) dst(%dma_wait3A_521 : memref<128x128xf32, #tpu.memory_space<hbm>>)
    %dma_start3A_526 = arith.constant 0 : i32
    %dma_start3A_527 = arith.constant 0 : i32
    %dma_start3A_528 = arith.constant 0 : i32
    %dma_start3A_529 = tpu.memref_slice %arg6[%dma_start3A_526, %dma_start3A_527, %dma_start3A_528] : memref<3x128x128xf32, #tpu.memory_space<vmem>> -> memref<1x128x128xf32, #tpu.memory_space<vmem>>
    %dma_start3A_530 = tpu.memref_squeeze %dma_start3A_529 : memref<1x128x128xf32, #tpu.memory_space<vmem>> -> memref<128x128xf32, #tpu.memory_space<vmem>>
    %dma_start3A_531 = arith.constant 1536 : i32
    %dma_start3A_532 = tpu.memref_slice %arg5[%dma_start3A_531] : memref<5000xi32, #tpu.memory_space<vmem>> -> memref<128xi32, #tpu.memory_space<vmem>>
    %dma_start3A_533 = arith.constant 0 : i32
    %dma_start3A_534 = arith.constant 0 : i32
    %dma_start3A_535 = tpu.memref_slice %arg3[%dma_start3A_533, %dma_start3A_534] : memref<10000x128xf32, #tpu.memory_space<hbm>> -> memref<10000x128xf32, #tpu.memory_space<hbm>>
    tpu.enqueue_indirect_dma source(%dma_start3A_535 : memref<10000x128xf32, #tpu.memory_space<hbm>>) target(%dma_start3A_530 : memref<128x128xf32, #tpu.memory_space<vmem>>) offsets(%dma_start3A_532 : memref<128xi32, #tpu.memory_space<vmem>>) semaphore(%arg7 : memref<!tpu.dma_semaphore, #tpu.memory_space<semaphore_mem>>)
    %dma_wait3A_536 = arith.constant 2 : i32
    %dma_wait3A_537 = arith.constant 0 : i32
    %dma_wait3A_538 = arith.constant 0 : i32
    %dma_wait3A_539 = tpu.memref_slice %arg6[%dma_wait3A_536, %dma_wait3A_537, %dma_wait3A_538] : memref<3x128x128xf32, #tpu.memory_space<vmem>> -> memref<1x128x128xf32, #tpu.memory_space<vmem>>
    %dma_wait3A_540 = tpu.memref_squeeze %dma_wait3A_539 : memref<1x128x128xf32, #tpu.memory_space<vmem>> -> memref<128x128xf32, #tpu.memory_space<vmem>>
    %dma_wait3A_541 = arith.constant 1408 : i32
    %dma_wait3A_542 = tpu.memref_slice %arg5[%dma_wait3A_541] : memref<5000xi32, #tpu.memory_space<vmem>> -> memref<128xi32, #tpu.memory_space<vmem>>
    %dma_wait3A_543 = arith.constant 0 : i32
    %dma_wait3A_544 = arith.constant 0 : i32
    %dma_wait3A_545 = tpu.memref_slice %arg3[%dma_wait3A_543, %dma_wait3A_544] : memref<10000x128xf32, #tpu.memory_space<hbm>> -> memref<10000x128xf32, #tpu.memory_space<hbm>>
    tpu.wait_indirect_dma semaphore(%arg9 : memref<!tpu.dma_semaphore, #tpu.memory_space<semaphore_mem>>) src(%dma_wait3A_545 : memref<10000x128xf32, #tpu.memory_space<hbm>>) dst(%dma_wait3A_540 : memref<128x128xf32, #tpu.memory_space<vmem>>)
    %add3A_546 = arith.constant 1408 : i32
    %add3A_547 = arith.addi %mul3A_2, %add3A_546 : i32
    %dma_start3A_548 = arith.constant 2 : i32
    %dma_start3A_549 = arith.constant 0 : i32
    %dma_start3A_550 = arith.constant 0 : i32
    %dma_start3A_551 = tpu.memref_slice %arg6[%dma_start3A_548, %dma_start3A_549, %dma_start3A_550] : memref<3x128x128xf32, #tpu.memory_space<vmem>> -> memref<1x128x128xf32, #tpu.memory_space<vmem>>
    %dma_start3A_552 = tpu.memref_squeeze %dma_start3A_551 : memref<1x128x128xf32, #tpu.memory_space<vmem>> -> memref<128x128xf32, #tpu.memory_space<vmem>>
    %dma_start3A_553 = arith.constant 0 : i32
    %dma_start3A_554 = tpu.memref_slice %arg4[%add3A_547, %dma_start3A_553] : memref<160000x128xf32, #tpu.memory_space<hbm>> -> memref<128x128xf32, #tpu.memory_space<hbm>>
    %dma_start3A_555 = arith.constant 0 : i32
    %dma_start3A_556 = tpu.memref_slice %arg4[%add3A_547, %dma_start3A_555] : memref<160000x128xf32, #tpu.memory_space<hbm>> -> memref<128x128xf32, #tpu.memory_space<hbm>>
    %dma_start3A_557 = arith.constant 0 : i32
    %dma_start3A_558 = arith.constant 0 : i32
    %dma_start3A_559 = tpu.memref_slice %arg6[%dma_start3A_548, %dma_start3A_557, %dma_start3A_558] : memref<3x128x128xf32, #tpu.memory_space<vmem>> -> memref<1x128x128xf32, #tpu.memory_space<vmem>>
    %dma_start3A_560 = tpu.memref_squeeze %dma_start3A_559 : memref<1x128x128xf32, #tpu.memory_space<vmem>> -> memref<128x128xf32, #tpu.memory_space<vmem>>
    tpu.enqueue_dma source(%dma_start3A_560 : memref<128x128xf32, #tpu.memory_space<vmem>>) target(%dma_start3A_556 : memref<128x128xf32, #tpu.memory_space<hbm>>) target_semaphore(%arg12 : memref<!tpu.dma_semaphore, #tpu.memory_space<semaphore_mem>>)
    %dma_wait3A_561 = arith.constant 1 : i32
    %dma_wait3A_562 = arith.constant 0 : i32
    %dma_wait3A_563 = arith.constant 0 : i32
    %dma_wait3A_564 = tpu.memref_slice %arg6[%dma_wait3A_561, %dma_wait3A_562, %dma_wait3A_563] : memref<3x128x128xf32, #tpu.memory_space<vmem>> -> memref<1x128x128xf32, #tpu.memory_space<vmem>>
    %dma_wait3A_565 = tpu.memref_squeeze %dma_wait3A_564 : memref<1x128x128xf32, #tpu.memory_space<vmem>> -> memref<128x128xf32, #tpu.memory_space<vmem>>
    %dma_wait3A_566 = arith.constant 0 : i32
    %dma_wait3A_567 = tpu.memref_slice %arg4[%add3A_499, %dma_wait3A_566] : memref<160000x128xf32, #tpu.memory_space<hbm>> -> memref<128x128xf32, #tpu.memory_space<hbm>>
    %dma_wait3A_568 = arith.constant 0 : i32
    %dma_wait3A_569 = tpu.memref_slice %arg4[%add3A_499, %dma_wait3A_568] : memref<160000x128xf32, #tpu.memory_space<hbm>> -> memref<128x128xf32, #tpu.memory_space<hbm>>
    %dma_wait3A_570 = arith.constant 0 : i32
    %dma_wait3A_571 = arith.constant 0 : i32
    %dma_wait3A_572 = tpu.memref_slice %arg6[%dma_wait3A_561, %dma_wait3A_570, %dma_wait3A_571] : memref<3x128x128xf32, #tpu.memory_space<vmem>> -> memref<1x128x128xf32, #tpu.memory_space<vmem>>
    %dma_wait3A_573 = tpu.memref_squeeze %dma_wait3A_572 : memref<1x128x128xf32, #tpu.memory_space<vmem>> -> memref<128x128xf32, #tpu.memory_space<vmem>>
    tpu.wait_dma2 semaphore(%arg11 : memref<!tpu.dma_semaphore, #tpu.memory_space<semaphore_mem>>) src(%dma_wait3A_573 : memref<128x128xf32, #tpu.memory_space<vmem>>) dst(%dma_wait3A_569 : memref<128x128xf32, #tpu.memory_space<hbm>>)
    %dma_start3A_574 = arith.constant 1 : i32
    %dma_start3A_575 = arith.constant 0 : i32
    %dma_start3A_576 = arith.constant 0 : i32
    %dma_start3A_577 = tpu.memref_slice %arg6[%dma_start3A_574, %dma_start3A_575, %dma_start3A_576] : memref<3x128x128xf32, #tpu.memory_space<vmem>> -> memref<1x128x128xf32, #tpu.memory_space<vmem>>
    %dma_start3A_578 = tpu.memref_squeeze %dma_start3A_577 : memref<1x128x128xf32, #tpu.memory_space<vmem>> -> memref<128x128xf32, #tpu.memory_space<vmem>>
    %dma_start3A_579 = arith.constant 1664 : i32
    %dma_start3A_580 = tpu.memref_slice %arg5[%dma_start3A_579] : memref<5000xi32, #tpu.memory_space<vmem>> -> memref<128xi32, #tpu.memory_space<vmem>>
    %dma_start3A_581 = arith.constant 0 : i32
    %dma_start3A_582 = arith.constant 0 : i32
    %dma_start3A_583 = tpu.memref_slice %arg3[%dma_start3A_581, %dma_start3A_582] : memref<10000x128xf32, #tpu.memory_space<hbm>> -> memref<10000x128xf32, #tpu.memory_space<hbm>>
    tpu.enqueue_indirect_dma source(%dma_start3A_583 : memref<10000x128xf32, #tpu.memory_space<hbm>>) target(%dma_start3A_578 : memref<128x128xf32, #tpu.memory_space<vmem>>) offsets(%dma_start3A_580 : memref<128xi32, #tpu.memory_space<vmem>>) semaphore(%arg8 : memref<!tpu.dma_semaphore, #tpu.memory_space<semaphore_mem>>)
    %dma_wait3A_584 = arith.constant 0 : i32
    %dma_wait3A_585 = arith.constant 0 : i32
    %dma_wait3A_586 = arith.constant 0 : i32
    %dma_wait3A_587 = tpu.memref_slice %arg6[%dma_wait3A_584, %dma_wait3A_585, %dma_wait3A_586] : memref<3x128x128xf32, #tpu.memory_space<vmem>> -> memref<1x128x128xf32, #tpu.memory_space<vmem>>
    %dma_wait3A_588 = tpu.memref_squeeze %dma_wait3A_587 : memref<1x128x128xf32, #tpu.memory_space<vmem>> -> memref<128x128xf32, #tpu.memory_space<vmem>>
    %dma_wait3A_589 = arith.constant 1536 : i32
    %dma_wait3A_590 = tpu.memref_slice %arg5[%dma_wait3A_589] : memref<5000xi32, #tpu.memory_space<vmem>> -> memref<128xi32, #tpu.memory_space<vmem>>
    %dma_wait3A_591 = arith.constant 0 : i32
    %dma_wait3A_592 = arith.constant 0 : i32
    %dma_wait3A_593 = tpu.memref_slice %arg3[%dma_wait3A_591, %dma_wait3A_592] : memref<10000x128xf32, #tpu.memory_space<hbm>> -> memref<10000x128xf32, #tpu.memory_space<hbm>>
    tpu.wait_indirect_dma semaphore(%arg7 : memref<!tpu.dma_semaphore, #tpu.memory_space<semaphore_mem>>) src(%dma_wait3A_593 : memref<10000x128xf32, #tpu.memory_space<hbm>>) dst(%dma_wait3A_588 : memref<128x128xf32, #tpu.memory_space<vmem>>)
    %add3A_594 = arith.constant 1536 : i32
    %add3A_595 = arith.addi %mul3A_2, %add3A_594 : i32
    %dma_start3A_596 = arith.constant 0 : i32
    %dma_start3A_597 = arith.constant 0 : i32
    %dma_start3A_598 = arith.constant 0 : i32
    %dma_start3A_599 = tpu.memref_slice %arg6[%dma_start3A_596, %dma_start3A_597, %dma_start3A_598] : memref<3x128x128xf32, #tpu.memory_space<vmem>> -> memref<1x128x128xf32, #tpu.memory_space<vmem>>
    %dma_start3A_600 = tpu.memref_squeeze %dma_start3A_599 : memref<1x128x128xf32, #tpu.memory_space<vmem>> -> memref<128x128xf32, #tpu.memory_space<vmem>>
    %dma_start3A_601 = arith.constant 0 : i32
    %dma_start3A_602 = tpu.memref_slice %arg4[%add3A_595, %dma_start3A_601] : memref<160000x128xf32, #tpu.memory_space<hbm>> -> memref<128x128xf32, #tpu.memory_space<hbm>>
    %dma_start3A_603 = arith.constant 0 : i32
    %dma_start3A_604 = tpu.memref_slice %arg4[%add3A_595, %dma_start3A_603] : memref<160000x128xf32, #tpu.memory_space<hbm>> -> memref<128x128xf32, #tpu.memory_space<hbm>>
    %dma_start3A_605 = arith.constant 0 : i32
    %dma_start3A_606 = arith.constant 0 : i32
    %dma_start3A_607 = tpu.memref_slice %arg6[%dma_start3A_596, %dma_start3A_605, %dma_start3A_606] : memref<3x128x128xf32, #tpu.memory_space<vmem>> -> memref<1x128x128xf32, #tpu.memory_space<vmem>>
    %dma_start3A_608 = tpu.memref_squeeze %dma_start3A_607 : memref<1x128x128xf32, #tpu.memory_space<vmem>> -> memref<128x128xf32, #tpu.memory_space<vmem>>
    tpu.enqueue_dma source(%dma_start3A_608 : memref<128x128xf32, #tpu.memory_space<vmem>>) target(%dma_start3A_604 : memref<128x128xf32, #tpu.memory_space<hbm>>) target_semaphore(%arg10 : memref<!tpu.dma_semaphore, #tpu.memory_space<semaphore_mem>>)
    %dma_wait3A_609 = arith.constant 2 : i32
    %dma_wait3A_610 = arith.constant 0 : i32
    %dma_wait3A_611 = arith.constant 0 : i32
    %dma_wait3A_612 = tpu.memref_slice %arg6[%dma_wait3A_609, %dma_wait3A_610, %dma_wait3A_611] : memref<3x128x128xf32, #tpu.memory_space<vmem>> -> memref<1x128x128xf32, #tpu.memory_space<vmem>>
    %dma_wait3A_613 = tpu.memref_squeeze %dma_wait3A_612 : memref<1x128x128xf32, #tpu.memory_space<vmem>> -> memref<128x128xf32, #tpu.memory_space<vmem>>
    %dma_wait3A_614 = arith.constant 0 : i32
    %dma_wait3A_615 = tpu.memref_slice %arg4[%add3A_547, %dma_wait3A_614] : memref<160000x128xf32, #tpu.memory_space<hbm>> -> memref<128x128xf32, #tpu.memory_space<hbm>>
    %dma_wait3A_616 = arith.constant 0 : i32
    %dma_wait3A_617 = tpu.memref_slice %arg4[%add3A_547, %dma_wait3A_616] : memref<160000x128xf32, #tpu.memory_space<hbm>> -> memref<128x128xf32, #tpu.memory_space<hbm>>
    %dma_wait3A_618 = arith.constant 0 : i32
    %dma_wait3A_619 = arith.constant 0 : i32
    %dma_wait3A_620 = tpu.memref_slice %arg6[%dma_wait3A_609, %dma_wait3A_618, %dma_wait3A_619] : memref<3x128x128xf32, #tpu.memory_space<vmem>> -> memref<1x128x128xf32, #tpu.memory_space<vmem>>
    %dma_wait3A_621 = tpu.memref_squeeze %dma_wait3A_620 : memref<1x128x128xf32, #tpu.memory_space<vmem>> -> memref<128x128xf32, #tpu.memory_space<vmem>>
    tpu.wait_dma2 semaphore(%arg12 : memref<!tpu.dma_semaphore, #tpu.memory_space<semaphore_mem>>) src(%dma_wait3A_621 : memref<128x128xf32, #tpu.memory_space<vmem>>) dst(%dma_wait3A_617 : memref<128x128xf32, #tpu.memory_space<hbm>>)
    %dma_start3A_622 = arith.constant 2 : i32
    %dma_start3A_623 = arith.constant 0 : i32
    %dma_start3A_624 = arith.constant 0 : i32
    %dma_start3A_625 = tpu.memref_slice %arg6[%dma_start3A_622, %dma_start3A_623, %dma_start3A_624] : memref<3x128x128xf32, #tpu.memory_space<vmem>> -> memref<1x128x128xf32, #tpu.memory_space<vmem>>
    %dma_start3A_626 = tpu.memref_squeeze %dma_start3A_625 : memref<1x128x128xf32, #tpu.memory_space<vmem>> -> memref<128x128xf32, #tpu.memory_space<vmem>>
    %dma_start3A_627 = arith.constant 1792 : i32
    %dma_start3A_628 = tpu.memref_slice %arg5[%dma_start3A_627] : memref<5000xi32, #tpu.memory_space<vmem>> -> memref<128xi32, #tpu.memory_space<vmem>>
    %dma_start3A_629 = arith.constant 0 : i32
    %dma_start3A_630 = arith.constant 0 : i32
    %dma_start3A_631 = tpu.memref_slice %arg3[%dma_start3A_629, %dma_start3A_630] : memref<10000x128xf32, #tpu.memory_space<hbm>> -> memref<10000x128xf32, #tpu.memory_space<hbm>>
    tpu.enqueue_indirect_dma source(%dma_start3A_631 : memref<10000x128xf32, #tpu.memory_space<hbm>>) target(%dma_start3A_626 : memref<128x128xf32, #tpu.memory_space<vmem>>) offsets(%dma_start3A_628 : memref<128xi32, #tpu.memory_space<vmem>>) semaphore(%arg9 : memref<!tpu.dma_semaphore, #tpu.memory_space<semaphore_mem>>)
    %dma_wait3A_632 = arith.constant 1 : i32
    %dma_wait3A_633 = arith.constant 0 : i32
    %dma_wait3A_634 = arith.constant 0 : i32
    %dma_wait3A_635 = tpu.memref_slice %arg6[%dma_wait3A_632, %dma_wait3A_633, %dma_wait3A_634] : memref<3x128x128xf32, #tpu.memory_space<vmem>> -> memref<1x128x128xf32, #tpu.memory_space<vmem>>
    %dma_wait3A_636 = tpu.memref_squeeze %dma_wait3A_635 : memref<1x128x128xf32, #tpu.memory_space<vmem>> -> memref<128x128xf32, #tpu.memory_space<vmem>>
    %dma_wait3A_637 = arith.constant 1664 : i32
    %dma_wait3A_638 = tpu.memref_slice %arg5[%dma_wait3A_637] : memref<5000xi32, #tpu.memory_space<vmem>> -> memref<128xi32, #tpu.memory_space<vmem>>
    %dma_wait3A_639 = arith.constant 0 : i32
    %dma_wait3A_640 = arith.constant 0 : i32
    %dma_wait3A_641 = tpu.memref_slice %arg3[%dma_wait3A_639, %dma_wait3A_640] : memref<10000x128xf32, #tpu.memory_space<hbm>> -> memref<10000x128xf32, #tpu.memory_space<hbm>>
    tpu.wait_indirect_dma semaphore(%arg8 : memref<!tpu.dma_semaphore, #tpu.memory_space<semaphore_mem>>) src(%dma_wait3A_641 : memref<10000x128xf32, #tpu.memory_space<hbm>>) dst(%dma_wait3A_636 : memref<128x128xf32, #tpu.memory_space<vmem>>)
    %add3A_642 = arith.constant 1664 : i32
    %add3A_643 = arith.addi %mul3A_2, %add3A_642 : i32
    %dma_start3A_644 = arith.constant 1 : i32
    %dma_start3A_645 = arith.constant 0 : i32
    %dma_start3A_646 = arith.constant 0 : i32
    %dma_start3A_647 = tpu.memref_slice %arg6[%dma_start3A_644, %dma_start3A_645, %dma_start3A_646] : memref<3x128x128xf32, #tpu.memory_space<vmem>> -> memref<1x128x128xf32, #tpu.memory_space<vmem>>
    %dma_start3A_648 = tpu.memref_squeeze %dma_start3A_647 : memref<1x128x128xf32, #tpu.memory_space<vmem>> -> memref<128x128xf32, #tpu.memory_space<vmem>>
    %dma_start3A_649 = arith.constant 0 : i32
    %dma_start3A_650 = tpu.memref_slice %arg4[%add3A_643, %dma_start3A_649] : memref<160000x128xf32, #tpu.memory_space<hbm>> -> memref<128x128xf32, #tpu.memory_space<hbm>>
    %dma_start3A_651 = arith.constant 0 : i32
    %dma_start3A_652 = tpu.memref_slice %arg4[%add3A_643, %dma_start3A_651] : memref<160000x128xf32, #tpu.memory_space<hbm>> -> memref<128x128xf32, #tpu.memory_space<hbm>>
    %dma_start3A_653 = arith.constant 0 : i32
    %dma_start3A_654 = arith.constant 0 : i32
    %dma_start3A_655 = tpu.memref_slice %arg6[%dma_start3A_644, %dma_start3A_653, %dma_start3A_654] : memref<3x128x128xf32, #tpu.memory_space<vmem>> -> memref<1x128x128xf32, #tpu.memory_space<vmem>>
    %dma_start3A_656 = tpu.memref_squeeze %dma_start3A_655 : memref<1x128x128xf32, #tpu.memory_space<vmem>> -> memref<128x128xf32, #tpu.memory_space<vmem>>
    tpu.enqueue_dma source(%dma_start3A_656 : memref<128x128xf32, #tpu.memory_space<vmem>>) target(%dma_start3A_652 : memref<128x128xf32, #tpu.memory_space<hbm>>) target_semaphore(%arg11 : memref<!tpu.dma_semaphore, #tpu.memory_space<semaphore_mem>>)
    %dma_wait3A_657 = arith.constant 0 : i32
    %dma_wait3A_658 = arith.constant 0 : i32
    %dma_wait3A_659 = arith.constant 0 : i32
    %dma_wait3A_660 = tpu.memref_slice %arg6[%dma_wait3A_657, %dma_wait3A_658, %dma_wait3A_659] : memref<3x128x128xf32, #tpu.memory_space<vmem>> -> memref<1x128x128xf32, #tpu.memory_space<vmem>>
    %dma_wait3A_661 = tpu.memref_squeeze %dma_wait3A_660 : memref<1x128x128xf32, #tpu.memory_space<vmem>> -> memref<128x128xf32, #tpu.memory_space<vmem>>
    %dma_wait3A_662 = arith.constant 0 : i32
    %dma_wait3A_663 = tpu.memref_slice %arg4[%add3A_595, %dma_wait3A_662] : memref<160000x128xf32, #tpu.memory_space<hbm>> -> memref<128x128xf32, #tpu.memory_space<hbm>>
    %dma_wait3A_664 = arith.constant 0 : i32
    %dma_wait3A_665 = tpu.memref_slice %arg4[%add3A_595, %dma_wait3A_664] : memref<160000x128xf32, #tpu.memory_space<hbm>> -> memref<128x128xf32, #tpu.memory_space<hbm>>
    %dma_wait3A_666 = arith.constant 0 : i32
    %dma_wait3A_667 = arith.constant 0 : i32
    %dma_wait3A_668 = tpu.memref_slice %arg6[%dma_wait3A_657, %dma_wait3A_666, %dma_wait3A_667] : memref<3x128x128xf32, #tpu.memory_space<vmem>> -> memref<1x128x128xf32, #tpu.memory_space<vmem>>
    %dma_wait3A_669 = tpu.memref_squeeze %dma_wait3A_668 : memref<1x128x128xf32, #tpu.memory_space<vmem>> -> memref<128x128xf32, #tpu.memory_space<vmem>>
    tpu.wait_dma2 semaphore(%arg10 : memref<!tpu.dma_semaphore, #tpu.memory_space<semaphore_mem>>) src(%dma_wait3A_669 : memref<128x128xf32, #tpu.memory_space<vmem>>) dst(%dma_wait3A_665 : memref<128x128xf32, #tpu.memory_space<hbm>>)
    %dma_start3A_670 = arith.constant 0 : i32
    %dma_start3A_671 = arith.constant 0 : i32
    %dma_start3A_672 = arith.constant 0 : i32
    %dma_start3A_673 = tpu.memref_slice %arg6[%dma_start3A_670, %dma_start3A_671, %dma_start3A_672] : memref<3x128x128xf32, #tpu.memory_space<vmem>> -> memref<1x128x128xf32, #tpu.memory_space<vmem>>
    %dma_start3A_674 = tpu.memref_squeeze %dma_start3A_673 : memref<1x128x128xf32, #tpu.memory_space<vmem>> -> memref<128x128xf32, #tpu.memory_space<vmem>>
    %dma_start3A_675 = arith.constant 1920 : i32
    %dma_start3A_676 = tpu.memref_slice %arg5[%dma_start3A_675] : memref<5000xi32, #tpu.memory_space<vmem>> -> memref<128xi32, #tpu.memory_space<vmem>>
    %dma_start3A_677 = arith.constant 0 : i32
    %dma_start3A_678 = arith.constant 0 : i32
    %dma_start3A_679 = tpu.memref_slice %arg3[%dma_start3A_677, %dma_start3A_678] : memref<10000x128xf32, #tpu.memory_space<hbm>> -> memref<10000x128xf32, #tpu.memory_space<hbm>>
    tpu.enqueue_indirect_dma source(%dma_start3A_679 : memref<10000x128xf32, #tpu.memory_space<hbm>>) target(%dma_start3A_674 : memref<128x128xf32, #tpu.memory_space<vmem>>) offsets(%dma_start3A_676 : memref<128xi32, #tpu.memory_space<vmem>>) semaphore(%arg7 : memref<!tpu.dma_semaphore, #tpu.memory_space<semaphore_mem>>)
    %dma_wait3A_680 = arith.constant 2 : i32
    %dma_wait3A_681 = arith.constant 0 : i32
    %dma_wait3A_682 = arith.constant 0 : i32
    %dma_wait3A_683 = tpu.memref_slice %arg6[%dma_wait3A_680, %dma_wait3A_681, %dma_wait3A_682] : memref<3x128x128xf32, #tpu.memory_space<vmem>> -> memref<1x128x128xf32, #tpu.memory_space<vmem>>
    %dma_wait3A_684 = tpu.memref_squeeze %dma_wait3A_683 : memref<1x128x128xf32, #tpu.memory_space<vmem>> -> memref<128x128xf32, #tpu.memory_space<vmem>>
    %dma_wait3A_685 = arith.constant 1792 : i32
    %dma_wait3A_686 = tpu.memref_slice %arg5[%dma_wait3A_685] : memref<5000xi32, #tpu.memory_space<vmem>> -> memref<128xi32, #tpu.memory_space<vmem>>
    %dma_wait3A_687 = arith.constant 0 : i32
    %dma_wait3A_688 = arith.constant 0 : i32
    %dma_wait3A_689 = tpu.memref_slice %arg3[%dma_wait3A_687, %dma_wait3A_688] : memref<10000x128xf32, #tpu.memory_space<hbm>> -> memref<10000x128xf32, #tpu.memory_space<hbm>>
    tpu.wait_indirect_dma semaphore(%arg9 : memref<!tpu.dma_semaphore, #tpu.memory_space<semaphore_mem>>) src(%dma_wait3A_689 : memref<10000x128xf32, #tpu.memory_space<hbm>>) dst(%dma_wait3A_684 : memref<128x128xf32, #tpu.memory_space<vmem>>)
    %add3A_690 = arith.constant 1792 : i32
    %add3A_691 = arith.addi %mul3A_2, %add3A_690 : i32
    %dma_start3A_692 = arith.constant 2 : i32
    %dma_start3A_693 = arith.constant 0 : i32
    %dma_start3A_694 = arith.constant 0 : i32
    %dma_start3A_695 = tpu.memref_slice %arg6[%dma_start3A_692, %dma_start3A_693, %dma_start3A_694] : memref<3x128x128xf32, #tpu.memory_space<vmem>> -> memref<1x128x128xf32, #tpu.memory_space<vmem>>
    %dma_start3A_696 = tpu.memref_squeeze %dma_start3A_695 : memref<1x128x128xf32, #tpu.memory_space<vmem>> -> memref<128x128xf32, #tpu.memory_space<vmem>>
    %dma_start3A_697 = arith.constant 0 : i32
    %dma_start3A_698 = tpu.memref_slice %arg4[%add3A_691, %dma_start3A_697] : memref<160000x128xf32, #tpu.memory_space<hbm>> -> memref<128x128xf32, #tpu.memory_space<hbm>>
    %dma_start3A_699 = arith.constant 0 : i32
    %dma_start3A_700 = tpu.memref_slice %arg4[%add3A_691, %dma_start3A_699] : memref<160000x128xf32, #tpu.memory_space<hbm>> -> memref<128x128xf32, #tpu.memory_space<hbm>>
    %dma_start3A_701 = arith.constant 0 : i32
    %dma_start3A_702 = arith.constant 0 : i32
    %dma_start3A_703 = tpu.memref_slice %arg6[%dma_start3A_692, %dma_start3A_701, %dma_start3A_702] : memref<3x128x128xf32, #tpu.memory_space<vmem>> -> memref<1x128x128xf32, #tpu.memory_space<vmem>>
    %dma_start3A_704 = tpu.memref_squeeze %dma_start3A_703 : memref<1x128x128xf32, #tpu.memory_space<vmem>> -> memref<128x128xf32, #tpu.memory_space<vmem>>
    tpu.enqueue_dma source(%dma_start3A_704 : memref<128x128xf32, #tpu.memory_space<vmem>>) target(%dma_start3A_700 : memref<128x128xf32, #tpu.memory_space<hbm>>) target_semaphore(%arg12 : memref<!tpu.dma_semaphore, #tpu.memory_space<semaphore_mem>>)
    %dma_wait3A_705 = arith.constant 1 : i32
    %dma_wait3A_706 = arith.constant 0 : i32
    %dma_wait3A_707 = arith.constant 0 : i32
    %dma_wait3A_708 = tpu.memref_slice %arg6[%dma_wait3A_705, %dma_wait3A_706, %dma_wait3A_707] : memref<3x128x128xf32, #tpu.memory_space<vmem>> -> memref<1x128x128xf32, #tpu.memory_space<vmem>>
    %dma_wait3A_709 = tpu.memref_squeeze %dma_wait3A_708 : memref<1x128x128xf32, #tpu.memory_space<vmem>> -> memref<128x128xf32, #tpu.memory_space<vmem>>
    %dma_wait3A_710 = arith.constant 0 : i32
    %dma_wait3A_711 = tpu.memref_slice %arg4[%add3A_643, %dma_wait3A_710] : memref<160000x128xf32, #tpu.memory_space<hbm>> -> memref<128x128xf32, #tpu.memory_space<hbm>>
    %dma_wait3A_712 = arith.constant 0 : i32
    %dma_wait3A_713 = tpu.memref_slice %arg4[%add3A_643, %dma_wait3A_712] : memref<160000x128xf32, #tpu.memory_space<hbm>> -> memref<128x128xf32, #tpu.memory_space<hbm>>
    %dma_wait3A_714 = arith.constant 0 : i32
    %dma_wait3A_715 = arith.constant 0 : i32
    %dma_wait3A_716 = tpu.memref_slice %arg6[%dma_wait3A_705, %dma_wait3A_714, %dma_wait3A_715] : memref<3x128x128xf32, #tpu.memory_space<vmem>> -> memref<1x128x128xf32, #tpu.memory_space<vmem>>
    %dma_wait3A_717 = tpu.memref_squeeze %dma_wait3A_716 : memref<1x128x128xf32, #tpu.memory_space<vmem>> -> memref<128x128xf32, #tpu.memory_space<vmem>>
    tpu.wait_dma2 semaphore(%arg11 : memref<!tpu.dma_semaphore, #tpu.memory_space<semaphore_mem>>) src(%dma_wait3A_717 : memref<128x128xf32, #tpu.memory_space<vmem>>) dst(%dma_wait3A_713 : memref<128x128xf32, #tpu.memory_space<hbm>>)
    %dma_start3A_718 = arith.constant 1 : i32
    %dma_start3A_719 = arith.constant 0 : i32
    %dma_start3A_720 = arith.constant 0 : i32
    %dma_start3A_721 = tpu.memref_slice %arg6[%dma_start3A_718, %dma_start3A_719, %dma_start3A_720] : memref<3x128x128xf32, #tpu.memory_space<vmem>> -> memref<1x128x128xf32, #tpu.memory_space<vmem>>
    %dma_start3A_722 = tpu.memref_squeeze %dma_start3A_721 : memref<1x128x128xf32, #tpu.memory_space<vmem>> -> memref<128x128xf32, #tpu.memory_space<vmem>>
    %dma_start3A_723 = arith.constant 2048 : i32
    %dma_start3A_724 = tpu.memref_slice %arg5[%dma_start3A_723] : memref<5000xi32, #tpu.memory_space<vmem>> -> memref<128xi32, #tpu.memory_space<vmem>>
    %dma_start3A_725 = arith.constant 0 : i32
    %dma_start3A_726 = arith.constant 0 : i32
    %dma_start3A_727 = tpu.memref_slice %arg3[%dma_start3A_725, %dma_start3A_726] : memref<10000x128xf32, #tpu.memory_space<hbm>> -> memref<10000x128xf32, #tpu.memory_space<hbm>>
    tpu.enqueue_indirect_dma source(%dma_start3A_727 : memref<10000x128xf32, #tpu.memory_space<hbm>>) target(%dma_start3A_722 : memref<128x128xf32, #tpu.memory_space<vmem>>) offsets(%dma_start3A_724 : memref<128xi32, #tpu.memory_space<vmem>>) semaphore(%arg8 : memref<!tpu.dma_semaphore, #tpu.memory_space<semaphore_mem>>)
    %dma_wait3A_728 = arith.constant 0 : i32
    %dma_wait3A_729 = arith.constant 0 : i32
    %dma_wait3A_730 = arith.constant 0 : i32
    %dma_wait3A_731 = tpu.memref_slice %arg6[%dma_wait3A_728, %dma_wait3A_729, %dma_wait3A_730] : memref<3x128x128xf32, #tpu.memory_space<vmem>> -> memref<1x128x128xf32, #tpu.memory_space<vmem>>
    %dma_wait3A_732 = tpu.memref_squeeze %dma_wait3A_731 : memref<1x128x128xf32, #tpu.memory_space<vmem>> -> memref<128x128xf32, #tpu.memory_space<vmem>>
    %dma_wait3A_733 = arith.constant 1920 : i32
    %dma_wait3A_734 = tpu.memref_slice %arg5[%dma_wait3A_733] : memref<5000xi32, #tpu.memory_space<vmem>> -> memref<128xi32, #tpu.memory_space<vmem>>
    %dma_wait3A_735 = arith.constant 0 : i32
    %dma_wait3A_736 = arith.constant 0 : i32
    %dma_wait3A_737 = tpu.memref_slice %arg3[%dma_wait3A_735, %dma_wait3A_736] : memref<10000x128xf32, #tpu.memory_space<hbm>> -> memref<10000x128xf32, #tpu.memory_space<hbm>>
    tpu.wait_indirect_dma semaphore(%arg7 : memref<!tpu.dma_semaphore, #tpu.memory_space<semaphore_mem>>) src(%dma_wait3A_737 : memref<10000x128xf32, #tpu.memory_space<hbm>>) dst(%dma_wait3A_732 : memref<128x128xf32, #tpu.memory_space<vmem>>)
    %add3A_738 = arith.constant 1920 : i32
    %add3A_739 = arith.addi %mul3A_2, %add3A_738 : i32
    %dma_start3A_740 = arith.constant 0 : i32
    %dma_start3A_741 = arith.constant 0 : i32
    %dma_start3A_742 = arith.constant 0 : i32
    %dma_start3A_743 = tpu.memref_slice %arg6[%dma_start3A_740, %dma_start3A_741, %dma_start3A_742] : memref<3x128x128xf32, #tpu.memory_space<vmem>> -> memref<1x128x128xf32, #tpu.memory_space<vmem>>
    %dma_start3A_744 = tpu.memref_squeeze %dma_start3A_743 : memref<1x128x128xf32, #tpu.memory_space<vmem>> -> memref<128x128xf32, #tpu.memory_space<vmem>>
    %dma_start3A_745 = arith.constant 0 : i32
    %dma_start3A_746 = tpu.memref_slice %arg4[%add3A_739, %dma_start3A_745] : memref<160000x128xf32, #tpu.memory_space<hbm>> -> memref<128x128xf32, #tpu.memory_space<hbm>>
    %dma_start3A_747 = arith.constant 0 : i32
    %dma_start3A_748 = tpu.memref_slice %arg4[%add3A_739, %dma_start3A_747] : memref<160000x128xf32, #tpu.memory_space<hbm>> -> memref<128x128xf32, #tpu.memory_space<hbm>>
    %dma_start3A_749 = arith.constant 0 : i32
    %dma_start3A_750 = arith.constant 0 : i32
    %dma_start3A_751 = tpu.memref_slice %arg6[%dma_start3A_740, %dma_start3A_749, %dma_start3A_750] : memref<3x128x128xf32, #tpu.memory_space<vmem>> -> memref<1x128x128xf32, #tpu.memory_space<vmem>>
    %dma_start3A_752 = tpu.memref_squeeze %dma_start3A_751 : memref<1x128x128xf32, #tpu.memory_space<vmem>> -> memref<128x128xf32, #tpu.memory_space<vmem>>
    tpu.enqueue_dma source(%dma_start3A_752 : memref<128x128xf32, #tpu.memory_space<vmem>>) target(%dma_start3A_748 : memref<128x128xf32, #tpu.memory_space<hbm>>) target_semaphore(%arg10 : memref<!tpu.dma_semaphore, #tpu.memory_space<semaphore_mem>>)
    %dma_wait3A_753 = arith.constant 2 : i32
    %dma_wait3A_754 = arith.constant 0 : i32
    %dma_wait3A_755 = arith.constant 0 : i32
    %dma_wait3A_756 = tpu.memref_slice %arg6[%dma_wait3A_753, %dma_wait3A_754, %dma_wait3A_755] : memref<3x128x128xf32, #tpu.memory_space<vmem>> -> memref<1x128x128xf32, #tpu.memory_space<vmem>>
    %dma_wait3A_757 = tpu.memref_squeeze %dma_wait3A_756 : memref<1x128x128xf32, #tpu.memory_space<vmem>> -> memref<128x128xf32, #tpu.memory_space<vmem>>
    %dma_wait3A_758 = arith.constant 0 : i32
    %dma_wait3A_759 = tpu.memref_slice %arg4[%add3A_691, %dma_wait3A_758] : memref<160000x128xf32, #tpu.memory_space<hbm>> -> memref<128x128xf32, #tpu.memory_space<hbm>>
    %dma_wait3A_760 = arith.constant 0 : i32
    %dma_wait3A_761 = tpu.memref_slice %arg4[%add3A_691, %dma_wait3A_760] : memref<160000x128xf32, #tpu.memory_space<hbm>> -> memref<128x128xf32, #tpu.memory_space<hbm>>
    %dma_wait3A_762 = arith.constant 0 : i32
    %dma_wait3A_763 = arith.constant 0 : i32
    %dma_wait3A_764 = tpu.memref_slice %arg6[%dma_wait3A_753, %dma_wait3A_762, %dma_wait3A_763] : memref<3x128x128xf32, #tpu.memory_space<vmem>> -> memref<1x128x128xf32, #tpu.memory_space<vmem>>
    %dma_wait3A_765 = tpu.memref_squeeze %dma_wait3A_764 : memref<1x128x128xf32, #tpu.memory_space<vmem>> -> memref<128x128xf32, #tpu.memory_space<vmem>>
    tpu.wait_dma2 semaphore(%arg12 : memref<!tpu.dma_semaphore, #tpu.memory_space<semaphore_mem>>) src(%dma_wait3A_765 : memref<128x128xf32, #tpu.memory_space<vmem>>) dst(%dma_wait3A_761 : memref<128x128xf32, #tpu.memory_space<hbm>>)
    %dma_start3A_766 = arith.constant 2 : i32
    %dma_start3A_767 = arith.constant 0 : i32
    %dma_start3A_768 = arith.constant 0 : i32
    %dma_start3A_769 = tpu.memref_slice %arg6[%dma_start3A_766, %dma_start3A_767, %dma_start3A_768] : memref<3x128x128xf32, #tpu.memory_space<vmem>> -> memref<1x128x128xf32, #tpu.memory_space<vmem>>
    %dma_start3A_770 = tpu.memref_squeeze %dma_start3A_769 : memref<1x128x128xf32, #tpu.memory_space<vmem>> -> memref<128x128xf32, #tpu.memory_space<vmem>>
    %dma_start3A_771 = arith.constant 2176 : i32
    %dma_start3A_772 = tpu.memref_slice %arg5[%dma_start3A_771] : memref<5000xi32, #tpu.memory_space<vmem>> -> memref<128xi32, #tpu.memory_space<vmem>>
    %dma_start3A_773 = arith.constant 0 : i32
    %dma_start3A_774 = arith.constant 0 : i32
    %dma_start3A_775 = tpu.memref_slice %arg3[%dma_start3A_773, %dma_start3A_774] : memref<10000x128xf32, #tpu.memory_space<hbm>> -> memref<10000x128xf32, #tpu.memory_space<hbm>>
    tpu.enqueue_indirect_dma source(%dma_start3A_775 : memref<10000x128xf32, #tpu.memory_space<hbm>>) target(%dma_start3A_770 : memref<128x128xf32, #tpu.memory_space<vmem>>) offsets(%dma_start3A_772 : memref<128xi32, #tpu.memory_space<vmem>>) semaphore(%arg9 : memref<!tpu.dma_semaphore, #tpu.memory_space<semaphore_mem>>)
    %dma_wait3A_776 = arith.constant 1 : i32
    %dma_wait3A_777 = arith.constant 0 : i32
    %dma_wait3A_778 = arith.constant 0 : i32
    %dma_wait3A_779 = tpu.memref_slice %arg6[%dma_wait3A_776, %dma_wait3A_777, %dma_wait3A_778] : memref<3x128x128xf32, #tpu.memory_space<vmem>> -> memref<1x128x128xf32, #tpu.memory_space<vmem>>
    %dma_wait3A_780 = tpu.memref_squeeze %dma_wait3A_779 : memref<1x128x128xf32, #tpu.memory_space<vmem>> -> memref<128x128xf32, #tpu.memory_space<vmem>>
    %dma_wait3A_781 = arith.constant 2048 : i32
    %dma_wait3A_782 = tpu.memref_slice %arg5[%dma_wait3A_781] : memref<5000xi32, #tpu.memory_space<vmem>> -> memref<128xi32, #tpu.memory_space<vmem>>
    %dma_wait3A_783 = arith.constant 0 : i32
    %dma_wait3A_784 = arith.constant 0 : i32
    %dma_wait3A_785 = tpu.memref_slice %arg3[%dma_wait3A_783, %dma_wait3A_784] : memref<10000x128xf32, #tpu.memory_space<hbm>> -> memref<10000x128xf32, #tpu.memory_space<hbm>>
    tpu.wait_indirect_dma semaphore(%arg8 : memref<!tpu.dma_semaphore, #tpu.memory_space<semaphore_mem>>) src(%dma_wait3A_785 : memref<10000x128xf32, #tpu.memory_space<hbm>>) dst(%dma_wait3A_780 : memref<128x128xf32, #tpu.memory_space<vmem>>)
    %add3A_786 = arith.constant 2048 : i32
    %add3A_787 = arith.addi %mul3A_2, %add3A_786 : i32
    %dma_start3A_788 = arith.constant 1 : i32
    %dma_start3A_789 = arith.constant 0 : i32
    %dma_start3A_790 = arith.constant 0 : i32
    %dma_start3A_791 = tpu.memref_slice %arg6[%dma_start3A_788, %dma_start3A_789, %dma_start3A_790] : memref<3x128x128xf32, #tpu.memory_space<vmem>> -> memref<1x128x128xf32, #tpu.memory_space<vmem>>
    %dma_start3A_792 = tpu.memref_squeeze %dma_start3A_791 : memref<1x128x128xf32, #tpu.memory_space<vmem>> -> memref<128x128xf32, #tpu.memory_space<vmem>>
    %dma_start3A_793 = arith.constant 0 : i32
    %dma_start3A_794 = tpu.memref_slice %arg4[%add3A_787, %dma_start3A_793] : memref<160000x128xf32, #tpu.memory_space<hbm>> -> memref<128x128xf32, #tpu.memory_space<hbm>>
    %dma_start3A_795 = arith.constant 0 : i32
    %dma_start3A_796 = tpu.memref_slice %arg4[%add3A_787, %dma_start3A_795] : memref<160000x128xf32, #tpu.memory_space<hbm>> -> memref<128x128xf32, #tpu.memory_space<hbm>>
    %dma_start3A_797 = arith.constant 0 : i32
    %dma_start3A_798 = arith.constant 0 : i32
    %dma_start3A_799 = tpu.memref_slice %arg6[%dma_start3A_788, %dma_start3A_797, %dma_start3A_798] : memref<3x128x128xf32, #tpu.memory_space<vmem>> -> memref<1x128x128xf32, #tpu.memory_space<vmem>>
    %dma_start3A_800 = tpu.memref_squeeze %dma_start3A_799 : memref<1x128x128xf32, #tpu.memory_space<vmem>> -> memref<128x128xf32, #tpu.memory_space<vmem>>
    tpu.enqueue_dma source(%dma_start3A_800 : memref<128x128xf32, #tpu.memory_space<vmem>>) target(%dma_start3A_796 : memref<128x128xf32, #tpu.memory_space<hbm>>) target_semaphore(%arg11 : memref<!tpu.dma_semaphore, #tpu.memory_space<semaphore_mem>>)
    %dma_wait3A_801 = arith.constant 0 : i32
    %dma_wait3A_802 = arith.constant 0 : i32
    %dma_wait3A_803 = arith.constant 0 : i32
    %dma_wait3A_804 = tpu.memref_slice %arg6[%dma_wait3A_801, %dma_wait3A_802, %dma_wait3A_803] : memref<3x128x128xf32, #tpu.memory_space<vmem>> -> memref<1x128x128xf32, #tpu.memory_space<vmem>>
    %dma_wait3A_805 = tpu.memref_squeeze %dma_wait3A_804 : memref<1x128x128xf32, #tpu.memory_space<vmem>> -> memref<128x128xf32, #tpu.memory_space<vmem>>
    %dma_wait3A_806 = arith.constant 0 : i32
    %dma_wait3A_807 = tpu.memref_slice %arg4[%add3A_739, %dma_wait3A_806] : memref<160000x128xf32, #tpu.memory_space<hbm>> -> memref<128x128xf32, #tpu.memory_space<hbm>>
    %dma_wait3A_808 = arith.constant 0 : i32
    %dma_wait3A_809 = tpu.memref_slice %arg4[%add3A_739, %dma_wait3A_808] : memref<160000x128xf32, #tpu.memory_space<hbm>> -> memref<128x128xf32, #tpu.memory_space<hbm>>
    %dma_wait3A_810 = arith.constant 0 : i32
    %dma_wait3A_811 = arith.constant 0 : i32
    %dma_wait3A_812 = tpu.memref_slice %arg6[%dma_wait3A_801, %dma_wait3A_810, %dma_wait3A_811] : memref<3x128x128xf32, #tpu.memory_space<vmem>> -> memref<1x128x128xf32, #tpu.memory_space<vmem>>
    %dma_wait3A_813 = tpu.memref_squeeze %dma_wait3A_812 : memref<1x128x128xf32, #tpu.memory_space<vmem>> -> memref<128x128xf32, #tpu.memory_space<vmem>>
    tpu.wait_dma2 semaphore(%arg10 : memref<!tpu.dma_semaphore, #tpu.memory_space<semaphore_mem>>) src(%dma_wait3A_813 : memref<128x128xf32, #tpu.memory_space<vmem>>) dst(%dma_wait3A_809 : memref<128x128xf32, #tpu.memory_space<hbm>>)
    %dma_start3A_814 = arith.constant 0 : i32
    %dma_start3A_815 = arith.constant 0 : i32
    %dma_start3A_816 = arith.constant 0 : i32
    %dma_start3A_817 = tpu.memref_slice %arg6[%dma_start3A_814, %dma_start3A_815, %dma_start3A_816] : memref<3x128x128xf32, #tpu.memory_space<vmem>> -> memref<1x128x128xf32, #tpu.memory_space<vmem>>
    %dma_start3A_818 = tpu.memref_squeeze %dma_start3A_817 : memref<1x128x128xf32, #tpu.memory_space<vmem>> -> memref<128x128xf32, #tpu.memory_space<vmem>>
    %dma_start3A_819 = arith.constant 2304 : i32
    %dma_start3A_820 = tpu.memref_slice %arg5[%dma_start3A_819] : memref<5000xi32, #tpu.memory_space<vmem>> -> memref<128xi32, #tpu.memory_space<vmem>>
    %dma_start3A_821 = arith.constant 0 : i32
    %dma_start3A_822 = arith.constant 0 : i32
    %dma_start3A_823 = tpu.memref_slice %arg3[%dma_start3A_821, %dma_start3A_822] : memref<10000x128xf32, #tpu.memory_space<hbm>> -> memref<10000x128xf32, #tpu.memory_space<hbm>>
    tpu.enqueue_indirect_dma source(%dma_start3A_823 : memref<10000x128xf32, #tpu.memory_space<hbm>>) target(%dma_start3A_818 : memref<128x128xf32, #tpu.memory_space<vmem>>) offsets(%dma_start3A_820 : memref<128xi32, #tpu.memory_space<vmem>>) semaphore(%arg7 : memref<!tpu.dma_semaphore, #tpu.memory_space<semaphore_mem>>)
    %dma_wait3A_824 = arith.constant 2 : i32
    %dma_wait3A_825 = arith.constant 0 : i32
    %dma_wait3A_826 = arith.constant 0 : i32
    %dma_wait3A_827 = tpu.memref_slice %arg6[%dma_wait3A_824, %dma_wait3A_825, %dma_wait3A_826] : memref<3x128x128xf32, #tpu.memory_space<vmem>> -> memref<1x128x128xf32, #tpu.memory_space<vmem>>
    %dma_wait3A_828 = tpu.memref_squeeze %dma_wait3A_827 : memref<1x128x128xf32, #tpu.memory_space<vmem>> -> memref<128x128xf32, #tpu.memory_space<vmem>>
    %dma_wait3A_829 = arith.constant 2176 : i32
    %dma_wait3A_830 = tpu.memref_slice %arg5[%dma_wait3A_829] : memref<5000xi32, #tpu.memory_space<vmem>> -> memref<128xi32, #tpu.memory_space<vmem>>
    %dma_wait3A_831 = arith.constant 0 : i32
    %dma_wait3A_832 = arith.constant 0 : i32
    %dma_wait3A_833 = tpu.memref_slice %arg3[%dma_wait3A_831, %dma_wait3A_832] : memref<10000x128xf32, #tpu.memory_space<hbm>> -> memref<10000x128xf32, #tpu.memory_space<hbm>>
    tpu.wait_indirect_dma semaphore(%arg9 : memref<!tpu.dma_semaphore, #tpu.memory_space<semaphore_mem>>) src(%dma_wait3A_833 : memref<10000x128xf32, #tpu.memory_space<hbm>>) dst(%dma_wait3A_828 : memref<128x128xf32, #tpu.memory_space<vmem>>)
    %add3A_834 = arith.constant 2176 : i32
    %add3A_835 = arith.addi %mul3A_2, %add3A_834 : i32
    %dma_start3A_836 = arith.constant 2 : i32
    %dma_start3A_837 = arith.constant 0 : i32
    %dma_start3A_838 = arith.constant 0 : i32
    %dma_start3A_839 = tpu.memref_slice %arg6[%dma_start3A_836, %dma_start3A_837, %dma_start3A_838] : memref<3x128x128xf32, #tpu.memory_space<vmem>> -> memref<1x128x128xf32, #tpu.memory_space<vmem>>
    %dma_start3A_840 = tpu.memref_squeeze %dma_start3A_839 : memref<1x128x128xf32, #tpu.memory_space<vmem>> -> memref<128x128xf32, #tpu.memory_space<vmem>>
    %dma_start3A_841 = arith.constant 0 : i32
    %dma_start3A_842 = tpu.memref_slice %arg4[%add3A_835, %dma_start3A_841] : memref<160000x128xf32, #tpu.memory_space<hbm>> -> memref<128x128xf32, #tpu.memory_space<hbm>>
    %dma_start3A_843 = arith.constant 0 : i32
    %dma_start3A_844 = tpu.memref_slice %arg4[%add3A_835, %dma_start3A_843] : memref<160000x128xf32, #tpu.memory_space<hbm>> -> memref<128x128xf32, #tpu.memory_space<hbm>>
    %dma_start3A_845 = arith.constant 0 : i32
    %dma_start3A_846 = arith.constant 0 : i32
    %dma_start3A_847 = tpu.memref_slice %arg6[%dma_start3A_836, %dma_start3A_845, %dma_start3A_846] : memref<3x128x128xf32, #tpu.memory_space<vmem>> -> memref<1x128x128xf32, #tpu.memory_space<vmem>>
    %dma_start3A_848 = tpu.memref_squeeze %dma_start3A_847 : memref<1x128x128xf32, #tpu.memory_space<vmem>> -> memref<128x128xf32, #tpu.memory_space<vmem>>
    tpu.enqueue_dma source(%dma_start3A_848 : memref<128x128xf32, #tpu.memory_space<vmem>>) target(%dma_start3A_844 : memref<128x128xf32, #tpu.memory_space<hbm>>) target_semaphore(%arg12 : memref<!tpu.dma_semaphore, #tpu.memory_space<semaphore_mem>>)
    %dma_wait3A_849 = arith.constant 1 : i32
    %dma_wait3A_850 = arith.constant 0 : i32
    %dma_wait3A_851 = arith.constant 0 : i32
    %dma_wait3A_852 = tpu.memref_slice %arg6[%dma_wait3A_849, %dma_wait3A_850, %dma_wait3A_851] : memref<3x128x128xf32, #tpu.memory_space<vmem>> -> memref<1x128x128xf32, #tpu.memory_space<vmem>>
    %dma_wait3A_853 = tpu.memref_squeeze %dma_wait3A_852 : memref<1x128x128xf32, #tpu.memory_space<vmem>> -> memref<128x128xf32, #tpu.memory_space<vmem>>
    %dma_wait3A_854 = arith.constant 0 : i32
    %dma_wait3A_855 = tpu.memref_slice %arg4[%add3A_787, %dma_wait3A_854] : memref<160000x128xf32, #tpu.memory_space<hbm>> -> memref<128x128xf32, #tpu.memory_space<hbm>>
    %dma_wait3A_856 = arith.constant 0 : i32
    %dma_wait3A_857 = tpu.memref_slice %arg4[%add3A_787, %dma_wait3A_856] : memref<160000x128xf32, #tpu.memory_space<hbm>> -> memref<128x128xf32, #tpu.memory_space<hbm>>
    %dma_wait3A_858 = arith.constant 0 : i32
    %dma_wait3A_859 = arith.constant 0 : i32
    %dma_wait3A_860 = tpu.memref_slice %arg6[%dma_wait3A_849, %dma_wait3A_858, %dma_wait3A_859] : memref<3x128x128xf32, #tpu.memory_space<vmem>> -> memref<1x128x128xf32, #tpu.memory_space<vmem>>
    %dma_wait3A_861 = tpu.memref_squeeze %dma_wait3A_860 : memref<1x128x128xf32, #tpu.memory_space<vmem>> -> memref<128x128xf32, #tpu.memory_space<vmem>>
    tpu.wait_dma2 semaphore(%arg11 : memref<!tpu.dma_semaphore, #tpu.memory_space<semaphore_mem>>) src(%dma_wait3A_861 : memref<128x128xf32, #tpu.memory_space<vmem>>) dst(%dma_wait3A_857 : memref<128x128xf32, #tpu.memory_space<hbm>>)
    %dma_start3A_862 = arith.constant 1 : i32
    %dma_start3A_863 = arith.constant 0 : i32
    %dma_start3A_864 = arith.constant 0 : i32
    %dma_start3A_865 = tpu.memref_slice %arg6[%dma_start3A_862, %dma_start3A_863, %dma_start3A_864] : memref<3x128x128xf32, #tpu.memory_space<vmem>> -> memref<1x128x128xf32, #tpu.memory_space<vmem>>
    %dma_start3A_866 = tpu.memref_squeeze %dma_start3A_865 : memref<1x128x128xf32, #tpu.memory_space<vmem>> -> memref<128x128xf32, #tpu.memory_space<vmem>>
    %dma_start3A_867 = arith.constant 2432 : i32
    %dma_start3A_868 = tpu.memref_slice %arg5[%dma_start3A_867] : memref<5000xi32, #tpu.memory_space<vmem>> -> memref<128xi32, #tpu.memory_space<vmem>>
    %dma_start3A_869 = arith.constant 0 : i32
    %dma_start3A_870 = arith.constant 0 : i32
    %dma_start3A_871 = tpu.memref_slice %arg3[%dma_start3A_869, %dma_start3A_870] : memref<10000x128xf32, #tpu.memory_space<hbm>> -> memref<10000x128xf32, #tpu.memory_space<hbm>>
    tpu.enqueue_indirect_dma source(%dma_start3A_871 : memref<10000x128xf32, #tpu.memory_space<hbm>>) target(%dma_start3A_866 : memref<128x128xf32, #tpu.memory_space<vmem>>) offsets(%dma_start3A_868 : memref<128xi32, #tpu.memory_space<vmem>>) semaphore(%arg8 : memref<!tpu.dma_semaphore, #tpu.memory_space<semaphore_mem>>)
    %dma_wait3A_872 = arith.constant 0 : i32
    %dma_wait3A_873 = arith.constant 0 : i32
    %dma_wait3A_874 = arith.constant 0 : i32
    %dma_wait3A_875 = tpu.memref_slice %arg6[%dma_wait3A_872, %dma_wait3A_873, %dma_wait3A_874] : memref<3x128x128xf32, #tpu.memory_space<vmem>> -> memref<1x128x128xf32, #tpu.memory_space<vmem>>
    %dma_wait3A_876 = tpu.memref_squeeze %dma_wait3A_875 : memref<1x128x128xf32, #tpu.memory_space<vmem>> -> memref<128x128xf32, #tpu.memory_space<vmem>>
    %dma_wait3A_877 = arith.constant 2304 : i32
    %dma_wait3A_878 = tpu.memref_slice %arg5[%dma_wait3A_877] : memref<5000xi32, #tpu.memory_space<vmem>> -> memref<128xi32, #tpu.memory_space<vmem>>
    %dma_wait3A_879 = arith.constant 0 : i32
    %dma_wait3A_880 = arith.constant 0 : i32
    %dma_wait3A_881 = tpu.memref_slice %arg3[%dma_wait3A_879, %dma_wait3A_880] : memref<10000x128xf32, #tpu.memory_space<hbm>> -> memref<10000x128xf32, #tpu.memory_space<hbm>>
    tpu.wait_indirect_dma semaphore(%arg7 : memref<!tpu.dma_semaphore, #tpu.memory_space<semaphore_mem>>) src(%dma_wait3A_881 : memref<10000x128xf32, #tpu.memory_space<hbm>>) dst(%dma_wait3A_876 : memref<128x128xf32, #tpu.memory_space<vmem>>)
    %add3A_882 = arith.constant 2304 : i32
    %add3A_883 = arith.addi %mul3A_2, %add3A_882 : i32
    %dma_start3A_884 = arith.constant 0 : i32
    %dma_start3A_885 = arith.constant 0 : i32
    %dma_start3A_886 = arith.constant 0 : i32
    %dma_start3A_887 = tpu.memref_slice %arg6[%dma_start3A_884, %dma_start3A_885, %dma_start3A_886] : memref<3x128x128xf32, #tpu.memory_space<vmem>> -> memref<1x128x128xf32, #tpu.memory_space<vmem>>
    %dma_start3A_888 = tpu.memref_squeeze %dma_start3A_887 : memref<1x128x128xf32, #tpu.memory_space<vmem>> -> memref<128x128xf32, #tpu.memory_space<vmem>>
    %dma_start3A_889 = arith.constant 0 : i32
    %dma_start3A_890 = tpu.memref_slice %arg4[%add3A_883, %dma_start3A_889] : memref<160000x128xf32, #tpu.memory_space<hbm>> -> memref<128x128xf32, #tpu.memory_space<hbm>>
    %dma_start3A_891 = arith.constant 0 : i32
    %dma_start3A_892 = tpu.memref_slice %arg4[%add3A_883, %dma_start3A_891] : memref<160000x128xf32, #tpu.memory_space<hbm>> -> memref<128x128xf32, #tpu.memory_space<hbm>>
    %dma_start3A_893 = arith.constant 0 : i32
    %dma_start3A_894 = arith.constant 0 : i32
    %dma_start3A_895 = tpu.memref_slice %arg6[%dma_start3A_884, %dma_start3A_893, %dma_start3A_894] : memref<3x128x128xf32, #tpu.memory_space<vmem>> -> memref<1x128x128xf32, #tpu.memory_space<vmem>>
    %dma_start3A_896 = tpu.memref_squeeze %dma_start3A_895 : memref<1x128x128xf32, #tpu.memory_space<vmem>> -> memref<128x128xf32, #tpu.memory_space<vmem>>
    tpu.enqueue_dma source(%dma_start3A_896 : memref<128x128xf32, #tpu.memory_space<vmem>>) target(%dma_start3A_892 : memref<128x128xf32, #tpu.memory_space<hbm>>) target_semaphore(%arg10 : memref<!tpu.dma_semaphore, #tpu.memory_space<semaphore_mem>>)
    %dma_wait3A_897 = arith.constant 2 : i32
    %dma_wait3A_898 = arith.constant 0 : i32
    %dma_wait3A_899 = arith.constant 0 : i32
    %dma_wait3A_900 = tpu.memref_slice %arg6[%dma_wait3A_897, %dma_wait3A_898, %dma_wait3A_899] : memref<3x128x128xf32, #tpu.memory_space<vmem>> -> memref<1x128x128xf32, #tpu.memory_space<vmem>>
    %dma_wait3A_901 = tpu.memref_squeeze %dma_wait3A_900 : memref<1x128x128xf32, #tpu.memory_space<vmem>> -> memref<128x128xf32, #tpu.memory_space<vmem>>
    %dma_wait3A_902 = arith.constant 0 : i32
    %dma_wait3A_903 = tpu.memref_slice %arg4[%add3A_835, %dma_wait3A_902] : memref<160000x128xf32, #tpu.memory_space<hbm>> -> memref<128x128xf32, #tpu.memory_space<hbm>>
    %dma_wait3A_904 = arith.constant 0 : i32
    %dma_wait3A_905 = tpu.memref_slice %arg4[%add3A_835, %dma_wait3A_904] : memref<160000x128xf32, #tpu.memory_space<hbm>> -> memref<128x128xf32, #tpu.memory_space<hbm>>
    %dma_wait3A_906 = arith.constant 0 : i32
    %dma_wait3A_907 = arith.constant 0 : i32
    %dma_wait3A_908 = tpu.memref_slice %arg6[%dma_wait3A_897, %dma_wait3A_906, %dma_wait3A_907] : memref<3x128x128xf32, #tpu.memory_space<vmem>> -> memref<1x128x128xf32, #tpu.memory_space<vmem>>
    %dma_wait3A_909 = tpu.memref_squeeze %dma_wait3A_908 : memref<1x128x128xf32, #tpu.memory_space<vmem>> -> memref<128x128xf32, #tpu.memory_space<vmem>>
    tpu.wait_dma2 semaphore(%arg12 : memref<!tpu.dma_semaphore, #tpu.memory_space<semaphore_mem>>) src(%dma_wait3A_909 : memref<128x128xf32, #tpu.memory_space<vmem>>) dst(%dma_wait3A_905 : memref<128x128xf32, #tpu.memory_space<hbm>>)
    %dma_start3A_910 = arith.constant 2 : i32
    %dma_start3A_911 = arith.constant 0 : i32
    %dma_start3A_912 = arith.constant 0 : i32
    %dma_start3A_913 = tpu.memref_slice %arg6[%dma_start3A_910, %dma_start3A_911, %dma_start3A_912] : memref<3x128x128xf32, #tpu.memory_space<vmem>> -> memref<1x128x128xf32, #tpu.memory_space<vmem>>
    %dma_start3A_914 = tpu.memref_squeeze %dma_start3A_913 : memref<1x128x128xf32, #tpu.memory_space<vmem>> -> memref<128x128xf32, #tpu.memory_space<vmem>>
    %dma_start3A_915 = arith.constant 2560 : i32
    %dma_start3A_916 = tpu.memref_slice %arg5[%dma_start3A_915] : memref<5000xi32, #tpu.memory_space<vmem>> -> memref<128xi32, #tpu.memory_space<vmem>>
    %dma_start3A_917 = arith.constant 0 : i32
    %dma_start3A_918 = arith.constant 0 : i32
    %dma_start3A_919 = tpu.memref_slice %arg3[%dma_start3A_917, %dma_start3A_918] : memref<10000x128xf32, #tpu.memory_space<hbm>> -> memref<10000x128xf32, #tpu.memory_space<hbm>>
    tpu.enqueue_indirect_dma source(%dma_start3A_919 : memref<10000x128xf32, #tpu.memory_space<hbm>>) target(%dma_start3A_914 : memref<128x128xf32, #tpu.memory_space<vmem>>) offsets(%dma_start3A_916 : memref<128xi32, #tpu.memory_space<vmem>>) semaphore(%arg9 : memref<!tpu.dma_semaphore, #tpu.memory_space<semaphore_mem>>)
    %dma_wait3A_920 = arith.constant 1 : i32
    %dma_wait3A_921 = arith.constant 0 : i32
    %dma_wait3A_922 = arith.constant 0 : i32
    %dma_wait3A_923 = tpu.memref_slice %arg6[%dma_wait3A_920, %dma_wait3A_921, %dma_wait3A_922] : memref<3x128x128xf32, #tpu.memory_space<vmem>> -> memref<1x128x128xf32, #tpu.memory_space<vmem>>
    %dma_wait3A_924 = tpu.memref_squeeze %dma_wait3A_923 : memref<1x128x128xf32, #tpu.memory_space<vmem>> -> memref<128x128xf32, #tpu.memory_space<vmem>>
    %dma_wait3A_925 = arith.constant 2432 : i32
    %dma_wait3A_926 = tpu.memref_slice %arg5[%dma_wait3A_925] : memref<5000xi32, #tpu.memory_space<vmem>> -> memref<128xi32, #tpu.memory_space<vmem>>
    %dma_wait3A_927 = arith.constant 0 : i32
    %dma_wait3A_928 = arith.constant 0 : i32
    %dma_wait3A_929 = tpu.memref_slice %arg3[%dma_wait3A_927, %dma_wait3A_928] : memref<10000x128xf32, #tpu.memory_space<hbm>> -> memref<10000x128xf32, #tpu.memory_space<hbm>>
    tpu.wait_indirect_dma semaphore(%arg8 : memref<!tpu.dma_semaphore, #tpu.memory_space<semaphore_mem>>) src(%dma_wait3A_929 : memref<10000x128xf32, #tpu.memory_space<hbm>>) dst(%dma_wait3A_924 : memref<128x128xf32, #tpu.memory_space<vmem>>)
    %add3A_930 = arith.constant 2432 : i32
    %add3A_931 = arith.addi %mul3A_2, %add3A_930 : i32
    %dma_start3A_932 = arith.constant 1 : i32
    %dma_start3A_933 = arith.constant 0 : i32
    %dma_start3A_934 = arith.constant 0 : i32
    %dma_start3A_935 = tpu.memref_slice %arg6[%dma_start3A_932, %dma_start3A_933, %dma_start3A_934] : memref<3x128x128xf32, #tpu.memory_space<vmem>> -> memref<1x128x128xf32, #tpu.memory_space<vmem>>
    %dma_start3A_936 = tpu.memref_squeeze %dma_start3A_935 : memref<1x128x128xf32, #tpu.memory_space<vmem>> -> memref<128x128xf32, #tpu.memory_space<vmem>>
    %dma_start3A_937 = arith.constant 0 : i32
    %dma_start3A_938 = tpu.memref_slice %arg4[%add3A_931, %dma_start3A_937] : memref<160000x128xf32, #tpu.memory_space<hbm>> -> memref<128x128xf32, #tpu.memory_space<hbm>>
    %dma_start3A_939 = arith.constant 0 : i32
    %dma_start3A_940 = tpu.memref_slice %arg4[%add3A_931, %dma_start3A_939] : memref<160000x128xf32, #tpu.memory_space<hbm>> -> memref<128x128xf32, #tpu.memory_space<hbm>>
    %dma_start3A_941 = arith.constant 0 : i32
    %dma_start3A_942 = arith.constant 0 : i32
    %dma_start3A_943 = tpu.memref_slice %arg6[%dma_start3A_932, %dma_start3A_941, %dma_start3A_942] : memref<3x128x128xf32, #tpu.memory_space<vmem>> -> memref<1x128x128xf32, #tpu.memory_space<vmem>>
    %dma_start3A_944 = tpu.memref_squeeze %dma_start3A_943 : memref<1x128x128xf32, #tpu.memory_space<vmem>> -> memref<128x128xf32, #tpu.memory_space<vmem>>
    tpu.enqueue_dma source(%dma_start3A_944 : memref<128x128xf32, #tpu.memory_space<vmem>>) target(%dma_start3A_940 : memref<128x128xf32, #tpu.memory_space<hbm>>) target_semaphore(%arg11 : memref<!tpu.dma_semaphore, #tpu.memory_space<semaphore_mem>>)
    %dma_wait3A_945 = arith.constant 0 : i32
    %dma_wait3A_946 = arith.constant 0 : i32
    %dma_wait3A_947 = arith.constant 0 : i32
    %dma_wait3A_948 = tpu.memref_slice %arg6[%dma_wait3A_945, %dma_wait3A_946, %dma_wait3A_947] : memref<3x128x128xf32, #tpu.memory_space<vmem>> -> memref<1x128x128xf32, #tpu.memory_space<vmem>>
    %dma_wait3A_949 = tpu.memref_squeeze %dma_wait3A_948 : memref<1x128x128xf32, #tpu.memory_space<vmem>> -> memref<128x128xf32, #tpu.memory_space<vmem>>
    %dma_wait3A_950 = arith.constant 0 : i32
    %dma_wait3A_951 = tpu.memref_slice %arg4[%add3A_883, %dma_wait3A_950] : memref<160000x128xf32, #tpu.memory_space<hbm>> -> memref<128x128xf32, #tpu.memory_space<hbm>>
    %dma_wait3A_952 = arith.constant 0 : i32
    %dma_wait3A_953 = tpu.memref_slice %arg4[%add3A_883, %dma_wait3A_952] : memref<160000x128xf32, #tpu.memory_space<hbm>> -> memref<128x128xf32, #tpu.memory_space<hbm>>
    %dma_wait3A_954 = arith.constant 0 : i32
    %dma_wait3A_955 = arith.constant 0 : i32
    %dma_wait3A_956 = tpu.memref_slice %arg6[%dma_wait3A_945, %dma_wait3A_954, %dma_wait3A_955] : memref<3x128x128xf32, #tpu.memory_space<vmem>> -> memref<1x128x128xf32, #tpu.memory_space<vmem>>
    %dma_wait3A_957 = tpu.memref_squeeze %dma_wait3A_956 : memref<1x128x128xf32, #tpu.memory_space<vmem>> -> memref<128x128xf32, #tpu.memory_space<vmem>>
    tpu.wait_dma2 semaphore(%arg10 : memref<!tpu.dma_semaphore, #tpu.memory_space<semaphore_mem>>) src(%dma_wait3A_957 : memref<128x128xf32, #tpu.memory_space<vmem>>) dst(%dma_wait3A_953 : memref<128x128xf32, #tpu.memory_space<hbm>>)
    %dma_start3A_958 = arith.constant 0 : i32
    %dma_start3A_959 = arith.constant 0 : i32
    %dma_start3A_960 = arith.constant 0 : i32
    %dma_start3A_961 = tpu.memref_slice %arg6[%dma_start3A_958, %dma_start3A_959, %dma_start3A_960] : memref<3x128x128xf32, #tpu.memory_space<vmem>> -> memref<1x128x128xf32, #tpu.memory_space<vmem>>
    %dma_start3A_962 = tpu.memref_squeeze %dma_start3A_961 : memref<1x128x128xf32, #tpu.memory_space<vmem>> -> memref<128x128xf32, #tpu.memory_space<vmem>>
    %dma_start3A_963 = arith.constant 2688 : i32
    %dma_start3A_964 = tpu.memref_slice %arg5[%dma_start3A_963] : memref<5000xi32, #tpu.memory_space<vmem>> -> memref<128xi32, #tpu.memory_space<vmem>>
    %dma_start3A_965 = arith.constant 0 : i32
    %dma_start3A_966 = arith.constant 0 : i32
    %dma_start3A_967 = tpu.memref_slice %arg3[%dma_start3A_965, %dma_start3A_966] : memref<10000x128xf32, #tpu.memory_space<hbm>> -> memref<10000x128xf32, #tpu.memory_space<hbm>>
    tpu.enqueue_indirect_dma source(%dma_start3A_967 : memref<10000x128xf32, #tpu.memory_space<hbm>>) target(%dma_start3A_962 : memref<128x128xf32, #tpu.memory_space<vmem>>) offsets(%dma_start3A_964 : memref<128xi32, #tpu.memory_space<vmem>>) semaphore(%arg7 : memref<!tpu.dma_semaphore, #tpu.memory_space<semaphore_mem>>)
    %dma_wait3A_968 = arith.constant 2 : i32
    %dma_wait3A_969 = arith.constant 0 : i32
    %dma_wait3A_970 = arith.constant 0 : i32
    %dma_wait3A_971 = tpu.memref_slice %arg6[%dma_wait3A_968, %dma_wait3A_969, %dma_wait3A_970] : memref<3x128x128xf32, #tpu.memory_space<vmem>> -> memref<1x128x128xf32, #tpu.memory_space<vmem>>
    %dma_wait3A_972 = tpu.memref_squeeze %dma_wait3A_971 : memref<1x128x128xf32, #tpu.memory_space<vmem>> -> memref<128x128xf32, #tpu.memory_space<vmem>>
    %dma_wait3A_973 = arith.constant 2560 : i32
    %dma_wait3A_974 = tpu.memref_slice %arg5[%dma_wait3A_973] : memref<5000xi32, #tpu.memory_space<vmem>> -> memref<128xi32, #tpu.memory_space<vmem>>
    %dma_wait3A_975 = arith.constant 0 : i32
    %dma_wait3A_976 = arith.constant 0 : i32
    %dma_wait3A_977 = tpu.memref_slice %arg3[%dma_wait3A_975, %dma_wait3A_976] : memref<10000x128xf32, #tpu.memory_space<hbm>> -> memref<10000x128xf32, #tpu.memory_space<hbm>>
    tpu.wait_indirect_dma semaphore(%arg9 : memref<!tpu.dma_semaphore, #tpu.memory_space<semaphore_mem>>) src(%dma_wait3A_977 : memref<10000x128xf32, #tpu.memory_space<hbm>>) dst(%dma_wait3A_972 : memref<128x128xf32, #tpu.memory_space<vmem>>)
    %add3A_978 = arith.constant 2560 : i32
    %add3A_979 = arith.addi %mul3A_2, %add3A_978 : i32
    %dma_start3A_980 = arith.constant 2 : i32
    %dma_start3A_981 = arith.constant 0 : i32
    %dma_start3A_982 = arith.constant 0 : i32
    %dma_start3A_983 = tpu.memref_slice %arg6[%dma_start3A_980, %dma_start3A_981, %dma_start3A_982] : memref<3x128x128xf32, #tpu.memory_space<vmem>> -> memref<1x128x128xf32, #tpu.memory_space<vmem>>
    %dma_start3A_984 = tpu.memref_squeeze %dma_start3A_983 : memref<1x128x128xf32, #tpu.memory_space<vmem>> -> memref<128x128xf32, #tpu.memory_space<vmem>>
    %dma_start3A_985 = arith.constant 0 : i32
    %dma_start3A_986 = tpu.memref_slice %arg4[%add3A_979, %dma_start3A_985] : memref<160000x128xf32, #tpu.memory_space<hbm>> -> memref<128x128xf32, #tpu.memory_space<hbm>>
    %dma_start3A_987 = arith.constant 0 : i32
    %dma_start3A_988 = tpu.memref_slice %arg4[%add3A_979, %dma_start3A_987] : memref<160000x128xf32, #tpu.memory_space<hbm>> -> memref<128x128xf32, #tpu.memory_space<hbm>>
    %dma_start3A_989 = arith.constant 0 : i32
    %dma_start3A_990 = arith.constant 0 : i32
    %dma_start3A_991 = tpu.memref_slice %arg6[%dma_start3A_980, %dma_start3A_989, %dma_start3A_990] : memref<3x128x128xf32, #tpu.memory_space<vmem>> -> memref<1x128x128xf32, #tpu.memory_space<vmem>>
    %dma_start3A_992 = tpu.memref_squeeze %dma_start3A_991 : memref<1x128x128xf32, #tpu.memory_space<vmem>> -> memref<128x128xf32, #tpu.memory_space<vmem>>
    tpu.enqueue_dma source(%dma_start3A_992 : memref<128x128xf32, #tpu.memory_space<vmem>>) target(%dma_start3A_988 : memref<128x128xf32, #tpu.memory_space<hbm>>) target_semaphore(%arg12 : memref<!tpu.dma_semaphore, #tpu.memory_space<semaphore_mem>>)
    %dma_wait3A_993 = arith.constant 1 : i32
    %dma_wait3A_994 = arith.constant 0 : i32
    %dma_wait3A_995 = arith.constant 0 : i32
    %dma_wait3A_996 = tpu.memref_slice %arg6[%dma_wait3A_993, %dma_wait3A_994, %dma_wait3A_995] : memref<3x128x128xf32, #tpu.memory_space<vmem>> -> memref<1x128x128xf32, #tpu.memory_space<vmem>>
    %dma_wait3A_997 = tpu.memref_squeeze %dma_wait3A_996 : memref<1x128x128xf32, #tpu.memory_space<vmem>> -> memref<128x128xf32, #tpu.memory_space<vmem>>
    %dma_wait3A_998 = arith.constant 0 : i32
    %dma_wait3A_999 = tpu.memref_slice %arg4[%add3A_931, %dma_wait3A_998] : memref<160000x128xf32, #tpu.memory_space<hbm>> -> memref<128x128xf32, #tpu.memory_space<hbm>>
    %dma_wait3A_1000 = arith.constant 0 : i32
    %dma_wait3A_1001 = tpu.memref_slice %arg4[%add3A_931, %dma_wait3A_1000] : memref<160000x128xf32, #tpu.memory_space<hbm>> -> memref<128x128xf32, #tpu.memory_space<hbm>>
    %dma_wait3A_1002 = arith.constant 0 : i32
    %dma_wait3A_1003 = arith.constant 0 : i32
    %dma_wait3A_1004 = tpu.memref_slice %arg6[%dma_wait3A_993, %dma_wait3A_1002, %dma_wait3A_1003] : memref<3x128x128xf32, #tpu.memory_space<vmem>> -> memref<1x128x128xf32, #tpu.memory_space<vmem>>
    %dma_wait3A_1005 = tpu.memref_squeeze %dma_wait3A_1004 : memref<1x128x128xf32, #tpu.memory_space<vmem>> -> memref<128x128xf32, #tpu.memory_space<vmem>>
    tpu.wait_dma2 semaphore(%arg11 : memref<!tpu.dma_semaphore, #tpu.memory_space<semaphore_mem>>) src(%dma_wait3A_1005 : memref<128x128xf32, #tpu.memory_space<vmem>>) dst(%dma_wait3A_1001 : memref<128x128xf32, #tpu.memory_space<hbm>>)
    %dma_start3A_1006 = arith.constant 1 : i32
    %dma_start3A_1007 = arith.constant 0 : i32
    %dma_start3A_1008 = arith.constant 0 : i32
    %dma_start3A_1009 = tpu.memref_slice %arg6[%dma_start3A_1006, %dma_start3A_1007, %dma_start3A_1008] : memref<3x128x128xf32, #tpu.memory_space<vmem>> -> memref<1x128x128xf32, #tpu.memory_space<vmem>>
    %dma_start3A_1010 = tpu.memref_squeeze %dma_start3A_1009 : memref<1x128x128xf32, #tpu.memory_space<vmem>> -> memref<128x128xf32, #tpu.memory_space<vmem>>
    %dma_start3A_1011 = arith.constant 2816 : i32
    %dma_start3A_1012 = tpu.memref_slice %arg5[%dma_start3A_1011] : memref<5000xi32, #tpu.memory_space<vmem>> -> memref<128xi32, #tpu.memory_space<vmem>>
    %dma_start3A_1013 = arith.constant 0 : i32
    %dma_start3A_1014 = arith.constant 0 : i32
    %dma_start3A_1015 = tpu.memref_slice %arg3[%dma_start3A_1013, %dma_start3A_1014] : memref<10000x128xf32, #tpu.memory_space<hbm>> -> memref<10000x128xf32, #tpu.memory_space<hbm>>
    tpu.enqueue_indirect_dma source(%dma_start3A_1015 : memref<10000x128xf32, #tpu.memory_space<hbm>>) target(%dma_start3A_1010 : memref<128x128xf32, #tpu.memory_space<vmem>>) offsets(%dma_start3A_1012 : memref<128xi32, #tpu.memory_space<vmem>>) semaphore(%arg8 : memref<!tpu.dma_semaphore, #tpu.memory_space<semaphore_mem>>)
    %dma_wait3A_1016 = arith.constant 0 : i32
    %dma_wait3A_1017 = arith.constant 0 : i32
    %dma_wait3A_1018 = arith.constant 0 : i32
    %dma_wait3A_1019 = tpu.memref_slice %arg6[%dma_wait3A_1016, %dma_wait3A_1017, %dma_wait3A_1018] : memref<3x128x128xf32, #tpu.memory_space<vmem>> -> memref<1x128x128xf32, #tpu.memory_space<vmem>>
    %dma_wait3A_1020 = tpu.memref_squeeze %dma_wait3A_1019 : memref<1x128x128xf32, #tpu.memory_space<vmem>> -> memref<128x128xf32, #tpu.memory_space<vmem>>
    %dma_wait3A_1021 = arith.constant 2688 : i32
    %dma_wait3A_1022 = tpu.memref_slice %arg5[%dma_wait3A_1021] : memref<5000xi32, #tpu.memory_space<vmem>> -> memref<128xi32, #tpu.memory_space<vmem>>
    %dma_wait3A_1023 = arith.constant 0 : i32
    %dma_wait3A_1024 = arith.constant 0 : i32
    %dma_wait3A_1025 = tpu.memref_slice %arg3[%dma_wait3A_1023, %dma_wait3A_1024] : memref<10000x128xf32, #tpu.memory_space<hbm>> -> memref<10000x128xf32, #tpu.memory_space<hbm>>
    tpu.wait_indirect_dma semaphore(%arg7 : memref<!tpu.dma_semaphore, #tpu.memory_space<semaphore_mem>>) src(%dma_wait3A_1025 : memref<10000x128xf32, #tpu.memory_space<hbm>>) dst(%dma_wait3A_1020 : memref<128x128xf32, #tpu.memory_space<vmem>>)
    %add3A_1026 = arith.constant 2688 : i32
    %add3A_1027 = arith.addi %mul3A_2, %add3A_1026 : i32
    %dma_start3A_1028 = arith.constant 0 : i32
    %dma_start3A_1029 = arith.constant 0 : i32
    %dma_start3A_1030 = arith.constant 0 : i32
    %dma_start3A_1031 = tpu.memref_slice %arg6[%dma_start3A_1028, %dma_start3A_1029, %dma_start3A_1030] : memref<3x128x128xf32, #tpu.memory_space<vmem>> -> memref<1x128x128xf32, #tpu.memory_space<vmem>>
    %dma_start3A_1032 = tpu.memref_squeeze %dma_start3A_1031 : memref<1x128x128xf32, #tpu.memory_space<vmem>> -> memref<128x128xf32, #tpu.memory_space<vmem>>
    %dma_start3A_1033 = arith.constant 0 : i32
    %dma_start3A_1034 = tpu.memref_slice %arg4[%add3A_1027, %dma_start3A_1033] : memref<160000x128xf32, #tpu.memory_space<hbm>> -> memref<128x128xf32, #tpu.memory_space<hbm>>
    %dma_start3A_1035 = arith.constant 0 : i32
    %dma_start3A_1036 = tpu.memref_slice %arg4[%add3A_1027, %dma_start3A_1035] : memref<160000x128xf32, #tpu.memory_space<hbm>> -> memref<128x128xf32, #tpu.memory_space<hbm>>
    %dma_start3A_1037 = arith.constant 0 : i32
    %dma_start3A_1038 = arith.constant 0 : i32
    %dma_start3A_1039 = tpu.memref_slice %arg6[%dma_start3A_1028, %dma_start3A_1037, %dma_start3A_1038] : memref<3x128x128xf32, #tpu.memory_space<vmem>> -> memref<1x128x128xf32, #tpu.memory_space<vmem>>
    %dma_start3A_1040 = tpu.memref_squeeze %dma_start3A_1039 : memref<1x128x128xf32, #tpu.memory_space<vmem>> -> memref<128x128xf32, #tpu.memory_space<vmem>>
    tpu.enqueue_dma source(%dma_start3A_1040 : memref<128x128xf32, #tpu.memory_space<vmem>>) target(%dma_start3A_1036 : memref<128x128xf32, #tpu.memory_space<hbm>>) target_semaphore(%arg10 : memref<!tpu.dma_semaphore, #tpu.memory_space<semaphore_mem>>)
    %dma_wait3A_1041 = arith.constant 2 : i32
    %dma_wait3A_1042 = arith.constant 0 : i32
    %dma_wait3A_1043 = arith.constant 0 : i32
    %dma_wait3A_1044 = tpu.memref_slice %arg6[%dma_wait3A_1041, %dma_wait3A_1042, %dma_wait3A_1043] : memref<3x128x128xf32, #tpu.memory_space<vmem>> -> memref<1x128x128xf32, #tpu.memory_space<vmem>>
    %dma_wait3A_1045 = tpu.memref_squeeze %dma_wait3A_1044 : memref<1x128x128xf32, #tpu.memory_space<vmem>> -> memref<128x128xf32, #tpu.memory_space<vmem>>
    %dma_wait3A_1046 = arith.constant 0 : i32
    %dma_wait3A_1047 = tpu.memref_slice %arg4[%add3A_979, %dma_wait3A_1046] : memref<160000x128xf32, #tpu.memory_space<hbm>> -> memref<128x128xf32, #tpu.memory_space<hbm>>
    %dma_wait3A_1048 = arith.constant 0 : i32
    %dma_wait3A_1049 = tpu.memref_slice %arg4[%add3A_979, %dma_wait3A_1048] : memref<160000x128xf32, #tpu.memory_space<hbm>> -> memref<128x128xf32, #tpu.memory_space<hbm>>
    %dma_wait3A_1050 = arith.constant 0 : i32
    %dma_wait3A_1051 = arith.constant 0 : i32
    %dma_wait3A_1052 = tpu.memref_slice %arg6[%dma_wait3A_1041, %dma_wait3A_1050, %dma_wait3A_1051] : memref<3x128x128xf32, #tpu.memory_space<vmem>> -> memref<1x128x128xf32, #tpu.memory_space<vmem>>
    %dma_wait3A_1053 = tpu.memref_squeeze %dma_wait3A_1052 : memref<1x128x128xf32, #tpu.memory_space<vmem>> -> memref<128x128xf32, #tpu.memory_space<vmem>>
    tpu.wait_dma2 semaphore(%arg12 : memref<!tpu.dma_semaphore, #tpu.memory_space<semaphore_mem>>) src(%dma_wait3A_1053 : memref<128x128xf32, #tpu.memory_space<vmem>>) dst(%dma_wait3A_1049 : memref<128x128xf32, #tpu.memory_space<hbm>>)
    %dma_start3A_1054 = arith.constant 2 : i32
    %dma_start3A_1055 = arith.constant 0 : i32
    %dma_start3A_1056 = arith.constant 0 : i32
    %dma_start3A_1057 = tpu.memref_slice %arg6[%dma_start3A_1054, %dma_start3A_1055, %dma_start3A_1056] : memref<3x128x128xf32, #tpu.memory_space<vmem>> -> memref<1x128x128xf32, #tpu.memory_space<vmem>>
    %dma_start3A_1058 = tpu.memref_squeeze %dma_start3A_1057 : memref<1x128x128xf32, #tpu.memory_space<vmem>> -> memref<128x128xf32, #tpu.memory_space<vmem>>
    %dma_start3A_1059 = arith.constant 2944 : i32
    %dma_start3A_1060 = tpu.memref_slice %arg5[%dma_start3A_1059] : memref<5000xi32, #tpu.memory_space<vmem>> -> memref<128xi32, #tpu.memory_space<vmem>>
    %dma_start3A_1061 = arith.constant 0 : i32
    %dma_start3A_1062 = arith.constant 0 : i32
    %dma_start3A_1063 = tpu.memref_slice %arg3[%dma_start3A_1061, %dma_start3A_1062] : memref<10000x128xf32, #tpu.memory_space<hbm>> -> memref<10000x128xf32, #tpu.memory_space<hbm>>
    tpu.enqueue_indirect_dma source(%dma_start3A_1063 : memref<10000x128xf32, #tpu.memory_space<hbm>>) target(%dma_start3A_1058 : memref<128x128xf32, #tpu.memory_space<vmem>>) offsets(%dma_start3A_1060 : memref<128xi32, #tpu.memory_space<vmem>>) semaphore(%arg9 : memref<!tpu.dma_semaphore, #tpu.memory_space<semaphore_mem>>)
    %dma_wait3A_1064 = arith.constant 1 : i32
    %dma_wait3A_1065 = arith.constant 0 : i32
    %dma_wait3A_1066 = arith.constant 0 : i32
    %dma_wait3A_1067 = tpu.memref_slice %arg6[%dma_wait3A_1064, %dma_wait3A_1065, %dma_wait3A_1066] : memref<3x128x128xf32, #tpu.memory_space<vmem>> -> memref<1x128x128xf32, #tpu.memory_space<vmem>>
    %dma_wait3A_1068 = tpu.memref_squeeze %dma_wait3A_1067 : memref<1x128x128xf32, #tpu.memory_space<vmem>> -> memref<128x128xf32, #tpu.memory_space<vmem>>
    %dma_wait3A_1069 = arith.constant 2816 : i32
    %dma_wait3A_1070 = tpu.memref_slice %arg5[%dma_wait3A_1069] : memref<5000xi32, #tpu.memory_space<vmem>> -> memref<128xi32, #tpu.memory_space<vmem>>
    %dma_wait3A_1071 = arith.constant 0 : i32
    %dma_wait3A_1072 = arith.constant 0 : i32
    %dma_wait3A_1073 = tpu.memref_slice %arg3[%dma_wait3A_1071, %dma_wait3A_1072] : memref<10000x128xf32, #tpu.memory_space<hbm>> -> memref<10000x128xf32, #tpu.memory_space<hbm>>
    tpu.wait_indirect_dma semaphore(%arg8 : memref<!tpu.dma_semaphore, #tpu.memory_space<semaphore_mem>>) src(%dma_wait3A_1073 : memref<10000x128xf32, #tpu.memory_space<hbm>>) dst(%dma_wait3A_1068 : memref<128x128xf32, #tpu.memory_space<vmem>>)
    %add3A_1074 = arith.constant 2816 : i32
    %add3A_1075 = arith.addi %mul3A_2, %add3A_1074 : i32
    %dma_start3A_1076 = arith.constant 1 : i32
    %dma_start3A_1077 = arith.constant 0 : i32
    %dma_start3A_1078 = arith.constant 0 : i32
    %dma_start3A_1079 = tpu.memref_slice %arg6[%dma_start3A_1076, %dma_start3A_1077, %dma_start3A_1078] : memref<3x128x128xf32, #tpu.memory_space<vmem>> -> memref<1x128x128xf32, #tpu.memory_space<vmem>>
    %dma_start3A_1080 = tpu.memref_squeeze %dma_start3A_1079 : memref<1x128x128xf32, #tpu.memory_space<vmem>> -> memref<128x128xf32, #tpu.memory_space<vmem>>
    %dma_start3A_1081 = arith.constant 0 : i32
    %dma_start3A_1082 = tpu.memref_slice %arg4[%add3A_1075, %dma_start3A_1081] : memref<160000x128xf32, #tpu.memory_space<hbm>> -> memref<128x128xf32, #tpu.memory_space<hbm>>
    %dma_start3A_1083 = arith.constant 0 : i32
    %dma_start3A_1084 = tpu.memref_slice %arg4[%add3A_1075, %dma_start3A_1083] : memref<160000x128xf32, #tpu.memory_space<hbm>> -> memref<128x128xf32, #tpu.memory_space<hbm>>
    %dma_start3A_1085 = arith.constant 0 : i32
    %dma_start3A_1086 = arith.constant 0 : i32
    %dma_start3A_1087 = tpu.memref_slice %arg6[%dma_start3A_1076, %dma_start3A_1085, %dma_start3A_1086] : memref<3x128x128xf32, #tpu.memory_space<vmem>> -> memref<1x128x128xf32, #tpu.memory_space<vmem>>
    %dma_start3A_1088 = tpu.memref_squeeze %dma_start3A_1087 : memref<1x128x128xf32, #tpu.memory_space<vmem>> -> memref<128x128xf32, #tpu.memory_space<vmem>>
    tpu.enqueue_dma source(%dma_start3A_1088 : memref<128x128xf32, #tpu.memory_space<vmem>>) target(%dma_start3A_1084 : memref<128x128xf32, #tpu.memory_space<hbm>>) target_semaphore(%arg11 : memref<!tpu.dma_semaphore, #tpu.memory_space<semaphore_mem>>)
    %dma_wait3A_1089 = arith.constant 0 : i32
    %dma_wait3A_1090 = arith.constant 0 : i32
    %dma_wait3A_1091 = arith.constant 0 : i32
    %dma_wait3A_1092 = tpu.memref_slice %arg6[%dma_wait3A_1089, %dma_wait3A_1090, %dma_wait3A_1091] : memref<3x128x128xf32, #tpu.memory_space<vmem>> -> memref<1x128x128xf32, #tpu.memory_space<vmem>>
    %dma_wait3A_1093 = tpu.memref_squeeze %dma_wait3A_1092 : memref<1x128x128xf32, #tpu.memory_space<vmem>> -> memref<128x128xf32, #tpu.memory_space<vmem>>
    %dma_wait3A_1094 = arith.constant 0 : i32
    %dma_wait3A_1095 = tpu.memref_slice %arg4[%add3A_1027, %dma_wait3A_1094] : memref<160000x128xf32, #tpu.memory_space<hbm>> -> memref<128x128xf32, #tpu.memory_space<hbm>>
    %dma_wait3A_1096 = arith.constant 0 : i32
    %dma_wait3A_1097 = tpu.memref_slice %arg4[%add3A_1027, %dma_wait3A_1096] : memref<160000x128xf32, #tpu.memory_space<hbm>> -> memref<128x128xf32, #tpu.memory_space<hbm>>
    %dma_wait3A_1098 = arith.constant 0 : i32
    %dma_wait3A_1099 = arith.constant 0 : i32
    %dma_wait3A_1100 = tpu.memref_slice %arg6[%dma_wait3A_1089, %dma_wait3A_1098, %dma_wait3A_1099] : memref<3x128x128xf32, #tpu.memory_space<vmem>> -> memref<1x128x128xf32, #tpu.memory_space<vmem>>
    %dma_wait3A_1101 = tpu.memref_squeeze %dma_wait3A_1100 : memref<1x128x128xf32, #tpu.memory_space<vmem>> -> memref<128x128xf32, #tpu.memory_space<vmem>>
    tpu.wait_dma2 semaphore(%arg10 : memref<!tpu.dma_semaphore, #tpu.memory_space<semaphore_mem>>) src(%dma_wait3A_1101 : memref<128x128xf32, #tpu.memory_space<vmem>>) dst(%dma_wait3A_1097 : memref<128x128xf32, #tpu.memory_space<hbm>>)
    %dma_start3A_1102 = arith.constant 0 : i32
    %dma_start3A_1103 = arith.constant 0 : i32
    %dma_start3A_1104 = arith.constant 0 : i32
    %dma_start3A_1105 = tpu.memref_slice %arg6[%dma_start3A_1102, %dma_start3A_1103, %dma_start3A_1104] : memref<3x128x128xf32, #tpu.memory_space<vmem>> -> memref<1x128x128xf32, #tpu.memory_space<vmem>>
    %dma_start3A_1106 = tpu.memref_squeeze %dma_start3A_1105 : memref<1x128x128xf32, #tpu.memory_space<vmem>> -> memref<128x128xf32, #tpu.memory_space<vmem>>
    %dma_start3A_1107 = arith.constant 3072 : i32
    %dma_start3A_1108 = tpu.memref_slice %arg5[%dma_start3A_1107] : memref<5000xi32, #tpu.memory_space<vmem>> -> memref<128xi32, #tpu.memory_space<vmem>>
    %dma_start3A_1109 = arith.constant 0 : i32
    %dma_start3A_1110 = arith.constant 0 : i32
    %dma_start3A_1111 = tpu.memref_slice %arg3[%dma_start3A_1109, %dma_start3A_1110] : memref<10000x128xf32, #tpu.memory_space<hbm>> -> memref<10000x128xf32, #tpu.memory_space<hbm>>
    tpu.enqueue_indirect_dma source(%dma_start3A_1111 : memref<10000x128xf32, #tpu.memory_space<hbm>>) target(%dma_start3A_1106 : memref<128x128xf32, #tpu.memory_space<vmem>>) offsets(%dma_start3A_1108 : memref<128xi32, #tpu.memory_space<vmem>>) semaphore(%arg7 : memref<!tpu.dma_semaphore, #tpu.memory_space<semaphore_mem>>)
    %dma_wait3A_1112 = arith.constant 2 : i32
    %dma_wait3A_1113 = arith.constant 0 : i32
    %dma_wait3A_1114 = arith.constant 0 : i32
    %dma_wait3A_1115 = tpu.memref_slice %arg6[%dma_wait3A_1112, %dma_wait3A_1113, %dma_wait3A_1114] : memref<3x128x128xf32, #tpu.memory_space<vmem>> -> memref<1x128x128xf32, #tpu.memory_space<vmem>>
    %dma_wait3A_1116 = tpu.memref_squeeze %dma_wait3A_1115 : memref<1x128x128xf32, #tpu.memory_space<vmem>> -> memref<128x128xf32, #tpu.memory_space<vmem>>
    %dma_wait3A_1117 = arith.constant 2944 : i32
    %dma_wait3A_1118 = tpu.memref_slice %arg5[%dma_wait3A_1117] : memref<5000xi32, #tpu.memory_space<vmem>> -> memref<128xi32, #tpu.memory_space<vmem>>
    %dma_wait3A_1119 = arith.constant 0 : i32
    %dma_wait3A_1120 = arith.constant 0 : i32
    %dma_wait3A_1121 = tpu.memref_slice %arg3[%dma_wait3A_1119, %dma_wait3A_1120] : memref<10000x128xf32, #tpu.memory_space<hbm>> -> memref<10000x128xf32, #tpu.memory_space<hbm>>
    tpu.wait_indirect_dma semaphore(%arg9 : memref<!tpu.dma_semaphore, #tpu.memory_space<semaphore_mem>>) src(%dma_wait3A_1121 : memref<10000x128xf32, #tpu.memory_space<hbm>>) dst(%dma_wait3A_1116 : memref<128x128xf32, #tpu.memory_space<vmem>>)
    %add3A_1122 = arith.constant 2944 : i32
    %add3A_1123 = arith.addi %mul3A_2, %add3A_1122 : i32
    %dma_start3A_1124 = arith.constant 2 : i32
    %dma_start3A_1125 = arith.constant 0 : i32
    %dma_start3A_1126 = arith.constant 0 : i32
    %dma_start3A_1127 = tpu.memref_slice %arg6[%dma_start3A_1124, %dma_start3A_1125, %dma_start3A_1126] : memref<3x128x128xf32, #tpu.memory_space<vmem>> -> memref<1x128x128xf32, #tpu.memory_space<vmem>>
    %dma_start3A_1128 = tpu.memref_squeeze %dma_start3A_1127 : memref<1x128x128xf32, #tpu.memory_space<vmem>> -> memref<128x128xf32, #tpu.memory_space<vmem>>
    %dma_start3A_1129 = arith.constant 0 : i32
    %dma_start3A_1130 = tpu.memref_slice %arg4[%add3A_1123, %dma_start3A_1129] : memref<160000x128xf32, #tpu.memory_space<hbm>> -> memref<128x128xf32, #tpu.memory_space<hbm>>
    %dma_start3A_1131 = arith.constant 0 : i32
    %dma_start3A_1132 = tpu.memref_slice %arg4[%add3A_1123, %dma_start3A_1131] : memref<160000x128xf32, #tpu.memory_space<hbm>> -> memref<128x128xf32, #tpu.memory_space<hbm>>
    %dma_start3A_1133 = arith.constant 0 : i32
    %dma_start3A_1134 = arith.constant 0 : i32
    %dma_start3A_1135 = tpu.memref_slice %arg6[%dma_start3A_1124, %dma_start3A_1133, %dma_start3A_1134] : memref<3x128x128xf32, #tpu.memory_space<vmem>> -> memref<1x128x128xf32, #tpu.memory_space<vmem>>
    %dma_start3A_1136 = tpu.memref_squeeze %dma_start3A_1135 : memref<1x128x128xf32, #tpu.memory_space<vmem>> -> memref<128x128xf32, #tpu.memory_space<vmem>>
    tpu.enqueue_dma source(%dma_start3A_1136 : memref<128x128xf32, #tpu.memory_space<vmem>>) target(%dma_start3A_1132 : memref<128x128xf32, #tpu.memory_space<hbm>>) target_semaphore(%arg12 : memref<!tpu.dma_semaphore, #tpu.memory_space<semaphore_mem>>)
    %dma_wait3A_1137 = arith.constant 1 : i32
    %dma_wait3A_1138 = arith.constant 0 : i32
    %dma_wait3A_1139 = arith.constant 0 : i32
    %dma_wait3A_1140 = tpu.memref_slice %arg6[%dma_wait3A_1137, %dma_wait3A_1138, %dma_wait3A_1139] : memref<3x128x128xf32, #tpu.memory_space<vmem>> -> memref<1x128x128xf32, #tpu.memory_space<vmem>>
    %dma_wait3A_1141 = tpu.memref_squeeze %dma_wait3A_1140 : memref<1x128x128xf32, #tpu.memory_space<vmem>> -> memref<128x128xf32, #tpu.memory_space<vmem>>
    %dma_wait3A_1142 = arith.constant 0 : i32
    %dma_wait3A_1143 = tpu.memref_slice %arg4[%add3A_1075, %dma_wait3A_1142] : memref<160000x128xf32, #tpu.memory_space<hbm>> -> memref<128x128xf32, #tpu.memory_space<hbm>>
    %dma_wait3A_1144 = arith.constant 0 : i32
    %dma_wait3A_1145 = tpu.memref_slice %arg4[%add3A_1075, %dma_wait3A_1144] : memref<160000x128xf32, #tpu.memory_space<hbm>> -> memref<128x128xf32, #tpu.memory_space<hbm>>
    %dma_wait3A_1146 = arith.constant 0 : i32
    %dma_wait3A_1147 = arith.constant 0 : i32
    %dma_wait3A_1148 = tpu.memref_slice %arg6[%dma_wait3A_1137, %dma_wait3A_1146, %dma_wait3A_1147] : memref<3x128x128xf32, #tpu.memory_space<vmem>> -> memref<1x128x128xf32, #tpu.memory_space<vmem>>
    %dma_wait3A_1149 = tpu.memref_squeeze %dma_wait3A_1148 : memref<1x128x128xf32, #tpu.memory_space<vmem>> -> memref<128x128xf32, #tpu.memory_space<vmem>>
    tpu.wait_dma2 semaphore(%arg11 : memref<!tpu.dma_semaphore, #tpu.memory_space<semaphore_mem>>) src(%dma_wait3A_1149 : memref<128x128xf32, #tpu.memory_space<vmem>>) dst(%dma_wait3A_1145 : memref<128x128xf32, #tpu.memory_space<hbm>>)
    %dma_start3A_1150 = arith.constant 1 : i32
    %dma_start3A_1151 = arith.constant 0 : i32
    %dma_start3A_1152 = arith.constant 0 : i32
    %dma_start3A_1153 = tpu.memref_slice %arg6[%dma_start3A_1150, %dma_start3A_1151, %dma_start3A_1152] : memref<3x128x128xf32, #tpu.memory_space<vmem>> -> memref<1x128x128xf32, #tpu.memory_space<vmem>>
    %dma_start3A_1154 = tpu.memref_squeeze %dma_start3A_1153 : memref<1x128x128xf32, #tpu.memory_space<vmem>> -> memref<128x128xf32, #tpu.memory_space<vmem>>
    %dma_start3A_1155 = arith.constant 3200 : i32
    %dma_start3A_1156 = tpu.memref_slice %arg5[%dma_start3A_1155] : memref<5000xi32, #tpu.memory_space<vmem>> -> memref<128xi32, #tpu.memory_space<vmem>>
    %dma_start3A_1157 = arith.constant 0 : i32
    %dma_start3A_1158 = arith.constant 0 : i32
    %dma_start3A_1159 = tpu.memref_slice %arg3[%dma_start3A_1157, %dma_start3A_1158] : memref<10000x128xf32, #tpu.memory_space<hbm>> -> memref<10000x128xf32, #tpu.memory_space<hbm>>
    tpu.enqueue_indirect_dma source(%dma_start3A_1159 : memref<10000x128xf32, #tpu.memory_space<hbm>>) target(%dma_start3A_1154 : memref<128x128xf32, #tpu.memory_space<vmem>>) offsets(%dma_start3A_1156 : memref<128xi32, #tpu.memory_space<vmem>>) semaphore(%arg8 : memref<!tpu.dma_semaphore, #tpu.memory_space<semaphore_mem>>)
    %dma_wait3A_1160 = arith.constant 0 : i32
    %dma_wait3A_1161 = arith.constant 0 : i32
    %dma_wait3A_1162 = arith.constant 0 : i32
    %dma_wait3A_1163 = tpu.memref_slice %arg6[%dma_wait3A_1160, %dma_wait3A_1161, %dma_wait3A_1162] : memref<3x128x128xf32, #tpu.memory_space<vmem>> -> memref<1x128x128xf32, #tpu.memory_space<vmem>>
    %dma_wait3A_1164 = tpu.memref_squeeze %dma_wait3A_1163 : memref<1x128x128xf32, #tpu.memory_space<vmem>> -> memref<128x128xf32, #tpu.memory_space<vmem>>
    %dma_wait3A_1165 = arith.constant 3072 : i32
    %dma_wait3A_1166 = tpu.memref_slice %arg5[%dma_wait3A_1165] : memref<5000xi32, #tpu.memory_space<vmem>> -> memref<128xi32, #tpu.memory_space<vmem>>
    %dma_wait3A_1167 = arith.constant 0 : i32
    %dma_wait3A_1168 = arith.constant 0 : i32
    %dma_wait3A_1169 = tpu.memref_slice %arg3[%dma_wait3A_1167, %dma_wait3A_1168] : memref<10000x128xf32, #tpu.memory_space<hbm>> -> memref<10000x128xf32, #tpu.memory_space<hbm>>
    tpu.wait_indirect_dma semaphore(%arg7 : memref<!tpu.dma_semaphore, #tpu.memory_space<semaphore_mem>>) src(%dma_wait3A_1169 : memref<10000x128xf32, #tpu.memory_space<hbm>>) dst(%dma_wait3A_1164 : memref<128x128xf32, #tpu.memory_space<vmem>>)
    %add3A_1170 = arith.constant 3072 : i32
    %add3A_1171 = arith.addi %mul3A_2, %add3A_1170 : i32
    %dma_start3A_1172 = arith.constant 0 : i32
    %dma_start3A_1173 = arith.constant 0 : i32
    %dma_start3A_1174 = arith.constant 0 : i32
    %dma_start3A_1175 = tpu.memref_slice %arg6[%dma_start3A_1172, %dma_start3A_1173, %dma_start3A_1174] : memref<3x128x128xf32, #tpu.memory_space<vmem>> -> memref<1x128x128xf32, #tpu.memory_space<vmem>>
    %dma_start3A_1176 = tpu.memref_squeeze %dma_start3A_1175 : memref<1x128x128xf32, #tpu.memory_space<vmem>> -> memref<128x128xf32, #tpu.memory_space<vmem>>
    %dma_start3A_1177 = arith.constant 0 : i32
    %dma_start3A_1178 = tpu.memref_slice %arg4[%add3A_1171, %dma_start3A_1177] : memref<160000x128xf32, #tpu.memory_space<hbm>> -> memref<128x128xf32, #tpu.memory_space<hbm>>
    %dma_start3A_1179 = arith.constant 0 : i32
    %dma_start3A_1180 = tpu.memref_slice %arg4[%add3A_1171, %dma_start3A_1179] : memref<160000x128xf32, #tpu.memory_space<hbm>> -> memref<128x128xf32, #tpu.memory_space<hbm>>
    %dma_start3A_1181 = arith.constant 0 : i32
    %dma_start3A_1182 = arith.constant 0 : i32
    %dma_start3A_1183 = tpu.memref_slice %arg6[%dma_start3A_1172, %dma_start3A_1181, %dma_start3A_1182] : memref<3x128x128xf32, #tpu.memory_space<vmem>> -> memref<1x128x128xf32, #tpu.memory_space<vmem>>
    %dma_start3A_1184 = tpu.memref_squeeze %dma_start3A_1183 : memref<1x128x128xf32, #tpu.memory_space<vmem>> -> memref<128x128xf32, #tpu.memory_space<vmem>>
    tpu.enqueue_dma source(%dma_start3A_1184 : memref<128x128xf32, #tpu.memory_space<vmem>>) target(%dma_start3A_1180 : memref<128x128xf32, #tpu.memory_space<hbm>>) target_semaphore(%arg10 : memref<!tpu.dma_semaphore, #tpu.memory_space<semaphore_mem>>)
    %dma_wait3A_1185 = arith.constant 2 : i32
    %dma_wait3A_1186 = arith.constant 0 : i32
    %dma_wait3A_1187 = arith.constant 0 : i32
    %dma_wait3A_1188 = tpu.memref_slice %arg6[%dma_wait3A_1185, %dma_wait3A_1186, %dma_wait3A_1187] : memref<3x128x128xf32, #tpu.memory_space<vmem>> -> memref<1x128x128xf32, #tpu.memory_space<vmem>>
    %dma_wait3A_1189 = tpu.memref_squeeze %dma_wait3A_1188 : memref<1x128x128xf32, #tpu.memory_space<vmem>> -> memref<128x128xf32, #tpu.memory_space<vmem>>
    %dma_wait3A_1190 = arith.constant 0 : i32
    %dma_wait3A_1191 = tpu.memref_slice %arg4[%add3A_1123, %dma_wait3A_1190] : memref<160000x128xf32, #tpu.memory_space<hbm>> -> memref<128x128xf32, #tpu.memory_space<hbm>>
    %dma_wait3A_1192 = arith.constant 0 : i32
    %dma_wait3A_1193 = tpu.memref_slice %arg4[%add3A_1123, %dma_wait3A_1192] : memref<160000x128xf32, #tpu.memory_space<hbm>> -> memref<128x128xf32, #tpu.memory_space<hbm>>
    %dma_wait3A_1194 = arith.constant 0 : i32
    %dma_wait3A_1195 = arith.constant 0 : i32
    %dma_wait3A_1196 = tpu.memref_slice %arg6[%dma_wait3A_1185, %dma_wait3A_1194, %dma_wait3A_1195] : memref<3x128x128xf32, #tpu.memory_space<vmem>> -> memref<1x128x128xf32, #tpu.memory_space<vmem>>
    %dma_wait3A_1197 = tpu.memref_squeeze %dma_wait3A_1196 : memref<1x128x128xf32, #tpu.memory_space<vmem>> -> memref<128x128xf32, #tpu.memory_space<vmem>>
    tpu.wait_dma2 semaphore(%arg12 : memref<!tpu.dma_semaphore, #tpu.memory_space<semaphore_mem>>) src(%dma_wait3A_1197 : memref<128x128xf32, #tpu.memory_space<vmem>>) dst(%dma_wait3A_1193 : memref<128x128xf32, #tpu.memory_space<hbm>>)
    %dma_start3A_1198 = arith.constant 2 : i32
    %dma_start3A_1199 = arith.constant 0 : i32
    %dma_start3A_1200 = arith.constant 0 : i32
    %dma_start3A_1201 = tpu.memref_slice %arg6[%dma_start3A_1198, %dma_start3A_1199, %dma_start3A_1200] : memref<3x128x128xf32, #tpu.memory_space<vmem>> -> memref<1x128x128xf32, #tpu.memory_space<vmem>>
    %dma_start3A_1202 = tpu.memref_squeeze %dma_start3A_1201 : memref<1x128x128xf32, #tpu.memory_space<vmem>> -> memref<128x128xf32, #tpu.memory_space<vmem>>
    %dma_start3A_1203 = arith.constant 3328 : i32
    %dma_start3A_1204 = tpu.memref_slice %arg5[%dma_start3A_1203] : memref<5000xi32, #tpu.memory_space<vmem>> -> memref<128xi32, #tpu.memory_space<vmem>>
    %dma_start3A_1205 = arith.constant 0 : i32
    %dma_start3A_1206 = arith.constant 0 : i32
    %dma_start3A_1207 = tpu.memref_slice %arg3[%dma_start3A_1205, %dma_start3A_1206] : memref<10000x128xf32, #tpu.memory_space<hbm>> -> memref<10000x128xf32, #tpu.memory_space<hbm>>
    tpu.enqueue_indirect_dma source(%dma_start3A_1207 : memref<10000x128xf32, #tpu.memory_space<hbm>>) target(%dma_start3A_1202 : memref<128x128xf32, #tpu.memory_space<vmem>>) offsets(%dma_start3A_1204 : memref<128xi32, #tpu.memory_space<vmem>>) semaphore(%arg9 : memref<!tpu.dma_semaphore, #tpu.memory_space<semaphore_mem>>)
    %dma_wait3A_1208 = arith.constant 1 : i32
    %dma_wait3A_1209 = arith.constant 0 : i32
    %dma_wait3A_1210 = arith.constant 0 : i32
    %dma_wait3A_1211 = tpu.memref_slice %arg6[%dma_wait3A_1208, %dma_wait3A_1209, %dma_wait3A_1210] : memref<3x128x128xf32, #tpu.memory_space<vmem>> -> memref<1x128x128xf32, #tpu.memory_space<vmem>>
    %dma_wait3A_1212 = tpu.memref_squeeze %dma_wait3A_1211 : memref<1x128x128xf32, #tpu.memory_space<vmem>> -> memref<128x128xf32, #tpu.memory_space<vmem>>
    %dma_wait3A_1213 = arith.constant 3200 : i32
    %dma_wait3A_1214 = tpu.memref_slice %arg5[%dma_wait3A_1213] : memref<5000xi32, #tpu.memory_space<vmem>> -> memref<128xi32, #tpu.memory_space<vmem>>
    %dma_wait3A_1215 = arith.constant 0 : i32
    %dma_wait3A_1216 = arith.constant 0 : i32
    %dma_wait3A_1217 = tpu.memref_slice %arg3[%dma_wait3A_1215, %dma_wait3A_1216] : memref<10000x128xf32, #tpu.memory_space<hbm>> -> memref<10000x128xf32, #tpu.memory_space<hbm>>
    tpu.wait_indirect_dma semaphore(%arg8 : memref<!tpu.dma_semaphore, #tpu.memory_space<semaphore_mem>>) src(%dma_wait3A_1217 : memref<10000x128xf32, #tpu.memory_space<hbm>>) dst(%dma_wait3A_1212 : memref<128x128xf32, #tpu.memory_space<vmem>>)
    %add3A_1218 = arith.constant 3200 : i32
    %add3A_1219 = arith.addi %mul3A_2, %add3A_1218 : i32
    %dma_start3A_1220 = arith.constant 1 : i32
    %dma_start3A_1221 = arith.constant 0 : i32
    %dma_start3A_1222 = arith.constant 0 : i32
    %dma_start3A_1223 = tpu.memref_slice %arg6[%dma_start3A_1220, %dma_start3A_1221, %dma_start3A_1222] : memref<3x128x128xf32, #tpu.memory_space<vmem>> -> memref<1x128x128xf32, #tpu.memory_space<vmem>>
    %dma_start3A_1224 = tpu.memref_squeeze %dma_start3A_1223 : memref<1x128x128xf32, #tpu.memory_space<vmem>> -> memref<128x128xf32, #tpu.memory_space<vmem>>
    %dma_start3A_1225 = arith.constant 0 : i32
    %dma_start3A_1226 = tpu.memref_slice %arg4[%add3A_1219, %dma_start3A_1225] : memref<160000x128xf32, #tpu.memory_space<hbm>> -> memref<128x128xf32, #tpu.memory_space<hbm>>
    %dma_start3A_1227 = arith.constant 0 : i32
    %dma_start3A_1228 = tpu.memref_slice %arg4[%add3A_1219, %dma_start3A_1227] : memref<160000x128xf32, #tpu.memory_space<hbm>> -> memref<128x128xf32, #tpu.memory_space<hbm>>
    %dma_start3A_1229 = arith.constant 0 : i32
    %dma_start3A_1230 = arith.constant 0 : i32
    %dma_start3A_1231 = tpu.memref_slice %arg6[%dma_start3A_1220, %dma_start3A_1229, %dma_start3A_1230] : memref<3x128x128xf32, #tpu.memory_space<vmem>> -> memref<1x128x128xf32, #tpu.memory_space<vmem>>
    %dma_start3A_1232 = tpu.memref_squeeze %dma_start3A_1231 : memref<1x128x128xf32, #tpu.memory_space<vmem>> -> memref<128x128xf32, #tpu.memory_space<vmem>>
    tpu.enqueue_dma source(%dma_start3A_1232 : memref<128x128xf32, #tpu.memory_space<vmem>>) target(%dma_start3A_1228 : memref<128x128xf32, #tpu.memory_space<hbm>>) target_semaphore(%arg11 : memref<!tpu.dma_semaphore, #tpu.memory_space<semaphore_mem>>)
    %dma_wait3A_1233 = arith.constant 0 : i32
    %dma_wait3A_1234 = arith.constant 0 : i32
    %dma_wait3A_1235 = arith.constant 0 : i32
    %dma_wait3A_1236 = tpu.memref_slice %arg6[%dma_wait3A_1233, %dma_wait3A_1234, %dma_wait3A_1235] : memref<3x128x128xf32, #tpu.memory_space<vmem>> -> memref<1x128x128xf32, #tpu.memory_space<vmem>>
    %dma_wait3A_1237 = tpu.memref_squeeze %dma_wait3A_1236 : memref<1x128x128xf32, #tpu.memory_space<vmem>> -> memref<128x128xf32, #tpu.memory_space<vmem>>
    %dma_wait3A_1238 = arith.constant 0 : i32
    %dma_wait3A_1239 = tpu.memref_slice %arg4[%add3A_1171, %dma_wait3A_1238] : memref<160000x128xf32, #tpu.memory_space<hbm>> -> memref<128x128xf32, #tpu.memory_space<hbm>>
    %dma_wait3A_1240 = arith.constant 0 : i32
    %dma_wait3A_1241 = tpu.memref_slice %arg4[%add3A_1171, %dma_wait3A_1240] : memref<160000x128xf32, #tpu.memory_space<hbm>> -> memref<128x128xf32, #tpu.memory_space<hbm>>
    %dma_wait3A_1242 = arith.constant 0 : i32
    %dma_wait3A_1243 = arith.constant 0 : i32
    %dma_wait3A_1244 = tpu.memref_slice %arg6[%dma_wait3A_1233, %dma_wait3A_1242, %dma_wait3A_1243] : memref<3x128x128xf32, #tpu.memory_space<vmem>> -> memref<1x128x128xf32, #tpu.memory_space<vmem>>
    %dma_wait3A_1245 = tpu.memref_squeeze %dma_wait3A_1244 : memref<1x128x128xf32, #tpu.memory_space<vmem>> -> memref<128x128xf32, #tpu.memory_space<vmem>>
    tpu.wait_dma2 semaphore(%arg10 : memref<!tpu.dma_semaphore, #tpu.memory_space<semaphore_mem>>) src(%dma_wait3A_1245 : memref<128x128xf32, #tpu.memory_space<vmem>>) dst(%dma_wait3A_1241 : memref<128x128xf32, #tpu.memory_space<hbm>>)
    %dma_start3A_1246 = arith.constant 0 : i32
    %dma_start3A_1247 = arith.constant 0 : i32
    %dma_start3A_1248 = arith.constant 0 : i32
    %dma_start3A_1249 = tpu.memref_slice %arg6[%dma_start3A_1246, %dma_start3A_1247, %dma_start3A_1248] : memref<3x128x128xf32, #tpu.memory_space<vmem>> -> memref<1x128x128xf32, #tpu.memory_space<vmem>>
    %dma_start3A_1250 = tpu.memref_squeeze %dma_start3A_1249 : memref<1x128x128xf32, #tpu.memory_space<vmem>> -> memref<128x128xf32, #tpu.memory_space<vmem>>
    %dma_start3A_1251 = arith.constant 3456 : i32
    %dma_start3A_1252 = tpu.memref_slice %arg5[%dma_start3A_1251] : memref<5000xi32, #tpu.memory_space<vmem>> -> memref<128xi32, #tpu.memory_space<vmem>>
    %dma_start3A_1253 = arith.constant 0 : i32
    %dma_start3A_1254 = arith.constant 0 : i32
    %dma_start3A_1255 = tpu.memref_slice %arg3[%dma_start3A_1253, %dma_start3A_1254] : memref<10000x128xf32, #tpu.memory_space<hbm>> -> memref<10000x128xf32, #tpu.memory_space<hbm>>
    tpu.enqueue_indirect_dma source(%dma_start3A_1255 : memref<10000x128xf32, #tpu.memory_space<hbm>>) target(%dma_start3A_1250 : memref<128x128xf32, #tpu.memory_space<vmem>>) offsets(%dma_start3A_1252 : memref<128xi32, #tpu.memory_space<vmem>>) semaphore(%arg7 : memref<!tpu.dma_semaphore, #tpu.memory_space<semaphore_mem>>)
    %dma_wait3A_1256 = arith.constant 2 : i32
    %dma_wait3A_1257 = arith.constant 0 : i32
    %dma_wait3A_1258 = arith.constant 0 : i32
    %dma_wait3A_1259 = tpu.memref_slice %arg6[%dma_wait3A_1256, %dma_wait3A_1257, %dma_wait3A_1258] : memref<3x128x128xf32, #tpu.memory_space<vmem>> -> memref<1x128x128xf32, #tpu.memory_space<vmem>>
    %dma_wait3A_1260 = tpu.memref_squeeze %dma_wait3A_1259 : memref<1x128x128xf32, #tpu.memory_space<vmem>> -> memref<128x128xf32, #tpu.memory_space<vmem>>
    %dma_wait3A_1261 = arith.constant 3328 : i32
    %dma_wait3A_1262 = tpu.memref_slice %arg5[%dma_wait3A_1261] : memref<5000xi32, #tpu.memory_space<vmem>> -> memref<128xi32, #tpu.memory_space<vmem>>
    %dma_wait3A_1263 = arith.constant 0 : i32
    %dma_wait3A_1264 = arith.constant 0 : i32
    %dma_wait3A_1265 = tpu.memref_slice %arg3[%dma_wait3A_1263, %dma_wait3A_1264] : memref<10000x128xf32, #tpu.memory_space<hbm>> -> memref<10000x128xf32, #tpu.memory_space<hbm>>
    tpu.wait_indirect_dma semaphore(%arg9 : memref<!tpu.dma_semaphore, #tpu.memory_space<semaphore_mem>>) src(%dma_wait3A_1265 : memref<10000x128xf32, #tpu.memory_space<hbm>>) dst(%dma_wait3A_1260 : memref<128x128xf32, #tpu.memory_space<vmem>>)
    %add3A_1266 = arith.constant 3328 : i32
    %add3A_1267 = arith.addi %mul3A_2, %add3A_1266 : i32
    %dma_start3A_1268 = arith.constant 2 : i32
    %dma_start3A_1269 = arith.constant 0 : i32
    %dma_start3A_1270 = arith.constant 0 : i32
    %dma_start3A_1271 = tpu.memref_slice %arg6[%dma_start3A_1268, %dma_start3A_1269, %dma_start3A_1270] : memref<3x128x128xf32, #tpu.memory_space<vmem>> -> memref<1x128x128xf32, #tpu.memory_space<vmem>>
    %dma_start3A_1272 = tpu.memref_squeeze %dma_start3A_1271 : memref<1x128x128xf32, #tpu.memory_space<vmem>> -> memref<128x128xf32, #tpu.memory_space<vmem>>
    %dma_start3A_1273 = arith.constant 0 : i32
    %dma_start3A_1274 = tpu.memref_slice %arg4[%add3A_1267, %dma_start3A_1273] : memref<160000x128xf32, #tpu.memory_space<hbm>> -> memref<128x128xf32, #tpu.memory_space<hbm>>
    %dma_start3A_1275 = arith.constant 0 : i32
    %dma_start3A_1276 = tpu.memref_slice %arg4[%add3A_1267, %dma_start3A_1275] : memref<160000x128xf32, #tpu.memory_space<hbm>> -> memref<128x128xf32, #tpu.memory_space<hbm>>
    %dma_start3A_1277 = arith.constant 0 : i32
    %dma_start3A_1278 = arith.constant 0 : i32
    %dma_start3A_1279 = tpu.memref_slice %arg6[%dma_start3A_1268, %dma_start3A_1277, %dma_start3A_1278] : memref<3x128x128xf32, #tpu.memory_space<vmem>> -> memref<1x128x128xf32, #tpu.memory_space<vmem>>
    %dma_start3A_1280 = tpu.memref_squeeze %dma_start3A_1279 : memref<1x128x128xf32, #tpu.memory_space<vmem>> -> memref<128x128xf32, #tpu.memory_space<vmem>>
    tpu.enqueue_dma source(%dma_start3A_1280 : memref<128x128xf32, #tpu.memory_space<vmem>>) target(%dma_start3A_1276 : memref<128x128xf32, #tpu.memory_space<hbm>>) target_semaphore(%arg12 : memref<!tpu.dma_semaphore, #tpu.memory_space<semaphore_mem>>)
    %dma_wait3A_1281 = arith.constant 1 : i32
    %dma_wait3A_1282 = arith.constant 0 : i32
    %dma_wait3A_1283 = arith.constant 0 : i32
    %dma_wait3A_1284 = tpu.memref_slice %arg6[%dma_wait3A_1281, %dma_wait3A_1282, %dma_wait3A_1283] : memref<3x128x128xf32, #tpu.memory_space<vmem>> -> memref<1x128x128xf32, #tpu.memory_space<vmem>>
    %dma_wait3A_1285 = tpu.memref_squeeze %dma_wait3A_1284 : memref<1x128x128xf32, #tpu.memory_space<vmem>> -> memref<128x128xf32, #tpu.memory_space<vmem>>
    %dma_wait3A_1286 = arith.constant 0 : i32
    %dma_wait3A_1287 = tpu.memref_slice %arg4[%add3A_1219, %dma_wait3A_1286] : memref<160000x128xf32, #tpu.memory_space<hbm>> -> memref<128x128xf32, #tpu.memory_space<hbm>>
    %dma_wait3A_1288 = arith.constant 0 : i32
    %dma_wait3A_1289 = tpu.memref_slice %arg4[%add3A_1219, %dma_wait3A_1288] : memref<160000x128xf32, #tpu.memory_space<hbm>> -> memref<128x128xf32, #tpu.memory_space<hbm>>
    %dma_wait3A_1290 = arith.constant 0 : i32
    %dma_wait3A_1291 = arith.constant 0 : i32
    %dma_wait3A_1292 = tpu.memref_slice %arg6[%dma_wait3A_1281, %dma_wait3A_1290, %dma_wait3A_1291] : memref<3x128x128xf32, #tpu.memory_space<vmem>> -> memref<1x128x128xf32, #tpu.memory_space<vmem>>
    %dma_wait3A_1293 = tpu.memref_squeeze %dma_wait3A_1292 : memref<1x128x128xf32, #tpu.memory_space<vmem>> -> memref<128x128xf32, #tpu.memory_space<vmem>>
    tpu.wait_dma2 semaphore(%arg11 : memref<!tpu.dma_semaphore, #tpu.memory_space<semaphore_mem>>) src(%dma_wait3A_1293 : memref<128x128xf32, #tpu.memory_space<vmem>>) dst(%dma_wait3A_1289 : memref<128x128xf32, #tpu.memory_space<hbm>>)
    %dma_start3A_1294 = arith.constant 1 : i32
    %dma_start3A_1295 = arith.constant 0 : i32
    %dma_start3A_1296 = arith.constant 0 : i32
    %dma_start3A_1297 = tpu.memref_slice %arg6[%dma_start3A_1294, %dma_start3A_1295, %dma_start3A_1296] : memref<3x128x128xf32, #tpu.memory_space<vmem>> -> memref<1x128x128xf32, #tpu.memory_space<vmem>>
    %dma_start3A_1298 = tpu.memref_squeeze %dma_start3A_1297 : memref<1x128x128xf32, #tpu.memory_space<vmem>> -> memref<128x128xf32, #tpu.memory_space<vmem>>
    %dma_start3A_1299 = arith.constant 3584 : i32
    %dma_start3A_1300 = tpu.memref_slice %arg5[%dma_start3A_1299] : memref<5000xi32, #tpu.memory_space<vmem>> -> memref<128xi32, #tpu.memory_space<vmem>>
    %dma_start3A_1301 = arith.constant 0 : i32
    %dma_start3A_1302 = arith.constant 0 : i32
    %dma_start3A_1303 = tpu.memref_slice %arg3[%dma_start3A_1301, %dma_start3A_1302] : memref<10000x128xf32, #tpu.memory_space<hbm>> -> memref<10000x128xf32, #tpu.memory_space<hbm>>
    tpu.enqueue_indirect_dma source(%dma_start3A_1303 : memref<10000x128xf32, #tpu.memory_space<hbm>>) target(%dma_start3A_1298 : memref<128x128xf32, #tpu.memory_space<vmem>>) offsets(%dma_start3A_1300 : memref<128xi32, #tpu.memory_space<vmem>>) semaphore(%arg8 : memref<!tpu.dma_semaphore, #tpu.memory_space<semaphore_mem>>)
    %dma_wait3A_1304 = arith.constant 0 : i32
    %dma_wait3A_1305 = arith.constant 0 : i32
    %dma_wait3A_1306 = arith.constant 0 : i32
    %dma_wait3A_1307 = tpu.memref_slice %arg6[%dma_wait3A_1304, %dma_wait3A_1305, %dma_wait3A_1306] : memref<3x128x128xf32, #tpu.memory_space<vmem>> -> memref<1x128x128xf32, #tpu.memory_space<vmem>>
    %dma_wait3A_1308 = tpu.memref_squeeze %dma_wait3A_1307 : memref<1x128x128xf32, #tpu.memory_space<vmem>> -> memref<128x128xf32, #tpu.memory_space<vmem>>
    %dma_wait3A_1309 = arith.constant 3456 : i32
    %dma_wait3A_1310 = tpu.memref_slice %arg5[%dma_wait3A_1309] : memref<5000xi32, #tpu.memory_space<vmem>> -> memref<128xi32, #tpu.memory_space<vmem>>
    %dma_wait3A_1311 = arith.constant 0 : i32
    %dma_wait3A_1312 = arith.constant 0 : i32
    %dma_wait3A_1313 = tpu.memref_slice %arg3[%dma_wait3A_1311, %dma_wait3A_1312] : memref<10000x128xf32, #tpu.memory_space<hbm>> -> memref<10000x128xf32, #tpu.memory_space<hbm>>
    tpu.wait_indirect_dma semaphore(%arg7 : memref<!tpu.dma_semaphore, #tpu.memory_space<semaphore_mem>>) src(%dma_wait3A_1313 : memref<10000x128xf32, #tpu.memory_space<hbm>>) dst(%dma_wait3A_1308 : memref<128x128xf32, #tpu.memory_space<vmem>>)
    %add3A_1314 = arith.constant 3456 : i32
    %add3A_1315 = arith.addi %mul3A_2, %add3A_1314 : i32
    %dma_start3A_1316 = arith.constant 0 : i32
    %dma_start3A_1317 = arith.constant 0 : i32
    %dma_start3A_1318 = arith.constant 0 : i32
    %dma_start3A_1319 = tpu.memref_slice %arg6[%dma_start3A_1316, %dma_start3A_1317, %dma_start3A_1318] : memref<3x128x128xf32, #tpu.memory_space<vmem>> -> memref<1x128x128xf32, #tpu.memory_space<vmem>>
    %dma_start3A_1320 = tpu.memref_squeeze %dma_start3A_1319 : memref<1x128x128xf32, #tpu.memory_space<vmem>> -> memref<128x128xf32, #tpu.memory_space<vmem>>
    %dma_start3A_1321 = arith.constant 0 : i32
    %dma_start3A_1322 = tpu.memref_slice %arg4[%add3A_1315, %dma_start3A_1321] : memref<160000x128xf32, #tpu.memory_space<hbm>> -> memref<128x128xf32, #tpu.memory_space<hbm>>
    %dma_start3A_1323 = arith.constant 0 : i32
    %dma_start3A_1324 = tpu.memref_slice %arg4[%add3A_1315, %dma_start3A_1323] : memref<160000x128xf32, #tpu.memory_space<hbm>> -> memref<128x128xf32, #tpu.memory_space<hbm>>
    %dma_start3A_1325 = arith.constant 0 : i32
    %dma_start3A_1326 = arith.constant 0 : i32
    %dma_start3A_1327 = tpu.memref_slice %arg6[%dma_start3A_1316, %dma_start3A_1325, %dma_start3A_1326] : memref<3x128x128xf32, #tpu.memory_space<vmem>> -> memref<1x128x128xf32, #tpu.memory_space<vmem>>
    %dma_start3A_1328 = tpu.memref_squeeze %dma_start3A_1327 : memref<1x128x128xf32, #tpu.memory_space<vmem>> -> memref<128x128xf32, #tpu.memory_space<vmem>>
    tpu.enqueue_dma source(%dma_start3A_1328 : memref<128x128xf32, #tpu.memory_space<vmem>>) target(%dma_start3A_1324 : memref<128x128xf32, #tpu.memory_space<hbm>>) target_semaphore(%arg10 : memref<!tpu.dma_semaphore, #tpu.memory_space<semaphore_mem>>)
    %dma_wait3A_1329 = arith.constant 2 : i32
    %dma_wait3A_1330 = arith.constant 0 : i32
    %dma_wait3A_1331 = arith.constant 0 : i32
    %dma_wait3A_1332 = tpu.memref_slice %arg6[%dma_wait3A_1329, %dma_wait3A_1330, %dma_wait3A_1331] : memref<3x128x128xf32, #tpu.memory_space<vmem>> -> memref<1x128x128xf32, #tpu.memory_space<vmem>>
    %dma_wait3A_1333 = tpu.memref_squeeze %dma_wait3A_1332 : memref<1x128x128xf32, #tpu.memory_space<vmem>> -> memref<128x128xf32, #tpu.memory_space<vmem>>
    %dma_wait3A_1334 = arith.constant 0 : i32
    %dma_wait3A_1335 = tpu.memref_slice %arg4[%add3A_1267, %dma_wait3A_1334] : memref<160000x128xf32, #tpu.memory_space<hbm>> -> memref<128x128xf32, #tpu.memory_space<hbm>>
    %dma_wait3A_1336 = arith.constant 0 : i32
    %dma_wait3A_1337 = tpu.memref_slice %arg4[%add3A_1267, %dma_wait3A_1336] : memref<160000x128xf32, #tpu.memory_space<hbm>> -> memref<128x128xf32, #tpu.memory_space<hbm>>
    %dma_wait3A_1338 = arith.constant 0 : i32
    %dma_wait3A_1339 = arith.constant 0 : i32
    %dma_wait3A_1340 = tpu.memref_slice %arg6[%dma_wait3A_1329, %dma_wait3A_1338, %dma_wait3A_1339] : memref<3x128x128xf32, #tpu.memory_space<vmem>> -> memref<1x128x128xf32, #tpu.memory_space<vmem>>
    %dma_wait3A_1341 = tpu.memref_squeeze %dma_wait3A_1340 : memref<1x128x128xf32, #tpu.memory_space<vmem>> -> memref<128x128xf32, #tpu.memory_space<vmem>>
    tpu.wait_dma2 semaphore(%arg12 : memref<!tpu.dma_semaphore, #tpu.memory_space<semaphore_mem>>) src(%dma_wait3A_1341 : memref<128x128xf32, #tpu.memory_space<vmem>>) dst(%dma_wait3A_1337 : memref<128x128xf32, #tpu.memory_space<hbm>>)
    %dma_start3A_1342 = arith.constant 2 : i32
    %dma_start3A_1343 = arith.constant 0 : i32
    %dma_start3A_1344 = arith.constant 0 : i32
    %dma_start3A_1345 = tpu.memref_slice %arg6[%dma_start3A_1342, %dma_start3A_1343, %dma_start3A_1344] : memref<3x128x128xf32, #tpu.memory_space<vmem>> -> memref<1x128x128xf32, #tpu.memory_space<vmem>>
    %dma_start3A_1346 = tpu.memref_squeeze %dma_start3A_1345 : memref<1x128x128xf32, #tpu.memory_space<vmem>> -> memref<128x128xf32, #tpu.memory_space<vmem>>
    %dma_start3A_1347 = arith.constant 3712 : i32
    %dma_start3A_1348 = tpu.memref_slice %arg5[%dma_start3A_1347] : memref<5000xi32, #tpu.memory_space<vmem>> -> memref<128xi32, #tpu.memory_space<vmem>>
    %dma_start3A_1349 = arith.constant 0 : i32
    %dma_start3A_1350 = arith.constant 0 : i32
    %dma_start3A_1351 = tpu.memref_slice %arg3[%dma_start3A_1349, %dma_start3A_1350] : memref<10000x128xf32, #tpu.memory_space<hbm>> -> memref<10000x128xf32, #tpu.memory_space<hbm>>
    tpu.enqueue_indirect_dma source(%dma_start3A_1351 : memref<10000x128xf32, #tpu.memory_space<hbm>>) target(%dma_start3A_1346 : memref<128x128xf32, #tpu.memory_space<vmem>>) offsets(%dma_start3A_1348 : memref<128xi32, #tpu.memory_space<vmem>>) semaphore(%arg9 : memref<!tpu.dma_semaphore, #tpu.memory_space<semaphore_mem>>)
    %dma_wait3A_1352 = arith.constant 1 : i32
    %dma_wait3A_1353 = arith.constant 0 : i32
    %dma_wait3A_1354 = arith.constant 0 : i32
    %dma_wait3A_1355 = tpu.memref_slice %arg6[%dma_wait3A_1352, %dma_wait3A_1353, %dma_wait3A_1354] : memref<3x128x128xf32, #tpu.memory_space<vmem>> -> memref<1x128x128xf32, #tpu.memory_space<vmem>>
    %dma_wait3A_1356 = tpu.memref_squeeze %dma_wait3A_1355 : memref<1x128x128xf32, #tpu.memory_space<vmem>> -> memref<128x128xf32, #tpu.memory_space<vmem>>
    %dma_wait3A_1357 = arith.constant 3584 : i32
    %dma_wait3A_1358 = tpu.memref_slice %arg5[%dma_wait3A_1357] : memref<5000xi32, #tpu.memory_space<vmem>> -> memref<128xi32, #tpu.memory_space<vmem>>
    %dma_wait3A_1359 = arith.constant 0 : i32
    %dma_wait3A_1360 = arith.constant 0 : i32
    %dma_wait3A_1361 = tpu.memref_slice %arg3[%dma_wait3A_1359, %dma_wait3A_1360] : memref<10000x128xf32, #tpu.memory_space<hbm>> -> memref<10000x128xf32, #tpu.memory_space<hbm>>
    tpu.wait_indirect_dma semaphore(%arg8 : memref<!tpu.dma_semaphore, #tpu.memory_space<semaphore_mem>>) src(%dma_wait3A_1361 : memref<10000x128xf32, #tpu.memory_space<hbm>>) dst(%dma_wait3A_1356 : memref<128x128xf32, #tpu.memory_space<vmem>>)
    %add3A_1362 = arith.constant 3584 : i32
    %add3A_1363 = arith.addi %mul3A_2, %add3A_1362 : i32
    %dma_start3A_1364 = arith.constant 1 : i32
    %dma_start3A_1365 = arith.constant 0 : i32
    %dma_start3A_1366 = arith.constant 0 : i32
    %dma_start3A_1367 = tpu.memref_slice %arg6[%dma_start3A_1364, %dma_start3A_1365, %dma_start3A_1366] : memref<3x128x128xf32, #tpu.memory_space<vmem>> -> memref<1x128x128xf32, #tpu.memory_space<vmem>>
    %dma_start3A_1368 = tpu.memref_squeeze %dma_start3A_1367 : memref<1x128x128xf32, #tpu.memory_space<vmem>> -> memref<128x128xf32, #tpu.memory_space<vmem>>
    %dma_start3A_1369 = arith.constant 0 : i32
    %dma_start3A_1370 = tpu.memref_slice %arg4[%add3A_1363, %dma_start3A_1369] : memref<160000x128xf32, #tpu.memory_space<hbm>> -> memref<128x128xf32, #tpu.memory_space<hbm>>
    %dma_start3A_1371 = arith.constant 0 : i32
    %dma_start3A_1372 = tpu.memref_slice %arg4[%add3A_1363, %dma_start3A_1371] : memref<160000x128xf32, #tpu.memory_space<hbm>> -> memref<128x128xf32, #tpu.memory_space<hbm>>
    %dma_start3A_1373 = arith.constant 0 : i32
    %dma_start3A_1374 = arith.constant 0 : i32
    %dma_start3A_1375 = tpu.memref_slice %arg6[%dma_start3A_1364, %dma_start3A_1373, %dma_start3A_1374] : memref<3x128x128xf32, #tpu.memory_space<vmem>> -> memref<1x128x128xf32, #tpu.memory_space<vmem>>
    %dma_start3A_1376 = tpu.memref_squeeze %dma_start3A_1375 : memref<1x128x128xf32, #tpu.memory_space<vmem>> -> memref<128x128xf32, #tpu.memory_space<vmem>>
    tpu.enqueue_dma source(%dma_start3A_1376 : memref<128x128xf32, #tpu.memory_space<vmem>>) target(%dma_start3A_1372 : memref<128x128xf32, #tpu.memory_space<hbm>>) target_semaphore(%arg11 : memref<!tpu.dma_semaphore, #tpu.memory_space<semaphore_mem>>)
    %dma_wait3A_1377 = arith.constant 0 : i32
    %dma_wait3A_1378 = arith.constant 0 : i32
    %dma_wait3A_1379 = arith.constant 0 : i32
    %dma_wait3A_1380 = tpu.memref_slice %arg6[%dma_wait3A_1377, %dma_wait3A_1378, %dma_wait3A_1379] : memref<3x128x128xf32, #tpu.memory_space<vmem>> -> memref<1x128x128xf32, #tpu.memory_space<vmem>>
    %dma_wait3A_1381 = tpu.memref_squeeze %dma_wait3A_1380 : memref<1x128x128xf32, #tpu.memory_space<vmem>> -> memref<128x128xf32, #tpu.memory_space<vmem>>
    %dma_wait3A_1382 = arith.constant 0 : i32
    %dma_wait3A_1383 = tpu.memref_slice %arg4[%add3A_1315, %dma_wait3A_1382] : memref<160000x128xf32, #tpu.memory_space<hbm>> -> memref<128x128xf32, #tpu.memory_space<hbm>>
    %dma_wait3A_1384 = arith.constant 0 : i32
    %dma_wait3A_1385 = tpu.memref_slice %arg4[%add3A_1315, %dma_wait3A_1384] : memref<160000x128xf32, #tpu.memory_space<hbm>> -> memref<128x128xf32, #tpu.memory_space<hbm>>
    %dma_wait3A_1386 = arith.constant 0 : i32
    %dma_wait3A_1387 = arith.constant 0 : i32
    %dma_wait3A_1388 = tpu.memref_slice %arg6[%dma_wait3A_1377, %dma_wait3A_1386, %dma_wait3A_1387] : memref<3x128x128xf32, #tpu.memory_space<vmem>> -> memref<1x128x128xf32, #tpu.memory_space<vmem>>
    %dma_wait3A_1389 = tpu.memref_squeeze %dma_wait3A_1388 : memref<1x128x128xf32, #tpu.memory_space<vmem>> -> memref<128x128xf32, #tpu.memory_space<vmem>>
    tpu.wait_dma2 semaphore(%arg10 : memref<!tpu.dma_semaphore, #tpu.memory_space<semaphore_mem>>) src(%dma_wait3A_1389 : memref<128x128xf32, #tpu.memory_space<vmem>>) dst(%dma_wait3A_1385 : memref<128x128xf32, #tpu.memory_space<hbm>>)
    %dma_start3A_1390 = arith.constant 0 : i32
    %dma_start3A_1391 = arith.constant 0 : i32
    %dma_start3A_1392 = arith.constant 0 : i32
    %dma_start3A_1393 = tpu.memref_slice %arg6[%dma_start3A_1390, %dma_start3A_1391, %dma_start3A_1392] : memref<3x128x128xf32, #tpu.memory_space<vmem>> -> memref<1x128x128xf32, #tpu.memory_space<vmem>>
    %dma_start3A_1394 = tpu.memref_squeeze %dma_start3A_1393 : memref<1x128x128xf32, #tpu.memory_space<vmem>> -> memref<128x128xf32, #tpu.memory_space<vmem>>
    %dma_start3A_1395 = arith.constant 3840 : i32
    %dma_start3A_1396 = tpu.memref_slice %arg5[%dma_start3A_1395] : memref<5000xi32, #tpu.memory_space<vmem>> -> memref<128xi32, #tpu.memory_space<vmem>>
    %dma_start3A_1397 = arith.constant 0 : i32
    %dma_start3A_1398 = arith.constant 0 : i32
    %dma_start3A_1399 = tpu.memref_slice %arg3[%dma_start3A_1397, %dma_start3A_1398] : memref<10000x128xf32, #tpu.memory_space<hbm>> -> memref<10000x128xf32, #tpu.memory_space<hbm>>
    tpu.enqueue_indirect_dma source(%dma_start3A_1399 : memref<10000x128xf32, #tpu.memory_space<hbm>>) target(%dma_start3A_1394 : memref<128x128xf32, #tpu.memory_space<vmem>>) offsets(%dma_start3A_1396 : memref<128xi32, #tpu.memory_space<vmem>>) semaphore(%arg7 : memref<!tpu.dma_semaphore, #tpu.memory_space<semaphore_mem>>)
    %dma_wait3A_1400 = arith.constant 2 : i32
    %dma_wait3A_1401 = arith.constant 0 : i32
    %dma_wait3A_1402 = arith.constant 0 : i32
    %dma_wait3A_1403 = tpu.memref_slice %arg6[%dma_wait3A_1400, %dma_wait3A_1401, %dma_wait3A_1402] : memref<3x128x128xf32, #tpu.memory_space<vmem>> -> memref<1x128x128xf32, #tpu.memory_space<vmem>>
    %dma_wait3A_1404 = tpu.memref_squeeze %dma_wait3A_1403 : memref<1x128x128xf32, #tpu.memory_space<vmem>> -> memref<128x128xf32, #tpu.memory_space<vmem>>
    %dma_wait3A_1405 = arith.constant 3712 : i32
    %dma_wait3A_1406 = tpu.memref_slice %arg5[%dma_wait3A_1405] : memref<5000xi32, #tpu.memory_space<vmem>> -> memref<128xi32, #tpu.memory_space<vmem>>
    %dma_wait3A_1407 = arith.constant 0 : i32
    %dma_wait3A_1408 = arith.constant 0 : i32
    %dma_wait3A_1409 = tpu.memref_slice %arg3[%dma_wait3A_1407, %dma_wait3A_1408] : memref<10000x128xf32, #tpu.memory_space<hbm>> -> memref<10000x128xf32, #tpu.memory_space<hbm>>
    tpu.wait_indirect_dma semaphore(%arg9 : memref<!tpu.dma_semaphore, #tpu.memory_space<semaphore_mem>>) src(%dma_wait3A_1409 : memref<10000x128xf32, #tpu.memory_space<hbm>>) dst(%dma_wait3A_1404 : memref<128x128xf32, #tpu.memory_space<vmem>>)
    %add3A_1410 = arith.constant 3712 : i32
    %add3A_1411 = arith.addi %mul3A_2, %add3A_1410 : i32
    %dma_start3A_1412 = arith.constant 2 : i32
    %dma_start3A_1413 = arith.constant 0 : i32
    %dma_start3A_1414 = arith.constant 0 : i32
    %dma_start3A_1415 = tpu.memref_slice %arg6[%dma_start3A_1412, %dma_start3A_1413, %dma_start3A_1414] : memref<3x128x128xf32, #tpu.memory_space<vmem>> -> memref<1x128x128xf32, #tpu.memory_space<vmem>>
    %dma_start3A_1416 = tpu.memref_squeeze %dma_start3A_1415 : memref<1x128x128xf32, #tpu.memory_space<vmem>> -> memref<128x128xf32, #tpu.memory_space<vmem>>
    %dma_start3A_1417 = arith.constant 0 : i32
    %dma_start3A_1418 = tpu.memref_slice %arg4[%add3A_1411, %dma_start3A_1417] : memref<160000x128xf32, #tpu.memory_space<hbm>> -> memref<128x128xf32, #tpu.memory_space<hbm>>
    %dma_start3A_1419 = arith.constant 0 : i32
    %dma_start3A_1420 = tpu.memref_slice %arg4[%add3A_1411, %dma_start3A_1419] : memref<160000x128xf32, #tpu.memory_space<hbm>> -> memref<128x128xf32, #tpu.memory_space<hbm>>
    %dma_start3A_1421 = arith.constant 0 : i32
    %dma_start3A_1422 = arith.constant 0 : i32
    %dma_start3A_1423 = tpu.memref_slice %arg6[%dma_start3A_1412, %dma_start3A_1421, %dma_start3A_1422] : memref<3x128x128xf32, #tpu.memory_space<vmem>> -> memref<1x128x128xf32, #tpu.memory_space<vmem>>
    %dma_start3A_1424 = tpu.memref_squeeze %dma_start3A_1423 : memref<1x128x128xf32, #tpu.memory_space<vmem>> -> memref<128x128xf32, #tpu.memory_space<vmem>>
    tpu.enqueue_dma source(%dma_start3A_1424 : memref<128x128xf32, #tpu.memory_space<vmem>>) target(%dma_start3A_1420 : memref<128x128xf32, #tpu.memory_space<hbm>>) target_semaphore(%arg12 : memref<!tpu.dma_semaphore, #tpu.memory_space<semaphore_mem>>)
    %dma_wait3A_1425 = arith.constant 1 : i32
    %dma_wait3A_1426 = arith.constant 0 : i32
    %dma_wait3A_1427 = arith.constant 0 : i32
    %dma_wait3A_1428 = tpu.memref_slice %arg6[%dma_wait3A_1425, %dma_wait3A_1426, %dma_wait3A_1427] : memref<3x128x128xf32, #tpu.memory_space<vmem>> -> memref<1x128x128xf32, #tpu.memory_space<vmem>>
    %dma_wait3A_1429 = tpu.memref_squeeze %dma_wait3A_1428 : memref<1x128x128xf32, #tpu.memory_space<vmem>> -> memref<128x128xf32, #tpu.memory_space<vmem>>
    %dma_wait3A_1430 = arith.constant 0 : i32
    %dma_wait3A_1431 = tpu.memref_slice %arg4[%add3A_1363, %dma_wait3A_1430] : memref<160000x128xf32, #tpu.memory_space<hbm>> -> memref<128x128xf32, #tpu.memory_space<hbm>>
    %dma_wait3A_1432 = arith.constant 0 : i32
    %dma_wait3A_1433 = tpu.memref_slice %arg4[%add3A_1363, %dma_wait3A_1432] : memref<160000x128xf32, #tpu.memory_space<hbm>> -> memref<128x128xf32, #tpu.memory_space<hbm>>
    %dma_wait3A_1434 = arith.constant 0 : i32
    %dma_wait3A_1435 = arith.constant 0 : i32
    %dma_wait3A_1436 = tpu.memref_slice %arg6[%dma_wait3A_1425, %dma_wait3A_1434, %dma_wait3A_1435] : memref<3x128x128xf32, #tpu.memory_space<vmem>> -> memref<1x128x128xf32, #tpu.memory_space<vmem>>
    %dma_wait3A_1437 = tpu.memref_squeeze %dma_wait3A_1436 : memref<1x128x128xf32, #tpu.memory_space<vmem>> -> memref<128x128xf32, #tpu.memory_space<vmem>>
    tpu.wait_dma2 semaphore(%arg11 : memref<!tpu.dma_semaphore, #tpu.memory_space<semaphore_mem>>) src(%dma_wait3A_1437 : memref<128x128xf32, #tpu.memory_space<vmem>>) dst(%dma_wait3A_1433 : memref<128x128xf32, #tpu.memory_space<hbm>>)
    %dma_start3A_1438 = arith.constant 1 : i32
    %dma_start3A_1439 = arith.constant 0 : i32
    %dma_start3A_1440 = arith.constant 0 : i32
    %dma_start3A_1441 = tpu.memref_slice %arg6[%dma_start3A_1438, %dma_start3A_1439, %dma_start3A_1440] : memref<3x128x128xf32, #tpu.memory_space<vmem>> -> memref<1x128x128xf32, #tpu.memory_space<vmem>>
    %dma_start3A_1442 = tpu.memref_squeeze %dma_start3A_1441 : memref<1x128x128xf32, #tpu.memory_space<vmem>> -> memref<128x128xf32, #tpu.memory_space<vmem>>
    %dma_start3A_1443 = arith.constant 3968 : i32
    %dma_start3A_1444 = tpu.memref_slice %arg5[%dma_start3A_1443] : memref<5000xi32, #tpu.memory_space<vmem>> -> memref<128xi32, #tpu.memory_space<vmem>>
    %dma_start3A_1445 = arith.constant 0 : i32
    %dma_start3A_1446 = arith.constant 0 : i32
    %dma_start3A_1447 = tpu.memref_slice %arg3[%dma_start3A_1445, %dma_start3A_1446] : memref<10000x128xf32, #tpu.memory_space<hbm>> -> memref<10000x128xf32, #tpu.memory_space<hbm>>
    tpu.enqueue_indirect_dma source(%dma_start3A_1447 : memref<10000x128xf32, #tpu.memory_space<hbm>>) target(%dma_start3A_1442 : memref<128x128xf32, #tpu.memory_space<vmem>>) offsets(%dma_start3A_1444 : memref<128xi32, #tpu.memory_space<vmem>>) semaphore(%arg8 : memref<!tpu.dma_semaphore, #tpu.memory_space<semaphore_mem>>)
    %dma_wait3A_1448 = arith.constant 0 : i32
    %dma_wait3A_1449 = arith.constant 0 : i32
    %dma_wait3A_1450 = arith.constant 0 : i32
    %dma_wait3A_1451 = tpu.memref_slice %arg6[%dma_wait3A_1448, %dma_wait3A_1449, %dma_wait3A_1450] : memref<3x128x128xf32, #tpu.memory_space<vmem>> -> memref<1x128x128xf32, #tpu.memory_space<vmem>>
    %dma_wait3A_1452 = tpu.memref_squeeze %dma_wait3A_1451 : memref<1x128x128xf32, #tpu.memory_space<vmem>> -> memref<128x128xf32, #tpu.memory_space<vmem>>
    %dma_wait3A_1453 = arith.constant 3840 : i32
    %dma_wait3A_1454 = tpu.memref_slice %arg5[%dma_wait3A_1453] : memref<5000xi32, #tpu.memory_space<vmem>> -> memref<128xi32, #tpu.memory_space<vmem>>
    %dma_wait3A_1455 = arith.constant 0 : i32
    %dma_wait3A_1456 = arith.constant 0 : i32
    %dma_wait3A_1457 = tpu.memref_slice %arg3[%dma_wait3A_1455, %dma_wait3A_1456] : memref<10000x128xf32, #tpu.memory_space<hbm>> -> memref<10000x128xf32, #tpu.memory_space<hbm>>
    tpu.wait_indirect_dma semaphore(%arg7 : memref<!tpu.dma_semaphore, #tpu.memory_space<semaphore_mem>>) src(%dma_wait3A_1457 : memref<10000x128xf32, #tpu.memory_space<hbm>>) dst(%dma_wait3A_1452 : memref<128x128xf32, #tpu.memory_space<vmem>>)
    %add3A_1458 = arith.constant 3840 : i32
    %add3A_1459 = arith.addi %mul3A_2, %add3A_1458 : i32
    %dma_start3A_1460 = arith.constant 0 : i32
    %dma_start3A_1461 = arith.constant 0 : i32
    %dma_start3A_1462 = arith.constant 0 : i32
    %dma_start3A_1463 = tpu.memref_slice %arg6[%dma_start3A_1460, %dma_start3A_1461, %dma_start3A_1462] : memref<3x128x128xf32, #tpu.memory_space<vmem>> -> memref<1x128x128xf32, #tpu.memory_space<vmem>>
    %dma_start3A_1464 = tpu.memref_squeeze %dma_start3A_1463 : memref<1x128x128xf32, #tpu.memory_space<vmem>> -> memref<128x128xf32, #tpu.memory_space<vmem>>
    %dma_start3A_1465 = arith.constant 0 : i32
    %dma_start3A_1466 = tpu.memref_slice %arg4[%add3A_1459, %dma_start3A_1465] : memref<160000x128xf32, #tpu.memory_space<hbm>> -> memref<128x128xf32, #tpu.memory_space<hbm>>
    %dma_start3A_1467 = arith.constant 0 : i32
    %dma_start3A_1468 = tpu.memref_slice %arg4[%add3A_1459, %dma_start3A_1467] : memref<160000x128xf32, #tpu.memory_space<hbm>> -> memref<128x128xf32, #tpu.memory_space<hbm>>
    %dma_start3A_1469 = arith.constant 0 : i32
    %dma_start3A_1470 = arith.constant 0 : i32
    %dma_start3A_1471 = tpu.memref_slice %arg6[%dma_start3A_1460, %dma_start3A_1469, %dma_start3A_1470] : memref<3x128x128xf32, #tpu.memory_space<vmem>> -> memref<1x128x128xf32, #tpu.memory_space<vmem>>
    %dma_start3A_1472 = tpu.memref_squeeze %dma_start3A_1471 : memref<1x128x128xf32, #tpu.memory_space<vmem>> -> memref<128x128xf32, #tpu.memory_space<vmem>>
    tpu.enqueue_dma source(%dma_start3A_1472 : memref<128x128xf32, #tpu.memory_space<vmem>>) target(%dma_start3A_1468 : memref<128x128xf32, #tpu.memory_space<hbm>>) target_semaphore(%arg10 : memref<!tpu.dma_semaphore, #tpu.memory_space<semaphore_mem>>)
    %dma_wait3A_1473 = arith.constant 2 : i32
    %dma_wait3A_1474 = arith.constant 0 : i32
    %dma_wait3A_1475 = arith.constant 0 : i32
    %dma_wait3A_1476 = tpu.memref_slice %arg6[%dma_wait3A_1473, %dma_wait3A_1474, %dma_wait3A_1475] : memref<3x128x128xf32, #tpu.memory_space<vmem>> -> memref<1x128x128xf32, #tpu.memory_space<vmem>>
    %dma_wait3A_1477 = tpu.memref_squeeze %dma_wait3A_1476 : memref<1x128x128xf32, #tpu.memory_space<vmem>> -> memref<128x128xf32, #tpu.memory_space<vmem>>
    %dma_wait3A_1478 = arith.constant 0 : i32
    %dma_wait3A_1479 = tpu.memref_slice %arg4[%add3A_1411, %dma_wait3A_1478] : memref<160000x128xf32, #tpu.memory_space<hbm>> -> memref<128x128xf32, #tpu.memory_space<hbm>>
    %dma_wait3A_1480 = arith.constant 0 : i32
    %dma_wait3A_1481 = tpu.memref_slice %arg4[%add3A_1411, %dma_wait3A_1480] : memref<160000x128xf32, #tpu.memory_space<hbm>> -> memref<128x128xf32, #tpu.memory_space<hbm>>
    %dma_wait3A_1482 = arith.constant 0 : i32
    %dma_wait3A_1483 = arith.constant 0 : i32
    %dma_wait3A_1484 = tpu.memref_slice %arg6[%dma_wait3A_1473, %dma_wait3A_1482, %dma_wait3A_1483] : memref<3x128x128xf32, #tpu.memory_space<vmem>> -> memref<1x128x128xf32, #tpu.memory_space<vmem>>
    %dma_wait3A_1485 = tpu.memref_squeeze %dma_wait3A_1484 : memref<1x128x128xf32, #tpu.memory_space<vmem>> -> memref<128x128xf32, #tpu.memory_space<vmem>>
    tpu.wait_dma2 semaphore(%arg12 : memref<!tpu.dma_semaphore, #tpu.memory_space<semaphore_mem>>) src(%dma_wait3A_1485 : memref<128x128xf32, #tpu.memory_space<vmem>>) dst(%dma_wait3A_1481 : memref<128x128xf32, #tpu.memory_space<hbm>>)
    %dma_start3A_1486 = arith.constant 2 : i32
    %dma_start3A_1487 = arith.constant 0 : i32
    %dma_start3A_1488 = arith.constant 0 : i32
    %dma_start3A_1489 = tpu.memref_slice %arg6[%dma_start3A_1486, %dma_start3A_1487, %dma_start3A_1488] : memref<3x128x128xf32, #tpu.memory_space<vmem>> -> memref<1x128x128xf32, #tpu.memory_space<vmem>>
    %dma_start3A_1490 = tpu.memref_squeeze %dma_start3A_1489 : memref<1x128x128xf32, #tpu.memory_space<vmem>> -> memref<128x128xf32, #tpu.memory_space<vmem>>
    %dma_start3A_1491 = arith.constant 4096 : i32
    %dma_start3A_1492 = tpu.memref_slice %arg5[%dma_start3A_1491] : memref<5000xi32, #tpu.memory_space<vmem>> -> memref<128xi32, #tpu.memory_space<vmem>>
    %dma_start3A_1493 = arith.constant 0 : i32
    %dma_start3A_1494 = arith.constant 0 : i32
    %dma_start3A_1495 = tpu.memref_slice %arg3[%dma_start3A_1493, %dma_start3A_1494] : memref<10000x128xf32, #tpu.memory_space<hbm>> -> memref<10000x128xf32, #tpu.memory_space<hbm>>
    tpu.enqueue_indirect_dma source(%dma_start3A_1495 : memref<10000x128xf32, #tpu.memory_space<hbm>>) target(%dma_start3A_1490 : memref<128x128xf32, #tpu.memory_space<vmem>>) offsets(%dma_start3A_1492 : memref<128xi32, #tpu.memory_space<vmem>>) semaphore(%arg9 : memref<!tpu.dma_semaphore, #tpu.memory_space<semaphore_mem>>)
    %dma_wait3A_1496 = arith.constant 1 : i32
    %dma_wait3A_1497 = arith.constant 0 : i32
    %dma_wait3A_1498 = arith.constant 0 : i32
    %dma_wait3A_1499 = tpu.memref_slice %arg6[%dma_wait3A_1496, %dma_wait3A_1497, %dma_wait3A_1498] : memref<3x128x128xf32, #tpu.memory_space<vmem>> -> memref<1x128x128xf32, #tpu.memory_space<vmem>>
    %dma_wait3A_1500 = tpu.memref_squeeze %dma_wait3A_1499 : memref<1x128x128xf32, #tpu.memory_space<vmem>> -> memref<128x128xf32, #tpu.memory_space<vmem>>
    %dma_wait3A_1501 = arith.constant 3968 : i32
    %dma_wait3A_1502 = tpu.memref_slice %arg5[%dma_wait3A_1501] : memref<5000xi32, #tpu.memory_space<vmem>> -> memref<128xi32, #tpu.memory_space<vmem>>
    %dma_wait3A_1503 = arith.constant 0 : i32
    %dma_wait3A_1504 = arith.constant 0 : i32
    %dma_wait3A_1505 = tpu.memref_slice %arg3[%dma_wait3A_1503, %dma_wait3A_1504] : memref<10000x128xf32, #tpu.memory_space<hbm>> -> memref<10000x128xf32, #tpu.memory_space<hbm>>
    tpu.wait_indirect_dma semaphore(%arg8 : memref<!tpu.dma_semaphore, #tpu.memory_space<semaphore_mem>>) src(%dma_wait3A_1505 : memref<10000x128xf32, #tpu.memory_space<hbm>>) dst(%dma_wait3A_1500 : memref<128x128xf32, #tpu.memory_space<vmem>>)
    %add3A_1506 = arith.constant 3968 : i32
    %add3A_1507 = arith.addi %mul3A_2, %add3A_1506 : i32
    %dma_start3A_1508 = arith.constant 1 : i32
    %dma_start3A_1509 = arith.constant 0 : i32
    %dma_start3A_1510 = arith.constant 0 : i32
    %dma_start3A_1511 = tpu.memref_slice %arg6[%dma_start3A_1508, %dma_start3A_1509, %dma_start3A_1510] : memref<3x128x128xf32, #tpu.memory_space<vmem>> -> memref<1x128x128xf32, #tpu.memory_space<vmem>>
    %dma_start3A_1512 = tpu.memref_squeeze %dma_start3A_1511 : memref<1x128x128xf32, #tpu.memory_space<vmem>> -> memref<128x128xf32, #tpu.memory_space<vmem>>
    %dma_start3A_1513 = arith.constant 0 : i32
    %dma_start3A_1514 = tpu.memref_slice %arg4[%add3A_1507, %dma_start3A_1513] : memref<160000x128xf32, #tpu.memory_space<hbm>> -> memref<128x128xf32, #tpu.memory_space<hbm>>
    %dma_start3A_1515 = arith.constant 0 : i32
    %dma_start3A_1516 = tpu.memref_slice %arg4[%add3A_1507, %dma_start3A_1515] : memref<160000x128xf32, #tpu.memory_space<hbm>> -> memref<128x128xf32, #tpu.memory_space<hbm>>
    %dma_start3A_1517 = arith.constant 0 : i32
    %dma_start3A_1518 = arith.constant 0 : i32
    %dma_start3A_1519 = tpu.memref_slice %arg6[%dma_start3A_1508, %dma_start3A_1517, %dma_start3A_1518] : memref<3x128x128xf32, #tpu.memory_space<vmem>> -> memref<1x128x128xf32, #tpu.memory_space<vmem>>
    %dma_start3A_1520 = tpu.memref_squeeze %dma_start3A_1519 : memref<1x128x128xf32, #tpu.memory_space<vmem>> -> memref<128x128xf32, #tpu.memory_space<vmem>>
    tpu.enqueue_dma source(%dma_start3A_1520 : memref<128x128xf32, #tpu.memory_space<vmem>>) target(%dma_start3A_1516 : memref<128x128xf32, #tpu.memory_space<hbm>>) target_semaphore(%arg11 : memref<!tpu.dma_semaphore, #tpu.memory_space<semaphore_mem>>)
    %dma_wait3A_1521 = arith.constant 0 : i32
    %dma_wait3A_1522 = arith.constant 0 : i32
    %dma_wait3A_1523 = arith.constant 0 : i32
    %dma_wait3A_1524 = tpu.memref_slice %arg6[%dma_wait3A_1521, %dma_wait3A_1522, %dma_wait3A_1523] : memref<3x128x128xf32, #tpu.memory_space<vmem>> -> memref<1x128x128xf32, #tpu.memory_space<vmem>>
    %dma_wait3A_1525 = tpu.memref_squeeze %dma_wait3A_1524 : memref<1x128x128xf32, #tpu.memory_space<vmem>> -> memref<128x128xf32, #tpu.memory_space<vmem>>
    %dma_wait3A_1526 = arith.constant 0 : i32
    %dma_wait3A_1527 = tpu.memref_slice %arg4[%add3A_1459, %dma_wait3A_1526] : memref<160000x128xf32, #tpu.memory_space<hbm>> -> memref<128x128xf32, #tpu.memory_space<hbm>>
    %dma_wait3A_1528 = arith.constant 0 : i32
    %dma_wait3A_1529 = tpu.memref_slice %arg4[%add3A_1459, %dma_wait3A_1528] : memref<160000x128xf32, #tpu.memory_space<hbm>> -> memref<128x128xf32, #tpu.memory_space<hbm>>
    %dma_wait3A_1530 = arith.constant 0 : i32
    %dma_wait3A_1531 = arith.constant 0 : i32
    %dma_wait3A_1532 = tpu.memref_slice %arg6[%dma_wait3A_1521, %dma_wait3A_1530, %dma_wait3A_1531] : memref<3x128x128xf32, #tpu.memory_space<vmem>> -> memref<1x128x128xf32, #tpu.memory_space<vmem>>
    %dma_wait3A_1533 = tpu.memref_squeeze %dma_wait3A_1532 : memref<1x128x128xf32, #tpu.memory_space<vmem>> -> memref<128x128xf32, #tpu.memory_space<vmem>>
    tpu.wait_dma2 semaphore(%arg10 : memref<!tpu.dma_semaphore, #tpu.memory_space<semaphore_mem>>) src(%dma_wait3A_1533 : memref<128x128xf32, #tpu.memory_space<vmem>>) dst(%dma_wait3A_1529 : memref<128x128xf32, #tpu.memory_space<hbm>>)
    %dma_start3A_1534 = arith.constant 0 : i32
    %dma_start3A_1535 = arith.constant 0 : i32
    %dma_start3A_1536 = arith.constant 0 : i32
    %dma_start3A_1537 = tpu.memref_slice %arg6[%dma_start3A_1534, %dma_start3A_1535, %dma_start3A_1536] : memref<3x128x128xf32, #tpu.memory_space<vmem>> -> memref<1x128x128xf32, #tpu.memory_space<vmem>>
    %dma_start3A_1538 = tpu.memref_squeeze %dma_start3A_1537 : memref<1x128x128xf32, #tpu.memory_space<vmem>> -> memref<128x128xf32, #tpu.memory_space<vmem>>
    %dma_start3A_1539 = arith.constant 4224 : i32
    %dma_start3A_1540 = tpu.memref_slice %arg5[%dma_start3A_1539] : memref<5000xi32, #tpu.memory_space<vmem>> -> memref<128xi32, #tpu.memory_space<vmem>>
    %dma_start3A_1541 = arith.constant 0 : i32
    %dma_start3A_1542 = arith.constant 0 : i32
    %dma_start3A_1543 = tpu.memref_slice %arg3[%dma_start3A_1541, %dma_start3A_1542] : memref<10000x128xf32, #tpu.memory_space<hbm>> -> memref<10000x128xf32, #tpu.memory_space<hbm>>
    tpu.enqueue_indirect_dma source(%dma_start3A_1543 : memref<10000x128xf32, #tpu.memory_space<hbm>>) target(%dma_start3A_1538 : memref<128x128xf32, #tpu.memory_space<vmem>>) offsets(%dma_start3A_1540 : memref<128xi32, #tpu.memory_space<vmem>>) semaphore(%arg7 : memref<!tpu.dma_semaphore, #tpu.memory_space<semaphore_mem>>)
    %dma_wait3A_1544 = arith.constant 2 : i32
    %dma_wait3A_1545 = arith.constant 0 : i32
    %dma_wait3A_1546 = arith.constant 0 : i32
    %dma_wait3A_1547 = tpu.memref_slice %arg6[%dma_wait3A_1544, %dma_wait3A_1545, %dma_wait3A_1546] : memref<3x128x128xf32, #tpu.memory_space<vmem>> -> memref<1x128x128xf32, #tpu.memory_space<vmem>>
    %dma_wait3A_1548 = tpu.memref_squeeze %dma_wait3A_1547 : memref<1x128x128xf32, #tpu.memory_space<vmem>> -> memref<128x128xf32, #tpu.memory_space<vmem>>
    %dma_wait3A_1549 = arith.constant 4096 : i32
    %dma_wait3A_1550 = tpu.memref_slice %arg5[%dma_wait3A_1549] : memref<5000xi32, #tpu.memory_space<vmem>> -> memref<128xi32, #tpu.memory_space<vmem>>
    %dma_wait3A_1551 = arith.constant 0 : i32
    %dma_wait3A_1552 = arith.constant 0 : i32
    %dma_wait3A_1553 = tpu.memref_slice %arg3[%dma_wait3A_1551, %dma_wait3A_1552] : memref<10000x128xf32, #tpu.memory_space<hbm>> -> memref<10000x128xf32, #tpu.memory_space<hbm>>
    tpu.wait_indirect_dma semaphore(%arg9 : memref<!tpu.dma_semaphore, #tpu.memory_space<semaphore_mem>>) src(%dma_wait3A_1553 : memref<10000x128xf32, #tpu.memory_space<hbm>>) dst(%dma_wait3A_1548 : memref<128x128xf32, #tpu.memory_space<vmem>>)
    %add3A_1554 = arith.constant 4096 : i32
    %add3A_1555 = arith.addi %mul3A_2, %add3A_1554 : i32
    %dma_start3A_1556 = arith.constant 2 : i32
    %dma_start3A_1557 = arith.constant 0 : i32
    %dma_start3A_1558 = arith.constant 0 : i32
    %dma_start3A_1559 = tpu.memref_slice %arg6[%dma_start3A_1556, %dma_start3A_1557, %dma_start3A_1558] : memref<3x128x128xf32, #tpu.memory_space<vmem>> -> memref<1x128x128xf32, #tpu.memory_space<vmem>>
    %dma_start3A_1560 = tpu.memref_squeeze %dma_start3A_1559 : memref<1x128x128xf32, #tpu.memory_space<vmem>> -> memref<128x128xf32, #tpu.memory_space<vmem>>
    %dma_start3A_1561 = arith.constant 0 : i32
    %dma_start3A_1562 = tpu.memref_slice %arg4[%add3A_1555, %dma_start3A_1561] : memref<160000x128xf32, #tpu.memory_space<hbm>> -> memref<128x128xf32, #tpu.memory_space<hbm>>
    %dma_start3A_1563 = arith.constant 0 : i32
    %dma_start3A_1564 = tpu.memref_slice %arg4[%add3A_1555, %dma_start3A_1563] : memref<160000x128xf32, #tpu.memory_space<hbm>> -> memref<128x128xf32, #tpu.memory_space<hbm>>
    %dma_start3A_1565 = arith.constant 0 : i32
    %dma_start3A_1566 = arith.constant 0 : i32
    %dma_start3A_1567 = tpu.memref_slice %arg6[%dma_start3A_1556, %dma_start3A_1565, %dma_start3A_1566] : memref<3x128x128xf32, #tpu.memory_space<vmem>> -> memref<1x128x128xf32, #tpu.memory_space<vmem>>
    %dma_start3A_1568 = tpu.memref_squeeze %dma_start3A_1567 : memref<1x128x128xf32, #tpu.memory_space<vmem>> -> memref<128x128xf32, #tpu.memory_space<vmem>>
    tpu.enqueue_dma source(%dma_start3A_1568 : memref<128x128xf32, #tpu.memory_space<vmem>>) target(%dma_start3A_1564 : memref<128x128xf32, #tpu.memory_space<hbm>>) target_semaphore(%arg12 : memref<!tpu.dma_semaphore, #tpu.memory_space<semaphore_mem>>)
    %dma_wait3A_1569 = arith.constant 1 : i32
    %dma_wait3A_1570 = arith.constant 0 : i32
    %dma_wait3A_1571 = arith.constant 0 : i32
    %dma_wait3A_1572 = tpu.memref_slice %arg6[%dma_wait3A_1569, %dma_wait3A_1570, %dma_wait3A_1571] : memref<3x128x128xf32, #tpu.memory_space<vmem>> -> memref<1x128x128xf32, #tpu.memory_space<vmem>>
    %dma_wait3A_1573 = tpu.memref_squeeze %dma_wait3A_1572 : memref<1x128x128xf32, #tpu.memory_space<vmem>> -> memref<128x128xf32, #tpu.memory_space<vmem>>
    %dma_wait3A_1574 = arith.constant 0 : i32
    %dma_wait3A_1575 = tpu.memref_slice %arg4[%add3A_1507, %dma_wait3A_1574] : memref<160000x128xf32, #tpu.memory_space<hbm>> -> memref<128x128xf32, #tpu.memory_space<hbm>>
    %dma_wait3A_1576 = arith.constant 0 : i32
    %dma_wait3A_1577 = tpu.memref_slice %arg4[%add3A_1507, %dma_wait3A_1576] : memref<160000x128xf32, #tpu.memory_space<hbm>> -> memref<128x128xf32, #tpu.memory_space<hbm>>
    %dma_wait3A_1578 = arith.constant 0 : i32
    %dma_wait3A_1579 = arith.constant 0 : i32
    %dma_wait3A_1580 = tpu.memref_slice %arg6[%dma_wait3A_1569, %dma_wait3A_1578, %dma_wait3A_1579] : memref<3x128x128xf32, #tpu.memory_space<vmem>> -> memref<1x128x128xf32, #tpu.memory_space<vmem>>
    %dma_wait3A_1581 = tpu.memref_squeeze %dma_wait3A_1580 : memref<1x128x128xf32, #tpu.memory_space<vmem>> -> memref<128x128xf32, #tpu.memory_space<vmem>>
    tpu.wait_dma2 semaphore(%arg11 : memref<!tpu.dma_semaphore, #tpu.memory_space<semaphore_mem>>) src(%dma_wait3A_1581 : memref<128x128xf32, #tpu.memory_space<vmem>>) dst(%dma_wait3A_1577 : memref<128x128xf32, #tpu.memory_space<hbm>>)
    %dma_start3A_1582 = arith.constant 1 : i32
    %dma_start3A_1583 = arith.constant 0 : i32
    %dma_start3A_1584 = arith.constant 0 : i32
    %dma_start3A_1585 = tpu.memref_slice %arg6[%dma_start3A_1582, %dma_start3A_1583, %dma_start3A_1584] : memref<3x128x128xf32, #tpu.memory_space<vmem>> -> memref<1x128x128xf32, #tpu.memory_space<vmem>>
    %dma_start3A_1586 = tpu.memref_squeeze %dma_start3A_1585 : memref<1x128x128xf32, #tpu.memory_space<vmem>> -> memref<128x128xf32, #tpu.memory_space<vmem>>
    %dma_start3A_1587 = arith.constant 4352 : i32
    %dma_start3A_1588 = tpu.memref_slice %arg5[%dma_start3A_1587] : memref<5000xi32, #tpu.memory_space<vmem>> -> memref<128xi32, #tpu.memory_space<vmem>>
    %dma_start3A_1589 = arith.constant 0 : i32
    %dma_start3A_1590 = arith.constant 0 : i32
    %dma_start3A_1591 = tpu.memref_slice %arg3[%dma_start3A_1589, %dma_start3A_1590] : memref<10000x128xf32, #tpu.memory_space<hbm>> -> memref<10000x128xf32, #tpu.memory_space<hbm>>
    tpu.enqueue_indirect_dma source(%dma_start3A_1591 : memref<10000x128xf32, #tpu.memory_space<hbm>>) target(%dma_start3A_1586 : memref<128x128xf32, #tpu.memory_space<vmem>>) offsets(%dma_start3A_1588 : memref<128xi32, #tpu.memory_space<vmem>>) semaphore(%arg8 : memref<!tpu.dma_semaphore, #tpu.memory_space<semaphore_mem>>)
    %dma_wait3A_1592 = arith.constant 0 : i32
    %dma_wait3A_1593 = arith.constant 0 : i32
    %dma_wait3A_1594 = arith.constant 0 : i32
    %dma_wait3A_1595 = tpu.memref_slice %arg6[%dma_wait3A_1592, %dma_wait3A_1593, %dma_wait3A_1594] : memref<3x128x128xf32, #tpu.memory_space<vmem>> -> memref<1x128x128xf32, #tpu.memory_space<vmem>>
    %dma_wait3A_1596 = tpu.memref_squeeze %dma_wait3A_1595 : memref<1x128x128xf32, #tpu.memory_space<vmem>> -> memref<128x128xf32, #tpu.memory_space<vmem>>
    %dma_wait3A_1597 = arith.constant 4224 : i32
    %dma_wait3A_1598 = tpu.memref_slice %arg5[%dma_wait3A_1597] : memref<5000xi32, #tpu.memory_space<vmem>> -> memref<128xi32, #tpu.memory_space<vmem>>
    %dma_wait3A_1599 = arith.constant 0 : i32
    %dma_wait3A_1600 = arith.constant 0 : i32
    %dma_wait3A_1601 = tpu.memref_slice %arg3[%dma_wait3A_1599, %dma_wait3A_1600] : memref<10000x128xf32, #tpu.memory_space<hbm>> -> memref<10000x128xf32, #tpu.memory_space<hbm>>
    tpu.wait_indirect_dma semaphore(%arg7 : memref<!tpu.dma_semaphore, #tpu.memory_space<semaphore_mem>>) src(%dma_wait3A_1601 : memref<10000x128xf32, #tpu.memory_space<hbm>>) dst(%dma_wait3A_1596 : memref<128x128xf32, #tpu.memory_space<vmem>>)
    %add3A_1602 = arith.constant 4224 : i32
    %add3A_1603 = arith.addi %mul3A_2, %add3A_1602 : i32
    %dma_start3A_1604 = arith.constant 0 : i32
    %dma_start3A_1605 = arith.constant 0 : i32
    %dma_start3A_1606 = arith.constant 0 : i32
    %dma_start3A_1607 = tpu.memref_slice %arg6[%dma_start3A_1604, %dma_start3A_1605, %dma_start3A_1606] : memref<3x128x128xf32, #tpu.memory_space<vmem>> -> memref<1x128x128xf32, #tpu.memory_space<vmem>>
    %dma_start3A_1608 = tpu.memref_squeeze %dma_start3A_1607 : memref<1x128x128xf32, #tpu.memory_space<vmem>> -> memref<128x128xf32, #tpu.memory_space<vmem>>
    %dma_start3A_1609 = arith.constant 0 : i32
    %dma_start3A_1610 = tpu.memref_slice %arg4[%add3A_1603, %dma_start3A_1609] : memref<160000x128xf32, #tpu.memory_space<hbm>> -> memref<128x128xf32, #tpu.memory_space<hbm>>
    %dma_start3A_1611 = arith.constant 0 : i32
    %dma_start3A_1612 = tpu.memref_slice %arg4[%add3A_1603, %dma_start3A_1611] : memref<160000x128xf32, #tpu.memory_space<hbm>> -> memref<128x128xf32, #tpu.memory_space<hbm>>
    %dma_start3A_1613 = arith.constant 0 : i32
    %dma_start3A_1614 = arith.constant 0 : i32
    %dma_start3A_1615 = tpu.memref_slice %arg6[%dma_start3A_1604, %dma_start3A_1613, %dma_start3A_1614] : memref<3x128x128xf32, #tpu.memory_space<vmem>> -> memref<1x128x128xf32, #tpu.memory_space<vmem>>
    %dma_start3A_1616 = tpu.memref_squeeze %dma_start3A_1615 : memref<1x128x128xf32, #tpu.memory_space<vmem>> -> memref<128x128xf32, #tpu.memory_space<vmem>>
    tpu.enqueue_dma source(%dma_start3A_1616 : memref<128x128xf32, #tpu.memory_space<vmem>>) target(%dma_start3A_1612 : memref<128x128xf32, #tpu.memory_space<hbm>>) target_semaphore(%arg10 : memref<!tpu.dma_semaphore, #tpu.memory_space<semaphore_mem>>)
    %dma_wait3A_1617 = arith.constant 2 : i32
    %dma_wait3A_1618 = arith.constant 0 : i32
    %dma_wait3A_1619 = arith.constant 0 : i32
    %dma_wait3A_1620 = tpu.memref_slice %arg6[%dma_wait3A_1617, %dma_wait3A_1618, %dma_wait3A_1619] : memref<3x128x128xf32, #tpu.memory_space<vmem>> -> memref<1x128x128xf32, #tpu.memory_space<vmem>>
    %dma_wait3A_1621 = tpu.memref_squeeze %dma_wait3A_1620 : memref<1x128x128xf32, #tpu.memory_space<vmem>> -> memref<128x128xf32, #tpu.memory_space<vmem>>
    %dma_wait3A_1622 = arith.constant 0 : i32
    %dma_wait3A_1623 = tpu.memref_slice %arg4[%add3A_1555, %dma_wait3A_1622] : memref<160000x128xf32, #tpu.memory_space<hbm>> -> memref<128x128xf32, #tpu.memory_space<hbm>>
    %dma_wait3A_1624 = arith.constant 0 : i32
    %dma_wait3A_1625 = tpu.memref_slice %arg4[%add3A_1555, %dma_wait3A_1624] : memref<160000x128xf32, #tpu.memory_space<hbm>> -> memref<128x128xf32, #tpu.memory_space<hbm>>
    %dma_wait3A_1626 = arith.constant 0 : i32
    %dma_wait3A_1627 = arith.constant 0 : i32
    %dma_wait3A_1628 = tpu.memref_slice %arg6[%dma_wait3A_1617, %dma_wait3A_1626, %dma_wait3A_1627] : memref<3x128x128xf32, #tpu.memory_space<vmem>> -> memref<1x128x128xf32, #tpu.memory_space<vmem>>
    %dma_wait3A_1629 = tpu.memref_squeeze %dma_wait3A_1628 : memref<1x128x128xf32, #tpu.memory_space<vmem>> -> memref<128x128xf32, #tpu.memory_space<vmem>>
    tpu.wait_dma2 semaphore(%arg12 : memref<!tpu.dma_semaphore, #tpu.memory_space<semaphore_mem>>) src(%dma_wait3A_1629 : memref<128x128xf32, #tpu.memory_space<vmem>>) dst(%dma_wait3A_1625 : memref<128x128xf32, #tpu.memory_space<hbm>>)
    %dma_start3A_1630 = arith.constant 2 : i32
    %dma_start3A_1631 = arith.constant 0 : i32
    %dma_start3A_1632 = arith.constant 0 : i32
    %dma_start3A_1633 = tpu.memref_slice %arg6[%dma_start3A_1630, %dma_start3A_1631, %dma_start3A_1632] : memref<3x128x128xf32, #tpu.memory_space<vmem>> -> memref<1x128x128xf32, #tpu.memory_space<vmem>>
    %dma_start3A_1634 = tpu.memref_squeeze %dma_start3A_1633 : memref<1x128x128xf32, #tpu.memory_space<vmem>> -> memref<128x128xf32, #tpu.memory_space<vmem>>
    %dma_start3A_1635 = arith.constant 4480 : i32
    %dma_start3A_1636 = tpu.memref_slice %arg5[%dma_start3A_1635] : memref<5000xi32, #tpu.memory_space<vmem>> -> memref<128xi32, #tpu.memory_space<vmem>>
    %dma_start3A_1637 = arith.constant 0 : i32
    %dma_start3A_1638 = arith.constant 0 : i32
    %dma_start3A_1639 = tpu.memref_slice %arg3[%dma_start3A_1637, %dma_start3A_1638] : memref<10000x128xf32, #tpu.memory_space<hbm>> -> memref<10000x128xf32, #tpu.memory_space<hbm>>
    tpu.enqueue_indirect_dma source(%dma_start3A_1639 : memref<10000x128xf32, #tpu.memory_space<hbm>>) target(%dma_start3A_1634 : memref<128x128xf32, #tpu.memory_space<vmem>>) offsets(%dma_start3A_1636 : memref<128xi32, #tpu.memory_space<vmem>>) semaphore(%arg9 : memref<!tpu.dma_semaphore, #tpu.memory_space<semaphore_mem>>)
    %dma_wait3A_1640 = arith.constant 1 : i32
    %dma_wait3A_1641 = arith.constant 0 : i32
    %dma_wait3A_1642 = arith.constant 0 : i32
    %dma_wait3A_1643 = tpu.memref_slice %arg6[%dma_wait3A_1640, %dma_wait3A_1641, %dma_wait3A_1642] : memref<3x128x128xf32, #tpu.memory_space<vmem>> -> memref<1x128x128xf32, #tpu.memory_space<vmem>>
    %dma_wait3A_1644 = tpu.memref_squeeze %dma_wait3A_1643 : memref<1x128x128xf32, #tpu.memory_space<vmem>> -> memref<128x128xf32, #tpu.memory_space<vmem>>
    %dma_wait3A_1645 = arith.constant 4352 : i32
    %dma_wait3A_1646 = tpu.memref_slice %arg5[%dma_wait3A_1645] : memref<5000xi32, #tpu.memory_space<vmem>> -> memref<128xi32, #tpu.memory_space<vmem>>
    %dma_wait3A_1647 = arith.constant 0 : i32
    %dma_wait3A_1648 = arith.constant 0 : i32
    %dma_wait3A_1649 = tpu.memref_slice %arg3[%dma_wait3A_1647, %dma_wait3A_1648] : memref<10000x128xf32, #tpu.memory_space<hbm>> -> memref<10000x128xf32, #tpu.memory_space<hbm>>
    tpu.wait_indirect_dma semaphore(%arg8 : memref<!tpu.dma_semaphore, #tpu.memory_space<semaphore_mem>>) src(%dma_wait3A_1649 : memref<10000x128xf32, #tpu.memory_space<hbm>>) dst(%dma_wait3A_1644 : memref<128x128xf32, #tpu.memory_space<vmem>>)
    %add3A_1650 = arith.constant 4352 : i32
    %add3A_1651 = arith.addi %mul3A_2, %add3A_1650 : i32
    %dma_start3A_1652 = arith.constant 1 : i32
    %dma_start3A_1653 = arith.constant 0 : i32
    %dma_start3A_1654 = arith.constant 0 : i32
    %dma_start3A_1655 = tpu.memref_slice %arg6[%dma_start3A_1652, %dma_start3A_1653, %dma_start3A_1654] : memref<3x128x128xf32, #tpu.memory_space<vmem>> -> memref<1x128x128xf32, #tpu.memory_space<vmem>>
    %dma_start3A_1656 = tpu.memref_squeeze %dma_start3A_1655 : memref<1x128x128xf32, #tpu.memory_space<vmem>> -> memref<128x128xf32, #tpu.memory_space<vmem>>
    %dma_start3A_1657 = arith.constant 0 : i32
    %dma_start3A_1658 = tpu.memref_slice %arg4[%add3A_1651, %dma_start3A_1657] : memref<160000x128xf32, #tpu.memory_space<hbm>> -> memref<128x128xf32, #tpu.memory_space<hbm>>
    %dma_start3A_1659 = arith.constant 0 : i32
    %dma_start3A_1660 = tpu.memref_slice %arg4[%add3A_1651, %dma_start3A_1659] : memref<160000x128xf32, #tpu.memory_space<hbm>> -> memref<128x128xf32, #tpu.memory_space<hbm>>
    %dma_start3A_1661 = arith.constant 0 : i32
    %dma_start3A_1662 = arith.constant 0 : i32
    %dma_start3A_1663 = tpu.memref_slice %arg6[%dma_start3A_1652, %dma_start3A_1661, %dma_start3A_1662] : memref<3x128x128xf32, #tpu.memory_space<vmem>> -> memref<1x128x128xf32, #tpu.memory_space<vmem>>
    %dma_start3A_1664 = tpu.memref_squeeze %dma_start3A_1663 : memref<1x128x128xf32, #tpu.memory_space<vmem>> -> memref<128x128xf32, #tpu.memory_space<vmem>>
    tpu.enqueue_dma source(%dma_start3A_1664 : memref<128x128xf32, #tpu.memory_space<vmem>>) target(%dma_start3A_1660 : memref<128x128xf32, #tpu.memory_space<hbm>>) target_semaphore(%arg11 : memref<!tpu.dma_semaphore, #tpu.memory_space<semaphore_mem>>)
    %dma_wait3A_1665 = arith.constant 0 : i32
    %dma_wait3A_1666 = arith.constant 0 : i32
    %dma_wait3A_1667 = arith.constant 0 : i32
    %dma_wait3A_1668 = tpu.memref_slice %arg6[%dma_wait3A_1665, %dma_wait3A_1666, %dma_wait3A_1667] : memref<3x128x128xf32, #tpu.memory_space<vmem>> -> memref<1x128x128xf32, #tpu.memory_space<vmem>>
    %dma_wait3A_1669 = tpu.memref_squeeze %dma_wait3A_1668 : memref<1x128x128xf32, #tpu.memory_space<vmem>> -> memref<128x128xf32, #tpu.memory_space<vmem>>
    %dma_wait3A_1670 = arith.constant 0 : i32
    %dma_wait3A_1671 = tpu.memref_slice %arg4[%add3A_1603, %dma_wait3A_1670] : memref<160000x128xf32, #tpu.memory_space<hbm>> -> memref<128x128xf32, #tpu.memory_space<hbm>>
    %dma_wait3A_1672 = arith.constant 0 : i32
    %dma_wait3A_1673 = tpu.memref_slice %arg4[%add3A_1603, %dma_wait3A_1672] : memref<160000x128xf32, #tpu.memory_space<hbm>> -> memref<128x128xf32, #tpu.memory_space<hbm>>
    %dma_wait3A_1674 = arith.constant 0 : i32
    %dma_wait3A_1675 = arith.constant 0 : i32
    %dma_wait3A_1676 = tpu.memref_slice %arg6[%dma_wait3A_1665, %dma_wait3A_1674, %dma_wait3A_1675] : memref<3x128x128xf32, #tpu.memory_space<vmem>> -> memref<1x128x128xf32, #tpu.memory_space<vmem>>
    %dma_wait3A_1677 = tpu.memref_squeeze %dma_wait3A_1676 : memref<1x128x128xf32, #tpu.memory_space<vmem>> -> memref<128x128xf32, #tpu.memory_space<vmem>>
    tpu.wait_dma2 semaphore(%arg10 : memref<!tpu.dma_semaphore, #tpu.memory_space<semaphore_mem>>) src(%dma_wait3A_1677 : memref<128x128xf32, #tpu.memory_space<vmem>>) dst(%dma_wait3A_1673 : memref<128x128xf32, #tpu.memory_space<hbm>>)
    %dma_start3A_1678 = arith.constant 0 : i32
    %dma_start3A_1679 = arith.constant 0 : i32
    %dma_start3A_1680 = arith.constant 0 : i32
    %dma_start3A_1681 = tpu.memref_slice %arg6[%dma_start3A_1678, %dma_start3A_1679, %dma_start3A_1680] : memref<3x128x128xf32, #tpu.memory_space<vmem>> -> memref<1x128x128xf32, #tpu.memory_space<vmem>>
    %dma_start3A_1682 = tpu.memref_squeeze %dma_start3A_1681 : memref<1x128x128xf32, #tpu.memory_space<vmem>> -> memref<128x128xf32, #tpu.memory_space<vmem>>
    %dma_start3A_1683 = arith.constant 4608 : i32
    %dma_start3A_1684 = tpu.memref_slice %arg5[%dma_start3A_1683] : memref<5000xi32, #tpu.memory_space<vmem>> -> memref<128xi32, #tpu.memory_space<vmem>>
    %dma_start3A_1685 = arith.constant 0 : i32
    %dma_start3A_1686 = arith.constant 0 : i32
    %dma_start3A_1687 = tpu.memref_slice %arg3[%dma_start3A_1685, %dma_start3A_1686] : memref<10000x128xf32, #tpu.memory_space<hbm>> -> memref<10000x128xf32, #tpu.memory_space<hbm>>
    tpu.enqueue_indirect_dma source(%dma_start3A_1687 : memref<10000x128xf32, #tpu.memory_space<hbm>>) target(%dma_start3A_1682 : memref<128x128xf32, #tpu.memory_space<vmem>>) offsets(%dma_start3A_1684 : memref<128xi32, #tpu.memory_space<vmem>>) semaphore(%arg7 : memref<!tpu.dma_semaphore, #tpu.memory_space<semaphore_mem>>)
    %dma_wait3A_1688 = arith.constant 2 : i32
    %dma_wait3A_1689 = arith.constant 0 : i32
    %dma_wait3A_1690 = arith.constant 0 : i32
    %dma_wait3A_1691 = tpu.memref_slice %arg6[%dma_wait3A_1688, %dma_wait3A_1689, %dma_wait3A_1690] : memref<3x128x128xf32, #tpu.memory_space<vmem>> -> memref<1x128x128xf32, #tpu.memory_space<vmem>>
    %dma_wait3A_1692 = tpu.memref_squeeze %dma_wait3A_1691 : memref<1x128x128xf32, #tpu.memory_space<vmem>> -> memref<128x128xf32, #tpu.memory_space<vmem>>
    %dma_wait3A_1693 = arith.constant 4480 : i32
    %dma_wait3A_1694 = tpu.memref_slice %arg5[%dma_wait3A_1693] : memref<5000xi32, #tpu.memory_space<vmem>> -> memref<128xi32, #tpu.memory_space<vmem>>
    %dma_wait3A_1695 = arith.constant 0 : i32
    %dma_wait3A_1696 = arith.constant 0 : i32
    %dma_wait3A_1697 = tpu.memref_slice %arg3[%dma_wait3A_1695, %dma_wait3A_1696] : memref<10000x128xf32, #tpu.memory_space<hbm>> -> memref<10000x128xf32, #tpu.memory_space<hbm>>
    tpu.wait_indirect_dma semaphore(%arg9 : memref<!tpu.dma_semaphore, #tpu.memory_space<semaphore_mem>>) src(%dma_wait3A_1697 : memref<10000x128xf32, #tpu.memory_space<hbm>>) dst(%dma_wait3A_1692 : memref<128x128xf32, #tpu.memory_space<vmem>>)
    %add3A_1698 = arith.constant 4480 : i32
    %add3A_1699 = arith.addi %mul3A_2, %add3A_1698 : i32
    %dma_start3A_1700 = arith.constant 2 : i32
    %dma_start3A_1701 = arith.constant 0 : i32
    %dma_start3A_1702 = arith.constant 0 : i32
    %dma_start3A_1703 = tpu.memref_slice %arg6[%dma_start3A_1700, %dma_start3A_1701, %dma_start3A_1702] : memref<3x128x128xf32, #tpu.memory_space<vmem>> -> memref<1x128x128xf32, #tpu.memory_space<vmem>>
    %dma_start3A_1704 = tpu.memref_squeeze %dma_start3A_1703 : memref<1x128x128xf32, #tpu.memory_space<vmem>> -> memref<128x128xf32, #tpu.memory_space<vmem>>
    %dma_start3A_1705 = arith.constant 0 : i32
    %dma_start3A_1706 = tpu.memref_slice %arg4[%add3A_1699, %dma_start3A_1705] : memref<160000x128xf32, #tpu.memory_space<hbm>> -> memref<128x128xf32, #tpu.memory_space<hbm>>
    %dma_start3A_1707 = arith.constant 0 : i32
    %dma_start3A_1708 = tpu.memref_slice %arg4[%add3A_1699, %dma_start3A_1707] : memref<160000x128xf32, #tpu.memory_space<hbm>> -> memref<128x128xf32, #tpu.memory_space<hbm>>
    %dma_start3A_1709 = arith.constant 0 : i32
    %dma_start3A_1710 = arith.constant 0 : i32
    %dma_start3A_1711 = tpu.memref_slice %arg6[%dma_start3A_1700, %dma_start3A_1709, %dma_start3A_1710] : memref<3x128x128xf32, #tpu.memory_space<vmem>> -> memref<1x128x128xf32, #tpu.memory_space<vmem>>
    %dma_start3A_1712 = tpu.memref_squeeze %dma_start3A_1711 : memref<1x128x128xf32, #tpu.memory_space<vmem>> -> memref<128x128xf32, #tpu.memory_space<vmem>>
    tpu.enqueue_dma source(%dma_start3A_1712 : memref<128x128xf32, #tpu.memory_space<vmem>>) target(%dma_start3A_1708 : memref<128x128xf32, #tpu.memory_space<hbm>>) target_semaphore(%arg12 : memref<!tpu.dma_semaphore, #tpu.memory_space<semaphore_mem>>)
    %dma_wait3A_1713 = arith.constant 1 : i32
    %dma_wait3A_1714 = arith.constant 0 : i32
    %dma_wait3A_1715 = arith.constant 0 : i32
    %dma_wait3A_1716 = tpu.memref_slice %arg6[%dma_wait3A_1713, %dma_wait3A_1714, %dma_wait3A_1715] : memref<3x128x128xf32, #tpu.memory_space<vmem>> -> memref<1x128x128xf32, #tpu.memory_space<vmem>>
    %dma_wait3A_1717 = tpu.memref_squeeze %dma_wait3A_1716 : memref<1x128x128xf32, #tpu.memory_space<vmem>> -> memref<128x128xf32, #tpu.memory_space<vmem>>
    %dma_wait3A_1718 = arith.constant 0 : i32
    %dma_wait3A_1719 = tpu.memref_slice %arg4[%add3A_1651, %dma_wait3A_1718] : memref<160000x128xf32, #tpu.memory_space<hbm>> -> memref<128x128xf32, #tpu.memory_space<hbm>>
    %dma_wait3A_1720 = arith.constant 0 : i32
    %dma_wait3A_1721 = tpu.memref_slice %arg4[%add3A_1651, %dma_wait3A_1720] : memref<160000x128xf32, #tpu.memory_space<hbm>> -> memref<128x128xf32, #tpu.memory_space<hbm>>
    %dma_wait3A_1722 = arith.constant 0 : i32
    %dma_wait3A_1723 = arith.constant 0 : i32
    %dma_wait3A_1724 = tpu.memref_slice %arg6[%dma_wait3A_1713, %dma_wait3A_1722, %dma_wait3A_1723] : memref<3x128x128xf32, #tpu.memory_space<vmem>> -> memref<1x128x128xf32, #tpu.memory_space<vmem>>
    %dma_wait3A_1725 = tpu.memref_squeeze %dma_wait3A_1724 : memref<1x128x128xf32, #tpu.memory_space<vmem>> -> memref<128x128xf32, #tpu.memory_space<vmem>>
    tpu.wait_dma2 semaphore(%arg11 : memref<!tpu.dma_semaphore, #tpu.memory_space<semaphore_mem>>) src(%dma_wait3A_1725 : memref<128x128xf32, #tpu.memory_space<vmem>>) dst(%dma_wait3A_1721 : memref<128x128xf32, #tpu.memory_space<hbm>>)
    %dma_start3A_1726 = arith.constant 1 : i32
    %dma_start3A_1727 = arith.constant 0 : i32
    %dma_start3A_1728 = arith.constant 0 : i32
    %dma_start3A_1729 = tpu.memref_slice %arg6[%dma_start3A_1726, %dma_start3A_1727, %dma_start3A_1728] : memref<3x128x128xf32, #tpu.memory_space<vmem>> -> memref<1x128x128xf32, #tpu.memory_space<vmem>>
    %dma_start3A_1730 = tpu.memref_squeeze %dma_start3A_1729 : memref<1x128x128xf32, #tpu.memory_space<vmem>> -> memref<128x128xf32, #tpu.memory_space<vmem>>
    %dma_start3A_1731 = arith.constant 4736 : i32
    %dma_start3A_1732 = tpu.memref_slice %arg5[%dma_start3A_1731] : memref<5000xi32, #tpu.memory_space<vmem>> -> memref<128xi32, #tpu.memory_space<vmem>>
    %dma_start3A_1733 = arith.constant 0 : i32
    %dma_start3A_1734 = arith.constant 0 : i32
    %dma_start3A_1735 = tpu.memref_slice %arg3[%dma_start3A_1733, %dma_start3A_1734] : memref<10000x128xf32, #tpu.memory_space<hbm>> -> memref<10000x128xf32, #tpu.memory_space<hbm>>
    tpu.enqueue_indirect_dma source(%dma_start3A_1735 : memref<10000x128xf32, #tpu.memory_space<hbm>>) target(%dma_start3A_1730 : memref<128x128xf32, #tpu.memory_space<vmem>>) offsets(%dma_start3A_1732 : memref<128xi32, #tpu.memory_space<vmem>>) semaphore(%arg8 : memref<!tpu.dma_semaphore, #tpu.memory_space<semaphore_mem>>)
    %dma_wait3A_1736 = arith.constant 0 : i32
    %dma_wait3A_1737 = arith.constant 0 : i32
    %dma_wait3A_1738 = arith.constant 0 : i32
    %dma_wait3A_1739 = tpu.memref_slice %arg6[%dma_wait3A_1736, %dma_wait3A_1737, %dma_wait3A_1738] : memref<3x128x128xf32, #tpu.memory_space<vmem>> -> memref<1x128x128xf32, #tpu.memory_space<vmem>>
    %dma_wait3A_1740 = tpu.memref_squeeze %dma_wait3A_1739 : memref<1x128x128xf32, #tpu.memory_space<vmem>> -> memref<128x128xf32, #tpu.memory_space<vmem>>
    %dma_wait3A_1741 = arith.constant 4608 : i32
    %dma_wait3A_1742 = tpu.memref_slice %arg5[%dma_wait3A_1741] : memref<5000xi32, #tpu.memory_space<vmem>> -> memref<128xi32, #tpu.memory_space<vmem>>
    %dma_wait3A_1743 = arith.constant 0 : i32
    %dma_wait3A_1744 = arith.constant 0 : i32
    %dma_wait3A_1745 = tpu.memref_slice %arg3[%dma_wait3A_1743, %dma_wait3A_1744] : memref<10000x128xf32, #tpu.memory_space<hbm>> -> memref<10000x128xf32, #tpu.memory_space<hbm>>
    tpu.wait_indirect_dma semaphore(%arg7 : memref<!tpu.dma_semaphore, #tpu.memory_space<semaphore_mem>>) src(%dma_wait3A_1745 : memref<10000x128xf32, #tpu.memory_space<hbm>>) dst(%dma_wait3A_1740 : memref<128x128xf32, #tpu.memory_space<vmem>>)
    %add3A_1746 = arith.constant 4608 : i32
    %add3A_1747 = arith.addi %mul3A_2, %add3A_1746 : i32
    %dma_start3A_1748 = arith.constant 0 : i32
    %dma_start3A_1749 = arith.constant 0 : i32
    %dma_start3A_1750 = arith.constant 0 : i32
    %dma_start3A_1751 = tpu.memref_slice %arg6[%dma_start3A_1748, %dma_start3A_1749, %dma_start3A_1750] : memref<3x128x128xf32, #tpu.memory_space<vmem>> -> memref<1x128x128xf32, #tpu.memory_space<vmem>>
    %dma_start3A_1752 = tpu.memref_squeeze %dma_start3A_1751 : memref<1x128x128xf32, #tpu.memory_space<vmem>> -> memref<128x128xf32, #tpu.memory_space<vmem>>
    %dma_start3A_1753 = arith.constant 0 : i32
    %dma_start3A_1754 = tpu.memref_slice %arg4[%add3A_1747, %dma_start3A_1753] : memref<160000x128xf32, #tpu.memory_space<hbm>> -> memref<128x128xf32, #tpu.memory_space<hbm>>
    %dma_start3A_1755 = arith.constant 0 : i32
    %dma_start3A_1756 = tpu.memref_slice %arg4[%add3A_1747, %dma_start3A_1755] : memref<160000x128xf32, #tpu.memory_space<hbm>> -> memref<128x128xf32, #tpu.memory_space<hbm>>
    %dma_start3A_1757 = arith.constant 0 : i32
    %dma_start3A_1758 = arith.constant 0 : i32
    %dma_start3A_1759 = tpu.memref_slice %arg6[%dma_start3A_1748, %dma_start3A_1757, %dma_start3A_1758] : memref<3x128x128xf32, #tpu.memory_space<vmem>> -> memref<1x128x128xf32, #tpu.memory_space<vmem>>
    %dma_start3A_1760 = tpu.memref_squeeze %dma_start3A_1759 : memref<1x128x128xf32, #tpu.memory_space<vmem>> -> memref<128x128xf32, #tpu.memory_space<vmem>>
    tpu.enqueue_dma source(%dma_start3A_1760 : memref<128x128xf32, #tpu.memory_space<vmem>>) target(%dma_start3A_1756 : memref<128x128xf32, #tpu.memory_space<hbm>>) target_semaphore(%arg10 : memref<!tpu.dma_semaphore, #tpu.memory_space<semaphore_mem>>)
    %dma_wait3A_1761 = arith.constant 2 : i32
    %dma_wait3A_1762 = arith.constant 0 : i32
    %dma_wait3A_1763 = arith.constant 0 : i32
    %dma_wait3A_1764 = tpu.memref_slice %arg6[%dma_wait3A_1761, %dma_wait3A_1762, %dma_wait3A_1763] : memref<3x128x128xf32, #tpu.memory_space<vmem>> -> memref<1x128x128xf32, #tpu.memory_space<vmem>>
    %dma_wait3A_1765 = tpu.memref_squeeze %dma_wait3A_1764 : memref<1x128x128xf32, #tpu.memory_space<vmem>> -> memref<128x128xf32, #tpu.memory_space<vmem>>
    %dma_wait3A_1766 = arith.constant 0 : i32
    %dma_wait3A_1767 = tpu.memref_slice %arg4[%add3A_1699, %dma_wait3A_1766] : memref<160000x128xf32, #tpu.memory_space<hbm>> -> memref<128x128xf32, #tpu.memory_space<hbm>>
    %dma_wait3A_1768 = arith.constant 0 : i32
    %dma_wait3A_1769 = tpu.memref_slice %arg4[%add3A_1699, %dma_wait3A_1768] : memref<160000x128xf32, #tpu.memory_space<hbm>> -> memref<128x128xf32, #tpu.memory_space<hbm>>
    %dma_wait3A_1770 = arith.constant 0 : i32
    %dma_wait3A_1771 = arith.constant 0 : i32
    %dma_wait3A_1772 = tpu.memref_slice %arg6[%dma_wait3A_1761, %dma_wait3A_1770, %dma_wait3A_1771] : memref<3x128x128xf32, #tpu.memory_space<vmem>> -> memref<1x128x128xf32, #tpu.memory_space<vmem>>
    %dma_wait3A_1773 = tpu.memref_squeeze %dma_wait3A_1772 : memref<1x128x128xf32, #tpu.memory_space<vmem>> -> memref<128x128xf32, #tpu.memory_space<vmem>>
    tpu.wait_dma2 semaphore(%arg12 : memref<!tpu.dma_semaphore, #tpu.memory_space<semaphore_mem>>) src(%dma_wait3A_1773 : memref<128x128xf32, #tpu.memory_space<vmem>>) dst(%dma_wait3A_1769 : memref<128x128xf32, #tpu.memory_space<hbm>>)
    %dma_start3A_1774 = arith.constant 2 : i32
    %dma_start3A_1775 = arith.constant 0 : i32
    %dma_start3A_1776 = arith.constant 0 : i32
    %dma_start3A_1777 = tpu.memref_slice %arg6[%dma_start3A_1774, %dma_start3A_1775, %dma_start3A_1776] : memref<3x128x128xf32, #tpu.memory_space<vmem>> -> memref<1x128x128xf32, #tpu.memory_space<vmem>>
    %dma_start3A_1778 = tpu.memref_squeeze %dma_start3A_1777 : memref<1x128x128xf32, #tpu.memory_space<vmem>> -> memref<128x128xf32, #tpu.memory_space<vmem>>
    %dma_start3A_1779 = arith.constant 4864 : i32
    %dma_start3A_1780 = tpu.memref_slice %arg5[%dma_start3A_1779] : memref<5000xi32, #tpu.memory_space<vmem>> -> memref<128xi32, #tpu.memory_space<vmem>>
    %dma_start3A_1781 = arith.constant 0 : i32
    %dma_start3A_1782 = arith.constant 0 : i32
    %dma_start3A_1783 = tpu.memref_slice %arg3[%dma_start3A_1781, %dma_start3A_1782] : memref<10000x128xf32, #tpu.memory_space<hbm>> -> memref<10000x128xf32, #tpu.memory_space<hbm>>
    tpu.enqueue_indirect_dma source(%dma_start3A_1783 : memref<10000x128xf32, #tpu.memory_space<hbm>>) target(%dma_start3A_1778 : memref<128x128xf32, #tpu.memory_space<vmem>>) offsets(%dma_start3A_1780 : memref<128xi32, #tpu.memory_space<vmem>>) semaphore(%arg9 : memref<!tpu.dma_semaphore, #tpu.memory_space<semaphore_mem>>)
    %dma_wait3A_1784 = arith.constant 1 : i32
    %dma_wait3A_1785 = arith.constant 0 : i32
    %dma_wait3A_1786 = arith.constant 0 : i32
    %dma_wait3A_1787 = tpu.memref_slice %arg6[%dma_wait3A_1784, %dma_wait3A_1785, %dma_wait3A_1786] : memref<3x128x128xf32, #tpu.memory_space<vmem>> -> memref<1x128x128xf32, #tpu.memory_space<vmem>>
    %dma_wait3A_1788 = tpu.memref_squeeze %dma_wait3A_1787 : memref<1x128x128xf32, #tpu.memory_space<vmem>> -> memref<128x128xf32, #tpu.memory_space<vmem>>
    %dma_wait3A_1789 = arith.constant 4736 : i32
    %dma_wait3A_1790 = tpu.memref_slice %arg5[%dma_wait3A_1789] : memref<5000xi32, #tpu.memory_space<vmem>> -> memref<128xi32, #tpu.memory_space<vmem>>
    %dma_wait3A_1791 = arith.constant 0 : i32
    %dma_wait3A_1792 = arith.constant 0 : i32
    %dma_wait3A_1793 = tpu.memref_slice %arg3[%dma_wait3A_1791, %dma_wait3A_1792] : memref<10000x128xf32, #tpu.memory_space<hbm>> -> memref<10000x128xf32, #tpu.memory_space<hbm>>
    tpu.wait_indirect_dma semaphore(%arg8 : memref<!tpu.dma_semaphore, #tpu.memory_space<semaphore_mem>>) src(%dma_wait3A_1793 : memref<10000x128xf32, #tpu.memory_space<hbm>>) dst(%dma_wait3A_1788 : memref<128x128xf32, #tpu.memory_space<vmem>>)
    %add3A_1794 = arith.constant 4736 : i32
    %add3A_1795 = arith.addi %mul3A_2, %add3A_1794 : i32
    %dma_start3A_1796 = arith.constant 1 : i32
    %dma_start3A_1797 = arith.constant 0 : i32
    %dma_start3A_1798 = arith.constant 0 : i32
    %dma_start3A_1799 = tpu.memref_slice %arg6[%dma_start3A_1796, %dma_start3A_1797, %dma_start3A_1798] : memref<3x128x128xf32, #tpu.memory_space<vmem>> -> memref<1x128x128xf32, #tpu.memory_space<vmem>>
    %dma_start3A_1800 = tpu.memref_squeeze %dma_start3A_1799 : memref<1x128x128xf32, #tpu.memory_space<vmem>> -> memref<128x128xf32, #tpu.memory_space<vmem>>
    %dma_start3A_1801 = arith.constant 0 : i32
    %dma_start3A_1802 = tpu.memref_slice %arg4[%add3A_1795, %dma_start3A_1801] : memref<160000x128xf32, #tpu.memory_space<hbm>> -> memref<128x128xf32, #tpu.memory_space<hbm>>
    %dma_start3A_1803 = arith.constant 0 : i32
    %dma_start3A_1804 = tpu.memref_slice %arg4[%add3A_1795, %dma_start3A_1803] : memref<160000x128xf32, #tpu.memory_space<hbm>> -> memref<128x128xf32, #tpu.memory_space<hbm>>
    %dma_start3A_1805 = arith.constant 0 : i32
    %dma_start3A_1806 = arith.constant 0 : i32
    %dma_start3A_1807 = tpu.memref_slice %arg6[%dma_start3A_1796, %dma_start3A_1805, %dma_start3A_1806] : memref<3x128x128xf32, #tpu.memory_space<vmem>> -> memref<1x128x128xf32, #tpu.memory_space<vmem>>
    %dma_start3A_1808 = tpu.memref_squeeze %dma_start3A_1807 : memref<1x128x128xf32, #tpu.memory_space<vmem>> -> memref<128x128xf32, #tpu.memory_space<vmem>>
    tpu.enqueue_dma source(%dma_start3A_1808 : memref<128x128xf32, #tpu.memory_space<vmem>>) target(%dma_start3A_1804 : memref<128x128xf32, #tpu.memory_space<hbm>>) target_semaphore(%arg11 : memref<!tpu.dma_semaphore, #tpu.memory_space<semaphore_mem>>)
    %dma_wait3A_1809 = arith.constant 0 : i32
    %dma_wait3A_1810 = arith.constant 0 : i32
    %dma_wait3A_1811 = arith.constant 0 : i32
    %dma_wait3A_1812 = tpu.memref_slice %arg6[%dma_wait3A_1809, %dma_wait3A_1810, %dma_wait3A_1811] : memref<3x128x128xf32, #tpu.memory_space<vmem>> -> memref<1x128x128xf32, #tpu.memory_space<vmem>>
    %dma_wait3A_1813 = tpu.memref_squeeze %dma_wait3A_1812 : memref<1x128x128xf32, #tpu.memory_space<vmem>> -> memref<128x128xf32, #tpu.memory_space<vmem>>
    %dma_wait3A_1814 = arith.constant 0 : i32
    %dma_wait3A_1815 = tpu.memref_slice %arg4[%add3A_1747, %dma_wait3A_1814] : memref<160000x128xf32, #tpu.memory_space<hbm>> -> memref<128x128xf32, #tpu.memory_space<hbm>>
    %dma_wait3A_1816 = arith.constant 0 : i32
    %dma_wait3A_1817 = tpu.memref_slice %arg4[%add3A_1747, %dma_wait3A_1816] : memref<160000x128xf32, #tpu.memory_space<hbm>> -> memref<128x128xf32, #tpu.memory_space<hbm>>
    %dma_wait3A_1818 = arith.constant 0 : i32
    %dma_wait3A_1819 = arith.constant 0 : i32
    %dma_wait3A_1820 = tpu.memref_slice %arg6[%dma_wait3A_1809, %dma_wait3A_1818, %dma_wait3A_1819] : memref<3x128x128xf32, #tpu.memory_space<vmem>> -> memref<1x128x128xf32, #tpu.memory_space<vmem>>
    %dma_wait3A_1821 = tpu.memref_squeeze %dma_wait3A_1820 : memref<1x128x128xf32, #tpu.memory_space<vmem>> -> memref<128x128xf32, #tpu.memory_space<vmem>>
    tpu.wait_dma2 semaphore(%arg10 : memref<!tpu.dma_semaphore, #tpu.memory_space<semaphore_mem>>) src(%dma_wait3A_1821 : memref<128x128xf32, #tpu.memory_space<vmem>>) dst(%dma_wait3A_1817 : memref<128x128xf32, #tpu.memory_space<hbm>>)
    %dma_start3A_1822 = arith.constant 0 : i32
    %dma_start3A_1823 = arith.constant 0 : i32
    %dma_start3A_1824 = arith.constant 0 : i32
    %dma_start3A_1825 = tpu.memref_slice %arg6[%dma_start3A_1822, %dma_start3A_1823, %dma_start3A_1824] : memref<3x128x128xf32, #tpu.memory_space<vmem>> -> memref<1x8x128xf32, #tpu.memory_space<vmem>>
    %dma_start3A_1826 = tpu.memref_squeeze %dma_start3A_1825 : memref<1x8x128xf32, #tpu.memory_space<vmem>> -> memref<8x128xf32, #tpu.memory_space<vmem>>
    %dma_start3A_1827 = arith.constant 4992 : i32
    %dma_start3A_1828 = tpu.memref_slice %arg5[%dma_start3A_1827] : memref<5000xi32, #tpu.memory_space<vmem>> -> memref<8xi32, #tpu.memory_space<vmem>>
    %dma_start3A_1829 = arith.constant 0 : i32
    %dma_start3A_1830 = arith.constant 0 : i32
    %dma_start3A_1831 = tpu.memref_slice %arg3[%dma_start3A_1829, %dma_start3A_1830] : memref<10000x128xf32, #tpu.memory_space<hbm>> -> memref<10000x128xf32, #tpu.memory_space<hbm>>
    tpu.enqueue_indirect_dma source(%dma_start3A_1831 : memref<10000x128xf32, #tpu.memory_space<hbm>>) target(%dma_start3A_1826 : memref<8x128xf32, #tpu.memory_space<vmem>>) offsets(%dma_start3A_1828 : memref<8xi32, #tpu.memory_space<vmem>>) semaphore(%arg7 : memref<!tpu.dma_semaphore, #tpu.memory_space<semaphore_mem>>)
    %dma_wait3A_1832 = arith.constant 2 : i32
    %dma_wait3A_1833 = arith.constant 0 : i32
    %dma_wait3A_1834 = arith.constant 0 : i32
    %dma_wait3A_1835 = tpu.memref_slice %arg6[%dma_wait3A_1832, %dma_wait3A_1833, %dma_wait3A_1834] : memref<3x128x128xf32, #tpu.memory_space<vmem>> -> memref<1x128x128xf32, #tpu.memory_space<vmem>>
    %dma_wait3A_1836 = tpu.memref_squeeze %dma_wait3A_1835 : memref<1x128x128xf32, #tpu.memory_space<vmem>> -> memref<128x128xf32, #tpu.memory_space<vmem>>
    %dma_wait3A_1837 = arith.constant 4864 : i32
    %dma_wait3A_1838 = tpu.memref_slice %arg5[%dma_wait3A_1837] : memref<5000xi32, #tpu.memory_space<vmem>> -> memref<128xi32, #tpu.memory_space<vmem>>
    %dma_wait3A_1839 = arith.constant 0 : i32
    %dma_wait3A_1840 = arith.constant 0 : i32
    %dma_wait3A_1841 = tpu.memref_slice %arg3[%dma_wait3A_1839, %dma_wait3A_1840] : memref<10000x128xf32, #tpu.memory_space<hbm>> -> memref<10000x128xf32, #tpu.memory_space<hbm>>
    tpu.wait_indirect_dma semaphore(%arg9 : memref<!tpu.dma_semaphore, #tpu.memory_space<semaphore_mem>>) src(%dma_wait3A_1841 : memref<10000x128xf32, #tpu.memory_space<hbm>>) dst(%dma_wait3A_1836 : memref<128x128xf32, #tpu.memory_space<vmem>>)
    %add3A_1842 = arith.constant 4864 : i32
    %add3A_1843 = arith.addi %mul3A_2, %add3A_1842 : i32
    %dma_start3A_1844 = arith.constant 2 : i32
    %dma_start3A_1845 = arith.constant 0 : i32
    %dma_start3A_1846 = arith.constant 0 : i32
    %dma_start3A_1847 = tpu.memref_slice %arg6[%dma_start3A_1844, %dma_start3A_1845, %dma_start3A_1846] : memref<3x128x128xf32, #tpu.memory_space<vmem>> -> memref<1x128x128xf32, #tpu.memory_space<vmem>>
    %dma_start3A_1848 = tpu.memref_squeeze %dma_start3A_1847 : memref<1x128x128xf32, #tpu.memory_space<vmem>> -> memref<128x128xf32, #tpu.memory_space<vmem>>
    %dma_start3A_1849 = arith.constant 0 : i32
    %dma_start3A_1850 = tpu.memref_slice %arg4[%add3A_1843, %dma_start3A_1849] : memref<160000x128xf32, #tpu.memory_space<hbm>> -> memref<128x128xf32, #tpu.memory_space<hbm>>
    %dma_start3A_1851 = arith.constant 0 : i32
    %dma_start3A_1852 = tpu.memref_slice %arg4[%add3A_1843, %dma_start3A_1851] : memref<160000x128xf32, #tpu.memory_space<hbm>> -> memref<128x128xf32, #tpu.memory_space<hbm>>
    %dma_start3A_1853 = arith.constant 0 : i32
    %dma_start3A_1854 = arith.constant 0 : i32
    %dma_start3A_1855 = tpu.memref_slice %arg6[%dma_start3A_1844, %dma_start3A_1853, %dma_start3A_1854] : memref<3x128x128xf32, #tpu.memory_space<vmem>> -> memref<1x128x128xf32, #tpu.memory_space<vmem>>
    %dma_start3A_1856 = tpu.memref_squeeze %dma_start3A_1855 : memref<1x128x128xf32, #tpu.memory_space<vmem>> -> memref<128x128xf32, #tpu.memory_space<vmem>>
    tpu.enqueue_dma source(%dma_start3A_1856 : memref<128x128xf32, #tpu.memory_space<vmem>>) target(%dma_start3A_1852 : memref<128x128xf32, #tpu.memory_space<hbm>>) target_semaphore(%arg12 : memref<!tpu.dma_semaphore, #tpu.memory_space<semaphore_mem>>)
    %dma_wait3A_1857 = arith.constant 0 : i32
    %dma_wait3A_1858 = arith.constant 0 : i32
    %dma_wait3A_1859 = arith.constant 0 : i32
    %dma_wait3A_1860 = tpu.memref_slice %arg6[%dma_wait3A_1857, %dma_wait3A_1858, %dma_wait3A_1859] : memref<3x128x128xf32, #tpu.memory_space<vmem>> -> memref<1x8x128xf32, #tpu.memory_space<vmem>>
    %dma_wait3A_1861 = tpu.memref_squeeze %dma_wait3A_1860 : memref<1x8x128xf32, #tpu.memory_space<vmem>> -> memref<8x128xf32, #tpu.memory_space<vmem>>
    %dma_wait3A_1862 = arith.constant 4992 : i32
    %dma_wait3A_1863 = tpu.memref_slice %arg5[%dma_wait3A_1862] : memref<5000xi32, #tpu.memory_space<vmem>> -> memref<8xi32, #tpu.memory_space<vmem>>
    %dma_wait3A_1864 = arith.constant 0 : i32
    %dma_wait3A_1865 = arith.constant 0 : i32
    %dma_wait3A_1866 = tpu.memref_slice %arg3[%dma_wait3A_1864, %dma_wait3A_1865] : memref<10000x128xf32, #tpu.memory_space<hbm>> -> memref<10000x128xf32, #tpu.memory_space<hbm>>
    tpu.wait_indirect_dma semaphore(%arg7 : memref<!tpu.dma_semaphore, #tpu.memory_space<semaphore_mem>>) src(%dma_wait3A_1866 : memref<10000x128xf32, #tpu.memory_space<hbm>>) dst(%dma_wait3A_1861 : memref<8x128xf32, #tpu.memory_space<vmem>>)
    %add3A_1867 = arith.constant 4992 : i32
    %add3A_1868 = arith.addi %mul3A_2, %add3A_1867 : i32
    %dma_start3A_1869 = arith.constant 0 : i32
    %dma_start3A_1870 = arith.constant 0 : i32
    %dma_start3A_1871 = arith.constant 0 : i32
    %dma_start3A_1872 = tpu.memref_slice %arg6[%dma_start3A_1869, %dma_start3A_1870, %dma_start3A_1871] : memref<3x128x128xf32, #tpu.memory_space<vmem>> -> memref<1x8x128xf32, #tpu.memory_space<vmem>>
    %dma_start3A_1873 = tpu.memref_squeeze %dma_start3A_1872 : memref<1x8x128xf32, #tpu.memory_space<vmem>> -> memref<8x128xf32, #tpu.memory_space<vmem>>
    %dma_start3A_1874 = arith.constant 0 : i32
    %dma_start3A_1875 = tpu.memref_slice %arg4[%add3A_1868, %dma_start3A_1874] : memref<160000x128xf32, #tpu.memory_space<hbm>> -> memref<8x128xf32, #tpu.memory_space<hbm>>
    %dma_start3A_1876 = arith.constant 0 : i32
    %dma_start3A_1877 = tpu.memref_slice %arg4[%add3A_1868, %dma_start3A_1876] : memref<160000x128xf32, #tpu.memory_space<hbm>> -> memref<8x128xf32, #tpu.memory_space<hbm>>
    %dma_start3A_1878 = arith.constant 0 : i32
    %dma_start3A_1879 = arith.constant 0 : i32
    %dma_start3A_1880 = tpu.memref_slice %arg6[%dma_start3A_1869, %dma_start3A_1878, %dma_start3A_1879] : memref<3x128x128xf32, #tpu.memory_space<vmem>> -> memref<1x8x128xf32, #tpu.memory_space<vmem>>
    %dma_start3A_1881 = tpu.memref_squeeze %dma_start3A_1880 : memref<1x8x128xf32, #tpu.memory_space<vmem>> -> memref<8x128xf32, #tpu.memory_space<vmem>>
    tpu.enqueue_dma source(%dma_start3A_1881 : memref<8x128xf32, #tpu.memory_space<vmem>>) target(%dma_start3A_1877 : memref<8x128xf32, #tpu.memory_space<hbm>>) target_semaphore(%arg10 : memref<!tpu.dma_semaphore, #tpu.memory_space<semaphore_mem>>)
    %dma_wait3A_1882 = arith.constant 1 : i32
    %dma_wait3A_1883 = arith.constant 0 : i32
    %dma_wait3A_1884 = arith.constant 0 : i32
    %dma_wait3A_1885 = tpu.memref_slice %arg6[%dma_wait3A_1882, %dma_wait3A_1883, %dma_wait3A_1884] : memref<3x128x128xf32, #tpu.memory_space<vmem>> -> memref<1x128x128xf32, #tpu.memory_space<vmem>>
    %dma_wait3A_1886 = tpu.memref_squeeze %dma_wait3A_1885 : memref<1x128x128xf32, #tpu.memory_space<vmem>> -> memref<128x128xf32, #tpu.memory_space<vmem>>
    %dma_wait3A_1887 = arith.constant 0 : i32
    %dma_wait3A_1888 = tpu.memref_slice %arg4[%add3A_1795, %dma_wait3A_1887] : memref<160000x128xf32, #tpu.memory_space<hbm>> -> memref<128x128xf32, #tpu.memory_space<hbm>>
    %dma_wait3A_1889 = arith.constant 0 : i32
    %dma_wait3A_1890 = tpu.memref_slice %arg4[%add3A_1795, %dma_wait3A_1889] : memref<160000x128xf32, #tpu.memory_space<hbm>> -> memref<128x128xf32, #tpu.memory_space<hbm>>
    %dma_wait3A_1891 = arith.constant 0 : i32
    %dma_wait3A_1892 = arith.constant 0 : i32
    %dma_wait3A_1893 = tpu.memref_slice %arg6[%dma_wait3A_1882, %dma_wait3A_1891, %dma_wait3A_1892] : memref<3x128x128xf32, #tpu.memory_space<vmem>> -> memref<1x128x128xf32, #tpu.memory_space<vmem>>
    %dma_wait3A_1894 = tpu.memref_squeeze %dma_wait3A_1893 : memref<1x128x128xf32, #tpu.memory_space<vmem>> -> memref<128x128xf32, #tpu.memory_space<vmem>>
    tpu.wait_dma2 semaphore(%arg11 : memref<!tpu.dma_semaphore, #tpu.memory_space<semaphore_mem>>) src(%dma_wait3A_1894 : memref<128x128xf32, #tpu.memory_space<vmem>>) dst(%dma_wait3A_1890 : memref<128x128xf32, #tpu.memory_space<hbm>>)
    %dma_wait3A_1895 = arith.constant 2 : i32
    %dma_wait3A_1896 = arith.constant 0 : i32
    %dma_wait3A_1897 = arith.constant 0 : i32
    %dma_wait3A_1898 = tpu.memref_slice %arg6[%dma_wait3A_1895, %dma_wait3A_1896, %dma_wait3A_1897] : memref<3x128x128xf32, #tpu.memory_space<vmem>> -> memref<1x128x128xf32, #tpu.memory_space<vmem>>
    %dma_wait3A_1899 = tpu.memref_squeeze %dma_wait3A_1898 : memref<1x128x128xf32, #tpu.memory_space<vmem>> -> memref<128x128xf32, #tpu.memory_space<vmem>>
    %dma_wait3A_1900 = arith.constant 0 : i32
    %dma_wait3A_1901 = tpu.memref_slice %arg4[%add3A_1843, %dma_wait3A_1900] : memref<160000x128xf32, #tpu.memory_space<hbm>> -> memref<128x128xf32, #tpu.memory_space<hbm>>
    %dma_wait3A_1902 = arith.constant 0 : i32
    %dma_wait3A_1903 = tpu.memref_slice %arg4[%add3A_1843, %dma_wait3A_1902] : memref<160000x128xf32, #tpu.memory_space<hbm>> -> memref<128x128xf32, #tpu.memory_space<hbm>>
    %dma_wait3A_1904 = arith.constant 0 : i32
    %dma_wait3A_1905 = arith.constant 0 : i32
    %dma_wait3A_1906 = tpu.memref_slice %arg6[%dma_wait3A_1895, %dma_wait3A_1904, %dma_wait3A_1905] : memref<3x128x128xf32, #tpu.memory_space<vmem>> -> memref<1x128x128xf32, #tpu.memory_space<vmem>>
    %dma_wait3A_1907 = tpu.memref_squeeze %dma_wait3A_1906 : memref<1x128x128xf32, #tpu.memory_space<vmem>> -> memref<128x128xf32, #tpu.memory_space<vmem>>
    tpu.wait_dma2 semaphore(%arg12 : memref<!tpu.dma_semaphore, #tpu.memory_space<semaphore_mem>>) src(%dma_wait3A_1907 : memref<128x128xf32, #tpu.memory_space<vmem>>) dst(%dma_wait3A_1903 : memref<128x128xf32, #tpu.memory_space<hbm>>)
    %dma_wait3A_1908 = arith.constant 0 : i32
    %dma_wait3A_1909 = arith.constant 0 : i32
    %dma_wait3A_1910 = arith.constant 0 : i32
    %dma_wait3A_1911 = tpu.memref_slice %arg6[%dma_wait3A_1908, %dma_wait3A_1909, %dma_wait3A_1910] : memref<3x128x128xf32, #tpu.memory_space<vmem>> -> memref<1x8x128xf32, #tpu.memory_space<vmem>>
    %dma_wait3A_1912 = tpu.memref_squeeze %dma_wait3A_1911 : memref<1x8x128xf32, #tpu.memory_space<vmem>> -> memref<8x128xf32, #tpu.memory_space<vmem>>
    %dma_wait3A_1913 = arith.constant 0 : i32
    %dma_wait3A_1914 = tpu.memref_slice %arg4[%add3A_1868, %dma_wait3A_1913] : memref<160000x128xf32, #tpu.memory_space<hbm>> -> memref<8x128xf32, #tpu.memory_space<hbm>>
    %dma_wait3A_1915 = arith.constant 0 : i32
    %dma_wait3A_1916 = tpu.memref_slice %arg4[%add3A_1868, %dma_wait3A_1915] : memref<160000x128xf32, #tpu.memory_space<hbm>> -> memref<8x128xf32, #tpu.memory_space<hbm>>
    %dma_wait3A_1917 = arith.constant 0 : i32
    %dma_wait3A_1918 = arith.constant 0 : i32
    %dma_wait3A_1919 = tpu.memref_slice %arg6[%dma_wait3A_1908, %dma_wait3A_1917, %dma_wait3A_1918] : memref<3x128x128xf32, #tpu.memory_space<vmem>> -> memref<1x8x128xf32, #tpu.memory_space<vmem>>
    %dma_wait3A_1920 = tpu.memref_squeeze %dma_wait3A_1919 : memref<1x8x128xf32, #tpu.memory_space<vmem>> -> memref<8x128xf32, #tpu.memory_space<vmem>>
    tpu.wait_dma2 semaphore(%arg10 : memref<!tpu.dma_semaphore, #tpu.memory_space<semaphore_mem>>) src(%dma_wait3A_1920 : memref<8x128xf32, #tpu.memory_space<vmem>>) dst(%dma_wait3A_1916 : memref<8x128xf32, #tpu.memory_space<hbm>>)
    return
  }
}

module attributes {stable_mosaic.version = 14 : i64} {
  func.func @_tc_body(%arg0: i32, %arg1: memref<3200x128xf32, #tpu.memory_space<vmem>>, %arg2: memref<200x16xf32, #tpu.memory_space<vmem>>, %arg3: memref<200x16x16xf32, #tpu.memory_space<vmem>>, %arg4: memref<200x128xf32, #tpu.memory_space<vmem>>, %arg5: memref<1x64xf32, #tpu.memory_space<vmem>>, %arg6: memref<1x64xf32, #tpu.memory_space<vmem>>, %arg7: memref<1x64xf32, #tpu.memory_space<vmem>>, %arg8: memref<128x208xf32, #tpu.memory_space<vmem>>, %arg9: memref<64x208xf32, #tpu.memory_space<vmem>>, %arg10: memref<208x416xf32, #tpu.memory_space<vmem>>, %arg11: memref<208x208xf32, #tpu.memory_space<vmem>>, %arg12: memref<1x208xf32, #tpu.memory_space<vmem>>, %arg13: memref<1x208xf32, #tpu.memory_space<vmem>>, %arg14: memref<1x208xf32, #tpu.memory_space<vmem>>, %arg15: memref<1x64xf32, #tpu.memory_space<vmem>>, %arg16: memref<336x128xf32, #tpu.memory_space<vmem>>, %arg17: memref<1x128xf32, #tpu.memory_space<vmem>>, %arg18: memref<128x128xf32, #tpu.memory_space<vmem>>, %arg19: memref<1x128xf32, #tpu.memory_space<vmem>>, %arg20: memref<208x4xf32, #tpu.memory_space<vmem>>, %arg21: memref<4x208xf32, #tpu.memory_space<vmem>>, %arg22: memref<200x128xf32, #tpu.memory_space<vmem>>) attributes {dimension_semantics = [#tpu.dimension_semantics<arbitrary>], iteration_bounds = array<i64: 50>, scalar_prefetch = 0 : i64, scratch_operands = 0 : i64, tpu.core_type = #tpu.core_type<tc>, window_params = [{transform_indices = @transform_0, window_bounds = array<i64: 3200, 128>}, {transform_indices = @transform_1, window_bounds = array<i64: 200, 16>}, {transform_indices = @transform_2, window_bounds = array<i64: 200, 16, 16>}, {transform_indices = @transform_3, window_bounds = array<i64: 200, 128>}, {pipeline_mode = #tpu.pipeline_mode<synchronous>, transform_indices = @transform_4, window_bounds = array<i64: 1, 64>}, {pipeline_mode = #tpu.pipeline_mode<synchronous>, transform_indices = @transform_5, window_bounds = array<i64: 1, 64>}, {pipeline_mode = #tpu.pipeline_mode<synchronous>, transform_indices = @transform_6, window_bounds = array<i64: 1, 64>}, {pipeline_mode = #tpu.pipeline_mode<synchronous>, transform_indices = @transform_7, window_bounds = array<i64: 128, 208>}, {pipeline_mode = #tpu.pipeline_mode<synchronous>, transform_indices = @transform_8, window_bounds = array<i64: 64, 208>}, {pipeline_mode = #tpu.pipeline_mode<synchronous>, transform_indices = @transform_9, window_bounds = array<i64: 208, 416>}, {pipeline_mode = #tpu.pipeline_mode<synchronous>, transform_indices = @transform_10, window_bounds = array<i64: 208, 208>}, {pipeline_mode = #tpu.pipeline_mode<synchronous>, transform_indices = @transform_11, window_bounds = array<i64: 1, 208>}, {pipeline_mode = #tpu.pipeline_mode<synchronous>, transform_indices = @transform_12, window_bounds = array<i64: 1, 208>}, {pipeline_mode = #tpu.pipeline_mode<synchronous>, transform_indices = @transform_13, window_bounds = array<i64: 1, 208>}, {pipeline_mode = #tpu.pipeline_mode<synchronous>, transform_indices = @transform_14, window_bounds = array<i64: 1, 64>}, {pipeline_mode = #tpu.pipeline_mode<synchronous>, transform_indices = @transform_15, window_bounds = array<i64: 336, 128>}, {pipeline_mode = #tpu.pipeline_mode<synchronous>, transform_indices = @transform_16, window_bounds = array<i64: 1, 128>}, {pipeline_mode = #tpu.pipeline_mode<synchronous>, transform_indices = @transform_17, window_bounds = array<i64: 128, 128>}, {pipeline_mode = #tpu.pipeline_mode<synchronous>, transform_indices = @transform_18, window_bounds = array<i64: 1, 128>}, {pipeline_mode = #tpu.pipeline_mode<synchronous>, transform_indices = @transform_19, window_bounds = array<i64: 208, 4>}, {pipeline_mode = #tpu.pipeline_mode<synchronous>, transform_indices = @transform_20, window_bounds = array<i64: 4, 208>}, {transform_indices = @transform_21, window_bounds = array<i64: 200, 128>}]} {
    %get3A = arith.constant 0 : index
    %get3A_0 = arith.constant 0 : index
    %get3A_1 = vector.load %arg7[%get3A, %get3A_0] : memref<1x64xf32, #tpu.memory_space<vmem>>, vector<1x64xf32>
    %get3A_2 = arith.constant 0 : index
    %get3A_3 = arith.constant 0 : index
    %get3A_4 = vector.load %arg4[%get3A_2, %get3A_3] : memref<200x128xf32, #tpu.memory_space<vmem>>, vector<200x128xf32>
    %get3A_5 = arith.constant 0 : index
    %get3A_6 = arith.constant 0 : index
    %get3A_7 = vector.load %arg8[%get3A_5, %get3A_6] : memref<128x208xf32, #tpu.memory_space<vmem>>, vector<128x208xf32>
    %dot_general3A = arith.constant dense<0.000000e+00> : vector<200x208xf32>
    %dot_general3A_8 = tpu.matmul %get3A_4, %get3A_7, %dot_general3A {dimension_numbers = #tpu.dot_dimension_numbers<[1], [0], [0], [1], [0, 0, 1, 1], [], []>, transpose_lhs_hint = false} : vector<200x128xf32>, vector<128x208xf32>, vector<200x208xf32> -> vector<200x208xf32>
    %get3A_9 = arith.constant 0 : index
    %get3A_10 = arith.constant 0 : index
    %get3A_11 = vector.load %arg9[%get3A_9, %get3A_10] : memref<64x208xf32, #tpu.memory_space<vmem>>, vector<64x208xf32>
    %dot_general3A_12 = arith.constant dense<0.000000e+00> : vector<1x208xf32>
    %dot_general3A_13 = tpu.matmul %get3A_1, %get3A_11, %dot_general3A_12 {dimension_numbers = #tpu.dot_dimension_numbers<[1], [0], [0], [1], [0, 0, 1, 1], [], []>, transpose_lhs_hint = false} : vector<1x64xf32>, vector<64x208xf32>, vector<1x208xf32> -> vector<1x208xf32>
    %add3A = vector.broadcast %dot_general3A_13 : vector<1x208xf32> to vector<200x208xf32>
    %add3A_14 = arith.addf %dot_general3A_8, %add3A : vector<200x208xf32>
    %get3A_15 = arith.constant 0 : index
    %get3A_16 = arith.constant 0 : index
    %get3A_17 = vector.load %arg2[%get3A_15, %get3A_16] : memref<200x16xf32, #tpu.memory_space<vmem>>, vector<200x16xf32>
    %reshape3A = vector.shape_cast %get3A_17 : vector<200x16xf32> to vector<200x16x1xf32>
    %get3A_18 = arith.constant 0 : index
    %get3A_19 = arith.constant 0 : index
    %get3A_20 = vector.load %arg15[%get3A_18, %get3A_19] : memref<1x64xf32, #tpu.memory_space<vmem>>, vector<1x64xf32>
    %reshape3A_21 = vector.shape_cast %get3A_20 : vector<1x64xf32> to vector<1x1x64xf32>
    %mul3A = vector.broadcast %reshape3A : vector<200x16x1xf32> to vector<200x16x64xf32>
    %mul3A_22 = vector.broadcast %reshape3A_21 : vector<1x1x64xf32> to vector<200x16x64xf32>
    %mul3A_23 = arith.mulf %mul3A, %mul3A_22 : vector<200x16x64xf32>
    %reshape3A_24 = vector.shape_cast %mul3A_23 : vector<200x16x64xf32> to vector<3200x64xf32>
    %mul3A_25 = arith.mulf %reshape3A_24, %reshape3A_24 : vector<3200x64xf32>
    %mul3A_26 = arith.constant 2.48015876E-5 : f32
    %mul3A_27 = vector.broadcast %mul3A_26 : f32 to vector<3200x64xf32>
    %mul3A_28 = arith.mulf %mul3A_25, %mul3A_27 : vector<3200x64xf32>
    %add3A_29 = arith.constant -0.00138888892 : f32
    %add3A_30 = vector.broadcast %add3A_29 : f32 to vector<3200x64xf32>
    %add3A_31 = arith.addf %add3A_30, %mul3A_28 : vector<3200x64xf32>
    %mul3A_32 = arith.mulf %mul3A_25, %add3A_31 : vector<3200x64xf32>
    %add3A_33 = arith.constant 0.0416666679 : f32
    %add3A_34 = vector.broadcast %add3A_33 : f32 to vector<3200x64xf32>
    %add3A_35 = arith.addf %add3A_34, %mul3A_32 : vector<3200x64xf32>
    %mul3A_36 = arith.mulf %mul3A_25, %add3A_35 : vector<3200x64xf32>
    %add3A_37 = arith.constant -5.000000e-01 : f32
    %add3A_38 = vector.broadcast %add3A_37 : f32 to vector<3200x64xf32>
    %add3A_39 = arith.addf %add3A_38, %mul3A_36 : vector<3200x64xf32>
    %mul3A_40 = arith.mulf %mul3A_25, %add3A_39 : vector<3200x64xf32>
    %add3A_41 = arith.constant 1.000000e+00 : f32
    %add3A_42 = vector.broadcast %add3A_41 : f32 to vector<3200x64xf32>
    %add3A_43 = arith.addf %add3A_42, %mul3A_40 : vector<3200x64xf32>
    %mul3A_44 = arith.constant 2.75573188E-6 : f32
    %mul3A_45 = vector.broadcast %mul3A_44 : f32 to vector<3200x64xf32>
    %mul3A_46 = arith.mulf %mul3A_25, %mul3A_45 : vector<3200x64xf32>
    %add3A_47 = arith.constant -1.98412701E-4 : f32
    %add3A_48 = vector.broadcast %add3A_47 : f32 to vector<3200x64xf32>
    %add3A_49 = arith.addf %add3A_48, %mul3A_46 : vector<3200x64xf32>
    %mul3A_50 = arith.mulf %mul3A_25, %add3A_49 : vector<3200x64xf32>
    %add3A_51 = arith.constant 0.00833333284 : f32
    %add3A_52 = vector.broadcast %add3A_51 : f32 to vector<3200x64xf32>
    %add3A_53 = arith.addf %add3A_52, %mul3A_50 : vector<3200x64xf32>
    %mul3A_54 = arith.mulf %mul3A_25, %add3A_53 : vector<3200x64xf32>
    %add3A_55 = arith.constant -0.166666672 : f32
    %add3A_56 = vector.broadcast %add3A_55 : f32 to vector<3200x64xf32>
    %add3A_57 = arith.addf %add3A_56, %mul3A_54 : vector<3200x64xf32>
    %mul3A_58 = arith.mulf %mul3A_25, %add3A_57 : vector<3200x64xf32>
    %add3A_59 = arith.constant 1.000000e+00 : f32
    %add3A_60 = vector.broadcast %add3A_59 : f32 to vector<3200x64xf32>
    %add3A_61 = arith.addf %add3A_60, %mul3A_58 : vector<3200x64xf32>
    %mul3A_62 = arith.mulf %reshape3A_24, %add3A_61 : vector<3200x64xf32>
    %get3A_63 = arith.constant 0 : index
    %get3A_64 = arith.constant 0 : index
    %get3A_65 = vector.load %arg5[%get3A_63, %get3A_64] : memref<1x64xf32, #tpu.memory_space<vmem>>, vector<1x64xf32>
    %mul3A_66 = vector.broadcast %get3A_65 : vector<1x64xf32> to vector<3200x64xf32>
    %mul3A_67 = arith.mulf %mul3A_66, %add3A_43 : vector<3200x64xf32>
    %get3A_68 = arith.constant 0 : index
    %get3A_69 = arith.constant 0 : index
    %get3A_70 = vector.load %arg6[%get3A_68, %get3A_69] : memref<1x64xf32, #tpu.memory_space<vmem>>, vector<1x64xf32>
    %mul3A_71 = vector.broadcast %get3A_70 : vector<1x64xf32> to vector<3200x64xf32>
    %mul3A_72 = arith.mulf %mul3A_71, %mul3A_62 : vector<3200x64xf32>
    %add3A_73 = arith.addf %mul3A_67, %mul3A_72 : vector<3200x64xf32>
    %get3A_74 = arith.constant 0 : index
    %get3A_75 = arith.constant 0 : index
    %get3A_76 = vector.load %arg1[%get3A_74, %get3A_75] : memref<3200x128xf32, #tpu.memory_space<vmem>>, vector<3200x128xf32>
    %get3A_77 = arith.constant 0 : index
    %get3A_78 = arith.constant 0 : index
    %get3A_79 = arith.constant 0 : index
    %get3A_80 = vector.load %arg3[%get3A_77, %get3A_78, %get3A_79] : memref<200x16x16xf32, #tpu.memory_space<vmem>>, vector<200x16x16xf32>
    %reshape3A_81 = vector.shape_cast %get3A_80 : vector<200x16x16xf32> to vector<3200x16xf32>
    %concatenate3A = tpu.concatenate %get3A_76, %reshape3A_81, %add3A_73 in 1 : vector<3200x128xf32>, vector<3200x16xf32>, vector<3200x64xf32> -> vector<3200x208xf32>
    %get3A_82 = arith.constant 0 : index
    %get3A_83 = arith.constant 0 : index
    %get3A_84 = vector.load %arg10[%get3A_82, %get3A_83] : memref<208x416xf32, #tpu.memory_space<vmem>>, vector<208x416xf32>
    %dot_general3A_85 = arith.constant dense<0.000000e+00> : vector<3200x416xf32>
    %dot_general3A_86 = tpu.matmul %concatenate3A, %get3A_84, %dot_general3A_85 {dimension_numbers = #tpu.dot_dimension_numbers<[1], [0], [0], [1], [0, 0, 1, 1], [], []>, transpose_lhs_hint = false} : vector<3200x208xf32>, vector<208x416xf32>, vector<3200x416xf32> -> vector<3200x416xf32>
    %slice3A = vector.extract_strided_slice %dot_general3A_86 {offsets = [0, 0], sizes = [3200, 208], strides = [1, 1]} : vector<3200x416xf32> to vector<3200x208xf32>
    %slice3A_87 = vector.extract_strided_slice %dot_general3A_86 {offsets = [0, 208], sizes = [3200, 208], strides = [1, 1]} : vector<3200x416xf32> to vector<3200x208xf32>
    %reshape3A_88 = vector.shape_cast %add3A_14 : vector<200x208xf32> to vector<50x1x4x208xf32>
    %broadcast_in_dim3A = vector.shape_cast %reshape3A_88 : vector<50x1x4x208xf32> to vector<50x1x4x208xf32>
    %broadcast_in_dim3A_89 = vector.broadcast %broadcast_in_dim3A : vector<50x1x4x208xf32> to vector<50x16x4x208xf32>
    %reshape3A_90 = vector.shape_cast %broadcast_in_dim3A_89 : vector<50x16x4x208xf32> to vector<3200x208xf32>
    %mul3A_91 = arith.mulf %reshape3A_90, %slice3A : vector<3200x208xf32>
    %reshape3A_92 = vector.shape_cast %mul3A_91 : vector<3200x208xf32> to vector<800x4x208xf32>
    %reduce_sum3A = arith.constant dense<0.000000e+00> : vector<800x208xf32>
    %reduce_sum3A_93 = vector.multi_reduction <add>, %reshape3A_92, %reduce_sum3A [1] : vector<800x4x208xf32> to vector<800x208xf32>
    %get3A_94 = arith.constant 0 : index
    %get3A_95 = arith.constant 0 : index
    %get3A_96 = vector.load %arg20[%get3A_94, %get3A_95] : memref<208x4xf32, #tpu.memory_space<vmem>>, vector<208x4xf32>
    %dot_general3A_97 = arith.constant dense<0.000000e+00> : vector<800x4xf32>
    %dot_general3A_98 = tpu.matmul %reduce_sum3A_93, %get3A_96, %dot_general3A_97 {dimension_numbers = #tpu.dot_dimension_numbers<[1], [0], [0], [1], [0, 0, 1, 1], [], []>, transpose_lhs_hint = false} : vector<800x208xf32>, vector<208x4xf32>, vector<800x4xf32> -> vector<800x4xf32>
    %mul3A_99 = arith.constant 0.138675049 : f32
    %mul3A_100 = vector.broadcast %mul3A_99 : f32 to vector<800x4xf32>
    %mul3A_101 = arith.mulf %dot_general3A_98, %mul3A_100 : vector<800x4xf32>
    %jit3A = arith.constant -6.000000e+01 : f32
    %jit3A_102 = arith.constant 6.000000e+01 : f32
    %max3A = vector.broadcast %jit3A : f32 to vector<800x4xf32>
    %max3A_103 = arith.maximumf %max3A, %mul3A_101 : vector<800x4xf32>
    %min3A = vector.broadcast %jit3A_102 : f32 to vector<800x4xf32>
    %min3A_104 = arith.minimumf %min3A, %max3A_103 : vector<800x4xf32>
    %exp3A = math.exp %min3A_104 : vector<800x4xf32>
    %reshape3A_105 = vector.shape_cast %exp3A : vector<800x4xf32> to vector<50x16x4xf32>
    %reduce_sum3A_106 = arith.constant dense<0.000000e+00> : vector<50x4xf32>
    %reduce_sum3A_107 = vector.multi_reduction <add>, %reshape3A_105, %reduce_sum3A_106 [1] : vector<50x16x4xf32> to vector<50x4xf32>
    %broadcast_in_dim3A_108 = vector.shape_cast %reduce_sum3A_107 : vector<50x4xf32> to vector<50x1x4xf32>
    %div3A = vector.broadcast %broadcast_in_dim3A_108 : vector<50x1x4xf32> to vector<50x16x4xf32>
    %div3A_109 = arith.divf %reshape3A_105, %div3A : vector<50x16x4xf32>
    %reshape3A_110 = vector.shape_cast %div3A_109 : vector<50x16x4xf32> to vector<800x4xf32>
    %reshape3A_111 = vector.shape_cast %reshape3A_110 : vector<800x4xf32> to vector<50x16x1x4xf32>
    %broadcast_in_dim3A_112 = vector.shape_cast %reshape3A_111 : vector<50x16x1x4xf32> to vector<50x16x1x4xf32>
    %broadcast_in_dim3A_113 = vector.broadcast %broadcast_in_dim3A_112 : vector<50x16x1x4xf32> to vector<50x16x4x4xf32>
    %reshape3A_114 = vector.shape_cast %broadcast_in_dim3A_113 : vector<50x16x4x4xf32> to vector<3200x4xf32>
    %get3A_115 = arith.constant 0 : index
    %get3A_116 = arith.constant 0 : index
    %get3A_117 = vector.load %arg21[%get3A_115, %get3A_116] : memref<4x208xf32, #tpu.memory_space<vmem>>, vector<4x208xf32>
    %dot_general3A_118 = arith.constant dense<0.000000e+00> : vector<3200x208xf32>
    %dot_general3A_119 = tpu.matmul %reshape3A_114, %get3A_117, %dot_general3A_118 {dimension_numbers = #tpu.dot_dimension_numbers<[1], [0], [0], [1], [0, 0, 1, 1], [], []>, transpose_lhs_hint = false} : vector<3200x4xf32>, vector<4x208xf32>, vector<3200x208xf32> -> vector<3200x208xf32>
    %mul3A_120 = arith.mulf %dot_general3A_119, %slice3A_87 : vector<3200x208xf32>
    %reshape3A_121 = vector.shape_cast %mul3A_120 : vector<3200x208xf32> to vector<50x16x4x208xf32>
    %reduce_sum3A_122 = arith.constant dense<0.000000e+00> : vector<50x4x208xf32>
    %reduce_sum3A_123 = vector.multi_reduction <add>, %reshape3A_121, %reduce_sum3A_122 [1] : vector<50x16x4x208xf32> to vector<50x4x208xf32>
    %reshape3A_124 = vector.shape_cast %reduce_sum3A_123 : vector<50x4x208xf32> to vector<200x208xf32>
    %get3A_125 = arith.constant 0 : index
    %get3A_126 = arith.constant 0 : index
    %get3A_127 = vector.load %arg11[%get3A_125, %get3A_126] : memref<208x208xf32, #tpu.memory_space<vmem>>, vector<208x208xf32>
    %dot_general3A_128 = arith.constant dense<0.000000e+00> : vector<200x208xf32>
    %dot_general3A_129 = tpu.matmul %reshape3A_124, %get3A_127, %dot_general3A_128 {dimension_numbers = #tpu.dot_dimension_numbers<[1], [0], [0], [1], [0, 0, 1, 1], [], []>, transpose_lhs_hint = false} : vector<200x208xf32>, vector<208x208xf32>, vector<200x208xf32> -> vector<200x208xf32>
    %get3A_130 = arith.constant 0 : index
    %get3A_131 = arith.constant 0 : index
    %get3A_132 = vector.load %arg12[%get3A_130, %get3A_131] : memref<1x208xf32, #tpu.memory_space<vmem>>, vector<1x208xf32>
    %add3A_133 = vector.broadcast %get3A_132 : vector<1x208xf32> to vector<200x208xf32>
    %add3A_134 = arith.addf %dot_general3A_129, %add3A_133 : vector<200x208xf32>
    %broadcast_in_dim3A_135 = arith.constant 0.000000e+00 : f32
    %broadcast_in_dim3A_136 = vector.broadcast %broadcast_in_dim3A_135 : f32 to vector<200x16xf32>
    %broadcast_in_dim3A_137 = vector.shape_cast %get3A_1 : vector<1x64xf32> to vector<1x64xf32>
    %broadcast_in_dim3A_138 = vector.broadcast %broadcast_in_dim3A_137 : vector<1x64xf32> to vector<200x64xf32>
    %concatenate3A_139 = tpu.concatenate %get3A_4, %broadcast_in_dim3A_136, %broadcast_in_dim3A_138 in 1 : vector<200x128xf32>, vector<200x16xf32>, vector<200x64xf32> -> vector<200x208xf32>
    %add3A_140 = arith.addf %add3A_134, %concatenate3A_139 : vector<200x208xf32>
    %reduce_sum3A_141 = arith.constant dense<0.000000e+00> : vector<200xf32>
    %reduce_sum3A_142 = vector.multi_reduction <add>, %add3A_140, %reduce_sum3A_141 [1] : vector<200x208xf32> to vector<200xf32>
    %broadcast_in_dim3A_143 = vector.shape_cast %reduce_sum3A_142 : vector<200xf32> to vector<200x1xf32>
    %div3A_144 = arith.constant 2.080000e+02 : f32
    %div3A_145 = vector.broadcast %div3A_144 : f32 to vector<200x1xf32>
    %div3A_146 = arith.divf %broadcast_in_dim3A_143, %div3A_145 : vector<200x1xf32>
    %sub3A = vector.broadcast %div3A_146 : vector<200x1xf32> to vector<200x208xf32>
    %sub3A_147 = arith.subf %add3A_140, %sub3A : vector<200x208xf32>
    %mul3A_148 = arith.mulf %sub3A_147, %sub3A_147 : vector<200x208xf32>
    %reduce_sum3A_149 = arith.constant dense<0.000000e+00> : vector<200xf32>
    %reduce_sum3A_150 = vector.multi_reduction <add>, %mul3A_148, %reduce_sum3A_149 [1] : vector<200x208xf32> to vector<200xf32>
    %broadcast_in_dim3A_151 = vector.shape_cast %reduce_sum3A_150 : vector<200xf32> to vector<200x1xf32>
    %div3A_152 = arith.constant 2.080000e+02 : f32
    %div3A_153 = vector.broadcast %div3A_152 : f32 to vector<200x1xf32>
    %div3A_154 = arith.divf %broadcast_in_dim3A_151, %div3A_153 : vector<200x1xf32>
    %add3A_155 = arith.constant 9.99999974E-6 : f32
    %add3A_156 = vector.broadcast %add3A_155 : f32 to vector<200x1xf32>
    %add3A_157 = arith.addf %div3A_154, %add3A_156 : vector<200x1xf32>
    %rsqrt3A = math.rsqrt %add3A_157 : vector<200x1xf32>
    %mul3A_158 = vector.broadcast %rsqrt3A : vector<200x1xf32> to vector<200x208xf32>
    %mul3A_159 = arith.mulf %sub3A_147, %mul3A_158 : vector<200x208xf32>
    %get3A_160 = arith.constant 0 : index
    %get3A_161 = arith.constant 0 : index
    %get3A_162 = vector.load %arg13[%get3A_160, %get3A_161] : memref<1x208xf32, #tpu.memory_space<vmem>>, vector<1x208xf32>
    %mul3A_163 = vector.broadcast %get3A_162 : vector<1x208xf32> to vector<200x208xf32>
    %mul3A_164 = arith.mulf %mul3A_159, %mul3A_163 : vector<200x208xf32>
    %get3A_165 = arith.constant 0 : index
    %get3A_166 = arith.constant 0 : index
    %get3A_167 = vector.load %arg14[%get3A_165, %get3A_166] : memref<1x208xf32, #tpu.memory_space<vmem>>, vector<1x208xf32>
    %add3A_168 = vector.broadcast %get3A_167 : vector<1x208xf32> to vector<200x208xf32>
    %add3A_169 = arith.addf %mul3A_164, %add3A_168 : vector<200x208xf32>
    %get3A_170 = arith.constant 0 : index
    %get3A_171 = arith.constant 0 : index
    %get3A_172 = vector.load %arg16[%get3A_170, %get3A_171] : memref<336x128xf32, #tpu.memory_space<vmem>>, vector<208x128xf32>
    %dot_general3A_173 = arith.constant dense<0.000000e+00> : vector<200x128xf32>
    %dot_general3A_174 = tpu.matmul %add3A_169, %get3A_172, %dot_general3A_173 {dimension_numbers = #tpu.dot_dimension_numbers<[1], [0], [0], [1], [0, 0, 1, 1], [], []>, transpose_lhs_hint = false} : vector<200x208xf32>, vector<208x128xf32>, vector<200x128xf32> -> vector<200x128xf32>
    %get3A_175 = arith.constant 208 : index
    %get3A_176 = arith.constant 0 : index
    %get3A_177 = vector.load %arg16[%get3A_175, %get3A_176] : memref<336x128xf32, #tpu.memory_space<vmem>>, vector<128x128xf32>
    %dot_general3A_178 = arith.constant dense<0.000000e+00> : vector<200x128xf32>
    %dot_general3A_179 = tpu.matmul %get3A_4, %get3A_177, %dot_general3A_178 {dimension_numbers = #tpu.dot_dimension_numbers<[1], [0], [0], [1], [0, 0, 1, 1], [], []>, transpose_lhs_hint = false} : vector<200x128xf32>, vector<128x128xf32>, vector<200x128xf32> -> vector<200x128xf32>
    %add3A_180 = arith.addf %dot_general3A_174, %dot_general3A_179 : vector<200x128xf32>
    %get3A_181 = arith.constant 0 : index
    %get3A_182 = arith.constant 0 : index
    %get3A_183 = vector.load %arg17[%get3A_181, %get3A_182] : memref<1x128xf32, #tpu.memory_space<vmem>>, vector<1x128xf32>
    %add3A_184 = vector.broadcast %get3A_183 : vector<1x128xf32> to vector<200x128xf32>
    %add3A_185 = arith.addf %add3A_180, %add3A_184 : vector<200x128xf32>
    %max3A_186 = arith.constant 0.000000e+00 : f32
    %max3A_187 = vector.broadcast %max3A_186 : f32 to vector<200x128xf32>
    %max3A_188 = arith.maximumf %add3A_185, %max3A_187 : vector<200x128xf32>
    %get3A_189 = arith.constant 0 : index
    %get3A_190 = arith.constant 0 : index
    %get3A_191 = vector.load %arg18[%get3A_189, %get3A_190] : memref<128x128xf32, #tpu.memory_space<vmem>>, vector<128x128xf32>
    %dot_general3A_192 = arith.constant dense<0.000000e+00> : vector<200x128xf32>
    %dot_general3A_193 = tpu.matmul %max3A_188, %get3A_191, %dot_general3A_192 {dimension_numbers = #tpu.dot_dimension_numbers<[1], [0], [0], [1], [0, 0, 1, 1], [], []>, transpose_lhs_hint = false} : vector<200x128xf32>, vector<128x128xf32>, vector<200x128xf32> -> vector<200x128xf32>
    %get3A_194 = arith.constant 0 : index
    %get3A_195 = arith.constant 0 : index
    %get3A_196 = vector.load %arg19[%get3A_194, %get3A_195] : memref<1x128xf32, #tpu.memory_space<vmem>>, vector<1x128xf32>
    %add3A_197 = vector.broadcast %get3A_196 : vector<1x128xf32> to vector<200x128xf32>
    %add3A_198 = arith.addf %dot_general3A_193, %add3A_197 : vector<200x128xf32>
    %swap3A = arith.constant 0 : index
    %swap3A_199 = arith.constant 0 : index
    %swap3A_200 = vector.load %arg22[%swap3A, %swap3A_199] : memref<200x128xf32, #tpu.memory_space<vmem>>, vector<200x128xf32>
    tpu.vector_store %arg22[%swap3A, %swap3A_199], %add3A_198 {strides = array<i32>} : memref<200x128xf32, #tpu.memory_space<vmem>>, vector<200x128xf32>,
    return
  }
  func.func @transform_0(%arg0: i32) -> (i32, i32) {
    %c0_i32 = arith.constant 0 : i32
    %c0_i32_0 = arith.constant 0 : i32
    return %arg0, %c0_i32 : i32, i32
  }
  func.func @transform_1(%arg0: i32) -> (i32, i32) {
    %c0_i32 = arith.constant 0 : i32
    %c0_i32_0 = arith.constant 0 : i32
    return %arg0, %c0_i32 : i32, i32
  }
  func.func @transform_2(%arg0: i32) -> (i32, i32, i32) {
    %c0_i32 = arith.constant 0 : i32
    %c0_i32_0 = arith.constant 0 : i32
    %c0_i32_1 = arith.constant 0 : i32
    return %arg0, %c0_i32, %c0_i32_0 : i32, i32, i32
  }
  func.func @transform_3(%arg0: i32) -> (i32, i32) {
    %c0_i32 = arith.constant 0 : i32
    %c0_i32_0 = arith.constant 0 : i32
    return %arg0, %c0_i32 : i32, i32
  }
  func.func @transform_4(%arg0: i32) -> (i32, i32) {
    %c0_i32 = arith.constant 0 : i32
    %c0_i32_0 = arith.constant 0 : i32
    %c0_i32_1 = arith.constant 0 : i32
    return %c0_i32, %c0_i32_0 : i32, i32
  }
  func.func @transform_5(%arg0: i32) -> (i32, i32) {
    %c0_i32 = arith.constant 0 : i32
    %c0_i32_0 = arith.constant 0 : i32
    %c0_i32_1 = arith.constant 0 : i32
    return %c0_i32, %c0_i32_0 : i32, i32
  }
  func.func @transform_6(%arg0: i32) -> (i32, i32) {
    %c0_i32 = arith.constant 0 : i32
    %c0_i32_0 = arith.constant 0 : i32
    %c0_i32_1 = arith.constant 0 : i32
    return %c0_i32, %c0_i32_0 : i32, i32
  }
  func.func @transform_7(%arg0: i32) -> (i32, i32) {
    %c0_i32 = arith.constant 0 : i32
    %c0_i32_0 = arith.constant 0 : i32
    %c0_i32_1 = arith.constant 0 : i32
    return %c0_i32, %c0_i32_0 : i32, i32
  }
  func.func @transform_8(%arg0: i32) -> (i32, i32) {
    %c0_i32 = arith.constant 0 : i32
    %c0_i32_0 = arith.constant 0 : i32
    %c0_i32_1 = arith.constant 0 : i32
    return %c0_i32, %c0_i32_0 : i32, i32
  }
  func.func @transform_9(%arg0: i32) -> (i32, i32) {
    %c0_i32 = arith.constant 0 : i32
    %c0_i32_0 = arith.constant 0 : i32
    %c0_i32_1 = arith.constant 0 : i32
    return %c0_i32, %c0_i32_0 : i32, i32
  }
  func.func @transform_10(%arg0: i32) -> (i32, i32) {
    %c0_i32 = arith.constant 0 : i32
    %c0_i32_0 = arith.constant 0 : i32
    %c0_i32_1 = arith.constant 0 : i32
    return %c0_i32, %c0_i32_0 : i32, i32
  }
  func.func @transform_11(%arg0: i32) -> (i32, i32) {
    %c0_i32 = arith.constant 0 : i32
    %c0_i32_0 = arith.constant 0 : i32
    %c0_i32_1 = arith.constant 0 : i32
    return %c0_i32, %c0_i32_0 : i32, i32
  }
  func.func @transform_12(%arg0: i32) -> (i32, i32) {
    %c0_i32 = arith.constant 0 : i32
    %c0_i32_0 = arith.constant 0 : i32
    %c0_i32_1 = arith.constant 0 : i32
    return %c0_i32, %c0_i32_0 : i32, i32
  }
  func.func @transform_13(%arg0: i32) -> (i32, i32) {
    %c0_i32 = arith.constant 0 : i32
    %c0_i32_0 = arith.constant 0 : i32
    %c0_i32_1 = arith.constant 0 : i32
    return %c0_i32, %c0_i32_0 : i32, i32
  }
  func.func @transform_14(%arg0: i32) -> (i32, i32) {
    %c0_i32 = arith.constant 0 : i32
    %c0_i32_0 = arith.constant 0 : i32
    %c0_i32_1 = arith.constant 0 : i32
    return %c0_i32, %c0_i32_0 : i32, i32
  }
  func.func @transform_15(%arg0: i32) -> (i32, i32) {
    %c0_i32 = arith.constant 0 : i32
    %c0_i32_0 = arith.constant 0 : i32
    %c0_i32_1 = arith.constant 0 : i32
    return %c0_i32, %c0_i32_0 : i32, i32
  }
  func.func @transform_16(%arg0: i32) -> (i32, i32) {
    %c0_i32 = arith.constant 0 : i32
    %c0_i32_0 = arith.constant 0 : i32
    %c0_i32_1 = arith.constant 0 : i32
    return %c0_i32, %c0_i32_0 : i32, i32
  }
  func.func @transform_17(%arg0: i32) -> (i32, i32) {
    %c0_i32 = arith.constant 0 : i32
    %c0_i32_0 = arith.constant 0 : i32
    %c0_i32_1 = arith.constant 0 : i32
    return %c0_i32, %c0_i32_0 : i32, i32
  }
  func.func @transform_18(%arg0: i32) -> (i32, i32) {
    %c0_i32 = arith.constant 0 : i32
    %c0_i32_0 = arith.constant 0 : i32
    %c0_i32_1 = arith.constant 0 : i32
    return %c0_i32, %c0_i32_0 : i32, i32
  }
  func.func @transform_19(%arg0: i32) -> (i32, i32) {
    %c0_i32 = arith.constant 0 : i32
    %c0_i32_0 = arith.constant 0 : i32
    %c0_i32_1 = arith.constant 0 : i32
    return %c0_i32, %c0_i32_0 : i32, i32
  }
  func.func @transform_20(%arg0: i32) -> (i32, i32) {
    %c0_i32 = arith.constant 0 : i32
    %c0_i32_0 = arith.constant 0 : i32
    %c0_i32_1 = arith.constant 0 : i32
    return %c0_i32, %c0_i32_0 : i32, i32
  }
  func.func @transform_21(%arg0: i32) -> (i32, i32) {
    %c0_i32 = arith.constant 0 : i32
    %c0_i32_0 = arith.constant 0 : i32
    return %arg0, %c0_i32 : i32, i32
  }
}

</mosaic_0001>

<sc_bundles>
// kernel: kernel.4.cloned.1.call-start
scs
__scs_entry_jumppad:
0x0: {  	(pc) =	sbr.rel $0x88, $3  }
0x1: {  	(tag) =	ssettag $0x0;
	lr =	simm.s32 $0x1  }
0x2: {  	[smem:$0x3F8F] =	sst lr;
	_ =	strace $0xD0000000  }
0x3: {  	_ = 	snop  }
0x4: {  	_ = 	snop  }
0x5: {  	_ = 	snop  }
0x6: {  	_ = 	snop  }
0x7: {  	_ = 	snop  }
__scs_overlays_trampoline_lowered:
0x8: {  	[smem:$0x3F9E] =	sst s0  }
0x9: {  	[smem:$0x3F9F] =	sst s1  }
0xa: {  	[smem:$0x3FA0] =	sst s2  }
0xb: {  	[smem:$0x3FA1] =	sst s3  }
0xc: {  	[smem:$0x3FA2] =	sst s4  }
0xd: {  	[smem:$0x3FA3] =	sst s5  }
0xe: {  	[smem:$0x3FA4] =	sst s6  }
0xf: {  	[smem:$0x3FA5] =	sst s7  }
0x10: {  	[smem:$0x3FA6] =	sst s8  }
0x11: {  	[smem:$0x3FA7] =	sst s9;
	s0 =	simm.s32 @!p0 $0x0  }
0x12: {  	s1 =	sld [smem:$0x3F8D];
	s0 =	simm.s32 @p0 $0x1  }
0x13: {  	[smem:$0x3FA8] =	sst s0;
	s0 =	simm.s32 @!p1 $0x0  }
0x14: {  	s2 =	sld [smem:$0x3F8C];
	s0 =	simm.s32 @p1 $0x1  }
0x15: {  	[smem:$0x3FA9] =	sst s0;
	s0 =	simm.s32 @!p2 $0x0  }
0x16: {  	s3 =	sld [smem:$0x3FDB];
	s0 =	simm.s32 @p2 $0x1  }
0x17: {  	s4 =	simm.s32 $0x1BF5;
	[smem:$0x3FAB] =	sst s0  }
0x18: {  	s0 =	sld [smem:$0x3F8E];
	_ =	swait.ge [sflag:s4], $0x0  }
0x19: {  	s7 =	sld [smem:$0x3F8F]  }
0x1a: {  	s8 =	sadd.s32 $0xFFFFE003, lr  }
0x1b: {  	s9 =	sadd.s32 $0xFFFFFEF7, lr;
	s5 =	simm.s32 $0xFFFFFFFF;
	p2 =	slt.u32 s8, $0xFFFFF086  }
0x1c: {  	p1 =	slt.u32 s9, $0xF7A;
	s5 =	simm.s32 @!p2 $0x0  }
0x1d: {  	s5 =	simm.s32 @p1 $0x1;
	p0 =	seq.s32 s7, s2  }
0x1e: {  	s7 =	smul.u32 @!p0 $0xF7A, s2;
	p2 =	seq.s32 @!p0 s5, $0x0  }
0x1f: {  	s9 =	smul.u32 $0xF7A, s1;
	s8 =	simm.s32 @!p0 $0x1BF5;
	p2 =	por !p2, p0  }
0x20: {  	[sflag:s8] =	ssyncset.s32 @!p0 $0xFFFFF086;
	s6 =	sadd.s32 @!p0 s3, s7;
	s7 =	simm.s32 @!p0 $0x108  }
0x21: {  	s3 =	sadd.s32 s3, s9;
	s6 =	sadd.s32 @!p0 $0x88, s6;
	s7 =	simm.s32 @p2 $0x1082  }
0x22: {  	[simem:s7], [sflag:s8] =	dma.local @!p0 [hbm:s6], $0xF7A  }
0x23: {  	s9 =	sor.u32 $0xD0000000, s2;
	s6 =	simm.s32 $0x108;
	_ =	swait.ge @!p0 [sflag:s8], $0x0  }
0x24: {  	s3 =	sadd.s32 $0x88, s3;
	s6 =	simm.s32 @!p1 $0x1082;
	[sflag:s4] =	ssyncset.s32 $0xFFFFF086  }
0x25: {  	[simem:s6], [sflag:s4] =	dma.local [hbm:s3], $0xF7A  }
0x26: {  	[smem:$0x3F8F] =	sst s1;
	(tag) =	ssettag s2;
	_ =	strace s9  }
0x27: {  	s1 =	sld [smem:$0x3F9F]  }
0x28: {  	s2 =	sld [smem:$0x3FA0]  }
0x29: {  	s4 =	sld [smem:$0x3FA2]  }
0x2a: {  	p0 =	seq.s32 s5, $0x0;
	s5 =	sld [smem:$0x3FA3]  }
0x2b: {  	s6 =	sld [smem:$0x3FA4]  }
0x2c: {  	s7 =	sld [smem:$0x3FA5]  }
0x2d: {  	s3 =	simm.s32 $0x108;
	s8 =	sld [smem:$0x3FA6]  }
0x2e: {  	s3 =	simm.s32 @!p0 $0x1082;
	s9 =	sld [smem:$0x3FA7]  }
0x2f: {  	lr =	sadd.s32 s0, s3;
	s0 =	sld [smem:$0x3F9E]  }
0x30: {  	s3 =	sld [smem:$0x3FA1]  }
0x31: {  	[smem:$0x3FAA] =	sst s10  }
0x32: {  	s10 =	sld [smem:$0x3FA8];
	_ =	sdelay $0x3  }
0x33: {  	p0 =	seq.s32 s10, $0x1;
	s10 =	sld [smem:$0x3FAA];
	_ =	sdelay $0x3  }
0x34: {  	[smem:$0x3FAA] =	sst s10  }
0x35: {  	s10 =	sld [smem:$0x3FA9];
	_ =	sdelay $0x3  }
0x36: {  	p1 =	seq.s32 s10, $0x1;
	s10 =	sld [smem:$0x3FAA];
	_ =	sdelay $0x3  }
0x37: {  	[smem:$0x3FAA] =	sst s10  }
0x38: {  	s10 =	sld [smem:$0x3FAB]  }
0x39: {  	_ = 	snop;
	(pc) =	sbr.ind lr, $3  }
0x3a: {  	_ = 	snop  }
0x3b: {  	_ = 	snop  }
0x3c: {  	p2 =	seq.s32 s10, $0x1;
	s10 =	sld [smem:$0x3FAA]  }
0x3d: {  	_ =	shalt  }
0x3e: {  	_ =	shalt  }
0x3f: {  	_ =	shalt  }
0x40: {  	_ =	shalt  }
0x41: {  	_ =	shalt  }
0x42: {  	_ =	shalt  }
0x43: {  	_ =	shalt  }
0x44: {  	_ =	shalt  }
0x45: {  	_ =	shalt  }
0x46: {  	_ =	shalt  }
0x47: {  	_ =	shalt  }
0x48: {  	_ =	shalt  }
0x49: {  	_ =	shalt  }
0x4a: {  	_ =	shalt  }
0x4b: {  	_ =	shalt  }
0x4c: {  	_ =	shalt  }
0x4d: {  	_ =	shalt  }
0x4e: {  	_ =	shalt  }
0x4f: {  	_ =	shalt  }
0x50: {  	_ =	shalt  }
0x51: {  	_ =	shalt  }
0x52: {  	_ =	shalt  }
0x53: {  	_ =	shalt  }
0x54: {  	_ =	shalt  }
0x55: {  	_ =	shalt  }
0x56: {  	_ =	shalt  }
0x57: {  	_ =	shalt  }
0x58: {  	_ =	shalt  }
0x59: {  	_ =	shalt  }
0x5a: {  	_ =	shalt  }
0x5b: {  	_ =	shalt  }
0x5c: {  	_ =	shalt  }
0x5d: {  	_ =	shalt  }
0x5e: {  	_ =	shalt  }
0x5f: {  	_ =	shalt  }
0x60: {  	_ =	shalt  }
0x61: {  	_ =	shalt  }
0x62: {  	_ =	shalt  }
0x63: {  	_ =	shalt  }
0x64: {  	_ =	shalt  }
0x65: {  	_ =	shalt  }
0x66: {  	_ =	shalt  }
0x67: {  	_ =	shalt  }
0x68: {  	_ =	shalt  }
0x69: {  	_ =	shalt  }
0x6a: {  	_ =	shalt  }
0x6b: {  	_ =	shalt  }
0x6c: {  	_ =	shalt  }
0x6d: {  	_ =	shalt  }
0x6e: {  	_ =	shalt  }
0x6f: {  	_ =	shalt  }
0x70: {  	_ =	shalt  }
0x71: {  	_ =	shalt  }
0x72: {  	_ =	shalt  }
0x73: {  	_ =	shalt  }
0x74: {  	_ =	shalt  }
0x75: {  	_ =	shalt  }
0x76: {  	_ =	shalt  }
0x77: {  	_ =	shalt  }
0x78: {  	_ =	shalt  }
0x79: {  	_ =	shalt  }
0x7a: {  	_ =	shalt  }
0x7b: {  	_ =	shalt  }
0x7c: {  	_ =	shalt  }
0x7d: {  	_ =	shalt  }
0x7e: {  	_ =	shalt  }
0x7f: {  	_ =	shalt  }
0x80: {  	_ =	shalt  }
0x81: {  	_ =	shalt  }
0x82: {  	_ =	shalt  }
0x83: {  	_ =	shalt  }
0x84: {  	_ =	shalt  }
0x85: {  	_ =	shalt  }
0x86: {  	_ =	shalt  }
0x87: {  	_ =	shalt  }
.Lfunc_end0:
.L_simem_size_0:
called_computation_lowered:
.L_overlay_start_0:
0x88: {  	s2 =	sld [smem:$0x3FD9]  }
0x89: {  	s3 =	sld [smem:$0x3FFE];
	_ =	sdelay $0x1  }
0x8a: {  	s1 =	srdreg.scid  }
0x8b: {  	s0 =	sand.u32 $0x1, s1  }
0x8c: {  	s17 =	sshll.u32 s0, $0xA;
	s2 =	sadd.s32 s3, s2  }
0x8d: {  	s2 =	sadd.s32 s2, s17  }
0x8e: {  	[smem:$0x3FB6] =	sst s2  }
0x8f: {  	_ = 	snop  }
0x90: {  	s2 =	sld [smem:$0x3FC9]  }
0x91: {  	s18 =	sld [smem:$0x3FD0];
	(tm) =	ssettm $0x1  }
0x92: {  	s4 =	sld [smem:$0x3FFB];
	_ =	sdelay $0x3  }
0x93: {  	_ =	strace s4  }
0x94: {  	s4 =	sld [smem:$0x3FFC];
	_ =	sdelay $0x3  }
0x95: {  	_ =	strace s4  }
0x96: {  	s4 =	sld [smem:$0x3FFD];
	_ =	sdelay $0x3  }
0x97: {  	_ =	strace s4  }
0x98: {  	_ =	strace $0x8FFFFFFF  }
0x99: {  	s19 =	sld [smem:$0x3FDB];
	_ =	sdelay $0x1  }
0x9a: {  	s5 =	simm.s32 $_scs_section_size  }
0x9b: {  	s6 =	simm.s32 $_size__tile_overlayer_lowered;
	s7 =	simm.s32 $_tile_overlayer_lowered  }
0x9c: {  	s22 =	simm.s32 $0x1BFF;
	s21 =	sshll.u32 s7, $0x1;
	s4 =	sadd.s32 s5, s19  }
0x9d: {  	s8 =	simm.s32 $0x0;
	s20 =	sshll.u32 s6, $0x1;
	s6 =	sadd.s32 s21, s4  }
0x9e: {  	[timem:s8], [sflag:s22] =	dma.local [hbm:s6], s20  }
0x9f: {  	_ =	swait.ge [sflag:s22], s20  }
0xa0: {  	s5 =	ssub.s32 $0x0, s20;
	[sflag:s22] =	ssyncset.done $0x0  }
0xa1: {  	[sflag:s22] =	ssyncadd.s32 s5;
	_ =	sdelay $0x1  }
0xa2: {  	s23 =	simm.s32 $0x1B8B  }
0xa3: {  	_ =	swait.ge [sflag:s23], $0x1  }
0xa4: {  	[sflag:s23] =	ssyncset.done $0x0  }
0xa5: {  	s25 =	simm.s32 $0x1B8E;
	s24 =	sld [smem:$0x3FFE];
	[sflag:s23] =	ssyncadd.s32 $0xFFFFFFFF  }
0xa6: {  	s26 =	simm.s32 $execute0_lowered;
	[smem:$0x3FD2] =	sst s25  }
0xa7: {  	s6 =	sshll.u32 s26, $0x1;
	_ =	strace $0x80000046;
	[dreg:$0x1] =	wrdreg $0xFFFFFFFF  }
0xa8: {  	s28 =	simm.s32 $_size_execute0_lowered;
	s4 =	sadd.s32 s4, s6;
	[dreg:$0x0] =	wrdreg $0x0  }
0xa9: {  	s6 =	sshll.u32 s28, $0x1;
	[dreg:$0x2] =	wrdreg s4  }
0xaa: {  	[dreg:$0x3] =	wrdreg s6  }
0xab: {  	[dreg:$0x4] =	wrdreg $0xC0  }
0xac: {  	_ =	task [dreg:s8], $0x5FFFF  }
0xad: {  	[dreg:$0x1] =	wrdreg $0xFFFFFFFF  }
0xae: {  	[dreg:$0x0] =	wrdreg $0x60  }
0xaf: {  	[dreg:$0x2] =	wrdreg s18  }
0xb0: {  	[dreg:$0x3] =	wrdreg s2  }
0xb1: {  	[dreg:$0x4] =	wrdreg s24  }
0xb2: {  	[dreg:$0x5] =	wrdreg $0x9  }
0xb3: {  	_ =	task.clear_ibuf [dreg:s8], $0x6FFFF;
	_ =	strace $0x90000046  }
0xb4: {  	s29 =	simm.s32 $0x9;
	_ =	strace $0x80000048  }
0xb5: {  	_ =	swait.ge [sflag:s29], $0x1  }
0xb6: {  	[sflag:s29] =	ssyncadd.s32 $0xFFFFFFFF  }
0xb7: {  	_ =	strace $0x90000048  }
0xb8: {  	_ =	sfence  }
0xb9: {  	s30 =	sld [smem:$0x0];
	_ =	sdelay $0x2  }
0xba: {  	s31 =	sshll.u32 s1, $0xD;
	s1 =	sshrl.u32 s1, $0x2  }
0xbb: {  	s3 =	sand.u32 $0x4000, s31;
	s1 =	sadd.s32 s1, s30  }
0xbc: {  	s0 =	sor.u32 s3, s0;
	s1 =	sshll.u32 s1, $0x11  }
0xbd: {  	s0 =	sor.u32 s1, s0  }
0xbe: {  	s0 =	sadd.s32 $0x8F2B, s0  }
0xbf: {  	[sflag:s0] =	ssyncadd.remote.s32 $0x1  }
0xc0: {  	_ =	sfence.sel $0xFFFF  }
0xc1: {  	[dreg:$0x0] =	wrdreg $0xFFFFFFFF;
	(pc) =	sbr.abs _section_cstart, $3  }
0xc2: {  	[dreg:$0x1] =	wrdreg $0xFFFFFFFF  }
0xc3: {  	_ =	task.clear_ibuf [dreg:s8], $0x2FFFF;
	_ =	strace $0x9FFFFFFF  }
0xc4: {  	(tm) =	ssettm $0x7FFFFFFF  }
0xc5: {  	_ =	shalt  }
tec
execute0_lowered:
.L_overlay_start_1:
0x0: {  	(tag) =	ssettag $0x1  }
0x1: {  	s1 =	srdreg.scid;
	s14 =	stileid.u32  }
0x2: {  	s1 =	sand.u32 $0x1, s1;
	s2 =	sshll.u32 s14, $0x1  }
0x3: {  	s0 =	rddreg [dreg:$0x0];
	s5 =	sor.u32 s1, s2  }
0x4: {  	s3 =	rddreg [dreg:$0x1];
	s6 =	smul.u32 $0x271, s5  }
0x5: {  	s4 =	rddreg [dreg:$0x2];
	s2 =	simm.s32 $0x0;
	s7 =	smul.u32 $0x9C400, s5  }
0x6: {  	[smem:$0x7FF] =	sst s2;
	s5 =	smul.u32 $0x13880, s5  }
0x7: {  	s4 =	sadd.s32 $0x3E00, s4;
	_ =	strace $0x80000047;
	s0 =	sadd.s32 s0, s6  }
0x8: {  	s26 =	sshrl.u32 s7, $0x3;
	s5 =	sadd.s32 s4, s5;
	[dreg:$0x4] =	wrdreg s0  }
0x9: {  	s4 =	sadd.s32 s4, s26;
	[dreg:$0x5] =	wrdreg s5  }
0xa: {  	s6 =	sadd.s32 $0x800, s4;
	s0 =	rddreg [dreg:$0x4]  }
0xb: {  	s7 =	sadd.s32 $0x1000, s4;
	[dreg:$0x6] =	wrdreg s6  }
0xc: {  	s8 =	sadd.s32 $0x1800, s4;
	[dreg:$0x7] =	wrdreg s7  }
0xd: {  	s9 =	sadd.s32 $0x2000, s4;
	[dreg:$0x8] =	wrdreg s8  }
0xe: {  	s10 =	sadd.s32 $0x2800, s4;
	[dreg:$0x9] =	wrdreg s9  }
0xf: {  	s11 =	sadd.s32 $0x3000, s4;
	[dreg:$0xa] =	wrdreg s10  }
0x10: {  	s12 =	sadd.s32 $0x3800, s4;
	[dreg:$0xb] =	wrdreg s11  }
0x11: {  	s13 =	sadd.s32 $0x4000, s4;
	[dreg:$0xc] =	wrdreg s12  }
0x12: {  	s15 =	sadd.s32 $0x4800, s4;
	[dreg:$0xd] =	wrdreg s13  }
0x13: {  	s16 =	sadd.s32 $0x5000, s4;
	[dreg:$0xe] =	wrdreg s15  }
0x14: {  	s17 =	sadd.s32 $0x5800, s4;
	[dreg:$0xf] =	wrdreg s16  }
0x15: {  	s18 =	sadd.s32 $0x6000, s4;
	[dreg:$0x10] =	wrdreg s17  }
0x16: {  	s19 =	sadd.s32 $0x6800, s4;
	[dreg:$0x11] =	wrdreg s18  }
0x17: {  	s20 =	sadd.s32 $0x7000, s4;
	[dreg:$0x12] =	wrdreg s19  }
0x18: {  	s21 =	sadd.s32 $0x7800, s4;
	[dreg:$0x13] =	wrdreg s20  }
0x19: {  	s22 =	sadd.s32 $0x8000, s4;
	[dreg:$0x14] =	wrdreg s21  }
0x1a: {  	s23 =	sadd.s32 $0x8800, s4;
	[dreg:$0x15] =	wrdreg s22  }
0x1b: {  	s24 =	sadd.s32 $0x9000, s4;
	[dreg:$0x16] =	wrdreg s23  }
0x1c: {  	s25 =	sadd.s32 $0x9800, s4;
	[dreg:$0x17] =	wrdreg s24  }
0x1d: {  	s26 =	sadd.s32 $0xA000, s4;
	[dreg:$0x18] =	wrdreg s25  }
0x1e: {  	s5 =	sadd.s32 $0xA800, s4;
	[dreg:$0x19] =	wrdreg s26  }
0x1f: {  	[dreg:$0x1a] =	wrdreg s5;
	s6 =	sadd.s32 $0xB000, s4  }
0x20: {  	s7 =	sadd.s32 $0xB800, s4;
	[dreg:$0x1b] =	wrdreg s6  }
0x21: {  	s8 =	sadd.s32 $0xC000, s4;
	[dreg:$0x1c] =	wrdreg s7  }
0x22: {  	s9 =	sadd.s32 $0xC800, s4;
	[dreg:$0x1d] =	wrdreg s8  }
0x23: {  	s10 =	sadd.s32 $0xD000, s4;
	[dreg:$0x1e] =	wrdreg s9  }
0x24: {  	s11 =	sadd.s32 $0xD800, s4;
	[dreg:$0x1f] =	wrdreg s10  }
0x25: {  	s12 =	sadd.s32 $0xE000, s4;
	[smem:$0x7DA] =	sst s11  }
0x26: {  	s13 =	sadd.s32 $0xE800, s4;
	[smem:$0x7DB] =	sst s12  }
0x27: {  	s15 =	sadd.s32 $0xF000, s4;
	[smem:$0x7DC] =	sst s13  }
0x28: {  	s16 =	sadd.s32 $0xF800, s4;
	[smem:$0x7DD] =	sst s15  }
0x29: {  	s17 =	sadd.s32 $0x10000, s4;
	[smem:$0x7DE] =	sst s16  }
0x2a: {  	s18 =	sadd.s32 $0x10800, s4;
	[smem:$0x7DF] =	sst s17  }
0x2b: {  	s19 =	sadd.s32 $0x11000, s4;
	[smem:$0x7E0] =	sst s18  }
0x2c: {  	s20 =	sadd.s32 $0x11800, s4;
	[smem:$0x7E1] =	sst s19  }
0x2d: {  	s21 =	sadd.s32 $0x12000, s4;
	[smem:$0x7E2] =	sst s20  }
0x2e: {  	s22 =	sadd.s32 $0x12800, s4;
	[smem:$0x7E3] =	sst s21  }
0x2f: {  	s23 =	sadd.s32 $0x13000, s4;
	[smem:$0x7E4] =	sst s22  }
0x30: {  	s24 =	sadd.s32 $0x13800, s4;
	[smem:$0x7E5] =	sst s23  }
0x31: {  	s25 =	simm.s32 $0x100;
	[smem:$0x7E6] =	sst s24  }
0x32: {  	s26 =	simm.s32 $0x180;
	[smem:$0x7E7] =	sst s25  }
0x33: {  	s4 =	simm.s32 $0x200;
	[smem:$0x7E8] =	sst s26  }
0x34: {  	s31 =	simm.s32 $0x7;
	s5 =	simm.s32 $0x280;
	[smem:$0x7E9] =	sst s4  }
0x35: {  	s30 =	simm.s32 $0xD00;
	[smem:$0x7EA] =	sst s5;
	s6 =	simm.s32 $0x300  }
0x36: {  	s29 =	simm.s32 $0xD80;
	s7 =	simm.s32 $0x380;
	[smem:$0x7EB] =	sst s6  }
0x37: {  	s28 =	simm.s32 $0xE00;
	s8 =	simm.s32 $0x400;
	[smem:$0x7EC] =	sst s7  }
0x38: {  	p0 =	por $0x0, $0x0;
	s9 =	simm.s32 $0x480;
	[smem:$0x7ED] =	sst s8  }
0x39: {  	s1 =	ssub.s32 $0x2, s1;
	s10 =	simm.s32 $0x500;
	[smem:$0x7EE] =	sst s9  }
0x3a: {  	s11 =	sshrl.u32 s1, $0x1;
	s12 =	simm.s32 $0x580;
	[smem:$0x7EF] =	sst s10  }
0x3b: {  	s13 =	simm.s32 $0x600;
	s15 =	simm.s32 $0x680;
	[smem:$0x7F0] =	sst s12  }
0x3c: {  	s16 =	simm.s32 $0x700;
	s17 =	simm.s32 $0x780;
	[smem:$0x7F1] =	sst s13  }
0x3d: {  	s4 =	simm.s32 $0x1400;
	s18 =	simm.s32 $0x800;
	[smem:$0x7F2] =	sst s15  }
0x3e: {  	s19 =	simm.s32 $0x880;
	s20 =	simm.s32 $0x900;
	[smem:$0x7F3] =	sst s16  }
0x3f: {  	s21 =	simm.s32 $0x980;
	s22 =	simm.s32 $0xA00;
	[smem:$0x7F4] =	sst s17  }
0x40: {  	s5 =	simm.s32 $0x4;
	s23 =	simm.s32 $0xA80;
	[smem:$0x7F5] =	sst s18  }
0x41: {  	s24 =	simm.s32 $0xB00;
	s25 =	simm.s32 $0xB80;
	[smem:$0x7F6] =	sst s19  }
0x42: {  	s26 =	simm.s32 $0xC00;
	s1 =	ssub.s32 s1, s11;
	[smem:$0x7F7] =	sst s20  }
0x43: {  	s8 =	simm.s32 $0x80;
	s9 =	simm.s32 $0x5400;
	[smem:$0x7F8] =	sst s21  }
0x44: {  	s6 =	simm.s32 $0x1;
	s7 =	simm.s32 $0x9400;
	[smem:$0x7F9] =	sst s22  }
0x45: {  	s13 =	simm.s32 $0x2;
	s12 =	simm.s32 $0x3;
	[smem:$0x7FA] =	sst s23  }
0x46: {  	s10 =	simm.s32 $0x5;
	[smem:$0x7FB] =	sst s24;
	s1 =	smax.u32 s1, $0x1  }
0x47: {  	s11 =	simm.s32 $0x6;
	[smem:$0x7FC] =	sst s25;
	p1 =	sne.s32 s1, $0x1  }
.Ltmp0:
0x48: {  	[smem:$0x7FD] =	sst s26;
	s26 =	simm.s32 $0xE80;
	(pc) =	sbr.rel @!p1 .LBB2_1-.Ltmp0, $4  }
0x49: {  	s25 =	simm.s32 $0xF00;
	s24 =	simm.s32 $0xF80;
	s23 =	simm.s32 $0x1000  }
0x4a: {  	s22 =	simm.s32 $0x1080;
	s21 =	simm.s32 $0x1100;
	s20 =	simm.s32 $0x1180  }
0x4b: {  	s19 =	simm.s32 $0x1200;
	s18 =	simm.s32 $0x1280;
	s17 =	simm.s32 $0x1300  }
0x4c: {  	s15 =	simm.s32 $0x8;
	s16 =	simm.s32 $0x1380;
	s1 =	sadd.s32 $0xFFFFFFFF, s1  }
0x4d: {  	[tilespmem:s2], [sflag:$0x7] =	stream.linear.gather [hbm4b:s0+s2], $0x1388, $0x38;
	[tilespmem:$0xD400] =	vst v63  }
0x4e: {  	_ =	swait.ge [sflag:s31], $0x1388  }
0x4f: {  	[sflag:s31] =	ssyncset.done $0x0  }
0x50: {  	[sflag:s31] =	ssyncadd.s32 $0xFFFFEC78  }
0x51: {  	[tilespmem:s4], [sflag:$0x1] =	stream.indirect.gather [hbm4b:s3+s8], $0x80, s2, s8, $0xb8;
	[tilespmem:$0xD400] =	vst v63  }
0x52: {  	_ = 	snop  }
0x53: {  	[tilespmem:s9], [sflag:$0x2] =	stream.indirect.gather [hbm4b:s3+s8], $0x80, s8, s8, $0xb8;
	[tilespmem:$0xD400] =	vst v63  }
0x54: {  	_ =	swait.ge [sflag:s6], $0x4000  }
0x55: {  	s0 =	rddreg [dreg:$0x5];
	[sflag:s6] =	ssyncset.done $0x0  }
0x56: {  	s14 =	smov.u32 s1;
	s1 =	sld [smem:$0x7E7];
	[sflag:s6] =	ssyncadd.s32 $0xFFFFC000  }
0x57: {  	[hbm4b:s0+s2] =	stream.linear.scatter [tilespmem:s4], [sflag:$0x4], $0x4000, $0x38;
	[tilespmem:$0xD400] =	vst v63  }
0x58: {  	_ = 	snop  }
0x59: {  	[tilespmem:s7], [sflag:$0x3] =	stream.indirect.gather [hbm4b:s3+s8], $0x80, s1, s8, $0xb8;
	[tilespmem:$0xD400] =	vst v63  }
0x5a: {  	_ =	swait.ge [sflag:s13], $0x4000  }
0x5b: {  	[sflag:s13] =	ssyncset.done $0x0  }
0x5c: {  	s1 =	rddreg [dreg:$0x6];
	[sflag:s13] =	ssyncadd.s32 $0xFFFFC000  }
0x5d: {  	[hbm4b:s1+s2] =	stream.linear.scatter [tilespmem:s9], [sflag:$0x5], $0x4000, $0x38;
	[tilespmem:$0xD400] =	vst v63  }
0x5e: {  	_ =	swait.ge [sflag:s5], $0x4000  }
0x5f: {  	s1 =	sld [smem:$0x7E8]  }
0x60: {  	[sflag:s5] =	ssyncset.done $0x0  }
0x61: {  	[sflag:s5] =	ssyncadd.s32 $0xFFFFC000  }
0x62: {  	[tilespmem:s4], [sflag:$0x1] =	stream.indirect.gather [hbm4b:s3+s8], $0x80, s1, s8, $0xb8;
	[tilespmem:$0xD400] =	vst v63  }
0x63: {  	_ =	swait.ge [sflag:s12], $0x4000  }
0x64: {  	[sflag:s12] =	ssyncset.done $0x0  }
0x65: {  	s1 =	rddreg [dreg:$0x7];
	[sflag:s12] =	ssyncadd.s32 $0xFFFFC000  }
0x66: {  	[hbm4b:s1+s2] =	stream.linear.scatter [tilespmem:s7], [sflag:$0x6], $0x4000, $0x38;
	[tilespmem:$0xD400] =	vst v63  }
0x67: {  	_ =	swait.ge [sflag:s10], $0x4000  }
0x68: {  	s1 =	sld [smem:$0x7E9]  }
0x69: {  	[sflag:s10] =	ssyncset.done $0x0  }
0x6a: {  	[sflag:s10] =	ssyncadd.s32 $0xFFFFC000  }
0x6b: {  	[tilespmem:s9], [sflag:$0x2] =	stream.indirect.gather [hbm4b:s3+s8], $0x80, s1, s8, $0xb8;
	[tilespmem:$0xD400] =	vst v63  }
0x6c: {  	_ =	swait.ge [sflag:s6], $0x4000  }
0x6d: {  	[sflag:s6] =	ssyncset.done $0x0  }
0x6e: {  	s1 =	rddreg [dreg:$0x8];
	[sflag:s6] =	ssyncadd.s32 $0xFFFFC000  }
0x6f: {  	[hbm4b:s1+s2] =	stream.linear.scatter [tilespmem:s4], [sflag:$0x4], $0x4000, $0x38;
	[tilespmem:$0xD400] =	vst v63  }
0x70: {  	_ =	swait.ge [sflag:s11], $0x4000  }
0x71: {  	s1 =	sld [smem:$0x7EA]  }
0x72: {  	[sflag:s11] =	ssyncset.done $0x0  }
0x73: {  	[sflag:s11] =	ssyncadd.s32 $0xFFFFC000  }
0x74: {  	[tilespmem:s7], [sflag:$0x3] =	stream.indirect.gather [hbm4b:s3+s8], $0x80, s1, s8, $0xb8;
	[tilespmem:$0xD400] =	vst v63  }
0x75: {  	_ =	swait.ge [sflag:s13], $0x4000  }
0x76: {  	[sflag:s13] =	ssyncset.done $0x0  }
0x77: {  	s1 =	rddreg [dreg:$0x9];
	[sflag:s13] =	ssyncadd.s32 $0xFFFFC000  }
0x78: {  	[hbm4b:s1+s2] =	stream.linear.scatter [tilespmem:s9], [sflag:$0x5], $0x4000, $0x38;
	[tilespmem:$0xD400] =	vst v63  }
0x79: {  	_ =	swait.ge [sflag:s5], $0x4000  }
0x7a: {  	s1 =	sld [smem:$0x7EB]  }
0x7b: {  	[sflag:s5] =	ssyncset.done $0x0  }
0x7c: {  	[sflag:s5] =	ssyncadd.s32 $0xFFFFC000  }
0x7d: {  	[tilespmem:s4], [sflag:$0x1] =	stream.indirect.gather [hbm4b:s3+s8], $0x80, s1, s8, $0xb8;
	[tilespmem:$0xD400] =	vst v63  }
0x7e: {  	_ =	swait.ge [sflag:s12], $0x4000  }
0x7f: {  	[sflag:s12] =	ssyncset.done $0x0  }
0x80: {  	s1 =	rddreg [dreg:$0xa];
	[sflag:s12] =	ssyncadd.s32 $0xFFFFC000  }
0x81: {  	[hbm4b:s1+s2] =	stream.linear.scatter [tilespmem:s7], [sflag:$0x6], $0x4000, $0x38;
	[tilespmem:$0xD400] =	vst v63  }
0x82: {  	_ =	swait.ge [sflag:s10], $0x4000  }
0x83: {  	s1 =	sld [smem:$0x7EC]  }
0x84: {  	[sflag:s10] =	ssyncset.done $0x0  }
0x85: {  	[sflag:s10] =	ssyncadd.s32 $0xFFFFC000  }
0x86: {  	[tilespmem:s9], [sflag:$0x2] =	stream.indirect.gather [hbm4b:s3+s8], $0x80, s1, s8, $0xb8;
	[tilespmem:$0xD400] =	vst v63  }
0x87: {  	_ =	swait.ge [sflag:s6], $0x4000  }
0x88: {  	[sflag:s6] =	ssyncset.done $0x0  }
0x89: {  	s1 =	rddreg [dreg:$0xb];
	[sflag:s6] =	ssyncadd.s32 $0xFFFFC000  }
0x8a: {  	[hbm4b:s1+s2] =	stream.linear.scatter [tilespmem:s4], [sflag:$0x4], $0x4000, $0x38;
	[tilespmem:$0xD400] =	vst v63  }
0x8b: {  	_ =	swait.ge [sflag:s11], $0x4000  }
0x8c: {  	s1 =	sld [smem:$0x7ED]  }
0x8d: {  	[sflag:s11] =	ssyncset.done $0x0  }
0x8e: {  	[sflag:s11] =	ssyncadd.s32 $0xFFFFC000  }
0x8f: {  	[tilespmem:s7], [sflag:$0x3] =	stream.indirect.gather [hbm4b:s3+s8], $0x80, s1, s8, $0xb8;
	[tilespmem:$0xD400] =	vst v63  }
0x90: {  	_ =	swait.ge [sflag:s13], $0x4000  }
0x91: {  	[sflag:s13] =	ssyncset.done $0x0  }
0x92: {  	s1 =	rddreg [dreg:$0xc];
	[sflag:s13] =	ssyncadd.s32 $0xFFFFC000  }
0x93: {  	[hbm4b:s1+s2] =	stream.linear.scatter [tilespmem:s9], [sflag:$0x5], $0x4000, $0x38;
	[tilespmem:$0xD400] =	vst v63  }
0x94: {  	_ =	swait.ge [sflag:s5], $0x4000  }
0x95: {  	s1 =	sld [smem:$0x7EE]  }
0x96: {  	[sflag:s5] =	ssyncset.done $0x0  }
0x97: {  	[sflag:s5] =	ssyncadd.s32 $0xFFFFC000  }
0x98: {  	[tilespmem:s4], [sflag:$0x1] =	stream.indirect.gather [hbm4b:s3+s8], $0x80, s1, s8, $0xb8;
	[tilespmem:$0xD400] =	vst v63  }
0x99: {  	_ =	swait.ge [sflag:s12], $0x4000  }
0x9a: {  	[sflag:s12] =	ssyncset.done $0x0  }
0x9b: {  	s1 =	rddreg [dreg:$0xd];
	[sflag:s12] =	ssyncadd.s32 $0xFFFFC000  }
0x9c: {  	[hbm4b:s1+s2] =	stream.linear.scatter [tilespmem:s7], [sflag:$0x6], $0x4000, $0x38;
	[tilespmem:$0xD400] =	vst v63  }
0x9d: {  	_ =	swait.ge [sflag:s10], $0x4000  }
0x9e: {  	s1 =	sld [smem:$0x7EF]  }
0x9f: {  	[sflag:s10] =	ssyncset.done $0x0  }
0xa0: {  	[sflag:s10] =	ssyncadd.s32 $0xFFFFC000  }
0xa1: {  	[tilespmem:s9], [sflag:$0x2] =	stream.indirect.gather [hbm4b:s3+s8], $0x80, s1, s8, $0xb8;
	[tilespmem:$0xD400] =	vst v63  }
0xa2: {  	_ =	swait.ge [sflag:s6], $0x4000  }
0xa3: {  	[sflag:s6] =	ssyncset.done $0x0  }
0xa4: {  	s1 =	rddreg [dreg:$0xe];
	[sflag:s6] =	ssyncadd.s32 $0xFFFFC000  }
0xa5: {  	[hbm4b:s1+s2] =	stream.linear.scatter [tilespmem:s4], [sflag:$0x4], $0x4000, $0x38;
	[tilespmem:$0xD400] =	vst v63  }
0xa6: {  	_ =	swait.ge [sflag:s11], $0x4000  }
0xa7: {  	s1 =	sld [smem:$0x7F0]  }
0xa8: {  	[sflag:s11] =	ssyncset.done $0x0  }
0xa9: {  	[sflag:s11] =	ssyncadd.s32 $0xFFFFC000  }
0xaa: {  	[tilespmem:s7], [sflag:$0x3] =	stream.indirect.gather [hbm4b:s3+s8], $0x80, s1, s8, $0xb8;
	[tilespmem:$0xD400] =	vst v63  }
0xab: {  	_ =	swait.ge [sflag:s13], $0x4000  }
0xac: {  	[sflag:s13] =	ssyncset.done $0x0  }
0xad: {  	s1 =	rddreg [dreg:$0xf];
	[sflag:s13] =	ssyncadd.s32 $0xFFFFC000  }
0xae: {  	[hbm4b:s1+s2] =	stream.linear.scatter [tilespmem:s9], [sflag:$0x5], $0x4000, $0x38;
	[tilespmem:$0xD400] =	vst v63  }
0xaf: {  	_ =	swait.ge [sflag:s5], $0x4000  }
0xb0: {  	s1 =	sld [smem:$0x7F1]  }
0xb1: {  	[sflag:s5] =	ssyncset.done $0x0  }
0xb2: {  	[sflag:s5] =	ssyncadd.s32 $0xFFFFC000  }
0xb3: {  	[tilespmem:s4], [sflag:$0x1] =	stream.indirect.gather [hbm4b:s3+s8], $0x80, s1, s8, $0xb8;
	[tilespmem:$0xD400] =	vst v63  }
0xb4: {  	_ =	swait.ge [sflag:s12], $0x4000  }
0xb5: {  	[sflag:s12] =	ssyncset.done $0x0  }
0xb6: {  	s1 =	rddreg [dreg:$0x10];
	[sflag:s12] =	ssyncadd.s32 $0xFFFFC000  }
0xb7: {  	[hbm4b:s1+s2] =	stream.linear.scatter [tilespmem:s7], [sflag:$0x6], $0x4000, $0x38;
	[tilespmem:$0xD400] =	vst v63  }
0xb8: {  	_ =	swait.ge [sflag:s10], $0x4000  }
0xb9: {  	s1 =	sld [smem:$0x7F2]  }
0xba: {  	[sflag:s10] =	ssyncset.done $0x0  }
0xbb: {  	[sflag:s10] =	ssyncadd.s32 $0xFFFFC000  }
0xbc: {  	[tilespmem:s9], [sflag:$0x2] =	stream.indirect.gather [hbm4b:s3+s8], $0x80, s1, s8, $0xb8;
	[tilespmem:$0xD400] =	vst v63  }
0xbd: {  	_ =	swait.ge [sflag:s6], $0x4000  }
0xbe: {  	[sflag:s6] =	ssyncset.done $0x0  }
0xbf: {  	s1 =	rddreg [dreg:$0x11];
	[sflag:s6] =	ssyncadd.s32 $0xFFFFC000  }
0xc0: {  	[hbm4b:s1+s2] =	stream.linear.scatter [tilespmem:s4], [sflag:$0x4], $0x4000, $0x38;
	[tilespmem:$0xD400] =	vst v63  }
0xc1: {  	_ =	swait.ge [sflag:s11], $0x4000  }
0xc2: {  	s1 =	sld [smem:$0x7F3]  }
0xc3: {  	[sflag:s11] =	ssyncset.done $0x0  }
0xc4: {  	[sflag:s11] =	ssyncadd.s32 $0xFFFFC000  }
0xc5: {  	[tilespmem:s7], [sflag:$0x3] =	stream.indirect.gather [hbm4b:s3+s8], $0x80, s1, s8, $0xb8;
	[tilespmem:$0xD400] =	vst v63  }
0xc6: {  	_ =	swait.ge [sflag:s13], $0x4000  }
0xc7: {  	[sflag:s13] =	ssyncset.done $0x0  }
0xc8: {  	s1 =	rddreg [dreg:$0x12];
	[sflag:s13] =	ssyncadd.s32 $0xFFFFC000  }
0xc9: {  	[hbm4b:s1+s2] =	stream.linear.scatter [tilespmem:s9], [sflag:$0x5], $0x4000, $0x38;
	[tilespmem:$0xD400] =	vst v63  }
0xca: {  	_ =	swait.ge [sflag:s5], $0x4000  }
0xcb: {  	s1 =	sld [smem:$0x7F4]  }
0xcc: {  	[sflag:s5] =	ssyncset.done $0x0  }
0xcd: {  	[sflag:s5] =	ssyncadd.s32 $0xFFFFC000  }
0xce: {  	[tilespmem:s4], [sflag:$0x1] =	stream.indirect.gather [hbm4b:s3+s8], $0x80, s1, s8, $0xb8;
	[tilespmem:$0xD400] =	vst v63  }
0xcf: {  	_ =	swait.ge [sflag:s12], $0x4000  }
0xd0: {  	[sflag:s12] =	ssyncset.done $0x0  }
0xd1: {  	s1 =	rddreg [dreg:$0x13];
	[sflag:s12] =	ssyncadd.s32 $0xFFFFC000  }
0xd2: {  	[hbm4b:s1+s2] =	stream.linear.scatter [tilespmem:s7], [sflag:$0x6], $0x4000, $0x38;
	[tilespmem:$0xD400] =	vst v63  }
0xd3: {  	_ =	swait.ge [sflag:s10], $0x4000  }
0xd4: {  	s1 =	sld [smem:$0x7F5]  }
0xd5: {  	[sflag:s10] =	ssyncset.done $0x0  }
0xd6: {  	[sflag:s10] =	ssyncadd.s32 $0xFFFFC000  }
0xd7: {  	[tilespmem:s9], [sflag:$0x2] =	stream.indirect.gather [hbm4b:s3+s8], $0x80, s1, s8, $0xb8;
	[tilespmem:$0xD400] =	vst v63  }
0xd8: {  	_ =	swait.ge [sflag:s6], $0x4000  }
0xd9: {  	[sflag:s6] =	ssyncset.done $0x0  }
0xda: {  	s1 =	rddreg [dreg:$0x14];
	[sflag:s6] =	ssyncadd.s32 $0xFFFFC000  }
0xdb: {  	[hbm4b:s1+s2] =	stream.linear.scatter [tilespmem:s4], [sflag:$0x4], $0x4000, $0x38;
	[tilespmem:$0xD400] =	vst v63  }
0xdc: {  	_ =	swait.ge [sflag:s11], $0x4000  }
0xdd: {  	s1 =	sld [smem:$0x7F6]  }
0xde: {  	[sflag:s11] =	ssyncset.done $0x0  }
0xdf: {  	[sflag:s11] =	ssyncadd.s32 $0xFFFFC000  }
0xe0: {  	[tilespmem:s7], [sflag:$0x3] =	stream.indirect.gather [hbm4b:s3+s8], $0x80, s1, s8, $0xb8;
	[tilespmem:$0xD400] =	vst v63  }
0xe1: {  	_ =	swait.ge [sflag:s13], $0x4000  }
0xe2: {  	[sflag:s13] =	ssyncset.done $0x0  }
0xe3: {  	s1 =	rddreg [dreg:$0x15];
	[sflag:s13] =	ssyncadd.s32 $0xFFFFC000  }
0xe4: {  	[hbm4b:s1+s2] =	stream.linear.scatter [tilespmem:s9], [sflag:$0x5], $0x4000, $0x38;
	[tilespmem:$0xD400] =	vst v63  }
0xe5: {  	_ =	swait.ge [sflag:s5], $0x4000  }
0xe6: {  	s1 =	sld [smem:$0x7F7]  }
0xe7: {  	[sflag:s5] =	ssyncset.done $0x0  }
0xe8: {  	[sflag:s5] =	ssyncadd.s32 $0xFFFFC000  }
0xe9: {  	[tilespmem:s4], [sflag:$0x1] =	stream.indirect.gather [hbm4b:s3+s8], $0x80, s1, s8, $0xb8;
	[tilespmem:$0xD400] =	vst v63  }
0xea: {  	_ =	swait.ge [sflag:s12], $0x4000  }
0xeb: {  	[sflag:s12] =	ssyncset.done $0x0  }
0xec: {  	s1 =	rddreg [dreg:$0x16];
	[sflag:s12] =	ssyncadd.s32 $0xFFFFC000  }
0xed: {  	[hbm4b:s1+s2] =	stream.linear.scatter [tilespmem:s7], [sflag:$0x6], $0x4000, $0x38;
	[tilespmem:$0xD400] =	vst v63  }
0xee: {  	_ =	swait.ge [sflag:s10], $0x4000  }
0xef: {  	s1 =	sld [smem:$0x7F8]  }
0xf0: {  	[sflag:s10] =	ssyncset.done $0x0  }
0xf1: {  	[sflag:s10] =	ssyncadd.s32 $0xFFFFC000  }
0xf2: {  	[tilespmem:s9], [sflag:$0x2] =	stream.indirect.gather [hbm4b:s3+s8], $0x80, s1, s8, $0xb8;
	[tilespmem:$0xD400] =	vst v63  }
0xf3: {  	_ =	swait.ge [sflag:s6], $0x4000  }
0xf4: {  	[sflag:s6] =	ssyncset.done $0x0  }
0xf5: {  	s1 =	rddreg [dreg:$0x17];
	[sflag:s6] =	ssyncadd.s32 $0xFFFFC000  }
0xf6: {  	[hbm4b:s1+s2] =	stream.linear.scatter [tilespmem:s4], [sflag:$0x4], $0x4000, $0x38;
	[tilespmem:$0xD400] =	vst v63  }
0xf7: {  	_ =	swait.ge [sflag:s11], $0x4000  }
0xf8: {  	s1 =	sld [smem:$0x7F9]  }
0xf9: {  	[sflag:s11] =	ssyncset.done $0x0  }
0xfa: {  	[sflag:s11] =	ssyncadd.s32 $0xFFFFC000  }
0xfb: {  	[tilespmem:s7], [sflag:$0x3] =	stream.indirect.gather [hbm4b:s3+s8], $0x80, s1, s8, $0xb8;
	[tilespmem:$0xD400] =	vst v63  }
0xfc: {  	_ =	swait.ge [sflag:s13], $0x4000  }
0xfd: {  	[sflag:s13] =	ssyncset.done $0x0  }
0xfe: {  	s1 =	rddreg [dreg:$0x18];
	[sflag:s13] =	ssyncadd.s32 $0xFFFFC000  }
0xff: {  	[hbm4b:s1+s2] =	stream.linear.scatter [tilespmem:s9], [sflag:$0x5], $0x4000, $0x38;
	[tilespmem:$0xD400] =	vst v63  }
0x100: {  	_ =	swait.ge [sflag:s5], $0x4000  }
0x101: {  	s1 =	sld [smem:$0x7FA]  }
0x102: {  	[sflag:s5] =	ssyncset.done $0x0  }
0x103: {  	[sflag:s5] =	ssyncadd.s32 $0xFFFFC000  }
0x104: {  	[tilespmem:s4], [sflag:$0x1] =	stream.indirect.gather [hbm4b:s3+s8], $0x80, s1, s8, $0xb8;
	[tilespmem:$0xD400] =	vst v63  }
0x105: {  	_ =	swait.ge [sflag:s12], $0x4000  }
0x106: {  	[sflag:s12] =	ssyncset.done $0x0  }
0x107: {  	s1 =	rddreg [dreg:$0x19];
	[sflag:s12] =	ssyncadd.s32 $0xFFFFC000  }
0x108: {  	[hbm4b:s1+s2] =	stream.linear.scatter [tilespmem:s7], [sflag:$0x6], $0x4000, $0x38;
	[tilespmem:$0xD400] =	vst v63  }
0x109: {  	_ =	swait.ge [sflag:s10], $0x4000  }
0x10a: {  	s1 =	sld [smem:$0x7FB]  }
0x10b: {  	[sflag:s10] =	ssyncset.done $0x0  }
0x10c: {  	[sflag:s10] =	ssyncadd.s32 $0xFFFFC000  }
0x10d: {  	[tilespmem:s9], [sflag:$0x2] =	stream.indirect.gather [hbm4b:s3+s8], $0x80, s1, s8, $0xb8;
	[tilespmem:$0xD400] =	vst v63  }
0x10e: {  	_ =	swait.ge [sflag:s6], $0x4000  }
0x10f: {  	[sflag:s6] =	ssyncset.done $0x0  }
0x110: {  	s1 =	rddreg [dreg:$0x1a];
	[sflag:s6] =	ssyncadd.s32 $0xFFFFC000  }
0x111: {  	[hbm4b:s1+s2] =	stream.linear.scatter [tilespmem:s4], [sflag:$0x4], $0x4000, $0x38;
	[tilespmem:$0xD400] =	vst v63  }
0x112: {  	_ =	swait.ge [sflag:s11], $0x4000  }
0x113: {  	s1 =	sld [smem:$0x7FC]  }
0x114: {  	[sflag:s11] =	ssyncset.done $0x0  }
0x115: {  	[sflag:s11] =	ssyncadd.s32 $0xFFFFC000  }
0x116: {  	[tilespmem:s7], [sflag:$0x3] =	stream.indirect.gather [hbm4b:s3+s8], $0x80, s1, s8, $0xb8;
	[tilespmem:$0xD400] =	vst v63  }
0x117: {  	_ =	swait.ge [sflag:s13], $0x4000  }
0x118: {  	[sflag:s13] =	ssyncset.done $0x0  }
0x119: {  	s1 =	rddreg [dreg:$0x1b];
	[sflag:s13] =	ssyncadd.s32 $0xFFFFC000  }
0x11a: {  	[hbm4b:s1+s2] =	stream.linear.scatter [tilespmem:s9], [sflag:$0x5], $0x4000, $0x38;
	[tilespmem:$0xD400] =	vst v63  }
0x11b: {  	_ =	swait.ge [sflag:s5], $0x4000  }
0x11c: {  	s1 =	sld [smem:$0x7FD]  }
0x11d: {  	[sflag:s5] =	ssyncset.done $0x0  }
0x11e: {  	[sflag:s5] =	ssyncadd.s32 $0xFFFFC000  }
0x11f: {  	[tilespmem:s4], [sflag:$0x1] =	stream.indirect.gather [hbm4b:s3+s8], $0x80, s1, s8, $0xb8;
	[tilespmem:$0xD400] =	vst v63  }
0x120: {  	_ =	swait.ge [sflag:s12], $0x4000  }
0x121: {  	[sflag:s12] =	ssyncset.done $0x0  }
0x122: {  	s1 =	rddreg [dreg:$0x1c];
	[sflag:s12] =	ssyncadd.s32 $0xFFFFC000  }
0x123: {  	[hbm4b:s1+s2] =	stream.linear.scatter [tilespmem:s7], [sflag:$0x6], $0x4000, $0x38;
	[tilespmem:$0xD400] =	vst v63  }
0x124: {  	_ =	swait.ge [sflag:s10], $0x4000  }
0x125: {  	[sflag:s10] =	ssyncset.done $0x0  }
0x126: {  	s1 =	simm.s32 $0xC80;
	[sflag:s10] =	ssyncadd.s32 $0xFFFFC000  }
0x127: {  	[tilespmem:s9], [sflag:$0x2] =	stream.indirect.gather [hbm4b:s3+s8], $0x80, s1, s8, $0xb8;
	[tilespmem:$0xD400] =	vst v63  }
0x128: {  	_ =	swait.ge [sflag:s6], $0x4000  }
0x129: {  	[sflag:s6] =	ssyncset.done $0x0  }
0x12a: {  	s1 =	rddreg [dreg:$0x1d];
	[sflag:s6] =	ssyncadd.s32 $0xFFFFC000  }
0x12b: {  	[hbm4b:s1+s2] =	stream.linear.scatter [tilespmem:s4], [sflag:$0x4], $0x4000, $0x38;
	[tilespmem:$0xD400] =	vst v63  }
0x12c: {  	_ =	swait.ge [sflag:s11], $0x4000  }
0x12d: {  	[sflag:s11] =	ssyncset.done $0x0  }
0x12e: {  	[sflag:s11] =	ssyncadd.s32 $0xFFFFC000  }
0x12f: {  	[tilespmem:s7], [sflag:$0x3] =	stream.indirect.gather [hbm4b:s3+s8], $0x80, s30, s8, $0xb8;
	[tilespmem:$0xD400] =	vst v63  }
0x130: {  	_ =	swait.ge [sflag:s13], $0x4000  }
0x131: {  	[sflag:s13] =	ssyncset.done $0x0  }
0x132: {  	s1 =	rddreg [dreg:$0x1e];
	[sflag:s13] =	ssyncadd.s32 $0xFFFFC000  }
0x133: {  	[hbm4b:s1+s2] =	stream.linear.scatter [tilespmem:s9], [sflag:$0x5], $0x4000, $0x38;
	[tilespmem:$0xD400] =	vst v63  }
0x134: {  	_ =	swait.ge [sflag:s5], $0x4000  }
0x135: {  	[sflag:s5] =	ssyncset.done $0x0  }
0x136: {  	[sflag:s5] =	ssyncadd.s32 $0xFFFFC000  }
0x137: {  	[tilespmem:s4], [sflag:$0x1] =	stream.indirect.gather [hbm4b:s3+s8], $0x80, s29, s8, $0xb8;
	[tilespmem:$0xD400] =	vst v63  }
0x138: {  	_ =	swait.ge [sflag:s12], $0x4000  }
0x139: {  	[sflag:s12] =	ssyncset.done $0x0  }
0x13a: {  	s1 =	rddreg [dreg:$0x1f];
	[sflag:s12] =	ssyncadd.s32 $0xFFFFC000  }
0x13b: {  	[hbm4b:s1+s2] =	stream.linear.scatter [tilespmem:s7], [sflag:$0x6], $0x4000, $0x38;
	[tilespmem:$0xD400] =	vst v63  }
0x13c: {  	_ =	swait.ge [sflag:s10], $0x4000  }
0x13d: {  	[sflag:s10] =	ssyncset.done $0x0  }
0x13e: {  	[sflag:s10] =	ssyncadd.s32 $0xFFFFC000  }
0x13f: {  	[tilespmem:s9], [sflag:$0x2] =	stream.indirect.gather [hbm4b:s3+s8], $0x80, s28, s8, $0xb8;
	[tilespmem:$0xD400] =	vst v63  }
0x140: {  	_ =	swait.ge [sflag:s6], $0x4000  }
0x141: {  	s1 =	sld [smem:$0x7DA]  }
0x142: {  	[sflag:s6] =	ssyncset.done $0x0  }
0x143: {  	[sflag:s6] =	ssyncadd.s32 $0xFFFFC000  }
0x144: {  	[hbm4b:s1+s2] =	stream.linear.scatter [tilespmem:s4], [sflag:$0x4], $0x4000, $0x38;
	[tilespmem:$0xD400] =	vst v63  }
0x145: {  	_ =	swait.ge [sflag:s11], $0x4000  }
0x146: {  	[sflag:s11] =	ssyncset.done $0x0  }
0x147: {  	[sflag:s11] =	ssyncadd.s32 $0xFFFFC000  }
0x148: {  	[tilespmem:s7], [sflag:$0x3] =	stream.indirect.gather [hbm4b:s3+s8], $0x80, s26, s8, $0xb8;
	[tilespmem:$0xD400] =	vst v63  }
0x149: {  	_ =	swait.ge [sflag:s13], $0x4000  }
0x14a: {  	s1 =	sld [smem:$0x7DB]  }
0x14b: {  	[sflag:s13] =	ssyncset.done $0x0  }
0x14c: {  	[sflag:s13] =	ssyncadd.s32 $0xFFFFC000  }
0x14d: {  	[hbm4b:s1+s2] =	stream.linear.scatter [tilespmem:s9], [sflag:$0x5], $0x4000, $0x38;
	[tilespmem:$0xD400] =	vst v63  }
0x14e: {  	_ =	swait.ge [sflag:s5], $0x4000  }
0x14f: {  	[sflag:s5] =	ssyncset.done $0x0  }
0x150: {  	[sflag:s5] =	ssyncadd.s32 $0xFFFFC000  }
0x151: {  	[tilespmem:s4], [sflag:$0x1] =	stream.indirect.gather [hbm4b:s3+s8], $0x80, s25, s8, $0xb8;
	[tilespmem:$0xD400] =	vst v63  }
0x152: {  	_ =	swait.ge [sflag:s12], $0x4000  }
0x153: {  	s1 =	sld [smem:$0x7DC]  }
0x154: {  	[sflag:s12] =	ssyncset.done $0x0  }
0x155: {  	[sflag:s12] =	ssyncadd.s32 $0xFFFFC000  }
0x156: {  	[hbm4b:s1+s2] =	stream.linear.scatter [tilespmem:s7], [sflag:$0x6], $0x4000, $0x38;
	[tilespmem:$0xD400] =	vst v63  }
0x157: {  	_ =	swait.ge [sflag:s10], $0x4000  }
0x158: {  	[sflag:s10] =	ssyncset.done $0x0  }
0x159: {  	[sflag:s10] =	ssyncadd.s32 $0xFFFFC000  }
0x15a: {  	[tilespmem:s9], [sflag:$0x2] =	stream.indirect.gather [hbm4b:s3+s8], $0x80, s24, s8, $0xb8;
	[tilespmem:$0xD400] =	vst v63  }
0x15b: {  	_ =	swait.ge [sflag:s6], $0x4000  }
0x15c: {  	s1 =	sld [smem:$0x7DD]  }
0x15d: {  	[sflag:s6] =	ssyncset.done $0x0  }
0x15e: {  	[sflag:s6] =	ssyncadd.s32 $0xFFFFC000  }
0x15f: {  	[hbm4b:s1+s2] =	stream.linear.scatter [tilespmem:s4], [sflag:$0x4], $0x4000, $0x38;
	[tilespmem:$0xD400] =	vst v63  }
0x160: {  	_ =	swait.ge [sflag:s11], $0x4000  }
0x161: {  	[sflag:s11] =	ssyncset.done $0x0  }
0x162: {  	[sflag:s11] =	ssyncadd.s32 $0xFFFFC000  }
0x163: {  	[tilespmem:s7], [sflag:$0x3] =	stream.indirect.gather [hbm4b:s3+s8], $0x80, s23, s8, $0xb8;
	[tilespmem:$0xD400] =	vst v63  }
0x164: {  	_ =	swait.ge [sflag:s13], $0x4000  }
0x165: {  	s1 =	sld [smem:$0x7DE]  }
0x166: {  	[sflag:s13] =	ssyncset.done $0x0  }
0x167: {  	[sflag:s13] =	ssyncadd.s32 $0xFFFFC000  }
0x168: {  	[hbm4b:s1+s2] =	stream.linear.scatter [tilespmem:s9], [sflag:$0x5], $0x4000, $0x38;
	[tilespmem:$0xD400] =	vst v63  }
0x169: {  	_ =	swait.ge [sflag:s5], $0x4000  }
0x16a: {  	[sflag:s5] =	ssyncset.done $0x0  }
0x16b: {  	[sflag:s5] =	ssyncadd.s32 $0xFFFFC000  }
0x16c: {  	[tilespmem:s4], [sflag:$0x1] =	stream.indirect.gather [hbm4b:s3+s8], $0x80, s22, s8, $0xb8;
	[tilespmem:$0xD400] =	vst v63  }
0x16d: {  	_ =	swait.ge [sflag:s12], $0x4000  }
0x16e: {  	s1 =	sld [smem:$0x7DF]  }
0x16f: {  	[sflag:s12] =	ssyncset.done $0x0  }
0x170: {  	[sflag:s12] =	ssyncadd.s32 $0xFFFFC000  }
0x171: {  	[hbm4b:s1+s2] =	stream.linear.scatter [tilespmem:s7], [sflag:$0x6], $0x4000, $0x38;
	[tilespmem:$0xD400] =	vst v63  }
0x172: {  	_ =	swait.ge [sflag:s10], $0x4000  }
0x173: {  	[sflag:s10] =	ssyncset.done $0x0  }
0x174: {  	[sflag:s10] =	ssyncadd.s32 $0xFFFFC000  }
0x175: {  	[tilespmem:s9], [sflag:$0x2] =	stream.indirect.gather [hbm4b:s3+s8], $0x80, s21, s8, $0xb8;
	[tilespmem:$0xD400] =	vst v63  }
0x176: {  	_ =	swait.ge [sflag:s6], $0x4000  }
0x177: {  	s1 =	sld [smem:$0x7E0]  }
0x178: {  	[sflag:s6] =	ssyncset.done $0x0  }
0x179: {  	[sflag:s6] =	ssyncadd.s32 $0xFFFFC000  }
0x17a: {  	[hbm4b:s1+s2] =	stream.linear.scatter [tilespmem:s4], [sflag:$0x4], $0x4000, $0x38;
	[tilespmem:$0xD400] =	vst v63  }
0x17b: {  	_ =	swait.ge [sflag:s11], $0x4000  }
0x17c: {  	[sflag:s11] =	ssyncset.done $0x0  }
0x17d: {  	[sflag:s11] =	ssyncadd.s32 $0xFFFFC000  }
0x17e: {  	[tilespmem:s7], [sflag:$0x3] =	stream.indirect.gather [hbm4b:s3+s8], $0x80, s20, s8, $0xb8;
	[tilespmem:$0xD400] =	vst v63  }
0x17f: {  	_ =	swait.ge [sflag:s13], $0x4000  }
0x180: {  	s1 =	sld [smem:$0x7E1]  }
0x181: {  	[sflag:s13] =	ssyncset.done $0x0  }
0x182: {  	[sflag:s13] =	ssyncadd.s32 $0xFFFFC000  }
0x183: {  	[hbm4b:s1+s2] =	stream.linear.scatter [tilespmem:s9], [sflag:$0x5], $0x4000, $0x38;
	[tilespmem:$0xD400] =	vst v63  }
0x184: {  	_ =	swait.ge [sflag:s5], $0x4000  }
0x185: {  	[sflag:s5] =	ssyncset.done $0x0  }
0x186: {  	[sflag:s5] =	ssyncadd.s32 $0xFFFFC000  }
0x187: {  	[tilespmem:s4], [sflag:$0x1] =	stream.indirect.gather [hbm4b:s3+s8], $0x80, s19, s8, $0xb8;
	[tilespmem:$0xD400] =	vst v63  }
0x188: {  	_ =	swait.ge [sflag:s12], $0x4000  }
0x189: {  	s1 =	sld [smem:$0x7E2]  }
0x18a: {  	[sflag:s12] =	ssyncset.done $0x0  }
0x18b: {  	[sflag:s12] =	ssyncadd.s32 $0xFFFFC000  }
0x18c: {  	[hbm4b:s1+s2] =	stream.linear.scatter [tilespmem:s7], [sflag:$0x6], $0x4000, $0x38;
	[tilespmem:$0xD400] =	vst v63  }
0x18d: {  	_ =	swait.ge [sflag:s10], $0x4000  }
0x18e: {  	[sflag:s10] =	ssyncset.done $0x0  }
0x18f: {  	[sflag:s10] =	ssyncadd.s32 $0xFFFFC000  }
0x190: {  	[tilespmem:s9], [sflag:$0x2] =	stream.indirect.gather [hbm4b:s3+s8], $0x80, s18, s8, $0xb8;
	[tilespmem:$0xD400] =	vst v63  }
0x191: {  	_ =	swait.ge [sflag:s6], $0x4000  }
0x192: {  	s1 =	sld [smem:$0x7E3]  }
0x193: {  	[sflag:s6] =	ssyncset.done $0x0  }
0x194: {  	[sflag:s6] =	ssyncadd.s32 $0xFFFFC000  }
0x195: {  	[hbm4b:s1+s2] =	stream.linear.scatter [tilespmem:s4], [sflag:$0x4], $0x4000, $0x38;
	[tilespmem:$0xD400] =	vst v63  }
0x196: {  	_ =	swait.ge [sflag:s11], $0x4000  }
0x197: {  	[sflag:s11] =	ssyncset.done $0x0  }
0x198: {  	[sflag:s11] =	ssyncadd.s32 $0xFFFFC000  }
0x199: {  	[tilespmem:s7], [sflag:$0x3] =	stream.indirect.gather [hbm4b:s3+s8], $0x80, s17, s8, $0xb8;
	[tilespmem:$0xD400] =	vst v63  }
0x19a: {  	_ =	swait.ge [sflag:s13], $0x4000  }
0x19b: {  	s1 =	sld [smem:$0x7E4]  }
0x19c: {  	[sflag:s13] =	ssyncset.done $0x0  }
0x19d: {  	[sflag:s13] =	ssyncadd.s32 $0xFFFFC000  }
0x19e: {  	[hbm4b:s1+s2] =	stream.linear.scatter [tilespmem:s9], [sflag:$0x5], $0x4000, $0x38;
	[tilespmem:$0xD400] =	vst v63  }
0x19f: {  	_ =	swait.ge [sflag:s5], $0x4000  }
0x1a0: {  	[sflag:s5] =	ssyncset.done $0x0  }
0x1a1: {  	[sflag:s5] =	ssyncadd.s32 $0xFFFFC000  }
0x1a2: {  	[tilespmem:s4], [sflag:$0x1] =	stream.indirect.gather [hbm4b:s3+s15], $0x80, s16, s15, $0xb8;
	[tilespmem:$0xD400] =	vst v63  }
0x1a3: {  	_ =	swait.ge [sflag:s12], $0x4000  }
0x1a4: {  	s1 =	sld [smem:$0x7E5]  }
0x1a5: {  	[sflag:s12] =	ssyncset.done $0x0  }
0x1a6: {  	[sflag:s12] =	ssyncadd.s32 $0xFFFFC000  }
0x1a7: {  	[hbm4b:s1+s2] =	stream.linear.scatter [tilespmem:s7], [sflag:$0x6], $0x4000, $0x38;
	[tilespmem:$0xD400] =	vst v63  }
0x1a8: {  	_ =	swait.ge [sflag:s6], $0x400  }
0x1a9: {  	s1 =	sld [smem:$0x7E6]  }
0x1aa: {  	[sflag:s6] =	ssyncset.done $0x0  }
0x1ab: {  	[sflag:s6] =	ssyncadd.s32 $0xFFFFFC00  }
0x1ac: {  	[hbm4b:s1+s2] =	stream.linear.scatter [tilespmem:s4], [sflag:$0x4], $0x400, $0x38;
	[tilespmem:$0xD400] =	vst v63  }
0x1ad: {  	_ =	swait.ge [sflag:s10], $0x4000  }
0x1ae: {  	[sflag:s10] =	ssyncset.done $0x0  }
0x1af: {  	p1 =	sne.s32 s14, $0x1;
	[sflag:s10] =	ssyncadd.s32 $0xFFFFC000  }
.Ltmp1:
0x1b0: {  	_ =	swait.ge [sflag:s11], $0x4000;
	(pc) =	sbr.rel @!p1 .LBB2_3-.Ltmp1, $4  }
0x1b1: {  	[sflag:s11] =	ssyncset.done $0x0  }
0x1b2: {  	[sflag:s11] =	ssyncadd.s32 $0xFFFFC000  }
0x1b3: {  	p0 =	por $0x1, $0x1;
	_ =	swait.ge [sflag:s5], $0x400  }
0x1b4: {  	s1 =	sadd.s32 $0xFFFFFFFF, s14;
	s0 =	rddreg [dreg:$0x4];
	[sflag:s5] =	ssyncset.done $0x0  }
.LBB2_4:
0x1b5: {  	[sflag:s5] =	ssyncadd.s32 $0xFFFFFC00  }
0x1b6: {  	[tilespmem:s2], [sflag:$0x7] =	stream.linear.gather [hbm4b:s0+s2], $0x1388, $0x38;
	[tilespmem:$0xD400] =	vst v63  }
0x1b7: {  	_ =	swait.ge [sflag:s31], $0x1388  }
0x1b8: {  	[sflag:s31] =	ssyncset.done $0x0  }
0x1b9: {  	[sflag:s31] =	ssyncadd.s32 $0xFFFFEC78  }
0x1ba: {  	[tilespmem:s4], [sflag:$0x1] =	stream.indirect.gather [hbm4b:s3+s8], $0x80, s2, s8, $0xb8;
	[tilespmem:$0xD400] =	vst v63  }
0x1bb: {  	_ = 	snop  }
0x1bc: {  	[tilespmem:s9], [sflag:$0x2] =	stream.indirect.gather [hbm4b:s3+s8], $0x80, s8, s8, $0xb8;
	[tilespmem:$0xD400] =	vst v63  }
0x1bd: {  	_ =	swait.ge [sflag:s6], $0x4000  }
0x1be: {  	s0 =	rddreg [dreg:$0x5];
	[sflag:s6] =	ssyncset.done $0x0  }
0x1bf: {  	s14 =	sld [smem:$0x7E7];
	[sflag:s6] =	ssyncadd.s32 $0xFFFFC000  }
0x1c0: {  	[hbm4b:s0+s2] =	stream.linear.scatter [tilespmem:s4], [sflag:$0x4], $0x4000, $0x38;
	[tilespmem:$0xD400] =	vst v63  }
0x1c1: {  	_ = 	snop  }
0x1c2: {  	[tilespmem:s7], [sflag:$0x3] =	stream.indirect.gather [hbm4b:s3+s8], $0x80, s14, s8, $0xb8;
	[tilespmem:$0xD400] =	vst v63  }
0x1c3: {  	_ =	swait.ge [sflag:s13], $0x4000  }
0x1c4: {  	[sflag:s13] =	ssyncset.done $0x0  }
0x1c5: {  	s14 =	rddreg [dreg:$0x6];
	[sflag:s13] =	ssyncadd.s32 $0xFFFFC000  }
0x1c6: {  	[hbm4b:s14+s2] =	stream.linear.scatter [tilespmem:s9], [sflag:$0x5], $0x4000, $0x38;
	[tilespmem:$0xD400] =	vst v63  }
0x1c7: {  	_ =	swait.ge [sflag:s5], $0x4000  }
0x1c8: {  	s14 =	sld [smem:$0x7E8]  }
0x1c9: {  	[sflag:s5] =	ssyncset.done $0x0  }
0x1ca: {  	[sflag:s5] =	ssyncadd.s32 $0xFFFFC000  }
0x1cb: {  	[tilespmem:s4], [sflag:$0x1] =	stream.indirect.gather [hbm4b:s3+s8], $0x80, s14, s8, $0xb8;
	[tilespmem:$0xD400] =	vst v63  }
0x1cc: {  	_ =	swait.ge [sflag:s12], $0x4000  }
0x1cd: {  	[sflag:s12] =	ssyncset.done $0x0  }
0x1ce: {  	s14 =	rddreg [dreg:$0x7];
	[sflag:s12] =	ssyncadd.s32 $0xFFFFC000  }
0x1cf: {  	[hbm4b:s14+s2] =	stream.linear.scatter [tilespmem:s7], [sflag:$0x6], $0x4000, $0x38;
	[tilespmem:$0xD400] =	vst v63  }
0x1d0: {  	_ =	swait.ge [sflag:s10], $0x4000  }
0x1d1: {  	s14 =	sld [smem:$0x7E9]  }
0x1d2: {  	[sflag:s10] =	ssyncset.done $0x0  }
0x1d3: {  	[sflag:s10] =	ssyncadd.s32 $0xFFFFC000  }
0x1d4: {  	[tilespmem:s9], [sflag:$0x2] =	stream.indirect.gather [hbm4b:s3+s8], $0x80, s14, s8, $0xb8;
	[tilespmem:$0xD400] =	vst v63  }
0x1d5: {  	_ =	swait.ge [sflag:s6], $0x4000  }
0x1d6: {  	[sflag:s6] =	ssyncset.done $0x0  }
0x1d7: {  	s14 =	rddreg [dreg:$0x8];
	[sflag:s6] =	ssyncadd.s32 $0xFFFFC000  }
0x1d8: {  	[hbm4b:s14+s2] =	stream.linear.scatter [tilespmem:s4], [sflag:$0x4], $0x4000, $0x38;
	[tilespmem:$0xD400] =	vst v63  }
0x1d9: {  	_ =	swait.ge [sflag:s11], $0x4000  }
0x1da: {  	s14 =	sld [smem:$0x7EA]  }
0x1db: {  	[sflag:s11] =	ssyncset.done $0x0  }
0x1dc: {  	[sflag:s11] =	ssyncadd.s32 $0xFFFFC000  }
0x1dd: {  	[tilespmem:s7], [sflag:$0x3] =	stream.indirect.gather [hbm4b:s3+s8], $0x80, s14, s8, $0xb8;
	[tilespmem:$0xD400] =	vst v63  }
0x1de: {  	_ =	swait.ge [sflag:s13], $0x4000  }
0x1df: {  	[sflag:s13] =	ssyncset.done $0x0  }
0x1e0: {  	s14 =	rddreg [dreg:$0x9];
	[sflag:s13] =	ssyncadd.s32 $0xFFFFC000  }
0x1e1: {  	[hbm4b:s14+s2] =	stream.linear.scatter [tilespmem:s9], [sflag:$0x5], $0x4000, $0x38;
	[tilespmem:$0xD400] =	vst v63  }
0x1e2: {  	_ =	swait.ge [sflag:s5], $0x4000  }
0x1e3: {  	s14 =	sld [smem:$0x7EB]  }
0x1e4: {  	[sflag:s5] =	ssyncset.done $0x0  }
0x1e5: {  	[sflag:s5] =	ssyncadd.s32 $0xFFFFC000  }
0x1e6: {  	[tilespmem:s4], [sflag:$0x1] =	stream.indirect.gather [hbm4b:s3+s8], $0x80, s14, s8, $0xb8;
	[tilespmem:$0xD400] =	vst v63  }
0x1e7: {  	_ =	swait.ge [sflag:s12], $0x4000  }
0x1e8: {  	[sflag:s12] =	ssyncset.done $0x0  }
0x1e9: {  	s14 =	rddreg [dreg:$0xa];
	[sflag:s12] =	ssyncadd.s32 $0xFFFFC000  }
0x1ea: {  	[hbm4b:s14+s2] =	stream.linear.scatter [tilespmem:s7], [sflag:$0x6], $0x4000, $0x38;
	[tilespmem:$0xD400] =	vst v63  }
0x1eb: {  	_ =	swait.ge [sflag:s10], $0x4000  }
0x1ec: {  	s14 =	sld [smem:$0x7EC]  }
0x1ed: {  	[sflag:s10] =	ssyncset.done $0x0  }
0x1ee: {  	[sflag:s10] =	ssyncadd.s32 $0xFFFFC000  }
0x1ef: {  	[tilespmem:s9], [sflag:$0x2] =	stream.indirect.gather [hbm4b:s3+s8], $0x80, s14, s8, $0xb8;
	[tilespmem:$0xD400] =	vst v63  }
0x1f0: {  	_ =	swait.ge [sflag:s6], $0x4000  }
0x1f1: {  	[sflag:s6] =	ssyncset.done $0x0  }
0x1f2: {  	s14 =	rddreg [dreg:$0xb];
	[sflag:s6] =	ssyncadd.s32 $0xFFFFC000  }
0x1f3: {  	[hbm4b:s14+s2] =	stream.linear.scatter [tilespmem:s4], [sflag:$0x4], $0x4000, $0x38;
	[tilespmem:$0xD400] =	vst v63  }
0x1f4: {  	_ =	swait.ge [sflag:s11], $0x4000  }
0x1f5: {  	s14 =	sld [smem:$0x7ED]  }
0x1f6: {  	[sflag:s11] =	ssyncset.done $0x0  }
0x1f7: {  	[sflag:s11] =	ssyncadd.s32 $0xFFFFC000  }
0x1f8: {  	[tilespmem:s7], [sflag:$0x3] =	stream.indirect.gather [hbm4b:s3+s8], $0x80, s14, s8, $0xb8;
	[tilespmem:$0xD400] =	vst v63  }
0x1f9: {  	_ =	swait.ge [sflag:s13], $0x4000  }
0x1fa: {  	[sflag:s13] =	ssyncset.done $0x0  }
0x1fb: {  	s14 =	rddreg [dreg:$0xc];
	[sflag:s13] =	ssyncadd.s32 $0xFFFFC000  }
0x1fc: {  	[hbm4b:s14+s2] =	stream.linear.scatter [tilespmem:s9], [sflag:$0x5], $0x4000, $0x38;
	[tilespmem:$0xD400] =	vst v63  }
0x1fd: {  	_ =	swait.ge [sflag:s5], $0x4000  }
0x1fe: {  	s14 =	sld [smem:$0x7EE]  }
0x1ff: {  	[sflag:s5] =	ssyncset.done $0x0  }
0x200: {  	[sflag:s5] =	ssyncadd.s32 $0xFFFFC000  }
0x201: {  	[tilespmem:s4], [sflag:$0x1] =	stream.indirect.gather [hbm4b:s3+s8], $0x80, s14, s8, $0xb8;
	[tilespmem:$0xD400] =	vst v63  }
0x202: {  	_ =	swait.ge [sflag:s12], $0x4000  }
0x203: {  	[sflag:s12] =	ssyncset.done $0x0  }
0x204: {  	s14 =	rddreg [dreg:$0xd];
	[sflag:s12] =	ssyncadd.s32 $0xFFFFC000  }
0x205: {  	[hbm4b:s14+s2] =	stream.linear.scatter [tilespmem:s7], [sflag:$0x6], $0x4000, $0x38;
	[tilespmem:$0xD400] =	vst v63  }
0x206: {  	_ =	swait.ge [sflag:s10], $0x4000  }
0x207: {  	s14 =	sld [smem:$0x7EF]  }
0x208: {  	[sflag:s10] =	ssyncset.done $0x0  }
0x209: {  	[sflag:s10] =	ssyncadd.s32 $0xFFFFC000  }
0x20a: {  	[tilespmem:s9], [sflag:$0x2] =	stream.indirect.gather [hbm4b:s3+s8], $0x80, s14, s8, $0xb8;
	[tilespmem:$0xD400] =	vst v63  }
0x20b: {  	_ =	swait.ge [sflag:s6], $0x4000  }
0x20c: {  	[sflag:s6] =	ssyncset.done $0x0  }
0x20d: {  	s14 =	rddreg [dreg:$0xe];
	[sflag:s6] =	ssyncadd.s32 $0xFFFFC000  }
0x20e: {  	[hbm4b:s14+s2] =	stream.linear.scatter [tilespmem:s4], [sflag:$0x4], $0x4000, $0x38;
	[tilespmem:$0xD400] =	vst v63  }
0x20f: {  	_ =	swait.ge [sflag:s11], $0x4000  }
0x210: {  	s14 =	sld [smem:$0x7F0]  }
0x211: {  	[sflag:s11] =	ssyncset.done $0x0  }
0x212: {  	[sflag:s11] =	ssyncadd.s32 $0xFFFFC000  }
0x213: {  	[tilespmem:s7], [sflag:$0x3] =	stream.indirect.gather [hbm4b:s3+s8], $0x80, s14, s8, $0xb8;
	[tilespmem:$0xD400] =	vst v63  }
0x214: {  	_ =	swait.ge [sflag:s13], $0x4000  }
0x215: {  	[sflag:s13] =	ssyncset.done $0x0  }
0x216: {  	s14 =	rddreg [dreg:$0xf];
	[sflag:s13] =	ssyncadd.s32 $0xFFFFC000  }
0x217: {  	[hbm4b:s14+s2] =	stream.linear.scatter [tilespmem:s9], [sflag:$0x5], $0x4000, $0x38;
	[tilespmem:$0xD400] =	vst v63  }
0x218: {  	_ =	swait.ge [sflag:s5], $0x4000  }
0x219: {  	s14 =	sld [smem:$0x7F1]  }
0x21a: {  	[sflag:s5] =	ssyncset.done $0x0  }
0x21b: {  	[sflag:s5] =	ssyncadd.s32 $0xFFFFC000  }
0x21c: {  	[tilespmem:s4], [sflag:$0x1] =	stream.indirect.gather [hbm4b:s3+s8], $0x80, s14, s8, $0xb8;
	[tilespmem:$0xD400] =	vst v63  }
0x21d: {  	_ =	swait.ge [sflag:s12], $0x4000  }
0x21e: {  	[sflag:s12] =	ssyncset.done $0x0  }
0x21f: {  	s14 =	rddreg [dreg:$0x10];
	[sflag:s12] =	ssyncadd.s32 $0xFFFFC000  }
0x220: {  	[hbm4b:s14+s2] =	stream.linear.scatter [tilespmem:s7], [sflag:$0x6], $0x4000, $0x38;
	[tilespmem:$0xD400] =	vst v63  }
0x221: {  	_ =	swait.ge [sflag:s10], $0x4000  }
0x222: {  	s14 =	sld [smem:$0x7F2]  }
0x223: {  	[sflag:s10] =	ssyncset.done $0x0  }
0x224: {  	[sflag:s10] =	ssyncadd.s32 $0xFFFFC000  }
0x225: {  	[tilespmem:s9], [sflag:$0x2] =	stream.indirect.gather [hbm4b:s3+s8], $0x80, s14, s8, $0xb8;
	[tilespmem:$0xD400] =	vst v63  }
0x226: {  	_ =	swait.ge [sflag:s6], $0x4000  }
0x227: {  	[sflag:s6] =	ssyncset.done $0x0  }
0x228: {  	s14 =	rddreg [dreg:$0x11];
	[sflag:s6] =	ssyncadd.s32 $0xFFFFC000  }
0x229: {  	[hbm4b:s14+s2] =	stream.linear.scatter [tilespmem:s4], [sflag:$0x4], $0x4000, $0x38;
	[tilespmem:$0xD400] =	vst v63  }
0x22a: {  	_ =	swait.ge [sflag:s11], $0x4000  }
0x22b: {  	s14 =	sld [smem:$0x7F3]  }
0x22c: {  	[sflag:s11] =	ssyncset.done $0x0  }
0x22d: {  	[sflag:s11] =	ssyncadd.s32 $0xFFFFC000  }
0x22e: {  	[tilespmem:s7], [sflag:$0x3] =	stream.indirect.gather [hbm4b:s3+s8], $0x80, s14, s8, $0xb8;
	[tilespmem:$0xD400] =	vst v63  }
0x22f: {  	_ =	swait.ge [sflag:s13], $0x4000  }
0x230: {  	[sflag:s13] =	ssyncset.done $0x0  }
0x231: {  	s14 =	rddreg [dreg:$0x12];
	[sflag:s13] =	ssyncadd.s32 $0xFFFFC000  }
0x232: {  	[hbm4b:s14+s2] =	stream.linear.scatter [tilespmem:s9], [sflag:$0x5], $0x4000, $0x38;
	[tilespmem:$0xD400] =	vst v63  }
0x233: {  	_ =	swait.ge [sflag:s5], $0x4000  }
0x234: {  	s14 =	sld [smem:$0x7F4]  }
0x235: {  	[sflag:s5] =	ssyncset.done $0x0  }
0x236: {  	[sflag:s5] =	ssyncadd.s32 $0xFFFFC000  }
0x237: {  	[tilespmem:s4], [sflag:$0x1] =	stream.indirect.gather [hbm4b:s3+s8], $0x80, s14, s8, $0xb8;
	[tilespmem:$0xD400] =	vst v63  }
0x238: {  	_ =	swait.ge [sflag:s12], $0x4000  }
0x239: {  	[sflag:s12] =	ssyncset.done $0x0  }
0x23a: {  	s14 =	rddreg [dreg:$0x13];
	[sflag:s12] =	ssyncadd.s32 $0xFFFFC000  }
0x23b: {  	[hbm4b:s14+s2] =	stream.linear.scatter [tilespmem:s7], [sflag:$0x6], $0x4000, $0x38;
	[tilespmem:$0xD400] =	vst v63  }
0x23c: {  	_ =	swait.ge [sflag:s10], $0x4000  }
0x23d: {  	s14 =	sld [smem:$0x7F5]  }
0x23e: {  	[sflag:s10] =	ssyncset.done $0x0  }
0x23f: {  	[sflag:s10] =	ssyncadd.s32 $0xFFFFC000  }
0x240: {  	[tilespmem:s9], [sflag:$0x2] =	stream.indirect.gather [hbm4b:s3+s8], $0x80, s14, s8, $0xb8;
	[tilespmem:$0xD400] =	vst v63  }
0x241: {  	_ =	swait.ge [sflag:s6], $0x4000  }
0x242: {  	[sflag:s6] =	ssyncset.done $0x0  }
0x243: {  	s14 =	rddreg [dreg:$0x14];
	[sflag:s6] =	ssyncadd.s32 $0xFFFFC000  }
0x244: {  	[hbm4b:s14+s2] =	stream.linear.scatter [tilespmem:s4], [sflag:$0x4], $0x4000, $0x38;
	[tilespmem:$0xD400] =	vst v63  }
0x245: {  	_ =	swait.ge [sflag:s11], $0x4000  }
0x246: {  	s14 =	sld [smem:$0x7F6]  }
0x247: {  	[sflag:s11] =	ssyncset.done $0x0  }
0x248: {  	[sflag:s11] =	ssyncadd.s32 $0xFFFFC000  }
0x249: {  	[tilespmem:s7], [sflag:$0x3] =	stream.indirect.gather [hbm4b:s3+s8], $0x80, s14, s8, $0xb8;
	[tilespmem:$0xD400] =	vst v63  }
0x24a: {  	_ =	swait.ge [sflag:s13], $0x4000  }
0x24b: {  	[sflag:s13] =	ssyncset.done $0x0  }
0x24c: {  	s14 =	rddreg [dreg:$0x15];
	[sflag:s13] =	ssyncadd.s32 $0xFFFFC000  }
0x24d: {  	[hbm4b:s14+s2] =	stream.linear.scatter [tilespmem:s9], [sflag:$0x5], $0x4000, $0x38;
	[tilespmem:$0xD400] =	vst v63  }
0x24e: {  	_ =	swait.ge [sflag:s5], $0x4000  }
0x24f: {  	s14 =	sld [smem:$0x7F7]  }
0x250: {  	[sflag:s5] =	ssyncset.done $0x0  }
0x251: {  	[sflag:s5] =	ssyncadd.s32 $0xFFFFC000  }
0x252: {  	[tilespmem:s4], [sflag:$0x1] =	stream.indirect.gather [hbm4b:s3+s8], $0x80, s14, s8, $0xb8;
	[tilespmem:$0xD400] =	vst v63  }
0x253: {  	_ =	swait.ge [sflag:s12], $0x4000  }
0x254: {  	[sflag:s12] =	ssyncset.done $0x0  }
0x255: {  	s14 =	rddreg [dreg:$0x16];
	[sflag:s12] =	ssyncadd.s32 $0xFFFFC000  }
0x256: {  	[hbm4b:s14+s2] =	stream.linear.scatter [tilespmem:s7], [sflag:$0x6], $0x4000, $0x38;
	[tilespmem:$0xD400] =	vst v63  }
0x257: {  	_ =	swait.ge [sflag:s10], $0x4000  }
0x258: {  	s14 =	sld [smem:$0x7F8]  }
0x259: {  	[sflag:s10] =	ssyncset.done $0x0  }
0x25a: {  	[sflag:s10] =	ssyncadd.s32 $0xFFFFC000  }
0x25b: {  	[tilespmem:s9], [sflag:$0x2] =	stream.indirect.gather [hbm4b:s3+s8], $0x80, s14, s8, $0xb8;
	[tilespmem:$0xD400] =	vst v63  }
0x25c: {  	_ =	swait.ge [sflag:s6], $0x4000  }
0x25d: {  	[sflag:s6] =	ssyncset.done $0x0  }
0x25e: {  	s14 =	rddreg [dreg:$0x17];
	[sflag:s6] =	ssyncadd.s32 $0xFFFFC000  }
0x25f: {  	[hbm4b:s14+s2] =	stream.linear.scatter [tilespmem:s4], [sflag:$0x4], $0x4000, $0x38;
	[tilespmem:$0xD400] =	vst v63  }
0x260: {  	_ =	swait.ge [sflag:s11], $0x4000  }
0x261: {  	s14 =	sld [smem:$0x7F9]  }
0x262: {  	[sflag:s11] =	ssyncset.done $0x0  }
0x263: {  	[sflag:s11] =	ssyncadd.s32 $0xFFFFC000  }
0x264: {  	[tilespmem:s7], [sflag:$0x3] =	stream.indirect.gather [hbm4b:s3+s8], $0x80, s14, s8, $0xb8;
	[tilespmem:$0xD400] =	vst v63  }
0x265: {  	_ =	swait.ge [sflag:s13], $0x4000  }
0x266: {  	[sflag:s13] =	ssyncset.done $0x0  }
0x267: {  	s14 =	rddreg [dreg:$0x18];
	[sflag:s13] =	ssyncadd.s32 $0xFFFFC000  }
0x268: {  	[hbm4b:s14+s2] =	stream.linear.scatter [tilespmem:s9], [sflag:$0x5], $0x4000, $0x38;
	[tilespmem:$0xD400] =	vst v63  }
0x269: {  	_ =	swait.ge [sflag:s5], $0x4000  }
0x26a: {  	s14 =	sld [smem:$0x7FA]  }
0x26b: {  	[sflag:s5] =	ssyncset.done $0x0  }
0x26c: {  	[sflag:s5] =	ssyncadd.s32 $0xFFFFC000  }
0x26d: {  	[tilespmem:s4], [sflag:$0x1] =	stream.indirect.gather [hbm4b:s3+s8], $0x80, s14, s8, $0xb8;
	[tilespmem:$0xD400] =	vst v63  }
0x26e: {  	_ =	swait.ge [sflag:s12], $0x4000  }
0x26f: {  	[sflag:s12] =	ssyncset.done $0x0  }
0x270: {  	s14 =	rddreg [dreg:$0x19];
	[sflag:s12] =	ssyncadd.s32 $0xFFFFC000  }
0x271: {  	[hbm4b:s14+s2] =	stream.linear.scatter [tilespmem:s7], [sflag:$0x6], $0x4000, $0x38;
	[tilespmem:$0xD400] =	vst v63  }
0x272: {  	_ =	swait.ge [sflag:s10], $0x4000  }
0x273: {  	s14 =	sld [smem:$0x7FB]  }
0x274: {  	[sflag:s10] =	ssyncset.done $0x0  }
0x275: {  	[sflag:s10] =	ssyncadd.s32 $0xFFFFC000  }
0x276: {  	[tilespmem:s9], [sflag:$0x2] =	stream.indirect.gather [hbm4b:s3+s8], $0x80, s14, s8, $0xb8;
	[tilespmem:$0xD400] =	vst v63  }
0x277: {  	_ =	swait.ge [sflag:s6], $0x4000  }
0x278: {  	[sflag:s6] =	ssyncset.done $0x0  }
0x279: {  	s14 =	rddreg [dreg:$0x1a];
	[sflag:s6] =	ssyncadd.s32 $0xFFFFC000  }
0x27a: {  	[hbm4b:s14+s2] =	stream.linear.scatter [tilespmem:s4], [sflag:$0x4], $0x4000, $0x38;
	[tilespmem:$0xD400] =	vst v63  }
0x27b: {  	_ =	swait.ge [sflag:s11], $0x4000  }
0x27c: {  	s14 =	sld [smem:$0x7FC]  }
0x27d: {  	[sflag:s11] =	ssyncset.done $0x0  }
0x27e: {  	[sflag:s11] =	ssyncadd.s32 $0xFFFFC000  }
0x27f: {  	[tilespmem:s7], [sflag:$0x3] =	stream.indirect.gather [hbm4b:s3+s8], $0x80, s14, s8, $0xb8;
	[tilespmem:$0xD400] =	vst v63  }
0x280: {  	_ =	swait.ge [sflag:s13], $0x4000  }
0x281: {  	[sflag:s13] =	ssyncset.done $0x0  }
0x282: {  	s14 =	rddreg [dreg:$0x1b];
	[sflag:s13] =	ssyncadd.s32 $0xFFFFC000  }
0x283: {  	[hbm4b:s14+s2] =	stream.linear.scatter [tilespmem:s9], [sflag:$0x5], $0x4000, $0x38;
	[tilespmem:$0xD400] =	vst v63  }
0x284: {  	_ =	swait.ge [sflag:s5], $0x4000  }
0x285: {  	s14 =	sld [smem:$0x7FD]  }
0x286: {  	[sflag:s5] =	ssyncset.done $0x0  }
0x287: {  	[sflag:s5] =	ssyncadd.s32 $0xFFFFC000  }
0x288: {  	[tilespmem:s4], [sflag:$0x1] =	stream.indirect.gather [hbm4b:s3+s8], $0x80, s14, s8, $0xb8;
	[tilespmem:$0xD400] =	vst v63  }
0x289: {  	_ =	swait.ge [sflag:s12], $0x4000  }
0x28a: {  	[sflag:s12] =	ssyncset.done $0x0  }
0x28b: {  	s14 =	rddreg [dreg:$0x1c];
	[sflag:s12] =	ssyncadd.s32 $0xFFFFC000  }
0x28c: {  	[hbm4b:s14+s2] =	stream.linear.scatter [tilespmem:s7], [sflag:$0x6], $0x4000, $0x38;
	[tilespmem:$0xD400] =	vst v63  }
0x28d: {  	_ =	swait.ge [sflag:s10], $0x4000  }
0x28e: {  	[sflag:s10] =	ssyncset.done $0x0  }
0x28f: {  	s14 =	simm.s32 $0xC80;
	[sflag:s10] =	ssyncadd.s32 $0xFFFFC000  }
0x290: {  	[tilespmem:s9], [sflag:$0x2] =	stream.indirect.gather [hbm4b:s3+s8], $0x80, s14, s8, $0xb8;
	[tilespmem:$0xD400] =	vst v63  }
0x291: {  	_ =	swait.ge [sflag:s6], $0x4000  }
0x292: {  	[sflag:s6] =	ssyncset.done $0x0  }
0x293: {  	s14 =	rddreg [dreg:$0x1d];
	[sflag:s6] =	ssyncadd.s32 $0xFFFFC000  }
0x294: {  	[hbm4b:s14+s2] =	stream.linear.scatter [tilespmem:s4], [sflag:$0x4], $0x4000, $0x38;
	[tilespmem:$0xD400] =	vst v63  }
0x295: {  	_ =	swait.ge [sflag:s11], $0x4000  }
0x296: {  	[sflag:s11] =	ssyncset.done $0x0  }
0x297: {  	[sflag:s11] =	ssyncadd.s32 $0xFFFFC000  }
0x298: {  	[tilespmem:s7], [sflag:$0x3] =	stream.indirect.gather [hbm4b:s3+s8], $0x80, s30, s8, $0xb8;
	[tilespmem:$0xD400] =	vst v63  }
0x299: {  	_ =	swait.ge [sflag:s13], $0x4000  }
0x29a: {  	[sflag:s13] =	ssyncset.done $0x0  }
0x29b: {  	s14 =	rddreg [dreg:$0x1e];
	[sflag:s13] =	ssyncadd.s32 $0xFFFFC000  }
0x29c: {  	[hbm4b:s14+s2] =	stream.linear.scatter [tilespmem:s9], [sflag:$0x5], $0x4000, $0x38;
	[tilespmem:$0xD400] =	vst v63  }
0x29d: {  	_ =	swait.ge [sflag:s5], $0x4000  }
0x29e: {  	[sflag:s5] =	ssyncset.done $0x0  }
0x29f: {  	[sflag:s5] =	ssyncadd.s32 $0xFFFFC000  }
0x2a0: {  	[tilespmem:s4], [sflag:$0x1] =	stream.indirect.gather [hbm4b:s3+s8], $0x80, s29, s8, $0xb8;
	[tilespmem:$0xD400] =	vst v63  }
0x2a1: {  	_ =	swait.ge [sflag:s12], $0x4000  }
0x2a2: {  	[sflag:s12] =	ssyncset.done $0x0  }
0x2a3: {  	s14 =	rddreg [dreg:$0x1f];
	[sflag:s12] =	ssyncadd.s32 $0xFFFFC000  }
0x2a4: {  	[hbm4b:s14+s2] =	stream.linear.scatter [tilespmem:s7], [sflag:$0x6], $0x4000, $0x38;
	[tilespmem:$0xD400] =	vst v63  }
0x2a5: {  	_ =	swait.ge [sflag:s10], $0x4000  }
0x2a6: {  	[sflag:s10] =	ssyncset.done $0x0  }
0x2a7: {  	[sflag:s10] =	ssyncadd.s32 $0xFFFFC000  }
0x2a8: {  	[tilespmem:s9], [sflag:$0x2] =	stream.indirect.gather [hbm4b:s3+s8], $0x80, s28, s8, $0xb8;
	[tilespmem:$0xD400] =	vst v63  }
0x2a9: {  	_ =	swait.ge [sflag:s6], $0x4000  }
0x2aa: {  	s14 =	sld [smem:$0x7DA]  }
0x2ab: {  	[sflag:s6] =	ssyncset.done $0x0  }
0x2ac: {  	[sflag:s6] =	ssyncadd.s32 $0xFFFFC000  }
0x2ad: {  	[hbm4b:s14+s2] =	stream.linear.scatter [tilespmem:s4], [sflag:$0x4], $0x4000, $0x38;
	[tilespmem:$0xD400] =	vst v63  }
0x2ae: {  	_ =	swait.ge [sflag:s11], $0x4000  }
0x2af: {  	[sflag:s11] =	ssyncset.done $0x0  }
0x2b0: {  	[sflag:s11] =	ssyncadd.s32 $0xFFFFC000  }
0x2b1: {  	[tilespmem:s7], [sflag:$0x3] =	stream.indirect.gather [hbm4b:s3+s8], $0x80, s26, s8, $0xb8;
	[tilespmem:$0xD400] =	vst v63  }
0x2b2: {  	_ =	swait.ge [sflag:s13], $0x4000  }
0x2b3: {  	s14 =	sld [smem:$0x7DB]  }
0x2b4: {  	[sflag:s13] =	ssyncset.done $0x0  }
0x2b5: {  	[sflag:s13] =	ssyncadd.s32 $0xFFFFC000  }
0x2b6: {  	[hbm4b:s14+s2] =	stream.linear.scatter [tilespmem:s9], [sflag:$0x5], $0x4000, $0x38;
	[tilespmem:$0xD400] =	vst v63  }
0x2b7: {  	_ =	swait.ge [sflag:s5], $0x4000  }
0x2b8: {  	[sflag:s5] =	ssyncset.done $0x0  }
0x2b9: {  	[sflag:s5] =	ssyncadd.s32 $0xFFFFC000  }
0x2ba: {  	[tilespmem:s4], [sflag:$0x1] =	stream.indirect.gather [hbm4b:s3+s8], $0x80, s25, s8, $0xb8;
	[tilespmem:$0xD400] =	vst v63  }
0x2bb: {  	_ =	swait.ge [sflag:s12], $0x4000  }
0x2bc: {  	s14 =	sld [smem:$0x7DC]  }
0x2bd: {  	[sflag:s12] =	ssyncset.done $0x0  }
0x2be: {  	[sflag:s12] =	ssyncadd.s32 $0xFFFFC000  }
0x2bf: {  	[hbm4b:s14+s2] =	stream.linear.scatter [tilespmem:s7], [sflag:$0x6], $0x4000, $0x38;
	[tilespmem:$0xD400] =	vst v63  }
0x2c0: {  	_ =	swait.ge [sflag:s10], $0x4000  }
0x2c1: {  	[sflag:s10] =	ssyncset.done $0x0  }
0x2c2: {  	[sflag:s10] =	ssyncadd.s32 $0xFFFFC000  }
0x2c3: {  	[tilespmem:s9], [sflag:$0x2] =	stream.indirect.gather [hbm4b:s3+s8], $0x80, s24, s8, $0xb8;
	[tilespmem:$0xD400] =	vst v63  }
0x2c4: {  	_ =	swait.ge [sflag:s6], $0x4000  }
0x2c5: {  	s14 =	sld [smem:$0x7DD]  }
0x2c6: {  	[sflag:s6] =	ssyncset.done $0x0  }
0x2c7: {  	[sflag:s6] =	ssyncadd.s32 $0xFFFFC000  }
0x2c8: {  	[hbm4b:s14+s2] =	stream.linear.scatter [tilespmem:s4], [sflag:$0x4], $0x4000, $0x38;
	[tilespmem:$0xD400] =	vst v63  }
0x2c9: {  	_ =	swait.ge [sflag:s11], $0x4000  }
0x2ca: {  	[sflag:s11] =	ssyncset.done $0x0  }
0x2cb: {  	[sflag:s11] =	ssyncadd.s32 $0xFFFFC000  }
0x2cc: {  	[tilespmem:s7], [sflag:$0x3] =	stream.indirect.gather [hbm4b:s3+s8], $0x80, s23, s8, $0xb8;
	[tilespmem:$0xD400] =	vst v63  }
0x2cd: {  	_ =	swait.ge [sflag:s13], $0x4000  }
0x2ce: {  	s14 =	sld [smem:$0x7DE]  }
0x2cf: {  	[sflag:s13] =	ssyncset.done $0x0  }
0x2d0: {  	[sflag:s13] =	ssyncadd.s32 $0xFFFFC000  }
0x2d1: {  	[hbm4b:s14+s2] =	stream.linear.scatter [tilespmem:s9], [sflag:$0x5], $0x4000, $0x38;
	[tilespmem:$0xD400] =	vst v63  }
0x2d2: {  	_ =	swait.ge [sflag:s5], $0x4000  }
0x2d3: {  	[sflag:s5] =	ssyncset.done $0x0  }
0x2d4: {  	[sflag:s5] =	ssyncadd.s32 $0xFFFFC000  }
0x2d5: {  	[tilespmem:s4], [sflag:$0x1] =	stream.indirect.gather [hbm4b:s3+s8], $0x80, s22, s8, $0xb8;
	[tilespmem:$0xD400] =	vst v63  }
0x2d6: {  	_ =	swait.ge [sflag:s12], $0x4000  }
0x2d7: {  	s14 =	sld [smem:$0x7DF]  }
0x2d8: {  	[sflag:s12] =	ssyncset.done $0x0  }
0x2d9: {  	[sflag:s12] =	ssyncadd.s32 $0xFFFFC000  }
0x2da: {  	[hbm4b:s14+s2] =	stream.linear.scatter [tilespmem:s7], [sflag:$0x6], $0x4000, $0x38;
	[tilespmem:$0xD400] =	vst v63  }
0x2db: {  	_ =	swait.ge [sflag:s10], $0x4000  }
0x2dc: {  	[sflag:s10] =	ssyncset.done $0x0  }
0x2dd: {  	[sflag:s10] =	ssyncadd.s32 $0xFFFFC000  }
0x2de: {  	[tilespmem:s9], [sflag:$0x2] =	stream.indirect.gather [hbm4b:s3+s8], $0x80, s21, s8, $0xb8;
	[tilespmem:$0xD400] =	vst v63  }
0x2df: {  	_ =	swait.ge [sflag:s6], $0x4000  }
0x2e0: {  	s14 =	sld [smem:$0x7E0]  }
0x2e1: {  	[sflag:s6] =	ssyncset.done $0x0  }
0x2e2: {  	[sflag:s6] =	ssyncadd.s32 $0xFFFFC000  }
0x2e3: {  	[hbm4b:s14+s2] =	stream.linear.scatter [tilespmem:s4], [sflag:$0x4], $0x4000, $0x38;
	[tilespmem:$0xD400] =	vst v63  }
0x2e4: {  	_ =	swait.ge [sflag:s11], $0x4000  }
0x2e5: {  	[sflag:s11] =	ssyncset.done $0x0  }
0x2e6: {  	[sflag:s11] =	ssyncadd.s32 $0xFFFFC000  }
0x2e7: {  	[tilespmem:s7], [sflag:$0x3] =	stream.indirect.gather [hbm4b:s3+s8], $0x80, s20, s8, $0xb8;
	[tilespmem:$0xD400] =	vst v63  }
0x2e8: {  	_ =	swait.ge [sflag:s13], $0x4000  }
0x2e9: {  	s14 =	sld [smem:$0x7E1]  }
0x2ea: {  	[sflag:s13] =	ssyncset.done $0x0  }
0x2eb: {  	[sflag:s13] =	ssyncadd.s32 $0xFFFFC000  }
0x2ec: {  	[hbm4b:s14+s2] =	stream.linear.scatter [tilespmem:s9], [sflag:$0x5], $0x4000, $0x38;
	[tilespmem:$0xD400] =	vst v63  }
0x2ed: {  	_ =	swait.ge [sflag:s5], $0x4000  }
0x2ee: {  	[sflag:s5] =	ssyncset.done $0x0  }
0x2ef: {  	[sflag:s5] =	ssyncadd.s32 $0xFFFFC000  }
0x2f0: {  	[tilespmem:s4], [sflag:$0x1] =	stream.indirect.gather [hbm4b:s3+s8], $0x80, s19, s8, $0xb8;
	[tilespmem:$0xD400] =	vst v63  }
0x2f1: {  	_ =	swait.ge [sflag:s12], $0x4000  }
0x2f2: {  	s14 =	sld [smem:$0x7E2]  }
0x2f3: {  	[sflag:s12] =	ssyncset.done $0x0  }
0x2f4: {  	[sflag:s12] =	ssyncadd.s32 $0xFFFFC000  }
0x2f5: {  	[hbm4b:s14+s2] =	stream.linear.scatter [tilespmem:s7], [sflag:$0x6], $0x4000, $0x38;
	[tilespmem:$0xD400] =	vst v63  }
0x2f6: {  	_ =	swait.ge [sflag:s10], $0x4000  }
0x2f7: {  	[sflag:s10] =	ssyncset.done $0x0  }
0x2f8: {  	[sflag:s10] =	ssyncadd.s32 $0xFFFFC000  }
0x2f9: {  	[tilespmem:s9], [sflag:$0x2] =	stream.indirect.gather [hbm4b:s3+s8], $0x80, s18, s8, $0xb8;
	[tilespmem:$0xD400] =	vst v63  }
0x2fa: {  	_ =	swait.ge [sflag:s6], $0x4000  }
0x2fb: {  	s14 =	sld [smem:$0x7E3]  }
0x2fc: {  	[sflag:s6] =	ssyncset.done $0x0  }
0x2fd: {  	[sflag:s6] =	ssyncadd.s32 $0xFFFFC000  }
0x2fe: {  	[hbm4b:s14+s2] =	stream.linear.scatter [tilespmem:s4], [sflag:$0x4], $0x4000, $0x38;
	[tilespmem:$0xD400] =	vst v63  }
0x2ff: {  	_ =	swait.ge [sflag:s11], $0x4000  }
0x300: {  	[sflag:s11] =	ssyncset.done $0x0  }
0x301: {  	[sflag:s11] =	ssyncadd.s32 $0xFFFFC000  }
0x302: {  	[tilespmem:s7], [sflag:$0x3] =	stream.indirect.gather [hbm4b:s3+s8], $0x80, s17, s8, $0xb8;
	[tilespmem:$0xD400] =	vst v63  }
0x303: {  	_ =	swait.ge [sflag:s13], $0x4000  }
0x304: {  	s14 =	sld [smem:$0x7E4]  }
0x305: {  	[sflag:s13] =	ssyncset.done $0x0  }
0x306: {  	[sflag:s13] =	ssyncadd.s32 $0xFFFFC000  }
0x307: {  	[hbm4b:s14+s2] =	stream.linear.scatter [tilespmem:s9], [sflag:$0x5], $0x4000, $0x38;
	[tilespmem:$0xD400] =	vst v63  }
0x308: {  	_ =	swait.ge [sflag:s5], $0x4000  }
0x309: {  	[sflag:s5] =	ssyncset.done $0x0  }
0x30a: {  	[sflag:s5] =	ssyncadd.s32 $0xFFFFC000  }
0x30b: {  	[tilespmem:s4], [sflag:$0x1] =	stream.indirect.gather [hbm4b:s3+s15], $0x80, s16, s15, $0xb8;
	[tilespmem:$0xD400] =	vst v63  }
0x30c: {  	_ =	swait.ge [sflag:s12], $0x4000  }
0x30d: {  	s14 =	sld [smem:$0x7E5]  }
0x30e: {  	[sflag:s12] =	ssyncset.done $0x0  }
0x30f: {  	[sflag:s12] =	ssyncadd.s32 $0xFFFFC000  }
0x310: {  	[hbm4b:s14+s2] =	stream.linear.scatter [tilespmem:s7], [sflag:$0x6], $0x4000, $0x38;
	[tilespmem:$0xD400] =	vst v63  }
0x311: {  	_ =	swait.ge [sflag:s6], $0x400  }
0x312: {  	s14 =	sld [smem:$0x7E6]  }
0x313: {  	[sflag:s6] =	ssyncset.done $0x0  }
0x314: {  	[sflag:s6] =	ssyncadd.s32 $0xFFFFFC00  }
0x315: {  	[hbm4b:s14+s2] =	stream.linear.scatter [tilespmem:s4], [sflag:$0x4], $0x400, $0x38;
	[tilespmem:$0xD400] =	vst v63  }
0x316: {  	_ =	swait.ge [sflag:s10], $0x4000  }
0x317: {  	[sflag:s10] =	ssyncset.done $0x0  }
0x318: {  	p1 =	sne.s32 s1, $0x1;
	[sflag:s10] =	ssyncadd.s32 $0xFFFFC000  }
.Ltmp2:
0x319: {  	_ =	swait.ge [sflag:s11], $0x4000;
	(pc) =	sbr.rel @p1 .LBB2_4-.Ltmp2, $4  }
0x31a: {  	[sflag:s11] =	ssyncset.done $0x0  }
0x31b: {  	[sflag:s11] =	ssyncadd.s32 $0xFFFFC000  }
0x31c: {  	_ =	swait.ge [sflag:s5], $0x400  }
0x31d: {  	s1 =	sadd.s32 $0xFFFFFFFF, s1;
	s0 =	rddreg [dreg:$0x4];
	[sflag:s5] =	ssyncset.done $0x0  }
0x31e: {  	s16 =	simm.s32 $0xC80  }
0x31f: {  	s30 =	simm.s32 $0xD00;
	s29 =	simm.s32 $0xD80;
	s28 =	simm.s32 $0xE00  }
0x320: {  	s26 =	simm.s32 $0xE80;
	s25 =	simm.s32 $0xF00;
	s24 =	simm.s32 $0xF80  }
0x321: {  	s23 =	simm.s32 $0x1000;
	s22 =	simm.s32 $0x1080;
	s21 =	simm.s32 $0x1100  }
0x322: {  	s20 =	simm.s32 $0x1180;
	s19 =	simm.s32 $0x1200;
	s18 =	simm.s32 $0x1280  }
0x323: {  	s17 =	simm.s32 $0x1300;
	s15 =	simm.s32 $0x8;
	s14 =	stileid.u32  }
.LBB2_6:
0x324: {  	[sflag:s5] =	ssyncadd.s32 @p0 $0xFFFFFC00  }
0x325: {  	[tilespmem:s2], [sflag:$0x7] =	stream.linear.gather [hbm4b:s0+s2], $0x1388, $0x38;
	[tilespmem:$0xD400] =	vst v63  }
0x326: {  	_ =	swait.ge [sflag:s31], $0x1388  }
0x327: {  	[sflag:s31] =	ssyncset.done $0x0  }
0x328: {  	[sflag:s31] =	ssyncadd.s32 $0xFFFFEC78  }
0x329: {  	[tilespmem:s4], [sflag:$0x1] =	stream.indirect.gather [hbm4b:s3+s8], $0x80, s2, s8, $0xb8;
	[tilespmem:$0xD400] =	vst v63  }
0x32a: {  	_ = 	snop  }
0x32b: {  	[tilespmem:s9], [sflag:$0x2] =	stream.indirect.gather [hbm4b:s3+s8], $0x80, s8, s8, $0xb8;
	[tilespmem:$0xD400] =	vst v63  }
0x32c: {  	_ =	swait.ge [sflag:s6], $0x4000  }
0x32d: {  	s31 =	rddreg [dreg:$0x5];
	[sflag:s6] =	ssyncset.done $0x0  }
0x32e: {  	s1 =	sld [smem:$0x7E7];
	[sflag:s6] =	ssyncadd.s32 $0xFFFFC000  }
0x32f: {  	[hbm4b:s31+s2] =	stream.linear.scatter [tilespmem:s4], [sflag:$0x4], $0x4000, $0x38;
	[tilespmem:$0xD400] =	vst v63  }
0x330: {  	_ = 	snop  }
0x331: {  	[tilespmem:s7], [sflag:$0x3] =	stream.indirect.gather [hbm4b:s3+s8], $0x80, s1, s8, $0xb8;
	[tilespmem:$0xD400] =	vst v63  }
0x332: {  	_ =	swait.ge [sflag:s13], $0x4000  }
0x333: {  	[sflag:s13] =	ssyncset.done $0x0  }
0x334: {  	s1 =	rddreg [dreg:$0x6];
	[sflag:s13] =	ssyncadd.s32 $0xFFFFC000  }
0x335: {  	[hbm4b:s1+s2] =	stream.linear.scatter [tilespmem:s9], [sflag:$0x5], $0x4000, $0x38;
	[tilespmem:$0xD400] =	vst v63  }
0x336: {  	_ =	swait.ge [sflag:s5], $0x4000  }
0x337: {  	s31 =	sld [smem:$0x7E8]  }
0x338: {  	[sflag:s5] =	ssyncset.done $0x0  }
0x339: {  	[sflag:s5] =	ssyncadd.s32 $0xFFFFC000  }
0x33a: {  	[tilespmem:s4], [sflag:$0x1] =	stream.indirect.gather [hbm4b:s3+s8], $0x80, s31, s8, $0xb8;
	[tilespmem:$0xD400] =	vst v63  }
0x33b: {  	_ =	swait.ge [sflag:s12], $0x4000  }
0x33c: {  	[sflag:s12] =	ssyncset.done $0x0  }
0x33d: {  	s1 =	rddreg [dreg:$0x7];
	[sflag:s12] =	ssyncadd.s32 $0xFFFFC000  }
0x33e: {  	[hbm4b:s1+s2] =	stream.linear.scatter [tilespmem:s7], [sflag:$0x6], $0x4000, $0x38;
	[tilespmem:$0xD400] =	vst v63  }
0x33f: {  	_ =	swait.ge [sflag:s10], $0x4000  }
0x340: {  	s31 =	sld [smem:$0x7E9]  }
0x341: {  	[sflag:s10] =	ssyncset.done $0x0  }
0x342: {  	[sflag:s10] =	ssyncadd.s32 $0xFFFFC000  }
0x343: {  	[tilespmem:s9], [sflag:$0x2] =	stream.indirect.gather [hbm4b:s3+s8], $0x80, s31, s8, $0xb8;
	[tilespmem:$0xD400] =	vst v63  }
0x344: {  	_ =	swait.ge [sflag:s6], $0x4000  }
0x345: {  	[sflag:s6] =	ssyncset.done $0x0  }
0x346: {  	s1 =	rddreg [dreg:$0x8];
	[sflag:s6] =	ssyncadd.s32 $0xFFFFC000  }
0x347: {  	[hbm4b:s1+s2] =	stream.linear.scatter [tilespmem:s4], [sflag:$0x4], $0x4000, $0x38;
	[tilespmem:$0xD400] =	vst v63  }
0x348: {  	_ =	swait.ge [sflag:s11], $0x4000  }
0x349: {  	s31 =	sld [smem:$0x7EA]  }
0x34a: {  	[sflag:s11] =	ssyncset.done $0x0  }
0x34b: {  	[sflag:s11] =	ssyncadd.s32 $0xFFFFC000  }
0x34c: {  	[tilespmem:s7], [sflag:$0x3] =	stream.indirect.gather [hbm4b:s3+s8], $0x80, s31, s8, $0xb8;
	[tilespmem:$0xD400] =	vst v63  }
0x34d: {  	_ =	swait.ge [sflag:s13], $0x4000  }
0x34e: {  	[sflag:s13] =	ssyncset.done $0x0  }
0x34f: {  	s1 =	rddreg [dreg:$0x9];
	[sflag:s13] =	ssyncadd.s32 $0xFFFFC000  }
0x350: {  	[hbm4b:s1+s2] =	stream.linear.scatter [tilespmem:s9], [sflag:$0x5], $0x4000, $0x38;
	[tilespmem:$0xD400] =	vst v63  }
0x351: {  	_ =	swait.ge [sflag:s5], $0x4000  }
0x352: {  	s31 =	sld [smem:$0x7EB]  }
0x353: {  	[sflag:s5] =	ssyncset.done $0x0  }
0x354: {  	[sflag:s5] =	ssyncadd.s32 $0xFFFFC000  }
0x355: {  	[tilespmem:s4], [sflag:$0x1] =	stream.indirect.gather [hbm4b:s3+s8], $0x80, s31, s8, $0xb8;
	[tilespmem:$0xD400] =	vst v63  }
0x356: {  	_ =	swait.ge [sflag:s12], $0x4000  }
0x357: {  	[sflag:s12] =	ssyncset.done $0x0  }
0x358: {  	s1 =	rddreg [dreg:$0xa];
	[sflag:s12] =	ssyncadd.s32 $0xFFFFC000  }
0x359: {  	[hbm4b:s1+s2] =	stream.linear.scatter [tilespmem:s7], [sflag:$0x6], $0x4000, $0x38;
	[tilespmem:$0xD400] =	vst v63  }
0x35a: {  	_ =	swait.ge [sflag:s10], $0x4000  }
0x35b: {  	s31 =	sld [smem:$0x7EC]  }
0x35c: {  	[sflag:s10] =	ssyncset.done $0x0  }
0x35d: {  	[sflag:s10] =	ssyncadd.s32 $0xFFFFC000  }
0x35e: {  	[tilespmem:s9], [sflag:$0x2] =	stream.indirect.gather [hbm4b:s3+s8], $0x80, s31, s8, $0xb8;
	[tilespmem:$0xD400] =	vst v63  }
0x35f: {  	_ =	swait.ge [sflag:s6], $0x4000  }
0x360: {  	[sflag:s6] =	ssyncset.done $0x0  }
0x361: {  	s1 =	rddreg [dreg:$0xb];
	[sflag:s6] =	ssyncadd.s32 $0xFFFFC000  }
0x362: {  	[hbm4b:s1+s2] =	stream.linear.scatter [tilespmem:s4], [sflag:$0x4], $0x4000, $0x38;
	[tilespmem:$0xD400] =	vst v63  }
0x363: {  	_ =	swait.ge [sflag:s11], $0x4000  }
0x364: {  	s31 =	sld [smem:$0x7ED]  }
0x365: {  	[sflag:s11] =	ssyncset.done $0x0  }
0x366: {  	[sflag:s11] =	ssyncadd.s32 $0xFFFFC000  }
0x367: {  	[tilespmem:s7], [sflag:$0x3] =	stream.indirect.gather [hbm4b:s3+s8], $0x80, s31, s8, $0xb8;
	[tilespmem:$0xD400] =	vst v63  }
0x368: {  	_ =	swait.ge [sflag:s13], $0x4000  }
0x369: {  	[sflag:s13] =	ssyncset.done $0x0  }
0x36a: {  	s1 =	rddreg [dreg:$0xc];
	[sflag:s13] =	ssyncadd.s32 $0xFFFFC000  }
0x36b: {  	[hbm4b:s1+s2] =	stream.linear.scatter [tilespmem:s9], [sflag:$0x5], $0x4000, $0x38;
	[tilespmem:$0xD400] =	vst v63  }
0x36c: {  	_ =	swait.ge [sflag:s5], $0x4000  }
0x36d: {  	s31 =	sld [smem:$0x7EE]  }
0x36e: {  	[sflag:s5] =	ssyncset.done $0x0  }
0x36f: {  	[sflag:s5] =	ssyncadd.s32 $0xFFFFC000  }
0x370: {  	[tilespmem:s4], [sflag:$0x1] =	stream.indirect.gather [hbm4b:s3+s8], $0x80, s31, s8, $0xb8;
	[tilespmem:$0xD400] =	vst v63  }
0x371: {  	_ =	swait.ge [sflag:s12], $0x4000  }
0x372: {  	[sflag:s12] =	ssyncset.done $0x0  }
0x373: {  	s1 =	rddreg [dreg:$0xd];
	[sflag:s12] =	ssyncadd.s32 $0xFFFFC000  }
0x374: {  	[hbm4b:s1+s2] =	stream.linear.scatter [tilespmem:s7], [sflag:$0x6], $0x4000, $0x38;
	[tilespmem:$0xD400] =	vst v63  }
0x375: {  	_ =	swait.ge [sflag:s10], $0x4000  }
0x376: {  	s31 =	sld [smem:$0x7EF]  }
0x377: {  	[sflag:s10] =	ssyncset.done $0x0  }
0x378: {  	[sflag:s10] =	ssyncadd.s32 $0xFFFFC000  }
0x379: {  	[tilespmem:s9], [sflag:$0x2] =	stream.indirect.gather [hbm4b:s3+s8], $0x80, s31, s8, $0xb8;
	[tilespmem:$0xD400] =	vst v63  }
0x37a: {  	_ =	swait.ge [sflag:s6], $0x4000  }
0x37b: {  	[sflag:s6] =	ssyncset.done $0x0  }
0x37c: {  	s1 =	rddreg [dreg:$0xe];
	[sflag:s6] =	ssyncadd.s32 $0xFFFFC000  }
0x37d: {  	[hbm4b:s1+s2] =	stream.linear.scatter [tilespmem:s4], [sflag:$0x4], $0x4000, $0x38;
	[tilespmem:$0xD400] =	vst v63  }
0x37e: {  	_ =	swait.ge [sflag:s11], $0x4000  }
0x37f: {  	s31 =	sld [smem:$0x7F0]  }
0x380: {  	[sflag:s11] =	ssyncset.done $0x0  }
0x381: {  	[sflag:s11] =	ssyncadd.s32 $0xFFFFC000  }
0x382: {  	[tilespmem:s7], [sflag:$0x3] =	stream.indirect.gather [hbm4b:s3+s8], $0x80, s31, s8, $0xb8;
	[tilespmem:$0xD400] =	vst v63  }
0x383: {  	_ =	swait.ge [sflag:s13], $0x4000  }
0x384: {  	[sflag:s13] =	ssyncset.done $0x0  }
0x385: {  	s1 =	rddreg [dreg:$0xf];
	[sflag:s13] =	ssyncadd.s32 $0xFFFFC000  }
0x386: {  	[hbm4b:s1+s2] =	stream.linear.scatter [tilespmem:s9], [sflag:$0x5], $0x4000, $0x38;
	[tilespmem:$0xD400] =	vst v63  }
0x387: {  	_ =	swait.ge [sflag:s5], $0x4000  }
0x388: {  	s31 =	sld [smem:$0x7F1]  }
0x389: {  	[sflag:s5] =	ssyncset.done $0x0  }
0x38a: {  	[sflag:s5] =	ssyncadd.s32 $0xFFFFC000  }
0x38b: {  	[tilespmem:s4], [sflag:$0x1] =	stream.indirect.gather [hbm4b:s3+s8], $0x80, s31, s8, $0xb8;
	[tilespmem:$0xD400] =	vst v63  }
0x38c: {  	_ =	swait.ge [sflag:s12], $0x4000  }
0x38d: {  	[sflag:s12] =	ssyncset.done $0x0  }
0x38e: {  	s1 =	rddreg [dreg:$0x10];
	[sflag:s12] =	ssyncadd.s32 $0xFFFFC000  }
0x38f: {  	[hbm4b:s1+s2] =	stream.linear.scatter [tilespmem:s7], [sflag:$0x6], $0x4000, $0x38;
	[tilespmem:$0xD400] =	vst v63  }
0x390: {  	_ =	swait.ge [sflag:s10], $0x4000  }
0x391: {  	s31 =	sld [smem:$0x7F2]  }
0x392: {  	[sflag:s10] =	ssyncset.done $0x0  }
0x393: {  	[sflag:s10] =	ssyncadd.s32 $0xFFFFC000  }
0x394: {  	[tilespmem:s9], [sflag:$0x2] =	stream.indirect.gather [hbm4b:s3+s8], $0x80, s31, s8, $0xb8;
	[tilespmem:$0xD400] =	vst v63  }
0x395: {  	_ =	swait.ge [sflag:s6], $0x4000  }
0x396: {  	[sflag:s6] =	ssyncset.done $0x0  }
0x397: {  	s1 =	rddreg [dreg:$0x11];
	[sflag:s6] =	ssyncadd.s32 $0xFFFFC000  }
0x398: {  	[hbm4b:s1+s2] =	stream.linear.scatter [tilespmem:s4], [sflag:$0x4], $0x4000, $0x38;
	[tilespmem:$0xD400] =	vst v63  }
0x399: {  	_ =	swait.ge [sflag:s11], $0x4000  }
0x39a: {  	s31 =	sld [smem:$0x7F3]  }
0x39b: {  	[sflag:s11] =	ssyncset.done $0x0  }
0x39c: {  	[sflag:s11] =	ssyncadd.s32 $0xFFFFC000  }
0x39d: {  	[tilespmem:s7], [sflag:$0x3] =	stream.indirect.gather [hbm4b:s3+s8], $0x80, s31, s8, $0xb8;
	[tilespmem:$0xD400] =	vst v63  }
0x39e: {  	_ =	swait.ge [sflag:s13], $0x4000  }
0x39f: {  	[sflag:s13] =	ssyncset.done $0x0  }
0x3a0: {  	s1 =	rddreg [dreg:$0x12];
	[sflag:s13] =	ssyncadd.s32 $0xFFFFC000  }
0x3a1: {  	[hbm4b:s1+s2] =	stream.linear.scatter [tilespmem:s9], [sflag:$0x5], $0x4000, $0x38;
	[tilespmem:$0xD400] =	vst v63  }
0x3a2: {  	_ =	swait.ge [sflag:s5], $0x4000  }
0x3a3: {  	s31 =	sld [smem:$0x7F4]  }
0x3a4: {  	[sflag:s5] =	ssyncset.done $0x0  }
0x3a5: {  	[sflag:s5] =	ssyncadd.s32 $0xFFFFC000  }
0x3a6: {  	[tilespmem:s4], [sflag:$0x1] =	stream.indirect.gather [hbm4b:s3+s8], $0x80, s31, s8, $0xb8;
	[tilespmem:$0xD400] =	vst v63  }
0x3a7: {  	_ =	swait.ge [sflag:s12], $0x4000  }
0x3a8: {  	[sflag:s12] =	ssyncset.done $0x0  }
0x3a9: {  	s1 =	rddreg [dreg:$0x13];
	[sflag:s12] =	ssyncadd.s32 $0xFFFFC000  }
0x3aa: {  	[hbm4b:s1+s2] =	stream.linear.scatter [tilespmem:s7], [sflag:$0x6], $0x4000, $0x38;
	[tilespmem:$0xD400] =	vst v63  }
0x3ab: {  	_ =	swait.ge [sflag:s10], $0x4000  }
0x3ac: {  	s31 =	sld [smem:$0x7F5]  }
0x3ad: {  	[sflag:s10] =	ssyncset.done $0x0  }
0x3ae: {  	[sflag:s10] =	ssyncadd.s32 $0xFFFFC000  }
0x3af: {  	[tilespmem:s9], [sflag:$0x2] =	stream.indirect.gather [hbm4b:s3+s8], $0x80, s31, s8, $0xb8;
	[tilespmem:$0xD400] =	vst v63  }
0x3b0: {  	_ =	swait.ge [sflag:s6], $0x4000  }
0x3b1: {  	[sflag:s6] =	ssyncset.done $0x0  }
0x3b2: {  	s1 =	rddreg [dreg:$0x14];
	[sflag:s6] =	ssyncadd.s32 $0xFFFFC000  }
0x3b3: {  	[hbm4b:s1+s2] =	stream.linear.scatter [tilespmem:s4], [sflag:$0x4], $0x4000, $0x38;
	[tilespmem:$0xD400] =	vst v63  }
0x3b4: {  	_ =	swait.ge [sflag:s11], $0x4000  }
0x3b5: {  	s31 =	sld [smem:$0x7F6]  }
0x3b6: {  	[sflag:s11] =	ssyncset.done $0x0  }
0x3b7: {  	[sflag:s11] =	ssyncadd.s32 $0xFFFFC000  }
0x3b8: {  	[tilespmem:s7], [sflag:$0x3] =	stream.indirect.gather [hbm4b:s3+s8], $0x80, s31, s8, $0xb8;
	[tilespmem:$0xD400] =	vst v63  }
0x3b9: {  	_ =	swait.ge [sflag:s13], $0x4000  }
0x3ba: {  	[sflag:s13] =	ssyncset.done $0x0  }
0x3bb: {  	s1 =	rddreg [dreg:$0x15];
	[sflag:s13] =	ssyncadd.s32 $0xFFFFC000  }
0x3bc: {  	[hbm4b:s1+s2] =	stream.linear.scatter [tilespmem:s9], [sflag:$0x5], $0x4000, $0x38;
	[tilespmem:$0xD400] =	vst v63  }
0x3bd: {  	_ =	swait.ge [sflag:s5], $0x4000  }
0x3be: {  	s31 =	sld [smem:$0x7F7]  }
0x3bf: {  	[sflag:s5] =	ssyncset.done $0x0  }
0x3c0: {  	[sflag:s5] =	ssyncadd.s32 $0xFFFFC000  }
0x3c1: {  	[tilespmem:s4], [sflag:$0x1] =	stream.indirect.gather [hbm4b:s3+s8], $0x80, s31, s8, $0xb8;
	[tilespmem:$0xD400] =	vst v63  }
0x3c2: {  	_ =	swait.ge [sflag:s12], $0x4000  }
0x3c3: {  	[sflag:s12] =	ssyncset.done $0x0  }
0x3c4: {  	s1 =	rddreg [dreg:$0x16];
	[sflag:s12] =	ssyncadd.s32 $0xFFFFC000  }
0x3c5: {  	[hbm4b:s1+s2] =	stream.linear.scatter [tilespmem:s7], [sflag:$0x6], $0x4000, $0x38;
	[tilespmem:$0xD400] =	vst v63  }
0x3c6: {  	_ =	swait.ge [sflag:s10], $0x4000  }
0x3c7: {  	s31 =	sld [smem:$0x7F8]  }
0x3c8: {  	[sflag:s10] =	ssyncset.done $0x0  }
0x3c9: {  	[sflag:s10] =	ssyncadd.s32 $0xFFFFC000  }
0x3ca: {  	[tilespmem:s9], [sflag:$0x2] =	stream.indirect.gather [hbm4b:s3+s8], $0x80, s31, s8, $0xb8;
	[tilespmem:$0xD400] =	vst v63  }
0x3cb: {  	_ =	swait.ge [sflag:s6], $0x4000  }
0x3cc: {  	[sflag:s6] =	ssyncset.done $0x0  }
0x3cd: {  	s1 =	rddreg [dreg:$0x17];
	[sflag:s6] =	ssyncadd.s32 $0xFFFFC000  }
0x3ce: {  	[hbm4b:s1+s2] =	stream.linear.scatter [tilespmem:s4], [sflag:$0x4], $0x4000, $0x38;
	[tilespmem:$0xD400] =	vst v63  }
0x3cf: {  	_ =	swait.ge [sflag:s11], $0x4000  }
0x3d0: {  	s31 =	sld [smem:$0x7F9]  }
0x3d1: {  	[sflag:s11] =	ssyncset.done $0x0  }
0x3d2: {  	[sflag:s11] =	ssyncadd.s32 $0xFFFFC000  }
0x3d3: {  	[tilespmem:s7], [sflag:$0x3] =	stream.indirect.gather [hbm4b:s3+s8], $0x80, s31, s8, $0xb8;
	[tilespmem:$0xD400] =	vst v63  }
0x3d4: {  	_ =	swait.ge [sflag:s13], $0x4000  }
0x3d5: {  	[sflag:s13] =	ssyncset.done $0x0  }
0x3d6: {  	s1 =	rddreg [dreg:$0x18];
	[sflag:s13] =	ssyncadd.s32 $0xFFFFC000  }
0x3d7: {  	[hbm4b:s1+s2] =	stream.linear.scatter [tilespmem:s9], [sflag:$0x5], $0x4000, $0x38;
	[tilespmem:$0xD400] =	vst v63  }
0x3d8: {  	_ =	swait.ge [sflag:s5], $0x4000  }
0x3d9: {  	s31 =	sld [smem:$0x7FA]  }
0x3da: {  	[sflag:s5] =	ssyncset.done $0x0  }
0x3db: {  	[sflag:s5] =	ssyncadd.s32 $0xFFFFC000  }
0x3dc: {  	[tilespmem:s4], [sflag:$0x1] =	stream.indirect.gather [hbm4b:s3+s8], $0x80, s31, s8, $0xb8;
	[tilespmem:$0xD400] =	vst v63  }
0x3dd: {  	_ =	swait.ge [sflag:s12], $0x4000  }
0x3de: {  	[sflag:s12] =	ssyncset.done $0x0  }
0x3df: {  	s1 =	rddreg [dreg:$0x19];
	[sflag:s12] =	ssyncadd.s32 $0xFFFFC000  }
0x3e0: {  	[hbm4b:s1+s2] =	stream.linear.scatter [tilespmem:s7], [sflag:$0x6], $0x4000, $0x38;
	[tilespmem:$0xD400] =	vst v63  }
0x3e1: {  	_ =	swait.ge [sflag:s10], $0x4000  }
0x3e2: {  	s31 =	sld [smem:$0x7FB]  }
0x3e3: {  	[sflag:s10] =	ssyncset.done $0x0  }
0x3e4: {  	[sflag:s10] =	ssyncadd.s32 $0xFFFFC000  }
0x3e5: {  	[tilespmem:s9], [sflag:$0x2] =	stream.indirect.gather [hbm4b:s3+s8], $0x80, s31, s8, $0xb8;
	[tilespmem:$0xD400] =	vst v63  }
0x3e6: {  	_ =	swait.ge [sflag:s6], $0x4000  }
0x3e7: {  	[sflag:s6] =	ssyncset.done $0x0  }
0x3e8: {  	s1 =	rddreg [dreg:$0x1a];
	[sflag:s6] =	ssyncadd.s32 $0xFFFFC000  }
0x3e9: {  	[hbm4b:s1+s2] =	stream.linear.scatter [tilespmem:s4], [sflag:$0x4], $0x4000, $0x38;
	[tilespmem:$0xD400] =	vst v63  }
0x3ea: {  	_ =	swait.ge [sflag:s11], $0x4000  }
0x3eb: {  	s31 =	sld [smem:$0x7FC]  }
0x3ec: {  	[sflag:s11] =	ssyncset.done $0x0  }
0x3ed: {  	[sflag:s11] =	ssyncadd.s32 $0xFFFFC000  }
0x3ee: {  	[tilespmem:s7], [sflag:$0x3] =	stream.indirect.gather [hbm4b:s3+s8], $0x80, s31, s8, $0xb8;
	[tilespmem:$0xD400] =	vst v63  }
0x3ef: {  	_ =	swait.ge [sflag:s13], $0x4000  }
0x3f0: {  	[sflag:s13] =	ssyncset.done $0x0  }
0x3f1: {  	s1 =	rddreg [dreg:$0x1b];
	[sflag:s13] =	ssyncadd.s32 $0xFFFFC000  }
0x3f2: {  	[hbm4b:s1+s2] =	stream.linear.scatter [tilespmem:s9], [sflag:$0x5], $0x4000, $0x38;
	[tilespmem:$0xD400] =	vst v63  }
0x3f3: {  	_ =	swait.ge [sflag:s5], $0x4000  }
0x3f4: {  	s31 =	sld [smem:$0x7FD]  }
0x3f5: {  	[sflag:s5] =	ssyncset.done $0x0  }
0x3f6: {  	[sflag:s5] =	ssyncadd.s32 $0xFFFFC000  }
0x3f7: {  	[tilespmem:s4], [sflag:$0x1] =	stream.indirect.gather [hbm4b:s3+s8], $0x80, s31, s8, $0xb8;
	[tilespmem:$0xD400] =	vst v63  }
0x3f8: {  	_ =	swait.ge [sflag:s12], $0x4000  }
0x3f9: {  	[sflag:s12] =	ssyncset.done $0x0  }
0x3fa: {  	s1 =	rddreg [dreg:$0x1c];
	[sflag:s12] =	ssyncadd.s32 $0xFFFFC000  }
0x3fb: {  	[hbm4b:s1+s2] =	stream.linear.scatter [tilespmem:s7], [sflag:$0x6], $0x4000, $0x38;
	[tilespmem:$0xD400] =	vst v63  }
0x3fc: {  	_ =	swait.ge [sflag:s10], $0x4000  }
0x3fd: {  	[sflag:s10] =	ssyncset.done $0x0  }
0x3fe: {  	[sflag:s10] =	ssyncadd.s32 $0xFFFFC000  }
0x3ff: {  	[tilespmem:s9], [sflag:$0x2] =	stream.indirect.gather [hbm4b:s3+s8], $0x80, s16, s8, $0xb8;
	[tilespmem:$0xD400] =	vst v63  }
0x400: {  	_ =	swait.ge [sflag:s6], $0x4000  }
0x401: {  	[sflag:s6] =	ssyncset.done $0x0  }
0x402: {  	s31 =	rddreg [dreg:$0x1d];
	[sflag:s6] =	ssyncadd.s32 $0xFFFFC000  }
0x403: {  	[hbm4b:s31+s2] =	stream.linear.scatter [tilespmem:s4], [sflag:$0x4], $0x4000, $0x38;
	[tilespmem:$0xD400] =	vst v63  }
0x404: {  	_ =	swait.ge [sflag:s11], $0x4000  }
0x405: {  	[sflag:s11] =	ssyncset.done $0x0  }
0x406: {  	[sflag:s11] =	ssyncadd.s32 $0xFFFFC000  }
0x407: {  	[tilespmem:s7], [sflag:$0x3] =	stream.indirect.gather [hbm4b:s3+s8], $0x80, s30, s8, $0xb8;
	[tilespmem:$0xD400] =	vst v63  }
0x408: {  	_ =	swait.ge [sflag:s13], $0x4000  }
0x409: {  	[sflag:s13] =	ssyncset.done $0x0  }
0x40a: {  	s1 =	rddreg [dreg:$0x1e];
	[sflag:s13] =	ssyncadd.s32 $0xFFFFC000  }
0x40b: {  	[hbm4b:s1+s2] =	stream.linear.scatter [tilespmem:s9], [sflag:$0x5], $0x4000, $0x38;
	[tilespmem:$0xD400] =	vst v63  }
0x40c: {  	_ =	swait.ge [sflag:s5], $0x4000  }
0x40d: {  	[sflag:s5] =	ssyncset.done $0x0  }
0x40e: {  	[sflag:s5] =	ssyncadd.s32 $0xFFFFC000  }
0x40f: {  	[tilespmem:s4], [sflag:$0x1] =	stream.indirect.gather [hbm4b:s3+s8], $0x80, s29, s8, $0xb8;
	[tilespmem:$0xD400] =	vst v63  }
0x410: {  	_ =	swait.ge [sflag:s12], $0x4000  }
0x411: {  	[sflag:s12] =	ssyncset.done $0x0  }
0x412: {  	s16 =	rddreg [dreg:$0x1f];
	[sflag:s12] =	ssyncadd.s32 $0xFFFFC000  }
0x413: {  	[hbm4b:s16+s2] =	stream.linear.scatter [tilespmem:s7], [sflag:$0x6], $0x4000, $0x38;
	[tilespmem:$0xD400] =	vst v63  }
0x414: {  	_ =	swait.ge [sflag:s10], $0x4000  }
0x415: {  	[sflag:s10] =	ssyncset.done $0x0  }
0x416: {  	[sflag:s10] =	ssyncadd.s32 $0xFFFFC000  }
0x417: {  	[tilespmem:s9], [sflag:$0x2] =	stream.indirect.gather [hbm4b:s3+s8], $0x80, s28, s8, $0xb8;
	[tilespmem:$0xD400] =	vst v63  }
0x418: {  	_ =	swait.ge [sflag:s6], $0x4000  }
0x419: {  	s29 =	sld [smem:$0x7DA]  }
0x41a: {  	[sflag:s6] =	ssyncset.done $0x0  }
0x41b: {  	[sflag:s6] =	ssyncadd.s32 $0xFFFFC000  }
0x41c: {  	[hbm4b:s29+s2] =	stream.linear.scatter [tilespmem:s4], [sflag:$0x4], $0x4000, $0x38;
	[tilespmem:$0xD400] =	vst v63  }
0x41d: {  	_ =	swait.ge [sflag:s11], $0x4000  }
0x41e: {  	[sflag:s11] =	ssyncset.done $0x0  }
0x41f: {  	[sflag:s11] =	ssyncadd.s32 $0xFFFFC000  }
0x420: {  	[tilespmem:s7], [sflag:$0x3] =	stream.indirect.gather [hbm4b:s3+s8], $0x80, s26, s8, $0xb8;
	[tilespmem:$0xD400] =	vst v63  }
0x421: {  	_ =	swait.ge [sflag:s13], $0x4000  }
0x422: {  	s30 =	sld [smem:$0x7DB]  }
0x423: {  	[sflag:s13] =	ssyncset.done $0x0  }
0x424: {  	[sflag:s13] =	ssyncadd.s32 $0xFFFFC000  }
0x425: {  	[hbm4b:s30+s2] =	stream.linear.scatter [tilespmem:s9], [sflag:$0x5], $0x4000, $0x38;
	[tilespmem:$0xD400] =	vst v63  }
0x426: {  	_ =	swait.ge [sflag:s5], $0x4000  }
0x427: {  	[sflag:s5] =	ssyncset.done $0x0  }
0x428: {  	[sflag:s5] =	ssyncadd.s32 $0xFFFFC000  }
0x429: {  	[tilespmem:s4], [sflag:$0x1] =	stream.indirect.gather [hbm4b:s3+s8], $0x80, s25, s8, $0xb8;
	[tilespmem:$0xD400] =	vst v63  }
0x42a: {  	_ =	swait.ge [sflag:s12], $0x4000  }
0x42b: {  	s31 =	sld [smem:$0x7DC]  }
0x42c: {  	[sflag:s12] =	ssyncset.done $0x0  }
0x42d: {  	[sflag:s12] =	ssyncadd.s32 $0xFFFFC000  }
0x42e: {  	[hbm4b:s31+s2] =	stream.linear.scatter [tilespmem:s7], [sflag:$0x6], $0x4000, $0x38;
	[tilespmem:$0xD400] =	vst v63  }
0x42f: {  	_ =	swait.ge [sflag:s10], $0x4000  }
0x430: {  	[sflag:s10] =	ssyncset.done $0x0  }
0x431: {  	[sflag:s10] =	ssyncadd.s32 $0xFFFFC000  }
0x432: {  	[tilespmem:s9], [sflag:$0x2] =	stream.indirect.gather [hbm4b:s3+s8], $0x80, s24, s8, $0xb8;
	[tilespmem:$0xD400] =	vst v63  }
0x433: {  	_ =	swait.ge [sflag:s6], $0x4000  }
0x434: {  	s1 =	sld [smem:$0x7DD]  }
0x435: {  	[sflag:s6] =	ssyncset.done $0x0  }
0x436: {  	[sflag:s6] =	ssyncadd.s32 $0xFFFFC000  }
0x437: {  	[hbm4b:s1+s2] =	stream.linear.scatter [tilespmem:s4], [sflag:$0x4], $0x4000, $0x38;
	[tilespmem:$0xD400] =	vst v63  }
0x438: {  	_ =	swait.ge [sflag:s11], $0x4000  }
0x439: {  	[sflag:s11] =	ssyncset.done $0x0  }
0x43a: {  	[sflag:s11] =	ssyncadd.s32 $0xFFFFC000  }
0x43b: {  	[tilespmem:s7], [sflag:$0x3] =	stream.indirect.gather [hbm4b:s3+s8], $0x80, s23, s8, $0xb8;
	[tilespmem:$0xD400] =	vst v63  }
0x43c: {  	_ =	swait.ge [sflag:s13], $0x4000  }
0x43d: {  	s16 =	sld [smem:$0x7DE]  }
0x43e: {  	[sflag:s13] =	ssyncset.done $0x0  }
0x43f: {  	[sflag:s13] =	ssyncadd.s32 $0xFFFFC000  }
0x440: {  	[hbm4b:s16+s2] =	stream.linear.scatter [tilespmem:s9], [sflag:$0x5], $0x4000, $0x38;
	[tilespmem:$0xD400] =	vst v63  }
0x441: {  	_ =	swait.ge [sflag:s5], $0x4000  }
0x442: {  	[sflag:s5] =	ssyncset.done $0x0  }
0x443: {  	[sflag:s5] =	ssyncadd.s32 $0xFFFFC000  }
0x444: {  	[tilespmem:s4], [sflag:$0x1] =	stream.indirect.gather [hbm4b:s3+s8], $0x80, s22, s8, $0xb8;
	[tilespmem:$0xD400] =	vst v63  }
0x445: {  	_ =	swait.ge [sflag:s12], $0x4000  }
0x446: {  	s22 =	sld [smem:$0x7DF]  }
0x447: {  	[sflag:s12] =	ssyncset.done $0x0  }
0x448: {  	[sflag:s12] =	ssyncadd.s32 $0xFFFFC000  }
0x449: {  	[hbm4b:s22+s2] =	stream.linear.scatter [tilespmem:s7], [sflag:$0x6], $0x4000, $0x38;
	[tilespmem:$0xD400] =	vst v63  }
0x44a: {  	_ =	swait.ge [sflag:s10], $0x4000  }
0x44b: {  	[sflag:s10] =	ssyncset.done $0x0  }
0x44c: {  	[sflag:s10] =	ssyncadd.s32 $0xFFFFC000  }
0x44d: {  	[tilespmem:s9], [sflag:$0x2] =	stream.indirect.gather [hbm4b:s3+s8], $0x80, s21, s8, $0xb8;
	[tilespmem:$0xD400] =	vst v63  }
0x44e: {  	_ =	swait.ge [sflag:s6], $0x4000  }
0x44f: {  	s23 =	sld [smem:$0x7E0]  }
0x450: {  	[sflag:s6] =	ssyncset.done $0x0  }
0x451: {  	[sflag:s6] =	ssyncadd.s32 $0xFFFFC000  }
0x452: {  	[hbm4b:s23+s2] =	stream.linear.scatter [tilespmem:s4], [sflag:$0x4], $0x4000, $0x38;
	[tilespmem:$0xD400] =	vst v63  }
0x453: {  	_ =	swait.ge [sflag:s11], $0x4000  }
0x454: {  	[sflag:s11] =	ssyncset.done $0x0  }
0x455: {  	[sflag:s11] =	ssyncadd.s32 $0xFFFFC000  }
0x456: {  	[tilespmem:s7], [sflag:$0x3] =	stream.indirect.gather [hbm4b:s3+s8], $0x80, s20, s8, $0xb8;
	[tilespmem:$0xD400] =	vst v63  }
0x457: {  	_ =	swait.ge [sflag:s13], $0x4000  }
0x458: {  	s24 =	sld [smem:$0x7E1]  }
0x459: {  	[sflag:s13] =	ssyncset.done $0x0  }
0x45a: {  	[sflag:s13] =	ssyncadd.s32 $0xFFFFC000  }
0x45b: {  	[hbm4b:s24+s2] =	stream.linear.scatter [tilespmem:s9], [sflag:$0x5], $0x4000, $0x38;
	[tilespmem:$0xD400] =	vst v63  }
0x45c: {  	_ =	swait.ge [sflag:s5], $0x4000  }
0x45d: {  	[sflag:s5] =	ssyncset.done $0x0  }
0x45e: {  	[sflag:s5] =	ssyncadd.s32 $0xFFFFC000  }
0x45f: {  	[tilespmem:s4], [sflag:$0x1] =	stream.indirect.gather [hbm4b:s3+s8], $0x80, s19, s8, $0xb8;
	[tilespmem:$0xD400] =	vst v63  }
0x460: {  	_ =	swait.ge [sflag:s12], $0x4000  }
0x461: {  	s25 =	sld [smem:$0x7E2]  }
0x462: {  	[sflag:s12] =	ssyncset.done $0x0  }
0x463: {  	[sflag:s12] =	ssyncadd.s32 $0xFFFFC000  }
0x464: {  	[hbm4b:s25+s2] =	stream.linear.scatter [tilespmem:s7], [sflag:$0x6], $0x4000, $0x38;
	[tilespmem:$0xD400] =	vst v63  }
0x465: {  	_ =	swait.ge [sflag:s10], $0x4000  }
0x466: {  	[sflag:s10] =	ssyncset.done $0x0  }
0x467: {  	[sflag:s10] =	ssyncadd.s32 $0xFFFFC000  }
0x468: {  	[tilespmem:s9], [sflag:$0x2] =	stream.indirect.gather [hbm4b:s3+s8], $0x80, s18, s8, $0xb8;
	[tilespmem:$0xD400] =	vst v63  }
0x469: {  	_ =	swait.ge [sflag:s6], $0x4000  }
0x46a: {  	s26 =	sld [smem:$0x7E3]  }
0x46b: {  	[sflag:s6] =	ssyncset.done $0x0  }
0x46c: {  	[sflag:s6] =	ssyncadd.s32 $0xFFFFC000  }
0x46d: {  	[hbm4b:s26+s2] =	stream.linear.scatter [tilespmem:s4], [sflag:$0x4], $0x4000, $0x38;
	[tilespmem:$0xD400] =	vst v63  }
0x46e: {  	_ =	swait.ge [sflag:s11], $0x4000  }
0x46f: {  	[sflag:s11] =	ssyncset.done $0x0  }
0x470: {  	[sflag:s11] =	ssyncadd.s32 $0xFFFFC000  }
0x471: {  	[tilespmem:s7], [sflag:$0x3] =	stream.indirect.gather [hbm4b:s3+s8], $0x80, s17, s8, $0xb8;
	[tilespmem:$0xD400] =	vst v63  }
0x472: {  	_ =	swait.ge [sflag:s13], $0x4000  }
0x473: {  	s28 =	sld [smem:$0x7E4]  }
0x474: {  	[sflag:s13] =	ssyncset.done $0x0  }
0x475: {  	[sflag:s13] =	ssyncadd.s32 $0xFFFFC000  }
0x476: {  	[hbm4b:s28+s2] =	stream.linear.scatter [tilespmem:s9], [sflag:$0x5], $0x4000, $0x38;
	[tilespmem:$0xD400] =	vst v63  }
0x477: {  	_ =	swait.ge [sflag:s5], $0x4000  }
0x478: {  	[sflag:s5] =	ssyncset.done $0x0  }
0x479: {  	s29 =	simm.s32 $0x1380;
	[sflag:s5] =	ssyncadd.s32 $0xFFFFC000  }
0x47a: {  	[tilespmem:s4], [sflag:$0x1] =	stream.indirect.gather [hbm4b:s3+s15], $0x80, s29, s15, $0xb8;
	[tilespmem:$0xD400] =	vst v63  }
0x47b: {  	_ =	swait.ge [sflag:s12], $0x4000  }
0x47c: {  	s30 =	sld [smem:$0x7E5]  }
0x47d: {  	[sflag:s12] =	ssyncset.done $0x0  }
0x47e: {  	[sflag:s12] =	ssyncadd.s32 $0xFFFFC000  }
0x47f: {  	[hbm4b:s30+s2] =	stream.linear.scatter [tilespmem:s7], [sflag:$0x6], $0x4000, $0x38;
	[tilespmem:$0xD400] =	vst v63  }
0x480: {  	_ =	swait.ge [sflag:s6], $0x400  }
0x481: {  	s31 =	sld [smem:$0x7E6]  }
0x482: {  	[sflag:s6] =	ssyncset.done $0x0  }
0x483: {  	[sflag:s6] =	ssyncadd.s32 $0xFFFFFC00  }
0x484: {  	[hbm4b:s31+s2] =	stream.linear.scatter [tilespmem:s4], [sflag:$0x4], $0x400, $0x38;
	[tilespmem:$0xD400] =	vst v63  }
0x485: {  	_ =	swait.ge [sflag:s10], $0x4000  }
0x486: {  	[sflag:s10] =	ssyncset.done $0x0  }
0x487: {  	[sflag:s10] =	ssyncadd.s32 $0xFFFFC000  }
0x488: {  	_ =	swait.ge [sflag:s11], $0x4000  }
0x489: {  	[sflag:s11] =	ssyncset.done $0x0  }
0x48a: {  	[sflag:s11] =	ssyncadd.s32 $0xFFFFC000  }
0x48b: {  	_ =	swait.ge [sflag:s5], $0x400  }
0x48c: {  	[sflag:s5] =	ssyncset.done $0x0  }
0x48d: {  	[sflag:s5] =	ssyncadd.s32 $0xFFFFFC00  }
0x48e: {  	_ =	sfence.sel $0x180000  }
0x48f: {  	[bflag:$0x0] =	sbarrier.arrive $0xFFFF  }
0x490: {  	_ =	strace $0x90000047  }
0x491: {  	[bflag:$0x2] =	sbarrier.arrive $0xFFFF  }
0x492: {  	p0 =	sne.s32 s14, $0x0;
	s0 =	rddreg [dreg:$0x3]  }
0x493: {  	s0 =	sadd.s32 @!p0 $0x100000, s0  }
0x494: {  	[sflag:s0] =	ssyncadd.tile.s32 @!p0 $0x1;
	_ =	shalt  }
.LBB2_1:
0x495: {  	s16 =	simm.s32 $0xC80  }
.Ltmp3:
0x496: {  	s30 =	simm.s32 $0xD00;
	s29 =	simm.s32 $0xD80;
	(pc) =	sbr.rel .LBB2_6-.Ltmp3, $4  }
0x497: {  	s28 =	simm.s32 $0xE00;
	s26 =	simm.s32 $0xE80;
	s25 =	simm.s32 $0xF00  }
0x498: {  	s24 =	simm.s32 $0xF80;
	s23 =	simm.s32 $0x1000;
	s22 =	simm.s32 $0x1080  }
0x499: {  	s21 =	simm.s32 $0x1100;
	s20 =	simm.s32 $0x1180;
	s19 =	simm.s32 $0x1200  }
0x49a: {  	s18 =	simm.s32 $0x1280;
	s17 =	simm.s32 $0x1300;
	s15 =	simm.s32 $0x8  }
.LBB2_3:
0x49b: {  	s16 =	simm.s32 $0xC80;
	s30 =	simm.s32 $0xD00  }
.Ltmp4:
0x49c: {  	s29 =	simm.s32 $0xD80;
	s28 =	simm.s32 $0xE00;
	(pc) =	sbr.rel .LBB2_6-.Ltmp4, $4  }
0x49d: {  	s26 =	simm.s32 $0xE80;
	s25 =	simm.s32 $0xF00;
	s24 =	simm.s32 $0xF80  }
0x49e: {  	s23 =	simm.s32 $0x1000;
	s22 =	simm.s32 $0x1080;
	s21 =	simm.s32 $0x1100  }
0x49f: {  	s20 =	simm.s32 $0x1180;
	s19 =	simm.s32 $0x1200;
	s18 =	simm.s32 $0x1280  }
0x4a0: {  	s17 =	simm.s32 $0x1300;
	s15 =	simm.s32 $0x8;
	s14 =	stileid.u32  }
.Lfunc_end2:
_tile_overlayer_lowered:
.L_overlay_start_2:
0x4a1: {  	(tag) =	ssettag $0x2  }
0x4a2: {  	s0 =	rddreg [dreg:$0x0];
	s2 =	stileid.u32  }
0x4a3: {  	s1 =	rddreg [dreg:$0x1];
	p0 =	sne.s32 s2, $0x0  }
0x4a4: {  	s3 =	rddreg [dreg:$0x2];
	[bflag:$0x3] =	sbarrier.arrive $0xFFFF;
	s2 =	simm.s32 @!p0 $0x1C07  }
0x4a5: {  	[timem:s3], [sflag:s2] =	dma.local @!p0 [hbm:s0], s1  }
0x4a6: {  	s0 =	simm.s32 @!p0 $0x7  }
0x4a7: {  	_ =	swait.ge @!p0 [sflag:s0], s1  }
0x4a8: {  	s1 =	ssub.s32 @!p0 $0x0, s1;
	[sflag:s0] =	ssyncset.done @!p0 $0x0  }
0x4a9: {  	[sflag:s0] =	ssyncadd.s32 @!p0 s1  }
0x4aa: {  	[bflag:$0x3] =	sbarrier.arrive $0xFFFF  }
0x4ab: {  	_ =	shalt  }

</sc_bundles>
